<compile_context>
chip_gen: v7x
topology: tpu7x:2x2x1
jax: 0.10.2.dev20260603
libtpu: 0.0.44.dev20260713+nightly
codegen_flags: <defaults>
</compile_context>

<pallas_src>
import functools

import jax
import jax.numpy as jnp
import numpy as np
from jax import lax
from jax.experimental import pallas as pl
from jax.experimental.pallas import tpu as pltpu
from jax.experimental.pallas import tpu_sc as plsc

_BINS = 10
_TOT = 16384 * 1000
_NW = 32
_CHUNK = 32000
_NCHUNK_W = 6
_E = _CHUNK * _NCHUNK_W
_SC_N = _E * _NW
_VECS = _CHUNK // 16
_NACC = 19

_TC_N = _TOT - _SC_N
_TC_COLS = 1024
_TC_ROWS = _TC_N // _TC_COLS
_TC_BLOCK_R = 1000

_EDGES = [np.float32(i / _BINS) for i in range(1, _BINS)]
_EDGE10 = np.float32(1.0 + 1e-6)
_LOG_COEF = [0.9994349479675293, -0.49134746193885803, 0.28782469034194946,
             -0.13413330912590027, 0.03137662261724472]
_LN2 = np.float32(0.6931471805599453)


def _log_f32(x):
    xi = lax.bitcast_convert_type(x, jnp.int32)
    ef = lax.shift_right_logical(xi, 23).astype(jnp.float32) - 127.0
    m = lax.bitcast_convert_type(
        lax.bitwise_or(lax.bitwise_and(xi, 0x007FFFFF), 0x3F800000),
        jnp.float32)
    r = m - 1.0
    p = jnp.float32(_LOG_COEF[-1])
    for c in reversed(_LOG_COEF[:-1]):
        p = p * r + jnp.float32(c)
    p = p * r
    return ef * _LN2 + p


def _sc_body(p_hbm, t_hbm, out_hbm, pbuf0, tbuf0, pbuf1, tbuf1, acc,
             sp0, st0, sp1, st1):
    wid = lax.axis_index("s") * 2 + lax.axis_index("c")
    base = wid * _E

    for j in range(_NACC):
        acc[pl.ds(j * 16, 16)] = jnp.zeros((16,), jnp.float32)

    bufs = [(pbuf0, tbuf0, sp0, st0), (pbuf1, tbuf1, sp1, st1)]

    def start(k):
        pb, tb, semp, semt = bufs[k % 2]
        cp = pltpu.make_async_copy(p_hbm.at[pl.ds(base + k * _CHUNK, _CHUNK)],
                                   pb, semp)
        ct = pltpu.make_async_copy(t_hbm.at[pl.ds(base + k * _CHUNK, _CHUNK)],
                                   tb, semt)
        cp.start()
        ct.start()
        return cp, ct

    pending = start(0)

    for k in range(_NCHUNK_W):
        pending[0].wait()
        pending[1].wait()
        pb, tb, _, _ = bufs[k % 2]
        if k + 1 < _NCHUNK_W:
            pending = start(k + 1)

        def body(i, carry):
            off = i * 16
            p = pb[pl.ds(off, 16)]
            t = tb[pl.ds(off, 16)]
            g = jnp.abs(p - t)
            logp = _log_f32(p)
            log1mp = _log_f32(1.0 - p)
            bce = -(t * logp + (1.0 - t) * log1mp)
            out = [carry[0] + bce]
            for e in range(9):
                maskf = jnp.where(g >= _EDGES[e], jnp.float32(1.0),
                                  jnp.float32(0.0))
                out.append(carry[1 + e] + maskf * bce)
                out.append(carry[10 + e] + maskf)
            return tuple(out[:1] + out[1::2] + out[2::2])

        zeros = tuple(jnp.zeros((16,), jnp.float32) for _ in range(_NACC))
        vals = lax.fori_loop(0, _VECS, body, zeros, unroll=2)
        for j in range(_NACC):
            plsc.addupdate(acc.at[pl.ds(j * 16, 16)], vals[j])

    pltpu.sync_copy(acc, out_hbm.at[wid])


def _sc_part(p, t):
    mesh = plsc.VectorSubcoreMesh(core_axis_name="c", subcore_axis_name="s")
    run = pl.kernel(
        _sc_body,
        mesh=mesh,
        out_type=jax.ShapeDtypeStruct((_NW, _NACC * 16), jnp.float32),
        scratch_types=[
            pltpu.VMEM((_CHUNK,), jnp.float32),
            pltpu.VMEM((_CHUNK,), jnp.float32),
            pltpu.VMEM((_CHUNK,), jnp.float32),
            pltpu.VMEM((_CHUNK,), jnp.float32),
            pltpu.VMEM((_NACC * 16,), jnp.float32),
            pltpu.SemaphoreType.DMA,
            pltpu.SemaphoreType.DMA,
            pltpu.SemaphoreType.DMA,
            pltpu.SemaphoreType.DMA,
        ],
    )
    parts = run(p, t)
    return parts.reshape(_NW, _NACC, 16).sum(axis=(0, 2))


def _tc_body(p_ref, t_ref, out_ref, acc_ref):
    k = pl.program_id(0)

    @pl.when(k == 0)
    def _init():
        for j in range(22):
            acc_ref[j] = jnp.float32(0.0)

    p = p_ref[...]
    t = t_ref[...]
    g = jnp.abs(p - t)
    logp = jnp.log(p)
    log1mp = jnp.log(1.0 - p)
    bce = -(t * logp + (1.0 - t) * log1mp)

    acc_ref[0] = acc_ref[0] + jnp.float32(_TC_BLOCK_R * _TC_COLS)
    acc_ref[11] = acc_ref[11] + jnp.sum(bce)
    edges = _EDGES + [_EDGE10]
    for i in range(_BINS):
        m = g >= edges[i]
        acc_ref[1 + i] = acc_ref[1 + i] + jnp.sum(m.astype(jnp.float32))
        acc_ref[12 + i] = acc_ref[12 + i] + jnp.sum(jnp.where(m, bce, 0.0))

    @pl.when(k == pl.num_programs(0) - 1)
    def _fin():
        for j in range(22):
            out_ref[0, j] = acc_ref[j]


def _tc_part(p, t):
    pr = p.reshape(_TOT // _TC_COLS, _TC_COLS)
    tr = t.reshape(_TOT // _TC_COLS, _TC_COLS)
    skip = _SC_N // (_TC_COLS * _TC_BLOCK_R)
    grid = _TC_ROWS // _TC_BLOCK_R
    out = pl.pallas_call(
        _tc_body,
        grid=(grid,),
        in_specs=[
            pl.BlockSpec((_TC_BLOCK_R, _TC_COLS), lambda i: (i + skip, 0)),
            pl.BlockSpec((_TC_BLOCK_R, _TC_COLS), lambda i: (i + skip, 0)),
        ],
        out_specs=pl.BlockSpec(memory_space=pltpu.SMEM),
        out_shape=jax.ShapeDtypeStruct((1, 22), jnp.float32),
        scratch_shapes=[pltpu.SMEM((22,), jnp.float32)],
    )(pr, tr)
    return out[0]


@functools.partial(jax.jit)
def kernel(inputs, targets):
    p = inputs.reshape(_TOT)
    t = targets.reshape(_TOT)
    sc = _sc_part(p, t)
    tc = _tc_part(p, t)

    tot = jnp.float32(_TOT)
    a = tc[0:11] + jnp.concatenate(
        [jnp.array([_SC_N], jnp.float32), sc[10:19],
         jnp.zeros((1,), jnp.float32)])
    b = tc[11:22] + jnp.concatenate([sc[0:10], jnp.zeros((1,), jnp.float32)])
    c = a[:-1] - a[1:]
    s = b[:-1] - b[1:]
    w = jnp.where(c > 0, tot / jnp.maximum(0.25 * c, 1e-12), 0.0)
    n = jnp.sum((c > 0).astype(jnp.float32))
    return jnp.sum(w * s) / (jnp.maximum(n, 1.0) * tot)

# --- scband reference (transcript-rebuilt; emitter-appended) ---
"""Pipeline reference for scband-ghmc-loss-46686294508029 (READ-ONLY COPY).

The authoritative reference and input builder live on the scoring server;
editing this copy changes nothing except your own understanding.
"""

import jax, jax.numpy as jnp
import numpy as np

BINS = 10
MOMENTUM = 0.75


def setup_inputs(seed: int = 0) -> dict:
    key = jax.random.key(seed)
    k1, k2 = jax.random.split(key)
    # predictions must lie strictly in (0, 1) for binary cross entropy
    inputs = jax.random.uniform(k1, (16384, 1000), dtype=jnp.float32,
                                minval=1e-4, maxval=1.0 - 1e-4)
    targets = jax.random.uniform(k2, (16384, 1000), dtype=jnp.float32)
    return {"inputs": inputs, "targets": targets}


def reference(inputs, targets):
    bs, cla = inputs.shape
    tot = float(bs * cla)
    edges = [float(x) / BINS for x in range(BINS + 1)]
    edges[-1] += 1e-6

    # gradient-norm proxy g = |p - t| computed on detached predictions
    g = jnp.abs(jax.lax.stop_gradient(inputs) - targets)

    weights = jnp.zeros_like(inputs)
    n = jnp.asarray(0.0, dtype=jnp.float32)
    for i in range(BINS):
        inds = (g >= edges[i]) & (g < edges[i + 1])
        num_in_bin = jnp.sum(inds.astype(jnp.float32))
        # momentum EMA starting from acc_sum = 0 (first forward call)
        acc = MOMENTUM * 0.0 + (1.0 - MOMENTUM) * num_in_bin
        w_val = jnp.where(num_in_bin > 0, tot / jnp.maximum(acc, 1e-12), 0.0)
        weights = jnp.where(inds, w_val, weights)
        n = n + (num_in_bin > 0).astype(jnp.float32)
    weights = jnp.where(n > 0, weights / jnp.maximum(n, 1.0), weights)
    # weights are built from item()/boolean ops in torch -> no grad flows through them
    weights = jax.lax.stop_gradient(weights)

    # F.binary_cross_entropy with per-element weight, reduction='sum'
    # torch clamps log terms at -100 for numerical stability
    logp = jnp.clip(jnp.log(inputs), -100.0)
    log1mp = jnp.clip(jnp.log1p(-inputs), -100.0)
    bce = -(targets * logp + (1.0 - targets) * log1mp)
    loss = jnp.sum(weights * bce) / tot
    return loss

if __name__ == "__main__":
    import jax
    _d = setup_inputs()
    print(jax.jit(kernel)(*tuple(_d.values())))

</pallas_src>

<mosaic_0001>
#map = affine_map<(d0, d1) -> (0)>
#map1 = affine_map<(d0, d1) -> (0, 0)>
module attributes {stable_mosaic.version = 14 : i64} {
  func.func @_sc_body(%arg0: i32, %arg1: i32, %arg2: memref<16384000xf32, #tpu.memory_space<hbm>>, %arg3: memref<16384000xf32, #tpu.memory_space<hbm>>, %arg4: memref<32x304xf32, #tpu.memory_space<hbm>>, %arg5: memref<32000xf32, #tpu.memory_space<vmem>>, %arg6: memref<32000xf32, #tpu.memory_space<vmem>>, %arg7: memref<32000xf32, #tpu.memory_space<vmem>>, %arg8: memref<32000xf32, #tpu.memory_space<vmem>>, %arg9: memref<304xf32, #tpu.memory_space<vmem>>, %arg10: memref<!tpu.dma_semaphore, #tpu.memory_space<semaphore_mem>>, %arg11: memref<!tpu.dma_semaphore, #tpu.memory_space<semaphore_mem>>, %arg12: memref<!tpu.dma_semaphore, #tpu.memory_space<semaphore_mem>>, %arg13: memref<!tpu.dma_semaphore, #tpu.memory_space<semaphore_mem>>) attributes {dimension_semantics = [#tpu.dimension_semantics<core_parallel>, #tpu.dimension_semantics<subcore_parallel>], iteration_bounds = array<i64: 2, 16>, scalar_prefetch = 0 : i64, scratch_operands = 9 : i64, tpu.core_type = #tpu.core_type<sc_vector_subcore>, window_params = [{transform_indices = #map}, {transform_indices = #map}, {transform_indices = #map1}]} {
    %mul3A = arith.constant 2 : i32
    %mul3A_0 = arith.muli %arg1, %mul3A : i32
    %add3A = arith.addi %mul3A_0, %arg0 : i32
    %mul3A_1 = arith.constant 192000 : i32
    %mul3A_2 = arith.muli %add3A, %mul3A_1 : i32
    %broadcast_in_dim3A = arith.constant 0.000000e+00 : f32
    %broadcast_in_dim3A_3 = vector.broadcast %broadcast_in_dim3A : f32 to vector<16xf32>
    %swap3A = arith.constant 0 : index
    %swap3A_4 = tpu.vector_load %arg9[%swap3A] {strides = array<i32>} : memref<304xf32, #tpu.memory_space<vmem>>, vector<16xf32>,
    %swap3A_5 = vector.shape_cast %swap3A_4 : vector<16xf32> to vector<16xf32>
    %swap3A_6 = vector.shape_cast %broadcast_in_dim3A_3 : vector<16xf32> to vector<16xf32>
    tpu.vector_store %arg9[%swap3A], %swap3A_6 {strides = array<i32>} : memref<304xf32, #tpu.memory_space<vmem>>, vector<16xf32>,
    %broadcast_in_dim3A_7 = arith.constant 0.000000e+00 : f32
    %broadcast_in_dim3A_8 = vector.broadcast %broadcast_in_dim3A_7 : f32 to vector<16xf32>
    %swap3A_9 = arith.constant 16 : index
    %swap3A_10 = tpu.vector_load %arg9[%swap3A_9] {strides = array<i32>} : memref<304xf32, #tpu.memory_space<vmem>>, vector<16xf32>,
    %swap3A_11 = vector.shape_cast %swap3A_10 : vector<16xf32> to vector<16xf32>
    %swap3A_12 = vector.shape_cast %broadcast_in_dim3A_8 : vector<16xf32> to vector<16xf32>
    tpu.vector_store %arg9[%swap3A_9], %swap3A_12 {strides = array<i32>} : memref<304xf32, #tpu.memory_space<vmem>>, vector<16xf32>,
    %broadcast_in_dim3A_13 = arith.constant 0.000000e+00 : f32
    %broadcast_in_dim3A_14 = vector.broadcast %broadcast_in_dim3A_13 : f32 to vector<16xf32>
    %swap3A_15 = arith.constant 32 : index
    %swap3A_16 = tpu.vector_load %arg9[%swap3A_15] {strides = array<i32>} : memref<304xf32, #tpu.memory_space<vmem>>, vector<16xf32>,
    %swap3A_17 = vector.shape_cast %swap3A_16 : vector<16xf32> to vector<16xf32>
    %swap3A_18 = vector.shape_cast %broadcast_in_dim3A_14 : vector<16xf32> to vector<16xf32>
    tpu.vector_store %arg9[%swap3A_15], %swap3A_18 {strides = array<i32>} : memref<304xf32, #tpu.memory_space<vmem>>, vector<16xf32>,
    %broadcast_in_dim3A_19 = arith.constant 0.000000e+00 : f32
    %broadcast_in_dim3A_20 = vector.broadcast %broadcast_in_dim3A_19 : f32 to vector<16xf32>
    %swap3A_21 = arith.constant 48 : index
    %swap3A_22 = tpu.vector_load %arg9[%swap3A_21] {strides = array<i32>} : memref<304xf32, #tpu.memory_space<vmem>>, vector<16xf32>,
    %swap3A_23 = vector.shape_cast %swap3A_22 : vector<16xf32> to vector<16xf32>
    %swap3A_24 = vector.shape_cast %broadcast_in_dim3A_20 : vector<16xf32> to vector<16xf32>
    tpu.vector_store %arg9[%swap3A_21], %swap3A_24 {strides = array<i32>} : memref<304xf32, #tpu.memory_space<vmem>>, vector<16xf32>,
    %broadcast_in_dim3A_25 = arith.constant 0.000000e+00 : f32
    %broadcast_in_dim3A_26 = vector.broadcast %broadcast_in_dim3A_25 : f32 to vector<16xf32>
    %swap3A_27 = arith.constant 64 : index
    %swap3A_28 = tpu.vector_load %arg9[%swap3A_27] {strides = array<i32>} : memref<304xf32, #tpu.memory_space<vmem>>, vector<16xf32>,
    %swap3A_29 = vector.shape_cast %swap3A_28 : vector<16xf32> to vector<16xf32>
    %swap3A_30 = vector.shape_cast %broadcast_in_dim3A_26 : vector<16xf32> to vector<16xf32>
    tpu.vector_store %arg9[%swap3A_27], %swap3A_30 {strides = array<i32>} : memref<304xf32, #tpu.memory_space<vmem>>, vector<16xf32>,
    %broadcast_in_dim3A_31 = arith.constant 0.000000e+00 : f32
    %broadcast_in_dim3A_32 = vector.broadcast %broadcast_in_dim3A_31 : f32 to vector<16xf32>
    %swap3A_33 = arith.constant 80 : index
    %swap3A_34 = tpu.vector_load %arg9[%swap3A_33] {strides = array<i32>} : memref<304xf32, #tpu.memory_space<vmem>>, vector<16xf32>,
    %swap3A_35 = vector.shape_cast %swap3A_34 : vector<16xf32> to vector<16xf32>
    %swap3A_36 = vector.shape_cast %broadcast_in_dim3A_32 : vector<16xf32> to vector<16xf32>
    tpu.vector_store %arg9[%swap3A_33], %swap3A_36 {strides = array<i32>} : memref<304xf32, #tpu.memory_space<vmem>>, vector<16xf32>,
    %broadcast_in_dim3A_37 = arith.constant 0.000000e+00 : f32
    %broadcast_in_dim3A_38 = vector.broadcast %broadcast_in_dim3A_37 : f32 to vector<16xf32>
    %swap3A_39 = arith.constant 96 : index
    %swap3A_40 = tpu.vector_load %arg9[%swap3A_39] {strides = array<i32>} : memref<304xf32, #tpu.memory_space<vmem>>, vector<16xf32>,
    %swap3A_41 = vector.shape_cast %swap3A_40 : vector<16xf32> to vector<16xf32>
    %swap3A_42 = vector.shape_cast %broadcast_in_dim3A_38 : vector<16xf32> to vector<16xf32>
    tpu.vector_store %arg9[%swap3A_39], %swap3A_42 {strides = array<i32>} : memref<304xf32, #tpu.memory_space<vmem>>, vector<16xf32>,
    %broadcast_in_dim3A_43 = arith.constant 0.000000e+00 : f32
    %broadcast_in_dim3A_44 = vector.broadcast %broadcast_in_dim3A_43 : f32 to vector<16xf32>
    %swap3A_45 = arith.constant 112 : index
    %swap3A_46 = tpu.vector_load %arg9[%swap3A_45] {strides = array<i32>} : memref<304xf32, #tpu.memory_space<vmem>>, vector<16xf32>,
    %swap3A_47 = vector.shape_cast %swap3A_46 : vector<16xf32> to vector<16xf32>
    %swap3A_48 = vector.shape_cast %broadcast_in_dim3A_44 : vector<16xf32> to vector<16xf32>
    tpu.vector_store %arg9[%swap3A_45], %swap3A_48 {strides = array<i32>} : memref<304xf32, #tpu.memory_space<vmem>>, vector<16xf32>,
    %broadcast_in_dim3A_49 = arith.constant 0.000000e+00 : f32
    %broadcast_in_dim3A_50 = vector.broadcast %broadcast_in_dim3A_49 : f32 to vector<16xf32>
    %swap3A_51 = arith.constant 128 : index
    %swap3A_52 = tpu.vector_load %arg9[%swap3A_51] {strides = array<i32>} : memref<304xf32, #tpu.memory_space<vmem>>, vector<16xf32>,
    %swap3A_53 = vector.shape_cast %swap3A_52 : vector<16xf32> to vector<16xf32>
    %swap3A_54 = vector.shape_cast %broadcast_in_dim3A_50 : vector<16xf32> to vector<16xf32>
    tpu.vector_store %arg9[%swap3A_51], %swap3A_54 {strides = array<i32>} : memref<304xf32, #tpu.memory_space<vmem>>, vector<16xf32>,
    %broadcast_in_dim3A_55 = arith.constant 0.000000e+00 : f32
    %broadcast_in_dim3A_56 = vector.broadcast %broadcast_in_dim3A_55 : f32 to vector<16xf32>
    %swap3A_57 = arith.constant 144 : index
    %swap3A_58 = tpu.vector_load %arg9[%swap3A_57] {strides = array<i32>} : memref<304xf32, #tpu.memory_space<vmem>>, vector<16xf32>,
    %swap3A_59 = vector.shape_cast %swap3A_58 : vector<16xf32> to vector<16xf32>
    %swap3A_60 = vector.shape_cast %broadcast_in_dim3A_56 : vector<16xf32> to vector<16xf32>
    tpu.vector_store %arg9[%swap3A_57], %swap3A_60 {strides = array<i32>} : memref<304xf32, #tpu.memory_space<vmem>>, vector<16xf32>,
    %broadcast_in_dim3A_61 = arith.constant 0.000000e+00 : f32
    %broadcast_in_dim3A_62 = vector.broadcast %broadcast_in_dim3A_61 : f32 to vector<16xf32>
    %swap3A_63 = arith.constant 160 : index
    %swap3A_64 = tpu.vector_load %arg9[%swap3A_63] {strides = array<i32>} : memref<304xf32, #tpu.memory_space<vmem>>, vector<16xf32>,
    %swap3A_65 = vector.shape_cast %swap3A_64 : vector<16xf32> to vector<16xf32>
    %swap3A_66 = vector.shape_cast %broadcast_in_dim3A_62 : vector<16xf32> to vector<16xf32>
    tpu.vector_store %arg9[%swap3A_63], %swap3A_66 {strides = array<i32>} : memref<304xf32, #tpu.memory_space<vmem>>, vector<16xf32>,
    %broadcast_in_dim3A_67 = arith.constant 0.000000e+00 : f32
    %broadcast_in_dim3A_68 = vector.broadcast %broadcast_in_dim3A_67 : f32 to vector<16xf32>
    %swap3A_69 = arith.constant 176 : index
    %swap3A_70 = tpu.vector_load %arg9[%swap3A_69] {strides = array<i32>} : memref<304xf32, #tpu.memory_space<vmem>>, vector<16xf32>,
    %swap3A_71 = vector.shape_cast %swap3A_70 : vector<16xf32> to vector<16xf32>
    %swap3A_72 = vector.shape_cast %broadcast_in_dim3A_68 : vector<16xf32> to vector<16xf32>
    tpu.vector_store %arg9[%swap3A_69], %swap3A_72 {strides = array<i32>} : memref<304xf32, #tpu.memory_space<vmem>>, vector<16xf32>,
    %broadcast_in_dim3A_73 = arith.constant 0.000000e+00 : f32
    %broadcast_in_dim3A_74 = vector.broadcast %broadcast_in_dim3A_73 : f32 to vector<16xf32>
    %swap3A_75 = arith.constant 192 : index
    %swap3A_76 = tpu.vector_load %arg9[%swap3A_75] {strides = array<i32>} : memref<304xf32, #tpu.memory_space<vmem>>, vector<16xf32>,
    %swap3A_77 = vector.shape_cast %swap3A_76 : vector<16xf32> to vector<16xf32>
    %swap3A_78 = vector.shape_cast %broadcast_in_dim3A_74 : vector<16xf32> to vector<16xf32>
    tpu.vector_store %arg9[%swap3A_75], %swap3A_78 {strides = array<i32>} : memref<304xf32, #tpu.memory_space<vmem>>, vector<16xf32>,
    %broadcast_in_dim3A_79 = arith.constant 0.000000e+00 : f32
    %broadcast_in_dim3A_80 = vector.broadcast %broadcast_in_dim3A_79 : f32 to vector<16xf32>
    %swap3A_81 = arith.constant 208 : index
    %swap3A_82 = tpu.vector_load %arg9[%swap3A_81] {strides = array<i32>} : memref<304xf32, #tpu.memory_space<vmem>>, vector<16xf32>,
    %swap3A_83 = vector.shape_cast %swap3A_82 : vector<16xf32> to vector<16xf32>
    %swap3A_84 = vector.shape_cast %broadcast_in_dim3A_80 : vector<16xf32> to vector<16xf32>
    tpu.vector_store %arg9[%swap3A_81], %swap3A_84 {strides = array<i32>} : memref<304xf32, #tpu.memory_space<vmem>>, vector<16xf32>,
    %broadcast_in_dim3A_85 = arith.constant 0.000000e+00 : f32
    %broadcast_in_dim3A_86 = vector.broadcast %broadcast_in_dim3A_85 : f32 to vector<16xf32>
    %swap3A_87 = arith.constant 224 : index
    %swap3A_88 = tpu.vector_load %arg9[%swap3A_87] {strides = array<i32>} : memref<304xf32, #tpu.memory_space<vmem>>, vector<16xf32>,
    %swap3A_89 = vector.shape_cast %swap3A_88 : vector<16xf32> to vector<16xf32>
    %swap3A_90 = vector.shape_cast %broadcast_in_dim3A_86 : vector<16xf32> to vector<16xf32>
    tpu.vector_store %arg9[%swap3A_87], %swap3A_90 {strides = array<i32>} : memref<304xf32, #tpu.memory_space<vmem>>, vector<16xf32>,
    %broadcast_in_dim3A_91 = arith.constant 0.000000e+00 : f32
    %broadcast_in_dim3A_92 = vector.broadcast %broadcast_in_dim3A_91 : f32 to vector<16xf32>
    %swap3A_93 = arith.constant 240 : index
    %swap3A_94 = tpu.vector_load %arg9[%swap3A_93] {strides = array<i32>} : memref<304xf32, #tpu.memory_space<vmem>>, vector<16xf32>,
    %swap3A_95 = vector.shape_cast %swap3A_94 : vector<16xf32> to vector<16xf32>
    %swap3A_96 = vector.shape_cast %broadcast_in_dim3A_92 : vector<16xf32> to vector<16xf32>
    tpu.vector_store %arg9[%swap3A_93], %swap3A_96 {strides = array<i32>} : memref<304xf32, #tpu.memory_space<vmem>>, vector<16xf32>,
    %broadcast_in_dim3A_97 = arith.constant 0.000000e+00 : f32
    %broadcast_in_dim3A_98 = vector.broadcast %broadcast_in_dim3A_97 : f32 to vector<16xf32>
    %swap3A_99 = arith.constant 256 : index
    %swap3A_100 = tpu.vector_load %arg9[%swap3A_99] {strides = array<i32>} : memref<304xf32, #tpu.memory_space<vmem>>, vector<16xf32>,
    %swap3A_101 = vector.shape_cast %swap3A_100 : vector<16xf32> to vector<16xf32>
    %swap3A_102 = vector.shape_cast %broadcast_in_dim3A_98 : vector<16xf32> to vector<16xf32>
    tpu.vector_store %arg9[%swap3A_99], %swap3A_102 {strides = array<i32>} : memref<304xf32, #tpu.memory_space<vmem>>, vector<16xf32>,
    %broadcast_in_dim3A_103 = arith.constant 0.000000e+00 : f32
    %broadcast_in_dim3A_104 = vector.broadcast %broadcast_in_dim3A_103 : f32 to vector<16xf32>
    %swap3A_105 = arith.constant 272 : index
    %swap3A_106 = tpu.vector_load %arg9[%swap3A_105] {strides = array<i32>} : memref<304xf32, #tpu.memory_space<vmem>>, vector<16xf32>,
    %swap3A_107 = vector.shape_cast %swap3A_106 : vector<16xf32> to vector<16xf32>
    %swap3A_108 = vector.shape_cast %broadcast_in_dim3A_104 : vector<16xf32> to vector<16xf32>
    tpu.vector_store %arg9[%swap3A_105], %swap3A_108 {strides = array<i32>} : memref<304xf32, #tpu.memory_space<vmem>>, vector<16xf32>,
    %broadcast_in_dim3A_109 = arith.constant 0.000000e+00 : f32
    %broadcast_in_dim3A_110 = vector.broadcast %broadcast_in_dim3A_109 : f32 to vector<16xf32>
    %swap3A_111 = arith.constant 288 : index
    %swap3A_112 = tpu.vector_load %arg9[%swap3A_111] {strides = array<i32>} : memref<304xf32, #tpu.memory_space<vmem>>, vector<16xf32>,
    %swap3A_113 = vector.shape_cast %swap3A_112 : vector<16xf32> to vector<16xf32>
    %swap3A_114 = vector.shape_cast %broadcast_in_dim3A_110 : vector<16xf32> to vector<16xf32>
    tpu.vector_store %arg9[%swap3A_111], %swap3A_114 {strides = array<i32>} : memref<304xf32, #tpu.memory_space<vmem>>, vector<16xf32>,
    %add3A_115 = arith.constant 0 : i32
    %add3A_116 = arith.addi %mul3A_2, %add3A_115 : i32
    %add3A_117 = arith.constant 0 : i32
    %add3A_118 = arith.addi %mul3A_2, %add3A_117 : i32
    %dma_start3A = tpu.memref_slice %arg2[%add3A_116] : memref<16384000xf32, #tpu.memory_space<hbm>> -> memref<32000xf32, #tpu.memory_space<hbm>>
    %dma_start3A_119 = tpu.memref_slice %arg2[%add3A_116] : memref<16384000xf32, #tpu.memory_space<hbm>> -> memref<32000xf32, #tpu.memory_space<hbm>>
    tpu.enqueue_dma source(%dma_start3A_119 : memref<32000xf32, #tpu.memory_space<hbm>>) target(%arg5 : memref<32000xf32, #tpu.memory_space<vmem>>) target_semaphore(%arg10 : memref<!tpu.dma_semaphore, #tpu.memory_space<semaphore_mem>>)
    %dma_start3A_120 = tpu.memref_slice %arg3[%add3A_118] : memref<16384000xf32, #tpu.memory_space<hbm>> -> memref<32000xf32, #tpu.memory_space<hbm>>
    %dma_start3A_121 = tpu.memref_slice %arg3[%add3A_118] : memref<16384000xf32, #tpu.memory_space<hbm>> -> memref<32000xf32, #tpu.memory_space<hbm>>
    tpu.enqueue_dma source(%dma_start3A_121 : memref<32000xf32, #tpu.memory_space<hbm>>) target(%arg6 : memref<32000xf32, #tpu.memory_space<vmem>>) target_semaphore(%arg11 : memref<!tpu.dma_semaphore, #tpu.memory_space<semaphore_mem>>)
    %dma_wait3A = tpu.memref_slice %arg2[%add3A_116] : memref<16384000xf32, #tpu.memory_space<hbm>> -> memref<32000xf32, #tpu.memory_space<hbm>>
    %dma_wait3A_122 = tpu.memref_slice %arg2[%add3A_116] : memref<16384000xf32, #tpu.memory_space<hbm>> -> memref<32000xf32, #tpu.memory_space<hbm>>
    tpu.wait_dma2 semaphore(%arg10 : memref<!tpu.dma_semaphore, #tpu.memory_space<semaphore_mem>>) src(%dma_wait3A_122 : memref<32000xf32, #tpu.memory_space<hbm>>) dst(%arg5 : memref<32000xf32, #tpu.memory_space<vmem>>)
    %dma_wait3A_123 = tpu.memref_slice %arg3[%add3A_118] : memref<16384000xf32, #tpu.memory_space<hbm>> -> memref<32000xf32, #tpu.memory_space<hbm>>
    %dma_wait3A_124 = tpu.memref_slice %arg3[%add3A_118] : memref<16384000xf32, #tpu.memory_space<hbm>> -> memref<32000xf32, #tpu.memory_space<hbm>>
    tpu.wait_dma2 semaphore(%arg11 : memref<!tpu.dma_semaphore, #tpu.memory_space<semaphore_mem>>) src(%dma_wait3A_124 : memref<32000xf32, #tpu.memory_space<hbm>>) dst(%arg6 : memref<32000xf32, #tpu.memory_space<vmem>>)
    %add3A_125 = arith.constant 32000 : i32
    %add3A_126 = arith.addi %mul3A_2, %add3A_125 : i32
    %add3A_127 = arith.constant 32000 : i32
    %add3A_128 = arith.addi %mul3A_2, %add3A_127 : i32
    %dma_start3A_129 = tpu.memref_slice %arg2[%add3A_126] : memref<16384000xf32, #tpu.memory_space<hbm>> -> memref<32000xf32, #tpu.memory_space<hbm>>
    %dma_start3A_130 = tpu.memref_slice %arg2[%add3A_126] : memref<16384000xf32, #tpu.memory_space<hbm>> -> memref<32000xf32, #tpu.memory_space<hbm>>
    tpu.enqueue_dma source(%dma_start3A_130 : memref<32000xf32, #tpu.memory_space<hbm>>) target(%arg7 : memref<32000xf32, #tpu.memory_space<vmem>>) target_semaphore(%arg12 : memref<!tpu.dma_semaphore, #tpu.memory_space<semaphore_mem>>)
    %dma_start3A_131 = tpu.memref_slice %arg3[%add3A_128] : memref<16384000xf32, #tpu.memory_space<hbm>> -> memref<32000xf32, #tpu.memory_space<hbm>>
    %dma_start3A_132 = tpu.memref_slice %arg3[%add3A_128] : memref<16384000xf32, #tpu.memory_space<hbm>> -> memref<32000xf32, #tpu.memory_space<hbm>>
    tpu.enqueue_dma source(%dma_start3A_132 : memref<32000xf32, #tpu.memory_space<hbm>>) target(%arg8 : memref<32000xf32, #tpu.memory_space<vmem>>) target_semaphore(%arg13 : memref<!tpu.dma_semaphore, #tpu.memory_space<semaphore_mem>>)
    %broadcast_in_dim3A_133 = arith.constant 0.000000e+00 : f32
    %broadcast_in_dim3A_134 = vector.broadcast %broadcast_in_dim3A_133 : f32 to vector<16xf32>
    %broadcast_in_dim3A_135 = arith.constant 0.000000e+00 : f32
    %broadcast_in_dim3A_136 = vector.broadcast %broadcast_in_dim3A_135 : f32 to vector<16xf32>
    %broadcast_in_dim3A_137 = arith.constant 0.000000e+00 : f32
    %broadcast_in_dim3A_138 = vector.broadcast %broadcast_in_dim3A_137 : f32 to vector<16xf32>
    %broadcast_in_dim3A_139 = arith.constant 0.000000e+00 : f32
    %broadcast_in_dim3A_140 = vector.broadcast %broadcast_in_dim3A_139 : f32 to vector<16xf32>
    %broadcast_in_dim3A_141 = arith.constant 0.000000e+00 : f32
    %broadcast_in_dim3A_142 = vector.broadcast %broadcast_in_dim3A_141 : f32 to vector<16xf32>
    %broadcast_in_dim3A_143 = arith.constant 0.000000e+00 : f32
    %broadcast_in_dim3A_144 = vector.broadcast %broadcast_in_dim3A_143 : f32 to vector<16xf32>
    %broadcast_in_dim3A_145 = arith.constant 0.000000e+00 : f32
    %broadcast_in_dim3A_146 = vector.broadcast %broadcast_in_dim3A_145 : f32 to vector<16xf32>
    %broadcast_in_dim3A_147 = arith.constant 0.000000e+00 : f32
    %broadcast_in_dim3A_148 = vector.broadcast %broadcast_in_dim3A_147 : f32 to vector<16xf32>
    %broadcast_in_dim3A_149 = arith.constant 0.000000e+00 : f32
    %broadcast_in_dim3A_150 = vector.broadcast %broadcast_in_dim3A_149 : f32 to vector<16xf32>
    %broadcast_in_dim3A_151 = arith.constant 0.000000e+00 : f32
    %broadcast_in_dim3A_152 = vector.broadcast %broadcast_in_dim3A_151 : f32 to vector<16xf32>
    %broadcast_in_dim3A_153 = arith.constant 0.000000e+00 : f32
    %broadcast_in_dim3A_154 = vector.broadcast %broadcast_in_dim3A_153 : f32 to vector<16xf32>
    %broadcast_in_dim3A_155 = arith.constant 0.000000e+00 : f32
    %broadcast_in_dim3A_156 = vector.broadcast %broadcast_in_dim3A_155 : f32 to vector<16xf32>
    %broadcast_in_dim3A_157 = arith.constant 0.000000e+00 : f32
    %broadcast_in_dim3A_158 = vector.broadcast %broadcast_in_dim3A_157 : f32 to vector<16xf32>
    %broadcast_in_dim3A_159 = arith.constant 0.000000e+00 : f32
    %broadcast_in_dim3A_160 = vector.broadcast %broadcast_in_dim3A_159 : f32 to vector<16xf32>
    %broadcast_in_dim3A_161 = arith.constant 0.000000e+00 : f32
    %broadcast_in_dim3A_162 = vector.broadcast %broadcast_in_dim3A_161 : f32 to vector<16xf32>
    %broadcast_in_dim3A_163 = arith.constant 0.000000e+00 : f32
    %broadcast_in_dim3A_164 = vector.broadcast %broadcast_in_dim3A_163 : f32 to vector<16xf32>
    %broadcast_in_dim3A_165 = arith.constant 0.000000e+00 : f32
    %broadcast_in_dim3A_166 = vector.broadcast %broadcast_in_dim3A_165 : f32 to vector<16xf32>
    %broadcast_in_dim3A_167 = arith.constant 0.000000e+00 : f32
    %broadcast_in_dim3A_168 = vector.broadcast %broadcast_in_dim3A_167 : f32 to vector<16xf32>
    %broadcast_in_dim3A_169 = arith.constant 0.000000e+00 : f32
    %broadcast_in_dim3A_170 = vector.broadcast %broadcast_in_dim3A_169 : f32 to vector<16xf32>
    %scan3A = arith.constant 0 : i32
    %scan3A_171 = arith.constant 2000 : i32
    %scan3A_172 = arith.addi %scan3A, %scan3A_171 : i32
    %scan3A_173 = arith.constant 2 : i32
    %scan3A_174:19 = scf.for %scan3A_904 = %scan3A to %scan3A_172 step %scan3A_173 iter_args(%scan3A_905 = %broadcast_in_dim3A_134, %scan3A_906 = %broadcast_in_dim3A_136, %scan3A_907 = %broadcast_in_dim3A_138, %scan3A_908 = %broadcast_in_dim3A_140, %scan3A_909 = %broadcast_in_dim3A_142, %scan3A_910 = %broadcast_in_dim3A_144, %scan3A_911 = %broadcast_in_dim3A_146, %scan3A_912 = %broadcast_in_dim3A_148, %scan3A_913 = %broadcast_in_dim3A_150, %scan3A_914 = %broadcast_in_dim3A_152, %scan3A_915 = %broadcast_in_dim3A_154, %scan3A_916 = %broadcast_in_dim3A_156, %scan3A_917 = %broadcast_in_dim3A_158, %scan3A_918 = %broadcast_in_dim3A_160, %scan3A_919 = %broadcast_in_dim3A_162, %scan3A_920 = %broadcast_in_dim3A_164, %scan3A_921 = %broadcast_in_dim3A_166, %scan3A_922 = %broadcast_in_dim3A_168, %scan3A_923 = %broadcast_in_dim3A_170) -> (vector<16xf32>, vector<16xf32>, vector<16xf32>, vector<16xf32>, vector<16xf32>, vector<16xf32>, vector<16xf32>, vector<16xf32>, vector<16xf32>, vector<16xf32>, vector<16xf32>, vector<16xf32>, vector<16xf32>, vector<16xf32>, vector<16xf32>, vector<16xf32>, vector<16xf32>, vector<16xf32>, vector<16xf32>)  : i32 {
      %mul3A_924 = arith.constant 16 : i32
      %mul3A_925 = arith.muli %scan3A_904, %mul3A_924 : i32
      %get3A = arith.index_cast %mul3A_925 : i32 to index
      %get3A_926 = tpu.vector_load %arg5[%get3A] {strides = array<i32>} : memref<32000xf32, #tpu.memory_space<vmem>>, vector<16xf32>,
      %get3A_927 = vector.shape_cast %get3A_926 : vector<16xf32> to vector<16xf32>
      %get3A_928 = arith.index_cast %mul3A_925 : i32 to index
      %get3A_929 = tpu.vector_load %arg6[%get3A_928] {strides = array<i32>} : memref<32000xf32, #tpu.memory_space<vmem>>, vector<16xf32>,
      %get3A_930 = vector.shape_cast %get3A_929 : vector<16xf32> to vector<16xf32>
      %sub3A = arith.subf %get3A_927, %get3A_930 : vector<16xf32>
      %abs3A = math.absf %sub3A : vector<16xf32>
      %bitcast_convert_type3A = tpu.bitcast %get3A_927 : vector<16xf32> -> vector<16xi32>
      %shift_right_logical3A = arith.constant 23 : i32
      %shift_right_logical3A_931 = vector.broadcast %shift_right_logical3A : i32 to vector<16xi32>
      %shift_right_logical3A_932 = arith.shrui %bitcast_convert_type3A, %shift_right_logical3A_931 : vector<16xi32>
      %convert_element_type3A = arith.sitofp %shift_right_logical3A_932 : vector<16xi32> to vector<16xf32>
      %sub3A_933 = arith.constant 1.270000e+02 : f32
      %sub3A_934 = vector.broadcast %sub3A_933 : f32 to vector<16xf32>
      %sub3A_935 = arith.subf %convert_element_type3A, %sub3A_934 : vector<16xf32>
      %and3A = arith.constant 8388607 : i32
      %and3A_936 = vector.broadcast %and3A : i32 to vector<16xi32>
      %and3A_937 = arith.andi %bitcast_convert_type3A, %and3A_936 : vector<16xi32>
      %or3A = arith.constant 1065353216 : i32
      %or3A_938 = vector.broadcast %or3A : i32 to vector<16xi32>
      %or3A_939 = arith.ori %and3A_937, %or3A_938 : vector<16xi32>
      %bitcast_convert_type3A_940 = tpu.bitcast %or3A_939 : vector<16xi32> -> vector<16xf32>
      %sub3A_941 = arith.constant 1.000000e+00 : f32
      %sub3A_942 = vector.broadcast %sub3A_941 : f32 to vector<16xf32>
      %sub3A_943 = arith.subf %bitcast_convert_type3A_940, %sub3A_942 : vector<16xf32>
      %mul3A_944 = arith.constant 0.0313766226 : f32
      %mul3A_945 = vector.broadcast %mul3A_944 : f32 to vector<16xf32>
      %mul3A_946 = arith.mulf %mul3A_945, %sub3A_943 : vector<16xf32>
      %add3A_947 = arith.constant -0.134133309 : f32
      %add3A_948 = vector.broadcast %add3A_947 : f32 to vector<16xf32>
      %add3A_949 = arith.addf %mul3A_946, %add3A_948 : vector<16xf32>
      %mul3A_950 = arith.mulf %add3A_949, %sub3A_943 : vector<16xf32>
      %add3A_951 = arith.constant 0.28782469 : f32
      %add3A_952 = vector.broadcast %add3A_951 : f32 to vector<16xf32>
      %add3A_953 = arith.addf %mul3A_950, %add3A_952 : vector<16xf32>
      %mul3A_954 = arith.mulf %add3A_953, %sub3A_943 : vector<16xf32>
      %add3A_955 = arith.constant -0.491347462 : f32
      %add3A_956 = vector.broadcast %add3A_955 : f32 to vector<16xf32>
      %add3A_957 = arith.addf %mul3A_954, %add3A_956 : vector<16xf32>
      %mul3A_958 = arith.mulf %add3A_957, %sub3A_943 : vector<16xf32>
      %add3A_959 = arith.constant 0.999434947 : f32
      %add3A_960 = vector.broadcast %add3A_959 : f32 to vector<16xf32>
      %add3A_961 = arith.addf %mul3A_958, %add3A_960 : vector<16xf32>
      %mul3A_962 = arith.mulf %add3A_961, %sub3A_943 : vector<16xf32>
      %mul3A_963 = arith.constant 0.693147182 : f32
      %mul3A_964 = vector.broadcast %mul3A_963 : f32 to vector<16xf32>
      %mul3A_965 = arith.mulf %sub3A_935, %mul3A_964 : vector<16xf32>
      %add3A_966 = arith.addf %mul3A_965, %mul3A_962 : vector<16xf32>
      %sub3A_967 = arith.constant 1.000000e+00 : f32
      %sub3A_968 = vector.broadcast %sub3A_967 : f32 to vector<16xf32>
      %sub3A_969 = arith.subf %sub3A_968, %get3A_927 : vector<16xf32>
      %bitcast_convert_type3A_970 = tpu.bitcast %sub3A_969 : vector<16xf32> -> vector<16xi32>
      %shift_right_logical3A_971 = arith.constant 23 : i32
      %shift_right_logical3A_972 = vector.broadcast %shift_right_logical3A_971 : i32 to vector<16xi32>
      %shift_right_logical3A_973 = arith.shrui %bitcast_convert_type3A_970, %shift_right_logical3A_972 : vector<16xi32>
      %convert_element_type3A_974 = arith.sitofp %shift_right_logical3A_973 : vector<16xi32> to vector<16xf32>
      %sub3A_975 = arith.constant 1.270000e+02 : f32
      %sub3A_976 = vector.broadcast %sub3A_975 : f32 to vector<16xf32>
      %sub3A_977 = arith.subf %convert_element_type3A_974, %sub3A_976 : vector<16xf32>
      %and3A_978 = arith.constant 8388607 : i32
      %and3A_979 = vector.broadcast %and3A_978 : i32 to vector<16xi32>
      %and3A_980 = arith.andi %bitcast_convert_type3A_970, %and3A_979 : vector<16xi32>
      %or3A_981 = arith.constant 1065353216 : i32
      %or3A_982 = vector.broadcast %or3A_981 : i32 to vector<16xi32>
      %or3A_983 = arith.ori %and3A_980, %or3A_982 : vector<16xi32>
      %bitcast_convert_type3A_984 = tpu.bitcast %or3A_983 : vector<16xi32> -> vector<16xf32>
      %sub3A_985 = arith.constant 1.000000e+00 : f32
      %sub3A_986 = vector.broadcast %sub3A_985 : f32 to vector<16xf32>
      %sub3A_987 = arith.subf %bitcast_convert_type3A_984, %sub3A_986 : vector<16xf32>
      %mul3A_988 = arith.constant 0.0313766226 : f32
      %mul3A_989 = vector.broadcast %mul3A_988 : f32 to vector<16xf32>
      %mul3A_990 = arith.mulf %mul3A_989, %sub3A_987 : vector<16xf32>
      %add3A_991 = arith.constant -0.134133309 : f32
      %add3A_992 = vector.broadcast %add3A_991 : f32 to vector<16xf32>
      %add3A_993 = arith.addf %mul3A_990, %add3A_992 : vector<16xf32>
      %mul3A_994 = arith.mulf %add3A_993, %sub3A_987 : vector<16xf32>
      %add3A_995 = arith.constant 0.28782469 : f32
      %add3A_996 = vector.broadcast %add3A_995 : f32 to vector<16xf32>
      %add3A_997 = arith.addf %mul3A_994, %add3A_996 : vector<16xf32>
      %mul3A_998 = arith.mulf %add3A_997, %sub3A_987 : vector<16xf32>
      %add3A_999 = arith.constant -0.491347462 : f32
      %add3A_1000 = vector.broadcast %add3A_999 : f32 to vector<16xf32>
      %add3A_1001 = arith.addf %mul3A_998, %add3A_1000 : vector<16xf32>
      %mul3A_1002 = arith.mulf %add3A_1001, %sub3A_987 : vector<16xf32>
      %add3A_1003 = arith.constant 0.999434947 : f32
      %add3A_1004 = vector.broadcast %add3A_1003 : f32 to vector<16xf32>
      %add3A_1005 = arith.addf %mul3A_1002, %add3A_1004 : vector<16xf32>
      %mul3A_1006 = arith.mulf %add3A_1005, %sub3A_987 : vector<16xf32>
      %mul3A_1007 = arith.constant 0.693147182 : f32
      %mul3A_1008 = vector.broadcast %mul3A_1007 : f32 to vector<16xf32>
      %mul3A_1009 = arith.mulf %sub3A_977, %mul3A_1008 : vector<16xf32>
      %add3A_1010 = arith.addf %mul3A_1009, %mul3A_1006 : vector<16xf32>
      %mul3A_1011 = arith.mulf %get3A_930, %add3A_966 : vector<16xf32>
      %sub3A_1012 = arith.constant 1.000000e+00 : f32
      %sub3A_1013 = vector.broadcast %sub3A_1012 : f32 to vector<16xf32>
      %sub3A_1014 = arith.subf %sub3A_1013, %get3A_930 : vector<16xf32>
      %mul3A_1015 = arith.mulf %sub3A_1014, %add3A_1010 : vector<16xf32>
      %add3A_1016 = arith.addf %mul3A_1011, %mul3A_1015 : vector<16xf32>
      %neg3A = arith.constant 0.000000e+00 : f32
      %neg3A_1017 = vector.broadcast %neg3A : f32 to vector<16xf32>
      %neg3A_1018 = arith.subf %neg3A_1017, %add3A_1016 : vector<16xf32>
      %add3A_1019 = arith.addf %scan3A_905, %neg3A_1018 : vector<16xf32>
      %ge3A = arith.constant 1.000000e-01 : f32
      %ge3A_1020 = vector.broadcast %ge3A : f32 to vector<16xf32>
      %ge3A_1021 = arith.cmpf oge, %abs3A, %ge3A_1020 : vector<16xf32>
      %jit3A = arith.constant 1.000000e+00 : f32
      %jit3A_1022 = arith.constant 0.000000e+00 : f32
      %broadcast_in_dim3A_1023 = vector.broadcast %jit3A : f32 to vector<16xf32>
      %broadcast_in_dim3A_1024 = vector.broadcast %jit3A_1022 : f32 to vector<16xf32>
      %select_n3A = arith.select %ge3A_1021, %broadcast_in_dim3A_1023, %broadcast_in_dim3A_1024 : vector<16xi1>, vector<16xf32>
      %mul3A_1025 = arith.mulf %select_n3A, %neg3A_1018 : vector<16xf32>
      %add3A_1026 = arith.addf %scan3A_906, %mul3A_1025 : vector<16xf32>
      %add3A_1027 = arith.addf %scan3A_915, %select_n3A : vector<16xf32>
      %ge3A_1028 = arith.constant 2.000000e-01 : f32
      %ge3A_1029 = vector.broadcast %ge3A_1028 : f32 to vector<16xf32>
      %ge3A_1030 = arith.cmpf oge, %abs3A, %ge3A_1029 : vector<16xf32>
      %jit3A_1031 = arith.constant 1.000000e+00 : f32
      %jit3A_1032 = arith.constant 0.000000e+00 : f32
      %broadcast_in_dim3A_1033 = vector.broadcast %jit3A_1031 : f32 to vector<16xf32>
      %broadcast_in_dim3A_1034 = vector.broadcast %jit3A_1032 : f32 to vector<16xf32>
      %select_n3A_1035 = arith.select %ge3A_1030, %broadcast_in_dim3A_1033, %broadcast_in_dim3A_1034 : vector<16xi1>, vector<16xf32>
      %mul3A_1036 = arith.mulf %select_n3A_1035, %neg3A_1018 : vector<16xf32>
      %add3A_1037 = arith.addf %scan3A_907, %mul3A_1036 : vector<16xf32>
      %add3A_1038 = arith.addf %scan3A_916, %select_n3A_1035 : vector<16xf32>
      %ge3A_1039 = arith.constant 3.000000e-01 : f32
      %ge3A_1040 = vector.broadcast %ge3A_1039 : f32 to vector<16xf32>
      %ge3A_1041 = arith.cmpf oge, %abs3A, %ge3A_1040 : vector<16xf32>
      %jit3A_1042 = arith.constant 1.000000e+00 : f32
      %jit3A_1043 = arith.constant 0.000000e+00 : f32
      %broadcast_in_dim3A_1044 = vector.broadcast %jit3A_1042 : f32 to vector<16xf32>
      %broadcast_in_dim3A_1045 = vector.broadcast %jit3A_1043 : f32 to vector<16xf32>
      %select_n3A_1046 = arith.select %ge3A_1041, %broadcast_in_dim3A_1044, %broadcast_in_dim3A_1045 : vector<16xi1>, vector<16xf32>
      %mul3A_1047 = arith.mulf %select_n3A_1046, %neg3A_1018 : vector<16xf32>
      %add3A_1048 = arith.addf %scan3A_908, %mul3A_1047 : vector<16xf32>
      %add3A_1049 = arith.addf %scan3A_917, %select_n3A_1046 : vector<16xf32>
      %ge3A_1050 = arith.constant 4.000000e-01 : f32
      %ge3A_1051 = vector.broadcast %ge3A_1050 : f32 to vector<16xf32>
      %ge3A_1052 = arith.cmpf oge, %abs3A, %ge3A_1051 : vector<16xf32>
      %jit3A_1053 = arith.constant 1.000000e+00 : f32
      %jit3A_1054 = arith.constant 0.000000e+00 : f32
      %broadcast_in_dim3A_1055 = vector.broadcast %jit3A_1053 : f32 to vector<16xf32>
      %broadcast_in_dim3A_1056 = vector.broadcast %jit3A_1054 : f32 to vector<16xf32>
      %select_n3A_1057 = arith.select %ge3A_1052, %broadcast_in_dim3A_1055, %broadcast_in_dim3A_1056 : vector<16xi1>, vector<16xf32>
      %mul3A_1058 = arith.mulf %select_n3A_1057, %neg3A_1018 : vector<16xf32>
      %add3A_1059 = arith.addf %scan3A_909, %mul3A_1058 : vector<16xf32>
      %add3A_1060 = arith.addf %scan3A_918, %select_n3A_1057 : vector<16xf32>
      %ge3A_1061 = arith.constant 5.000000e-01 : f32
      %ge3A_1062 = vector.broadcast %ge3A_1061 : f32 to vector<16xf32>
      %ge3A_1063 = arith.cmpf oge, %abs3A, %ge3A_1062 : vector<16xf32>
      %jit3A_1064 = arith.constant 1.000000e+00 : f32
      %jit3A_1065 = arith.constant 0.000000e+00 : f32
      %broadcast_in_dim3A_1066 = vector.broadcast %jit3A_1064 : f32 to vector<16xf32>
      %broadcast_in_dim3A_1067 = vector.broadcast %jit3A_1065 : f32 to vector<16xf32>
      %select_n3A_1068 = arith.select %ge3A_1063, %broadcast_in_dim3A_1066, %broadcast_in_dim3A_1067 : vector<16xi1>, vector<16xf32>
      %mul3A_1069 = arith.mulf %select_n3A_1068, %neg3A_1018 : vector<16xf32>
      %add3A_1070 = arith.addf %scan3A_910, %mul3A_1069 : vector<16xf32>
      %add3A_1071 = arith.addf %scan3A_919, %select_n3A_1068 : vector<16xf32>
      %ge3A_1072 = arith.constant 6.000000e-01 : f32
      %ge3A_1073 = vector.broadcast %ge3A_1072 : f32 to vector<16xf32>
      %ge3A_1074 = arith.cmpf oge, %abs3A, %ge3A_1073 : vector<16xf32>
      %jit3A_1075 = arith.constant 1.000000e+00 : f32
      %jit3A_1076 = arith.constant 0.000000e+00 : f32
      %broadcast_in_dim3A_1077 = vector.broadcast %jit3A_1075 : f32 to vector<16xf32>
      %broadcast_in_dim3A_1078 = vector.broadcast %jit3A_1076 : f32 to vector<16xf32>
      %select_n3A_1079 = arith.select %ge3A_1074, %broadcast_in_dim3A_1077, %broadcast_in_dim3A_1078 : vector<16xi1>, vector<16xf32>
      %mul3A_1080 = arith.mulf %select_n3A_1079, %neg3A_1018 : vector<16xf32>
      %add3A_1081 = arith.addf %scan3A_911, %mul3A_1080 : vector<16xf32>
      %add3A_1082 = arith.addf %scan3A_920, %select_n3A_1079 : vector<16xf32>
      %ge3A_1083 = arith.constant 0.699999988 : f32
      %ge3A_1084 = vector.broadcast %ge3A_1083 : f32 to vector<16xf32>
      %ge3A_1085 = arith.cmpf oge, %abs3A, %ge3A_1084 : vector<16xf32>
      %jit3A_1086 = arith.constant 1.000000e+00 : f32
      %jit3A_1087 = arith.constant 0.000000e+00 : f32
      %broadcast_in_dim3A_1088 = vector.broadcast %jit3A_1086 : f32 to vector<16xf32>
      %broadcast_in_dim3A_1089 = vector.broadcast %jit3A_1087 : f32 to vector<16xf32>
      %select_n3A_1090 = arith.select %ge3A_1085, %broadcast_in_dim3A_1088, %broadcast_in_dim3A_1089 : vector<16xi1>, vector<16xf32>
      %mul3A_1091 = arith.mulf %select_n3A_1090, %neg3A_1018 : vector<16xf32>
      %add3A_1092 = arith.addf %scan3A_912, %mul3A_1091 : vector<16xf32>
      %add3A_1093 = arith.addf %scan3A_921, %select_n3A_1090 : vector<16xf32>
      %ge3A_1094 = arith.constant 8.000000e-01 : f32
      %ge3A_1095 = vector.broadcast %ge3A_1094 : f32 to vector<16xf32>
      %ge3A_1096 = arith.cmpf oge, %abs3A, %ge3A_1095 : vector<16xf32>
      %jit3A_1097 = arith.constant 1.000000e+00 : f32
      %jit3A_1098 = arith.constant 0.000000e+00 : f32
      %broadcast_in_dim3A_1099 = vector.broadcast %jit3A_1097 : f32 to vector<16xf32>
      %broadcast_in_dim3A_1100 = vector.broadcast %jit3A_1098 : f32 to vector<16xf32>
      %select_n3A_1101 = arith.select %ge3A_1096, %broadcast_in_dim3A_1099, %broadcast_in_dim3A_1100 : vector<16xi1>, vector<16xf32>
      %mul3A_1102 = arith.mulf %select_n3A_1101, %neg3A_1018 : vector<16xf32>
      %add3A_1103 = arith.addf %scan3A_913, %mul3A_1102 : vector<16xf32>
      %add3A_1104 = arith.addf %scan3A_922, %select_n3A_1101 : vector<16xf32>
      %ge3A_1105 = arith.constant 0.899999976 : f32
      %ge3A_1106 = vector.broadcast %ge3A_1105 : f32 to vector<16xf32>
      %ge3A_1107 = arith.cmpf oge, %abs3A, %ge3A_1106 : vector<16xf32>
      %jit3A_1108 = arith.constant 1.000000e+00 : f32
      %jit3A_1109 = arith.constant 0.000000e+00 : f32
      %broadcast_in_dim3A_1110 = vector.broadcast %jit3A_1108 : f32 to vector<16xf32>
      %broadcast_in_dim3A_1111 = vector.broadcast %jit3A_1109 : f32 to vector<16xf32>
      %select_n3A_1112 = arith.select %ge3A_1107, %broadcast_in_dim3A_1110, %broadcast_in_dim3A_1111 : vector<16xi1>, vector<16xf32>
      %mul3A_1113 = arith.mulf %select_n3A_1112, %neg3A_1018 : vector<16xf32>
      %add3A_1114 = arith.addf %scan3A_914, %mul3A_1113 : vector<16xf32>
      %add3A_1115 = arith.addf %scan3A_923, %select_n3A_1112 : vector<16xf32>
      %scan3A_1116 = arith.constant 1 : i32
      %scan3A_1117 = arith.addi %scan3A_904, %scan3A_1116 : i32
      %mul3A_1118 = arith.constant 16 : i32
      %mul3A_1119 = arith.muli %scan3A_1117, %mul3A_1118 : i32
      %get3A_1120 = arith.index_cast %mul3A_1119 : i32 to index
      %get3A_1121 = tpu.vector_load %arg5[%get3A_1120] {strides = array<i32>} : memref<32000xf32, #tpu.memory_space<vmem>>, vector<16xf32>,
      %get3A_1122 = vector.shape_cast %get3A_1121 : vector<16xf32> to vector<16xf32>
      %get3A_1123 = arith.index_cast %mul3A_1119 : i32 to index
      %get3A_1124 = tpu.vector_load %arg6[%get3A_1123] {strides = array<i32>} : memref<32000xf32, #tpu.memory_space<vmem>>, vector<16xf32>,
      %get3A_1125 = vector.shape_cast %get3A_1124 : vector<16xf32> to vector<16xf32>
      %sub3A_1126 = arith.subf %get3A_1122, %get3A_1125 : vector<16xf32>
      %abs3A_1127 = math.absf %sub3A_1126 : vector<16xf32>
      %bitcast_convert_type3A_1128 = tpu.bitcast %get3A_1122 : vector<16xf32> -> vector<16xi32>
      %shift_right_logical3A_1129 = arith.constant 23 : i32
      %shift_right_logical3A_1130 = vector.broadcast %shift_right_logical3A_1129 : i32 to vector<16xi32>
      %shift_right_logical3A_1131 = arith.shrui %bitcast_convert_type3A_1128, %shift_right_logical3A_1130 : vector<16xi32>
      %convert_element_type3A_1132 = arith.sitofp %shift_right_logical3A_1131 : vector<16xi32> to vector<16xf32>
      %sub3A_1133 = arith.constant 1.270000e+02 : f32
      %sub3A_1134 = vector.broadcast %sub3A_1133 : f32 to vector<16xf32>
      %sub3A_1135 = arith.subf %convert_element_type3A_1132, %sub3A_1134 : vector<16xf32>
      %and3A_1136 = arith.constant 8388607 : i32
      %and3A_1137 = vector.broadcast %and3A_1136 : i32 to vector<16xi32>
      %and3A_1138 = arith.andi %bitcast_convert_type3A_1128, %and3A_1137 : vector<16xi32>
      %or3A_1139 = arith.constant 1065353216 : i32
      %or3A_1140 = vector.broadcast %or3A_1139 : i32 to vector<16xi32>
      %or3A_1141 = arith.ori %and3A_1138, %or3A_1140 : vector<16xi32>
      %bitcast_convert_type3A_1142 = tpu.bitcast %or3A_1141 : vector<16xi32> -> vector<16xf32>
      %sub3A_1143 = arith.constant 1.000000e+00 : f32
      %sub3A_1144 = vector.broadcast %sub3A_1143 : f32 to vector<16xf32>
      %sub3A_1145 = arith.subf %bitcast_convert_type3A_1142, %sub3A_1144 : vector<16xf32>
      %mul3A_1146 = arith.constant 0.0313766226 : f32
      %mul3A_1147 = vector.broadcast %mul3A_1146 : f32 to vector<16xf32>
      %mul3A_1148 = arith.mulf %mul3A_1147, %sub3A_1145 : vector<16xf32>
      %add3A_1149 = arith.constant -0.134133309 : f32
      %add3A_1150 = vector.broadcast %add3A_1149 : f32 to vector<16xf32>
      %add3A_1151 = arith.addf %mul3A_1148, %add3A_1150 : vector<16xf32>
      %mul3A_1152 = arith.mulf %add3A_1151, %sub3A_1145 : vector<16xf32>
      %add3A_1153 = arith.constant 0.28782469 : f32
      %add3A_1154 = vector.broadcast %add3A_1153 : f32 to vector<16xf32>
      %add3A_1155 = arith.addf %mul3A_1152, %add3A_1154 : vector<16xf32>
      %mul3A_1156 = arith.mulf %add3A_1155, %sub3A_1145 : vector<16xf32>
      %add3A_1157 = arith.constant -0.491347462 : f32
      %add3A_1158 = vector.broadcast %add3A_1157 : f32 to vector<16xf32>
      %add3A_1159 = arith.addf %mul3A_1156, %add3A_1158 : vector<16xf32>
      %mul3A_1160 = arith.mulf %add3A_1159, %sub3A_1145 : vector<16xf32>
      %add3A_1161 = arith.constant 0.999434947 : f32
      %add3A_1162 = vector.broadcast %add3A_1161 : f32 to vector<16xf32>
      %add3A_1163 = arith.addf %mul3A_1160, %add3A_1162 : vector<16xf32>
      %mul3A_1164 = arith.mulf %add3A_1163, %sub3A_1145 : vector<16xf32>
      %mul3A_1165 = arith.constant 0.693147182 : f32
      %mul3A_1166 = vector.broadcast %mul3A_1165 : f32 to vector<16xf32>
      %mul3A_1167 = arith.mulf %sub3A_1135, %mul3A_1166 : vector<16xf32>
      %add3A_1168 = arith.addf %mul3A_1167, %mul3A_1164 : vector<16xf32>
      %sub3A_1169 = arith.constant 1.000000e+00 : f32
      %sub3A_1170 = vector.broadcast %sub3A_1169 : f32 to vector<16xf32>
      %sub3A_1171 = arith.subf %sub3A_1170, %get3A_1122 : vector<16xf32>
      %bitcast_convert_type3A_1172 = tpu.bitcast %sub3A_1171 : vector<16xf32> -> vector<16xi32>
      %shift_right_logical3A_1173 = arith.constant 23 : i32
      %shift_right_logical3A_1174 = vector.broadcast %shift_right_logical3A_1173 : i32 to vector<16xi32>
      %shift_right_logical3A_1175 = arith.shrui %bitcast_convert_type3A_1172, %shift_right_logical3A_1174 : vector<16xi32>
      %convert_element_type3A_1176 = arith.sitofp %shift_right_logical3A_1175 : vector<16xi32> to vector<16xf32>
      %sub3A_1177 = arith.constant 1.270000e+02 : f32
      %sub3A_1178 = vector.broadcast %sub3A_1177 : f32 to vector<16xf32>
      %sub3A_1179 = arith.subf %convert_element_type3A_1176, %sub3A_1178 : vector<16xf32>
      %and3A_1180 = arith.constant 8388607 : i32
      %and3A_1181 = vector.broadcast %and3A_1180 : i32 to vector<16xi32>
      %and3A_1182 = arith.andi %bitcast_convert_type3A_1172, %and3A_1181 : vector<16xi32>
      %or3A_1183 = arith.constant 1065353216 : i32
      %or3A_1184 = vector.broadcast %or3A_1183 : i32 to vector<16xi32>
      %or3A_1185 = arith.ori %and3A_1182, %or3A_1184 : vector<16xi32>
      %bitcast_convert_type3A_1186 = tpu.bitcast %or3A_1185 : vector<16xi32> -> vector<16xf32>
      %sub3A_1187 = arith.constant 1.000000e+00 : f32
      %sub3A_1188 = vector.broadcast %sub3A_1187 : f32 to vector<16xf32>
      %sub3A_1189 = arith.subf %bitcast_convert_type3A_1186, %sub3A_1188 : vector<16xf32>
      %mul3A_1190 = arith.constant 0.0313766226 : f32
      %mul3A_1191 = vector.broadcast %mul3A_1190 : f32 to vector<16xf32>
      %mul3A_1192 = arith.mulf %mul3A_1191, %sub3A_1189 : vector<16xf32>
      %add3A_1193 = arith.constant -0.134133309 : f32
      %add3A_1194 = vector.broadcast %add3A_1193 : f32 to vector<16xf32>
      %add3A_1195 = arith.addf %mul3A_1192, %add3A_1194 : vector<16xf32>
      %mul3A_1196 = arith.mulf %add3A_1195, %sub3A_1189 : vector<16xf32>
      %add3A_1197 = arith.constant 0.28782469 : f32
      %add3A_1198 = vector.broadcast %add3A_1197 : f32 to vector<16xf32>
      %add3A_1199 = arith.addf %mul3A_1196, %add3A_1198 : vector<16xf32>
      %mul3A_1200 = arith.mulf %add3A_1199, %sub3A_1189 : vector<16xf32>
      %add3A_1201 = arith.constant -0.491347462 : f32
      %add3A_1202 = vector.broadcast %add3A_1201 : f32 to vector<16xf32>
      %add3A_1203 = arith.addf %mul3A_1200, %add3A_1202 : vector<16xf32>
      %mul3A_1204 = arith.mulf %add3A_1203, %sub3A_1189 : vector<16xf32>
      %add3A_1205 = arith.constant 0.999434947 : f32
      %add3A_1206 = vector.broadcast %add3A_1205 : f32 to vector<16xf32>
      %add3A_1207 = arith.addf %mul3A_1204, %add3A_1206 : vector<16xf32>
      %mul3A_1208 = arith.mulf %add3A_1207, %sub3A_1189 : vector<16xf32>
      %mul3A_1209 = arith.constant 0.693147182 : f32
      %mul3A_1210 = vector.broadcast %mul3A_1209 : f32 to vector<16xf32>
      %mul3A_1211 = arith.mulf %sub3A_1179, %mul3A_1210 : vector<16xf32>
      %add3A_1212 = arith.addf %mul3A_1211, %mul3A_1208 : vector<16xf32>
      %mul3A_1213 = arith.mulf %get3A_1125, %add3A_1168 : vector<16xf32>
      %sub3A_1214 = arith.constant 1.000000e+00 : f32
      %sub3A_1215 = vector.broadcast %sub3A_1214 : f32 to vector<16xf32>
      %sub3A_1216 = arith.subf %sub3A_1215, %get3A_1125 : vector<16xf32>
      %mul3A_1217 = arith.mulf %sub3A_1216, %add3A_1212 : vector<16xf32>
      %add3A_1218 = arith.addf %mul3A_1213, %mul3A_1217 : vector<16xf32>
      %neg3A_1219 = arith.constant 0.000000e+00 : f32
      %neg3A_1220 = vector.broadcast %neg3A_1219 : f32 to vector<16xf32>
      %neg3A_1221 = arith.subf %neg3A_1220, %add3A_1218 : vector<16xf32>
      %add3A_1222 = arith.addf %add3A_1019, %neg3A_1221 : vector<16xf32>
      %ge3A_1223 = arith.constant 1.000000e-01 : f32
      %ge3A_1224 = vector.broadcast %ge3A_1223 : f32 to vector<16xf32>
      %ge3A_1225 = arith.cmpf oge, %abs3A_1127, %ge3A_1224 : vector<16xf32>
      %jit3A_1226 = arith.constant 1.000000e+00 : f32
      %jit3A_1227 = arith.constant 0.000000e+00 : f32
      %broadcast_in_dim3A_1228 = vector.broadcast %jit3A_1226 : f32 to vector<16xf32>
      %broadcast_in_dim3A_1229 = vector.broadcast %jit3A_1227 : f32 to vector<16xf32>
      %select_n3A_1230 = arith.select %ge3A_1225, %broadcast_in_dim3A_1228, %broadcast_in_dim3A_1229 : vector<16xi1>, vector<16xf32>
      %mul3A_1231 = arith.mulf %select_n3A_1230, %neg3A_1221 : vector<16xf32>
      %add3A_1232 = arith.addf %add3A_1026, %mul3A_1231 : vector<16xf32>
      %add3A_1233 = arith.addf %add3A_1027, %select_n3A_1230 : vector<16xf32>
      %ge3A_1234 = arith.constant 2.000000e-01 : f32
      %ge3A_1235 = vector.broadcast %ge3A_1234 : f32 to vector<16xf32>
      %ge3A_1236 = arith.cmpf oge, %abs3A_1127, %ge3A_1235 : vector<16xf32>
      %jit3A_1237 = arith.constant 1.000000e+00 : f32
      %jit3A_1238 = arith.constant 0.000000e+00 : f32
      %broadcast_in_dim3A_1239 = vector.broadcast %jit3A_1237 : f32 to vector<16xf32>
      %broadcast_in_dim3A_1240 = vector.broadcast %jit3A_1238 : f32 to vector<16xf32>
      %select_n3A_1241 = arith.select %ge3A_1236, %broadcast_in_dim3A_1239, %broadcast_in_dim3A_1240 : vector<16xi1>, vector<16xf32>
      %mul3A_1242 = arith.mulf %select_n3A_1241, %neg3A_1221 : vector<16xf32>
      %add3A_1243 = arith.addf %add3A_1037, %mul3A_1242 : vector<16xf32>
      %add3A_1244 = arith.addf %add3A_1038, %select_n3A_1241 : vector<16xf32>
      %ge3A_1245 = arith.constant 3.000000e-01 : f32
      %ge3A_1246 = vector.broadcast %ge3A_1245 : f32 to vector<16xf32>
      %ge3A_1247 = arith.cmpf oge, %abs3A_1127, %ge3A_1246 : vector<16xf32>
      %jit3A_1248 = arith.constant 1.000000e+00 : f32
      %jit3A_1249 = arith.constant 0.000000e+00 : f32
      %broadcast_in_dim3A_1250 = vector.broadcast %jit3A_1248 : f32 to vector<16xf32>
      %broadcast_in_dim3A_1251 = vector.broadcast %jit3A_1249 : f32 to vector<16xf32>
      %select_n3A_1252 = arith.select %ge3A_1247, %broadcast_in_dim3A_1250, %broadcast_in_dim3A_1251 : vector<16xi1>, vector<16xf32>
      %mul3A_1253 = arith.mulf %select_n3A_1252, %neg3A_1221 : vector<16xf32>
      %add3A_1254 = arith.addf %add3A_1048, %mul3A_1253 : vector<16xf32>
      %add3A_1255 = arith.addf %add3A_1049, %select_n3A_1252 : vector<16xf32>
      %ge3A_1256 = arith.constant 4.000000e-01 : f32
      %ge3A_1257 = vector.broadcast %ge3A_1256 : f32 to vector<16xf32>
      %ge3A_1258 = arith.cmpf oge, %abs3A_1127, %ge3A_1257 : vector<16xf32>
      %jit3A_1259 = arith.constant 1.000000e+00 : f32
      %jit3A_1260 = arith.constant 0.000000e+00 : f32
      %broadcast_in_dim3A_1261 = vector.broadcast %jit3A_1259 : f32 to vector<16xf32>
      %broadcast_in_dim3A_1262 = vector.broadcast %jit3A_1260 : f32 to vector<16xf32>
      %select_n3A_1263 = arith.select %ge3A_1258, %broadcast_in_dim3A_1261, %broadcast_in_dim3A_1262 : vector<16xi1>, vector<16xf32>
      %mul3A_1264 = arith.mulf %select_n3A_1263, %neg3A_1221 : vector<16xf32>
      %add3A_1265 = arith.addf %add3A_1059, %mul3A_1264 : vector<16xf32>
      %add3A_1266 = arith.addf %add3A_1060, %select_n3A_1263 : vector<16xf32>
      %ge3A_1267 = arith.constant 5.000000e-01 : f32
      %ge3A_1268 = vector.broadcast %ge3A_1267 : f32 to vector<16xf32>
      %ge3A_1269 = arith.cmpf oge, %abs3A_1127, %ge3A_1268 : vector<16xf32>
      %jit3A_1270 = arith.constant 1.000000e+00 : f32
      %jit3A_1271 = arith.constant 0.000000e+00 : f32
      %broadcast_in_dim3A_1272 = vector.broadcast %jit3A_1270 : f32 to vector<16xf32>
      %broadcast_in_dim3A_1273 = vector.broadcast %jit3A_1271 : f32 to vector<16xf32>
      %select_n3A_1274 = arith.select %ge3A_1269, %broadcast_in_dim3A_1272, %broadcast_in_dim3A_1273 : vector<16xi1>, vector<16xf32>
      %mul3A_1275 = arith.mulf %select_n3A_1274, %neg3A_1221 : vector<16xf32>
      %add3A_1276 = arith.addf %add3A_1070, %mul3A_1275 : vector<16xf32>
      %add3A_1277 = arith.addf %add3A_1071, %select_n3A_1274 : vector<16xf32>
      %ge3A_1278 = arith.constant 6.000000e-01 : f32
      %ge3A_1279 = vector.broadcast %ge3A_1278 : f32 to vector<16xf32>
      %ge3A_1280 = arith.cmpf oge, %abs3A_1127, %ge3A_1279 : vector<16xf32>
      %jit3A_1281 = arith.constant 1.000000e+00 : f32
      %jit3A_1282 = arith.constant 0.000000e+00 : f32
      %broadcast_in_dim3A_1283 = vector.broadcast %jit3A_1281 : f32 to vector<16xf32>
      %broadcast_in_dim3A_1284 = vector.broadcast %jit3A_1282 : f32 to vector<16xf32>
      %select_n3A_1285 = arith.select %ge3A_1280, %broadcast_in_dim3A_1283, %broadcast_in_dim3A_1284 : vector<16xi1>, vector<16xf32>
      %mul3A_1286 = arith.mulf %select_n3A_1285, %neg3A_1221 : vector<16xf32>
      %add3A_1287 = arith.addf %add3A_1081, %mul3A_1286 : vector<16xf32>
      %add3A_1288 = arith.addf %add3A_1082, %select_n3A_1285 : vector<16xf32>
      %ge3A_1289 = arith.constant 0.699999988 : f32
      %ge3A_1290 = vector.broadcast %ge3A_1289 : f32 to vector<16xf32>
      %ge3A_1291 = arith.cmpf oge, %abs3A_1127, %ge3A_1290 : vector<16xf32>
      %jit3A_1292 = arith.constant 1.000000e+00 : f32
      %jit3A_1293 = arith.constant 0.000000e+00 : f32
      %broadcast_in_dim3A_1294 = vector.broadcast %jit3A_1292 : f32 to vector<16xf32>
      %broadcast_in_dim3A_1295 = vector.broadcast %jit3A_1293 : f32 to vector<16xf32>
      %select_n3A_1296 = arith.select %ge3A_1291, %broadcast_in_dim3A_1294, %broadcast_in_dim3A_1295 : vector<16xi1>, vector<16xf32>
      %mul3A_1297 = arith.mulf %select_n3A_1296, %neg3A_1221 : vector<16xf32>
      %add3A_1298 = arith.addf %add3A_1092, %mul3A_1297 : vector<16xf32>
      %add3A_1299 = arith.addf %add3A_1093, %select_n3A_1296 : vector<16xf32>
      %ge3A_1300 = arith.constant 8.000000e-01 : f32
      %ge3A_1301 = vector.broadcast %ge3A_1300 : f32 to vector<16xf32>
      %ge3A_1302 = arith.cmpf oge, %abs3A_1127, %ge3A_1301 : vector<16xf32>
      %jit3A_1303 = arith.constant 1.000000e+00 : f32
      %jit3A_1304 = arith.constant 0.000000e+00 : f32
      %broadcast_in_dim3A_1305 = vector.broadcast %jit3A_1303 : f32 to vector<16xf32>
      %broadcast_in_dim3A_1306 = vector.broadcast %jit3A_1304 : f32 to vector<16xf32>
      %select_n3A_1307 = arith.select %ge3A_1302, %broadcast_in_dim3A_1305, %broadcast_in_dim3A_1306 : vector<16xi1>, vector<16xf32>
      %mul3A_1308 = arith.mulf %select_n3A_1307, %neg3A_1221 : vector<16xf32>
      %add3A_1309 = arith.addf %add3A_1103, %mul3A_1308 : vector<16xf32>
      %add3A_1310 = arith.addf %add3A_1104, %select_n3A_1307 : vector<16xf32>
      %ge3A_1311 = arith.constant 0.899999976 : f32
      %ge3A_1312 = vector.broadcast %ge3A_1311 : f32 to vector<16xf32>
      %ge3A_1313 = arith.cmpf oge, %abs3A_1127, %ge3A_1312 : vector<16xf32>
      %jit3A_1314 = arith.constant 1.000000e+00 : f32
      %jit3A_1315 = arith.constant 0.000000e+00 : f32
      %broadcast_in_dim3A_1316 = vector.broadcast %jit3A_1314 : f32 to vector<16xf32>
      %broadcast_in_dim3A_1317 = vector.broadcast %jit3A_1315 : f32 to vector<16xf32>
      %select_n3A_1318 = arith.select %ge3A_1313, %broadcast_in_dim3A_1316, %broadcast_in_dim3A_1317 : vector<16xi1>, vector<16xf32>
      %mul3A_1319 = arith.mulf %select_n3A_1318, %neg3A_1221 : vector<16xf32>
      %add3A_1320 = arith.addf %add3A_1114, %mul3A_1319 : vector<16xf32>
      %add3A_1321 = arith.addf %add3A_1115, %select_n3A_1318 : vector<16xf32>
      scf.yield %add3A_1222, %add3A_1232, %add3A_1243, %add3A_1254, %add3A_1265, %add3A_1276, %add3A_1287, %add3A_1298, %add3A_1309, %add3A_1320, %add3A_1233, %add3A_1244, %add3A_1255, %add3A_1266, %add3A_1277, %add3A_1288, %add3A_1299, %add3A_1310, %add3A_1321 : vector<16xf32>, vector<16xf32>, vector<16xf32>, vector<16xf32>, vector<16xf32>, vector<16xf32>, vector<16xf32>, vector<16xf32>, vector<16xf32>, vector<16xf32>, vector<16xf32>, vector<16xf32>, vector<16xf32>, vector<16xf32>, vector<16xf32>, vector<16xf32>, vector<16xf32>, vector<16xf32>, vector<16xf32>
    }
    %scan3A_175 = arith.constant 2000 : i32
    %swap3A_176 = arith.constant 0 : index
    %swap3A_177 = tpu.vector_load %arg9[%swap3A_176] {strides = array<i32>} : memref<304xf32, #tpu.memory_space<vmem>>, vector<16xf32>,
    %swap3A_178 = vector.shape_cast %swap3A_177 : vector<16xf32> to vector<16xf32>
    %swap3A_179 = vector.shape_cast %scan3A_174#0 : vector<16xf32> to vector<16xf32>
    tpu.vector_store %arg9[%swap3A_176], %swap3A_179 {add = true, strides = array<i32>} : memref<304xf32, #tpu.memory_space<vmem>>, vector<16xf32>,
    %swap3A_180 = arith.constant 16 : index
    %swap3A_181 = tpu.vector_load %arg9[%swap3A_180] {strides = array<i32>} : memref<304xf32, #tpu.memory_space<vmem>>, vector<16xf32>,
    %swap3A_182 = vector.shape_cast %swap3A_181 : vector<16xf32> to vector<16xf32>
    %swap3A_183 = vector.shape_cast %scan3A_174#1 : vector<16xf32> to vector<16xf32>
    tpu.vector_store %arg9[%swap3A_180], %swap3A_183 {add = true, strides = array<i32>} : memref<304xf32, #tpu.memory_space<vmem>>, vector<16xf32>,
    %swap3A_184 = arith.constant 32 : index
    %swap3A_185 = tpu.vector_load %arg9[%swap3A_184] {strides = array<i32>} : memref<304xf32, #tpu.memory_space<vmem>>, vector<16xf32>,
    %swap3A_186 = vector.shape_cast %swap3A_185 : vector<16xf32> to vector<16xf32>
    %swap3A_187 = vector.shape_cast %scan3A_174#2 : vector<16xf32> to vector<16xf32>
    tpu.vector_store %arg9[%swap3A_184], %swap3A_187 {add = true, strides = array<i32>} : memref<304xf32, #tpu.memory_space<vmem>>, vector<16xf32>,
    %swap3A_188 = arith.constant 48 : index
    %swap3A_189 = tpu.vector_load %arg9[%swap3A_188] {strides = array<i32>} : memref<304xf32, #tpu.memory_space<vmem>>, vector<16xf32>,
    %swap3A_190 = vector.shape_cast %swap3A_189 : vector<16xf32> to vector<16xf32>
    %swap3A_191 = vector.shape_cast %scan3A_174#3 : vector<16xf32> to vector<16xf32>
    tpu.vector_store %arg9[%swap3A_188], %swap3A_191 {add = true, strides = array<i32>} : memref<304xf32, #tpu.memory_space<vmem>>, vector<16xf32>,
    %swap3A_192 = arith.constant 64 : index
    %swap3A_193 = tpu.vector_load %arg9[%swap3A_192] {strides = array<i32>} : memref<304xf32, #tpu.memory_space<vmem>>, vector<16xf32>,
    %swap3A_194 = vector.shape_cast %swap3A_193 : vector<16xf32> to vector<16xf32>
    %swap3A_195 = vector.shape_cast %scan3A_174#4 : vector<16xf32> to vector<16xf32>
    tpu.vector_store %arg9[%swap3A_192], %swap3A_195 {add = true, strides = array<i32>} : memref<304xf32, #tpu.memory_space<vmem>>, vector<16xf32>,
    %swap3A_196 = arith.constant 80 : index
    %swap3A_197 = tpu.vector_load %arg9[%swap3A_196] {strides = array<i32>} : memref<304xf32, #tpu.memory_space<vmem>>, vector<16xf32>,
    %swap3A_198 = vector.shape_cast %swap3A_197 : vector<16xf32> to vector<16xf32>
    %swap3A_199 = vector.shape_cast %scan3A_174#5 : vector<16xf32> to vector<16xf32>
    tpu.vector_store %arg9[%swap3A_196], %swap3A_199 {add = true, strides = array<i32>} : memref<304xf32, #tpu.memory_space<vmem>>, vector<16xf32>,
    %swap3A_200 = arith.constant 96 : index
    %swap3A_201 = tpu.vector_load %arg9[%swap3A_200] {strides = array<i32>} : memref<304xf32, #tpu.memory_space<vmem>>, vector<16xf32>,
    %swap3A_202 = vector.shape_cast %swap3A_201 : vector<16xf32> to vector<16xf32>
    %swap3A_203 = vector.shape_cast %scan3A_174#6 : vector<16xf32> to vector<16xf32>
    tpu.vector_store %arg9[%swap3A_200], %swap3A_203 {add = true, strides = array<i32>} : memref<304xf32, #tpu.memory_space<vmem>>, vector<16xf32>,
    %swap3A_204 = arith.constant 112 : index
    %swap3A_205 = tpu.vector_load %arg9[%swap3A_204] {strides = array<i32>} : memref<304xf32, #tpu.memory_space<vmem>>, vector<16xf32>,
    %swap3A_206 = vector.shape_cast %swap3A_205 : vector<16xf32> to vector<16xf32>
    %swap3A_207 = vector.shape_cast %scan3A_174#7 : vector<16xf32> to vector<16xf32>
    tpu.vector_store %arg9[%swap3A_204], %swap3A_207 {add = true, strides = array<i32>} : memref<304xf32, #tpu.memory_space<vmem>>, vector<16xf32>,
    %swap3A_208 = arith.constant 128 : index
    %swap3A_209 = tpu.vector_load %arg9[%swap3A_208] {strides = array<i32>} : memref<304xf32, #tpu.memory_space<vmem>>, vector<16xf32>,
    %swap3A_210 = vector.shape_cast %swap3A_209 : vector<16xf32> to vector<16xf32>
    %swap3A_211 = vector.shape_cast %scan3A_174#8 : vector<16xf32> to vector<16xf32>
    tpu.vector_store %arg9[%swap3A_208], %swap3A_211 {add = true, strides = array<i32>} : memref<304xf32, #tpu.memory_space<vmem>>, vector<16xf32>,
    %swap3A_212 = arith.constant 144 : index
    %swap3A_213 = tpu.vector_load %arg9[%swap3A_212] {strides = array<i32>} : memref<304xf32, #tpu.memory_space<vmem>>, vector<16xf32>,
    %swap3A_214 = vector.shape_cast %swap3A_213 : vector<16xf32> to vector<16xf32>
    %swap3A_215 = vector.shape_cast %scan3A_174#9 : vector<16xf32> to vector<16xf32>
    tpu.vector_store %arg9[%swap3A_212], %swap3A_215 {add = true, strides = array<i32>} : memref<304xf32, #tpu.memory_space<vmem>>, vector<16xf32>,
    %swap3A_216 = arith.constant 160 : index
    %swap3A_217 = tpu.vector_load %arg9[%swap3A_216] {strides = array<i32>} : memref<304xf32, #tpu.memory_space<vmem>>, vector<16xf32>,
    %swap3A_218 = vector.shape_cast %swap3A_217 : vector<16xf32> to vector<16xf32>
    %swap3A_219 = vector.shape_cast %scan3A_174#10 : vector<16xf32> to vector<16xf32>
    tpu.vector_store %arg9[%swap3A_216], %swap3A_219 {add = true, strides = array<i32>} : memref<304xf32, #tpu.memory_space<vmem>>, vector<16xf32>,
    %swap3A_220 = arith.constant 176 : index
    %swap3A_221 = tpu.vector_load %arg9[%swap3A_220] {strides = array<i32>} : memref<304xf32, #tpu.memory_space<vmem>>, vector<16xf32>,
    %swap3A_222 = vector.shape_cast %swap3A_221 : vector<16xf32> to vector<16xf32>
    %swap3A_223 = vector.shape_cast %scan3A_174#11 : vector<16xf32> to vector<16xf32>
    tpu.vector_store %arg9[%swap3A_220], %swap3A_223 {add = true, strides = array<i32>} : memref<304xf32, #tpu.memory_space<vmem>>, vector<16xf32>,
    %swap3A_224 = arith.constant 192 : index
    %swap3A_225 = tpu.vector_load %arg9[%swap3A_224] {strides = array<i32>} : memref<304xf32, #tpu.memory_space<vmem>>, vector<16xf32>,
    %swap3A_226 = vector.shape_cast %swap3A_225 : vector<16xf32> to vector<16xf32>
    %swap3A_227 = vector.shape_cast %scan3A_174#12 : vector<16xf32> to vector<16xf32>
    tpu.vector_store %arg9[%swap3A_224], %swap3A_227 {add = true, strides = array<i32>} : memref<304xf32, #tpu.memory_space<vmem>>, vector<16xf32>,
    %swap3A_228 = arith.constant 208 : index
    %swap3A_229 = tpu.vector_load %arg9[%swap3A_228] {strides = array<i32>} : memref<304xf32, #tpu.memory_space<vmem>>, vector<16xf32>,
    %swap3A_230 = vector.shape_cast %swap3A_229 : vector<16xf32> to vector<16xf32>
    %swap3A_231 = vector.shape_cast %scan3A_174#13 : vector<16xf32> to vector<16xf32>
    tpu.vector_store %arg9[%swap3A_228], %swap3A_231 {add = true, strides = array<i32>} : memref<304xf32, #tpu.memory_space<vmem>>, vector<16xf32>,
    %swap3A_232 = arith.constant 224 : index
    %swap3A_233 = tpu.vector_load %arg9[%swap3A_232] {strides = array<i32>} : memref<304xf32, #tpu.memory_space<vmem>>, vector<16xf32>,
    %swap3A_234 = vector.shape_cast %swap3A_233 : vector<16xf32> to vector<16xf32>
    %swap3A_235 = vector.shape_cast %scan3A_174#14 : vector<16xf32> to vector<16xf32>
    tpu.vector_store %arg9[%swap3A_232], %swap3A_235 {add = true, strides = array<i32>} : memref<304xf32, #tpu.memory_space<vmem>>, vector<16xf32>,
    %swap3A_236 = arith.constant 240 : index
    %swap3A_237 = tpu.vector_load %arg9[%swap3A_236] {strides = array<i32>} : memref<304xf32, #tpu.memory_space<vmem>>, vector<16xf32>,
    %swap3A_238 = vector.shape_cast %swap3A_237 : vector<16xf32> to vector<16xf32>
    %swap3A_239 = vector.shape_cast %scan3A_174#15 : vector<16xf32> to vector<16xf32>
    tpu.vector_store %arg9[%swap3A_236], %swap3A_239 {add = true, strides = array<i32>} : memref<304xf32, #tpu.memory_space<vmem>>, vector<16xf32>,
    %swap3A_240 = arith.constant 256 : index
    %swap3A_241 = tpu.vector_load %arg9[%swap3A_240] {strides = array<i32>} : memref<304xf32, #tpu.memory_space<vmem>>, vector<16xf32>,
    %swap3A_242 = vector.shape_cast %swap3A_241 : vector<16xf32> to vector<16xf32>
    %swap3A_243 = vector.shape_cast %scan3A_174#16 : vector<16xf32> to vector<16xf32>
    tpu.vector_store %arg9[%swap3A_240], %swap3A_243 {add = true, strides = array<i32>} : memref<304xf32, #tpu.memory_space<vmem>>, vector<16xf32>,
    %swap3A_244 = arith.constant 272 : index
    %swap3A_245 = tpu.vector_load %arg9[%swap3A_244] {strides = array<i32>} : memref<304xf32, #tpu.memory_space<vmem>>, vector<16xf32>,
    %swap3A_246 = vector.shape_cast %swap3A_245 : vector<16xf32> to vector<16xf32>
    %swap3A_247 = vector.shape_cast %scan3A_174#17 : vector<16xf32> to vector<16xf32>
    tpu.vector_store %arg9[%swap3A_244], %swap3A_247 {add = true, strides = array<i32>} : memref<304xf32, #tpu.memory_space<vmem>>, vector<16xf32>,
    %swap3A_248 = arith.constant 288 : index
    %swap3A_249 = tpu.vector_load %arg9[%swap3A_248] {strides = array<i32>} : memref<304xf32, #tpu.memory_space<vmem>>, vector<16xf32>,
    %swap3A_250 = vector.shape_cast %swap3A_249 : vector<16xf32> to vector<16xf32>
    %swap3A_251 = vector.shape_cast %scan3A_174#18 : vector<16xf32> to vector<16xf32>
    tpu.vector_store %arg9[%swap3A_248], %swap3A_251 {add = true, strides = array<i32>} : memref<304xf32, #tpu.memory_space<vmem>>, vector<16xf32>,
    %dma_wait3A_252 = tpu.memref_slice %arg2[%add3A_126] : memref<16384000xf32, #tpu.memory_space<hbm>> -> memref<32000xf32, #tpu.memory_space<hbm>>
    %dma_wait3A_253 = tpu.memref_slice %arg2[%add3A_126] : memref<16384000xf32, #tpu.memory_space<hbm>> -> memref<32000xf32, #tpu.memory_space<hbm>>
    tpu.wait_dma2 semaphore(%arg12 : memref<!tpu.dma_semaphore, #tpu.memory_space<semaphore_mem>>) src(%dma_wait3A_253 : memref<32000xf32, #tpu.memory_space<hbm>>) dst(%arg7 : memref<32000xf32, #tpu.memory_space<vmem>>)
    %dma_wait3A_254 = tpu.memref_slice %arg3[%add3A_128] : memref<16384000xf32, #tpu.memory_space<hbm>> -> memref<32000xf32, #tpu.memory_space<hbm>>
    %dma_wait3A_255 = tpu.memref_slice %arg3[%add3A_128] : memref<16384000xf32, #tpu.memory_space<hbm>> -> memref<32000xf32, #tpu.memory_space<hbm>>
    tpu.wait_dma2 semaphore(%arg13 : memref<!tpu.dma_semaphore, #tpu.memory_space<semaphore_mem>>) src(%dma_wait3A_255 : memref<32000xf32, #tpu.memory_space<hbm>>) dst(%arg8 : memref<32000xf32, #tpu.memory_space<vmem>>)
    %add3A_256 = arith.constant 64000 : i32
    %add3A_257 = arith.addi %mul3A_2, %add3A_256 : i32
    %add3A_258 = arith.constant 64000 : i32
    %add3A_259 = arith.addi %mul3A_2, %add3A_258 : i32
    %dma_start3A_260 = tpu.memref_slice %arg2[%add3A_257] : memref<16384000xf32, #tpu.memory_space<hbm>> -> memref<32000xf32, #tpu.memory_space<hbm>>
    %dma_start3A_261 = tpu.memref_slice %arg2[%add3A_257] : memref<16384000xf32, #tpu.memory_space<hbm>> -> memref<32000xf32, #tpu.memory_space<hbm>>
    tpu.enqueue_dma source(%dma_start3A_261 : memref<32000xf32, #tpu.memory_space<hbm>>) target(%arg5 : memref<32000xf32, #tpu.memory_space<vmem>>) target_semaphore(%arg10 : memref<!tpu.dma_semaphore, #tpu.memory_space<semaphore_mem>>)
    %dma_start3A_262 = tpu.memref_slice %arg3[%add3A_259] : memref<16384000xf32, #tpu.memory_space<hbm>> -> memref<32000xf32, #tpu.memory_space<hbm>>
    %dma_start3A_263 = tpu.memref_slice %arg3[%add3A_259] : memref<16384000xf32, #tpu.memory_space<hbm>> -> memref<32000xf32, #tpu.memory_space<hbm>>
    tpu.enqueue_dma source(%dma_start3A_263 : memref<32000xf32, #tpu.memory_space<hbm>>) target(%arg6 : memref<32000xf32, #tpu.memory_space<vmem>>) target_semaphore(%arg11 : memref<!tpu.dma_semaphore, #tpu.memory_space<semaphore_mem>>)
    %broadcast_in_dim3A_264 = arith.constant 0.000000e+00 : f32
    %broadcast_in_dim3A_265 = vector.broadcast %broadcast_in_dim3A_264 : f32 to vector<16xf32>
    %broadcast_in_dim3A_266 = arith.constant 0.000000e+00 : f32
    %broadcast_in_dim3A_267 = vector.broadcast %broadcast_in_dim3A_266 : f32 to vector<16xf32>
    %broadcast_in_dim3A_268 = arith.constant 0.000000e+00 : f32
    %broadcast_in_dim3A_269 = vector.broadcast %broadcast_in_dim3A_268 : f32 to vector<16xf32>
    %broadcast_in_dim3A_270 = arith.constant 0.000000e+00 : f32
    %broadcast_in_dim3A_271 = vector.broadcast %broadcast_in_dim3A_270 : f32 to vector<16xf32>
    %broadcast_in_dim3A_272 = arith.constant 0.000000e+00 : f32
    %broadcast_in_dim3A_273 = vector.broadcast %broadcast_in_dim3A_272 : f32 to vector<16xf32>
    %broadcast_in_dim3A_274 = arith.constant 0.000000e+00 : f32
    %broadcast_in_dim3A_275 = vector.broadcast %broadcast_in_dim3A_274 : f32 to vector<16xf32>
    %broadcast_in_dim3A_276 = arith.constant 0.000000e+00 : f32
    %broadcast_in_dim3A_277 = vector.broadcast %broadcast_in_dim3A_276 : f32 to vector<16xf32>
    %broadcast_in_dim3A_278 = arith.constant 0.000000e+00 : f32
    %broadcast_in_dim3A_279 = vector.broadcast %broadcast_in_dim3A_278 : f32 to vector<16xf32>
    %broadcast_in_dim3A_280 = arith.constant 0.000000e+00 : f32
    %broadcast_in_dim3A_281 = vector.broadcast %broadcast_in_dim3A_280 : f32 to vector<16xf32>
    %broadcast_in_dim3A_282 = arith.constant 0.000000e+00 : f32
    %broadcast_in_dim3A_283 = vector.broadcast %broadcast_in_dim3A_282 : f32 to vector<16xf32>
    %broadcast_in_dim3A_284 = arith.constant 0.000000e+00 : f32
    %broadcast_in_dim3A_285 = vector.broadcast %broadcast_in_dim3A_284 : f32 to vector<16xf32>
    %broadcast_in_dim3A_286 = arith.constant 0.000000e+00 : f32
    %broadcast_in_dim3A_287 = vector.broadcast %broadcast_in_dim3A_286 : f32 to vector<16xf32>
    %broadcast_in_dim3A_288 = arith.constant 0.000000e+00 : f32
    %broadcast_in_dim3A_289 = vector.broadcast %broadcast_in_dim3A_288 : f32 to vector<16xf32>
    %broadcast_in_dim3A_290 = arith.constant 0.000000e+00 : f32
    %broadcast_in_dim3A_291 = vector.broadcast %broadcast_in_dim3A_290 : f32 to vector<16xf32>
    %broadcast_in_dim3A_292 = arith.constant 0.000000e+00 : f32
    %broadcast_in_dim3A_293 = vector.broadcast %broadcast_in_dim3A_292 : f32 to vector<16xf32>
    %broadcast_in_dim3A_294 = arith.constant 0.000000e+00 : f32
    %broadcast_in_dim3A_295 = vector.broadcast %broadcast_in_dim3A_294 : f32 to vector<16xf32>
    %broadcast_in_dim3A_296 = arith.constant 0.000000e+00 : f32
    %broadcast_in_dim3A_297 = vector.broadcast %broadcast_in_dim3A_296 : f32 to vector<16xf32>
    %broadcast_in_dim3A_298 = arith.constant 0.000000e+00 : f32
    %broadcast_in_dim3A_299 = vector.broadcast %broadcast_in_dim3A_298 : f32 to vector<16xf32>
    %broadcast_in_dim3A_300 = arith.constant 0.000000e+00 : f32
    %broadcast_in_dim3A_301 = vector.broadcast %broadcast_in_dim3A_300 : f32 to vector<16xf32>
    %scan3A_302 = arith.constant 0 : i32
    %scan3A_303 = arith.constant 2000 : i32
    %scan3A_304 = arith.addi %scan3A_302, %scan3A_303 : i32
    %scan3A_305 = arith.constant 2 : i32
    %scan3A_306:19 = scf.for %scan3A_904 = %scan3A_302 to %scan3A_304 step %scan3A_305 iter_args(%scan3A_905 = %broadcast_in_dim3A_265, %scan3A_906 = %broadcast_in_dim3A_267, %scan3A_907 = %broadcast_in_dim3A_269, %scan3A_908 = %broadcast_in_dim3A_271, %scan3A_909 = %broadcast_in_dim3A_273, %scan3A_910 = %broadcast_in_dim3A_275, %scan3A_911 = %broadcast_in_dim3A_277, %scan3A_912 = %broadcast_in_dim3A_279, %scan3A_913 = %broadcast_in_dim3A_281, %scan3A_914 = %broadcast_in_dim3A_283, %scan3A_915 = %broadcast_in_dim3A_285, %scan3A_916 = %broadcast_in_dim3A_287, %scan3A_917 = %broadcast_in_dim3A_289, %scan3A_918 = %broadcast_in_dim3A_291, %scan3A_919 = %broadcast_in_dim3A_293, %scan3A_920 = %broadcast_in_dim3A_295, %scan3A_921 = %broadcast_in_dim3A_297, %scan3A_922 = %broadcast_in_dim3A_299, %scan3A_923 = %broadcast_in_dim3A_301) -> (vector<16xf32>, vector<16xf32>, vector<16xf32>, vector<16xf32>, vector<16xf32>, vector<16xf32>, vector<16xf32>, vector<16xf32>, vector<16xf32>, vector<16xf32>, vector<16xf32>, vector<16xf32>, vector<16xf32>, vector<16xf32>, vector<16xf32>, vector<16xf32>, vector<16xf32>, vector<16xf32>, vector<16xf32>)  : i32 {
      %mul3A_924 = arith.constant 16 : i32
      %mul3A_925 = arith.muli %scan3A_904, %mul3A_924 : i32
      %get3A = arith.index_cast %mul3A_925 : i32 to index
      %get3A_926 = tpu.vector_load %arg7[%get3A] {strides = array<i32>} : memref<32000xf32, #tpu.memory_space<vmem>>, vector<16xf32>,
      %get3A_927 = vector.shape_cast %get3A_926 : vector<16xf32> to vector<16xf32>
      %get3A_928 = arith.index_cast %mul3A_925 : i32 to index
      %get3A_929 = tpu.vector_load %arg8[%get3A_928] {strides = array<i32>} : memref<32000xf32, #tpu.memory_space<vmem>>, vector<16xf32>,
      %get3A_930 = vector.shape_cast %get3A_929 : vector<16xf32> to vector<16xf32>
      %sub3A = arith.subf %get3A_927, %get3A_930 : vector<16xf32>
      %abs3A = math.absf %sub3A : vector<16xf32>
      %bitcast_convert_type3A = tpu.bitcast %get3A_927 : vector<16xf32> -> vector<16xi32>
      %shift_right_logical3A = arith.constant 23 : i32
      %shift_right_logical3A_931 = vector.broadcast %shift_right_logical3A : i32 to vector<16xi32>
      %shift_right_logical3A_932 = arith.shrui %bitcast_convert_type3A, %shift_right_logical3A_931 : vector<16xi32>
      %convert_element_type3A = arith.sitofp %shift_right_logical3A_932 : vector<16xi32> to vector<16xf32>
      %sub3A_933 = arith.constant 1.270000e+02 : f32
      %sub3A_934 = vector.broadcast %sub3A_933 : f32 to vector<16xf32>
      %sub3A_935 = arith.subf %convert_element_type3A, %sub3A_934 : vector<16xf32>
      %and3A = arith.constant 8388607 : i32
      %and3A_936 = vector.broadcast %and3A : i32 to vector<16xi32>
      %and3A_937 = arith.andi %bitcast_convert_type3A, %and3A_936 : vector<16xi32>
      %or3A = arith.constant 1065353216 : i32
      %or3A_938 = vector.broadcast %or3A : i32 to vector<16xi32>
      %or3A_939 = arith.ori %and3A_937, %or3A_938 : vector<16xi32>
      %bitcast_convert_type3A_940 = tpu.bitcast %or3A_939 : vector<16xi32> -> vector<16xf32>
      %sub3A_941 = arith.constant 1.000000e+00 : f32
      %sub3A_942 = vector.broadcast %sub3A_941 : f32 to vector<16xf32>
      %sub3A_943 = arith.subf %bitcast_convert_type3A_940, %sub3A_942 : vector<16xf32>
      %mul3A_944 = arith.constant 0.0313766226 : f32
      %mul3A_945 = vector.broadcast %mul3A_944 : f32 to vector<16xf32>
      %mul3A_946 = arith.mulf %mul3A_945, %sub3A_943 : vector<16xf32>
      %add3A_947 = arith.constant -0.134133309 : f32
      %add3A_948 = vector.broadcast %add3A_947 : f32 to vector<16xf32>
      %add3A_949 = arith.addf %mul3A_946, %add3A_948 : vector<16xf32>
      %mul3A_950 = arith.mulf %add3A_949, %sub3A_943 : vector<16xf32>
      %add3A_951 = arith.constant 0.28782469 : f32
      %add3A_952 = vector.broadcast %add3A_951 : f32 to vector<16xf32>
      %add3A_953 = arith.addf %mul3A_950, %add3A_952 : vector<16xf32>
      %mul3A_954 = arith.mulf %add3A_953, %sub3A_943 : vector<16xf32>
      %add3A_955 = arith.constant -0.491347462 : f32
      %add3A_956 = vector.broadcast %add3A_955 : f32 to vector<16xf32>
      %add3A_957 = arith.addf %mul3A_954, %add3A_956 : vector<16xf32>
      %mul3A_958 = arith.mulf %add3A_957, %sub3A_943 : vector<16xf32>
      %add3A_959 = arith.constant 0.999434947 : f32
      %add3A_960 = vector.broadcast %add3A_959 : f32 to vector<16xf32>
      %add3A_961 = arith.addf %mul3A_958, %add3A_960 : vector<16xf32>
      %mul3A_962 = arith.mulf %add3A_961, %sub3A_943 : vector<16xf32>
      %mul3A_963 = arith.constant 0.693147182 : f32
      %mul3A_964 = vector.broadcast %mul3A_963 : f32 to vector<16xf32>
      %mul3A_965 = arith.mulf %sub3A_935, %mul3A_964 : vector<16xf32>
      %add3A_966 = arith.addf %mul3A_965, %mul3A_962 : vector<16xf32>
      %sub3A_967 = arith.constant 1.000000e+00 : f32
      %sub3A_968 = vector.broadcast %sub3A_967 : f32 to vector<16xf32>
      %sub3A_969 = arith.subf %sub3A_968, %get3A_927 : vector<16xf32>
      %bitcast_convert_type3A_970 = tpu.bitcast %sub3A_969 : vector<16xf32> -> vector<16xi32>
      %shift_right_logical3A_971 = arith.constant 23 : i32
      %shift_right_logical3A_972 = vector.broadcast %shift_right_logical3A_971 : i32 to vector<16xi32>
      %shift_right_logical3A_973 = arith.shrui %bitcast_convert_type3A_970, %shift_right_logical3A_972 : vector<16xi32>
      %convert_element_type3A_974 = arith.sitofp %shift_right_logical3A_973 : vector<16xi32> to vector<16xf32>
      %sub3A_975 = arith.constant 1.270000e+02 : f32
      %sub3A_976 = vector.broadcast %sub3A_975 : f32 to vector<16xf32>
      %sub3A_977 = arith.subf %convert_element_type3A_974, %sub3A_976 : vector<16xf32>
      %and3A_978 = arith.constant 8388607 : i32
      %and3A_979 = vector.broadcast %and3A_978 : i32 to vector<16xi32>
      %and3A_980 = arith.andi %bitcast_convert_type3A_970, %and3A_979 : vector<16xi32>
      %or3A_981 = arith.constant 1065353216 : i32
      %or3A_982 = vector.broadcast %or3A_981 : i32 to vector<16xi32>
      %or3A_983 = arith.ori %and3A_980, %or3A_982 : vector<16xi32>
      %bitcast_convert_type3A_984 = tpu.bitcast %or3A_983 : vector<16xi32> -> vector<16xf32>
      %sub3A_985 = arith.constant 1.000000e+00 : f32
      %sub3A_986 = vector.broadcast %sub3A_985 : f32 to vector<16xf32>
      %sub3A_987 = arith.subf %bitcast_convert_type3A_984, %sub3A_986 : vector<16xf32>
      %mul3A_988 = arith.constant 0.0313766226 : f32
      %mul3A_989 = vector.broadcast %mul3A_988 : f32 to vector<16xf32>
      %mul3A_990 = arith.mulf %mul3A_989, %sub3A_987 : vector<16xf32>
      %add3A_991 = arith.constant -0.134133309 : f32
      %add3A_992 = vector.broadcast %add3A_991 : f32 to vector<16xf32>
      %add3A_993 = arith.addf %mul3A_990, %add3A_992 : vector<16xf32>
      %mul3A_994 = arith.mulf %add3A_993, %sub3A_987 : vector<16xf32>
      %add3A_995 = arith.constant 0.28782469 : f32
      %add3A_996 = vector.broadcast %add3A_995 : f32 to vector<16xf32>
      %add3A_997 = arith.addf %mul3A_994, %add3A_996 : vector<16xf32>
      %mul3A_998 = arith.mulf %add3A_997, %sub3A_987 : vector<16xf32>
      %add3A_999 = arith.constant -0.491347462 : f32
      %add3A_1000 = vector.broadcast %add3A_999 : f32 to vector<16xf32>
      %add3A_1001 = arith.addf %mul3A_998, %add3A_1000 : vector<16xf32>
      %mul3A_1002 = arith.mulf %add3A_1001, %sub3A_987 : vector<16xf32>
      %add3A_1003 = arith.constant 0.999434947 : f32
      %add3A_1004 = vector.broadcast %add3A_1003 : f32 to vector<16xf32>
      %add3A_1005 = arith.addf %mul3A_1002, %add3A_1004 : vector<16xf32>
      %mul3A_1006 = arith.mulf %add3A_1005, %sub3A_987 : vector<16xf32>
      %mul3A_1007 = arith.constant 0.693147182 : f32
      %mul3A_1008 = vector.broadcast %mul3A_1007 : f32 to vector<16xf32>
      %mul3A_1009 = arith.mulf %sub3A_977, %mul3A_1008 : vector<16xf32>
      %add3A_1010 = arith.addf %mul3A_1009, %mul3A_1006 : vector<16xf32>
      %mul3A_1011 = arith.mulf %get3A_930, %add3A_966 : vector<16xf32>
      %sub3A_1012 = arith.constant 1.000000e+00 : f32
      %sub3A_1013 = vector.broadcast %sub3A_1012 : f32 to vector<16xf32>
      %sub3A_1014 = arith.subf %sub3A_1013, %get3A_930 : vector<16xf32>
      %mul3A_1015 = arith.mulf %sub3A_1014, %add3A_1010 : vector<16xf32>
      %add3A_1016 = arith.addf %mul3A_1011, %mul3A_1015 : vector<16xf32>
      %neg3A = arith.constant 0.000000e+00 : f32
      %neg3A_1017 = vector.broadcast %neg3A : f32 to vector<16xf32>
      %neg3A_1018 = arith.subf %neg3A_1017, %add3A_1016 : vector<16xf32>
      %add3A_1019 = arith.addf %scan3A_905, %neg3A_1018 : vector<16xf32>
      %ge3A = arith.constant 1.000000e-01 : f32
      %ge3A_1020 = vector.broadcast %ge3A : f32 to vector<16xf32>
      %ge3A_1021 = arith.cmpf oge, %abs3A, %ge3A_1020 : vector<16xf32>
      %jit3A = arith.constant 1.000000e+00 : f32
      %jit3A_1022 = arith.constant 0.000000e+00 : f32
      %broadcast_in_dim3A_1023 = vector.broadcast %jit3A : f32 to vector<16xf32>
      %broadcast_in_dim3A_1024 = vector.broadcast %jit3A_1022 : f32 to vector<16xf32>
      %select_n3A = arith.select %ge3A_1021, %broadcast_in_dim3A_1023, %broadcast_in_dim3A_1024 : vector<16xi1>, vector<16xf32>
      %mul3A_1025 = arith.mulf %select_n3A, %neg3A_1018 : vector<16xf32>
      %add3A_1026 = arith.addf %scan3A_906, %mul3A_1025 : vector<16xf32>
      %add3A_1027 = arith.addf %scan3A_915, %select_n3A : vector<16xf32>
      %ge3A_1028 = arith.constant 2.000000e-01 : f32
      %ge3A_1029 = vector.broadcast %ge3A_1028 : f32 to vector<16xf32>
      %ge3A_1030 = arith.cmpf oge, %abs3A, %ge3A_1029 : vector<16xf32>
      %jit3A_1031 = arith.constant 1.000000e+00 : f32
      %jit3A_1032 = arith.constant 0.000000e+00 : f32
      %broadcast_in_dim3A_1033 = vector.broadcast %jit3A_1031 : f32 to vector<16xf32>
      %broadcast_in_dim3A_1034 = vector.broadcast %jit3A_1032 : f32 to vector<16xf32>
      %select_n3A_1035 = arith.select %ge3A_1030, %broadcast_in_dim3A_1033, %broadcast_in_dim3A_1034 : vector<16xi1>, vector<16xf32>
      %mul3A_1036 = arith.mulf %select_n3A_1035, %neg3A_1018 : vector<16xf32>
      %add3A_1037 = arith.addf %scan3A_907, %mul3A_1036 : vector<16xf32>
      %add3A_1038 = arith.addf %scan3A_916, %select_n3A_1035 : vector<16xf32>
      %ge3A_1039 = arith.constant 3.000000e-01 : f32
      %ge3A_1040 = vector.broadcast %ge3A_1039 : f32 to vector<16xf32>
      %ge3A_1041 = arith.cmpf oge, %abs3A, %ge3A_1040 : vector<16xf32>
      %jit3A_1042 = arith.constant 1.000000e+00 : f32
      %jit3A_1043 = arith.constant 0.000000e+00 : f32
      %broadcast_in_dim3A_1044 = vector.broadcast %jit3A_1042 : f32 to vector<16xf32>
      %broadcast_in_dim3A_1045 = vector.broadcast %jit3A_1043 : f32 to vector<16xf32>
      %select_n3A_1046 = arith.select %ge3A_1041, %broadcast_in_dim3A_1044, %broadcast_in_dim3A_1045 : vector<16xi1>, vector<16xf32>
      %mul3A_1047 = arith.mulf %select_n3A_1046, %neg3A_1018 : vector<16xf32>
      %add3A_1048 = arith.addf %scan3A_908, %mul3A_1047 : vector<16xf32>
      %add3A_1049 = arith.addf %scan3A_917, %select_n3A_1046 : vector<16xf32>
      %ge3A_1050 = arith.constant 4.000000e-01 : f32
      %ge3A_1051 = vector.broadcast %ge3A_1050 : f32 to vector<16xf32>
      %ge3A_1052 = arith.cmpf oge, %abs3A, %ge3A_1051 : vector<16xf32>
      %jit3A_1053 = arith.constant 1.000000e+00 : f32
      %jit3A_1054 = arith.constant 0.000000e+00 : f32
      %broadcast_in_dim3A_1055 = vector.broadcast %jit3A_1053 : f32 to vector<16xf32>
      %broadcast_in_dim3A_1056 = vector.broadcast %jit3A_1054 : f32 to vector<16xf32>
      %select_n3A_1057 = arith.select %ge3A_1052, %broadcast_in_dim3A_1055, %broadcast_in_dim3A_1056 : vector<16xi1>, vector<16xf32>
      %mul3A_1058 = arith.mulf %select_n3A_1057, %neg3A_1018 : vector<16xf32>
      %add3A_1059 = arith.addf %scan3A_909, %mul3A_1058 : vector<16xf32>
      %add3A_1060 = arith.addf %scan3A_918, %select_n3A_1057 : vector<16xf32>
      %ge3A_1061 = arith.constant 5.000000e-01 : f32
      %ge3A_1062 = vector.broadcast %ge3A_1061 : f32 to vector<16xf32>
      %ge3A_1063 = arith.cmpf oge, %abs3A, %ge3A_1062 : vector<16xf32>
      %jit3A_1064 = arith.constant 1.000000e+00 : f32
      %jit3A_1065 = arith.constant 0.000000e+00 : f32
      %broadcast_in_dim3A_1066 = vector.broadcast %jit3A_1064 : f32 to vector<16xf32>
      %broadcast_in_dim3A_1067 = vector.broadcast %jit3A_1065 : f32 to vector<16xf32>
      %select_n3A_1068 = arith.select %ge3A_1063, %broadcast_in_dim3A_1066, %broadcast_in_dim3A_1067 : vector<16xi1>, vector<16xf32>
      %mul3A_1069 = arith.mulf %select_n3A_1068, %neg3A_1018 : vector<16xf32>
      %add3A_1070 = arith.addf %scan3A_910, %mul3A_1069 : vector<16xf32>
      %add3A_1071 = arith.addf %scan3A_919, %select_n3A_1068 : vector<16xf32>
      %ge3A_1072 = arith.constant 6.000000e-01 : f32
      %ge3A_1073 = vector.broadcast %ge3A_1072 : f32 to vector<16xf32>
      %ge3A_1074 = arith.cmpf oge, %abs3A, %ge3A_1073 : vector<16xf32>
      %jit3A_1075 = arith.constant 1.000000e+00 : f32
      %jit3A_1076 = arith.constant 0.000000e+00 : f32
      %broadcast_in_dim3A_1077 = vector.broadcast %jit3A_1075 : f32 to vector<16xf32>
      %broadcast_in_dim3A_1078 = vector.broadcast %jit3A_1076 : f32 to vector<16xf32>
      %select_n3A_1079 = arith.select %ge3A_1074, %broadcast_in_dim3A_1077, %broadcast_in_dim3A_1078 : vector<16xi1>, vector<16xf32>
      %mul3A_1080 = arith.mulf %select_n3A_1079, %neg3A_1018 : vector<16xf32>
      %add3A_1081 = arith.addf %scan3A_911, %mul3A_1080 : vector<16xf32>
      %add3A_1082 = arith.addf %scan3A_920, %select_n3A_1079 : vector<16xf32>
      %ge3A_1083 = arith.constant 0.699999988 : f32
      %ge3A_1084 = vector.broadcast %ge3A_1083 : f32 to vector<16xf32>
      %ge3A_1085 = arith.cmpf oge, %abs3A, %ge3A_1084 : vector<16xf32>
      %jit3A_1086 = arith.constant 1.000000e+00 : f32
      %jit3A_1087 = arith.constant 0.000000e+00 : f32
      %broadcast_in_dim3A_1088 = vector.broadcast %jit3A_1086 : f32 to vector<16xf32>
      %broadcast_in_dim3A_1089 = vector.broadcast %jit3A_1087 : f32 to vector<16xf32>
      %select_n3A_1090 = arith.select %ge3A_1085, %broadcast_in_dim3A_1088, %broadcast_in_dim3A_1089 : vector<16xi1>, vector<16xf32>
      %mul3A_1091 = arith.mulf %select_n3A_1090, %neg3A_1018 : vector<16xf32>
      %add3A_1092 = arith.addf %scan3A_912, %mul3A_1091 : vector<16xf32>
      %add3A_1093 = arith.addf %scan3A_921, %select_n3A_1090 : vector<16xf32>
      %ge3A_1094 = arith.constant 8.000000e-01 : f32
      %ge3A_1095 = vector.broadcast %ge3A_1094 : f32 to vector<16xf32>
      %ge3A_1096 = arith.cmpf oge, %abs3A, %ge3A_1095 : vector<16xf32>
      %jit3A_1097 = arith.constant 1.000000e+00 : f32
      %jit3A_1098 = arith.constant 0.000000e+00 : f32
      %broadcast_in_dim3A_1099 = vector.broadcast %jit3A_1097 : f32 to vector<16xf32>
      %broadcast_in_dim3A_1100 = vector.broadcast %jit3A_1098 : f32 to vector<16xf32>
      %select_n3A_1101 = arith.select %ge3A_1096, %broadcast_in_dim3A_1099, %broadcast_in_dim3A_1100 : vector<16xi1>, vector<16xf32>
      %mul3A_1102 = arith.mulf %select_n3A_1101, %neg3A_1018 : vector<16xf32>
      %add3A_1103 = arith.addf %scan3A_913, %mul3A_1102 : vector<16xf32>
      %add3A_1104 = arith.addf %scan3A_922, %select_n3A_1101 : vector<16xf32>
      %ge3A_1105 = arith.constant 0.899999976 : f32
      %ge3A_1106 = vector.broadcast %ge3A_1105 : f32 to vector<16xf32>
      %ge3A_1107 = arith.cmpf oge, %abs3A, %ge3A_1106 : vector<16xf32>
      %jit3A_1108 = arith.constant 1.000000e+00 : f32
      %jit3A_1109 = arith.constant 0.000000e+00 : f32
      %broadcast_in_dim3A_1110 = vector.broadcast %jit3A_1108 : f32 to vector<16xf32>
      %broadcast_in_dim3A_1111 = vector.broadcast %jit3A_1109 : f32 to vector<16xf32>
      %select_n3A_1112 = arith.select %ge3A_1107, %broadcast_in_dim3A_1110, %broadcast_in_dim3A_1111 : vector<16xi1>, vector<16xf32>
      %mul3A_1113 = arith.mulf %select_n3A_1112, %neg3A_1018 : vector<16xf32>
      %add3A_1114 = arith.addf %scan3A_914, %mul3A_1113 : vector<16xf32>
      %add3A_1115 = arith.addf %scan3A_923, %select_n3A_1112 : vector<16xf32>
      %scan3A_1116 = arith.constant 1 : i32
      %scan3A_1117 = arith.addi %scan3A_904, %scan3A_1116 : i32
      %mul3A_1118 = arith.constant 16 : i32
      %mul3A_1119 = arith.muli %scan3A_1117, %mul3A_1118 : i32
      %get3A_1120 = arith.index_cast %mul3A_1119 : i32 to index
      %get3A_1121 = tpu.vector_load %arg7[%get3A_1120] {strides = array<i32>} : memref<32000xf32, #tpu.memory_space<vmem>>, vector<16xf32>,
      %get3A_1122 = vector.shape_cast %get3A_1121 : vector<16xf32> to vector<16xf32>
      %get3A_1123 = arith.index_cast %mul3A_1119 : i32 to index
      %get3A_1124 = tpu.vector_load %arg8[%get3A_1123] {strides = array<i32>} : memref<32000xf32, #tpu.memory_space<vmem>>, vector<16xf32>,
      %get3A_1125 = vector.shape_cast %get3A_1124 : vector<16xf32> to vector<16xf32>
      %sub3A_1126 = arith.subf %get3A_1122, %get3A_1125 : vector<16xf32>
      %abs3A_1127 = math.absf %sub3A_1126 : vector<16xf32>
      %bitcast_convert_type3A_1128 = tpu.bitcast %get3A_1122 : vector<16xf32> -> vector<16xi32>
      %shift_right_logical3A_1129 = arith.constant 23 : i32
      %shift_right_logical3A_1130 = vector.broadcast %shift_right_logical3A_1129 : i32 to vector<16xi32>
      %shift_right_logical3A_1131 = arith.shrui %bitcast_convert_type3A_1128, %shift_right_logical3A_1130 : vector<16xi32>
      %convert_element_type3A_1132 = arith.sitofp %shift_right_logical3A_1131 : vector<16xi32> to vector<16xf32>
      %sub3A_1133 = arith.constant 1.270000e+02 : f32
      %sub3A_1134 = vector.broadcast %sub3A_1133 : f32 to vector<16xf32>
      %sub3A_1135 = arith.subf %convert_element_type3A_1132, %sub3A_1134 : vector<16xf32>
      %and3A_1136 = arith.constant 8388607 : i32
      %and3A_1137 = vector.broadcast %and3A_1136 : i32 to vector<16xi32>
      %and3A_1138 = arith.andi %bitcast_convert_type3A_1128, %and3A_1137 : vector<16xi32>
      %or3A_1139 = arith.constant 1065353216 : i32
      %or3A_1140 = vector.broadcast %or3A_1139 : i32 to vector<16xi32>
      %or3A_1141 = arith.ori %and3A_1138, %or3A_1140 : vector<16xi32>
      %bitcast_convert_type3A_1142 = tpu.bitcast %or3A_1141 : vector<16xi32> -> vector<16xf32>
      %sub3A_1143 = arith.constant 1.000000e+00 : f32
      %sub3A_1144 = vector.broadcast %sub3A_1143 : f32 to vector<16xf32>
      %sub3A_1145 = arith.subf %bitcast_convert_type3A_1142, %sub3A_1144 : vector<16xf32>
      %mul3A_1146 = arith.constant 0.0313766226 : f32
      %mul3A_1147 = vector.broadcast %mul3A_1146 : f32 to vector<16xf32>
      %mul3A_1148 = arith.mulf %mul3A_1147, %sub3A_1145 : vector<16xf32>
      %add3A_1149 = arith.constant -0.134133309 : f32
      %add3A_1150 = vector.broadcast %add3A_1149 : f32 to vector<16xf32>
      %add3A_1151 = arith.addf %mul3A_1148, %add3A_1150 : vector<16xf32>
      %mul3A_1152 = arith.mulf %add3A_1151, %sub3A_1145 : vector<16xf32>
      %add3A_1153 = arith.constant 0.28782469 : f32
      %add3A_1154 = vector.broadcast %add3A_1153 : f32 to vector<16xf32>
      %add3A_1155 = arith.addf %mul3A_1152, %add3A_1154 : vector<16xf32>
      %mul3A_1156 = arith.mulf %add3A_1155, %sub3A_1145 : vector<16xf32>
      %add3A_1157 = arith.constant -0.491347462 : f32
      %add3A_1158 = vector.broadcast %add3A_1157 : f32 to vector<16xf32>
      %add3A_1159 = arith.addf %mul3A_1156, %add3A_1158 : vector<16xf32>
      %mul3A_1160 = arith.mulf %add3A_1159, %sub3A_1145 : vector<16xf32>
      %add3A_1161 = arith.constant 0.999434947 : f32
      %add3A_1162 = vector.broadcast %add3A_1161 : f32 to vector<16xf32>
      %add3A_1163 = arith.addf %mul3A_1160, %add3A_1162 : vector<16xf32>
      %mul3A_1164 = arith.mulf %add3A_1163, %sub3A_1145 : vector<16xf32>
      %mul3A_1165 = arith.constant 0.693147182 : f32
      %mul3A_1166 = vector.broadcast %mul3A_1165 : f32 to vector<16xf32>
      %mul3A_1167 = arith.mulf %sub3A_1135, %mul3A_1166 : vector<16xf32>
      %add3A_1168 = arith.addf %mul3A_1167, %mul3A_1164 : vector<16xf32>
      %sub3A_1169 = arith.constant 1.000000e+00 : f32
      %sub3A_1170 = vector.broadcast %sub3A_1169 : f32 to vector<16xf32>
      %sub3A_1171 = arith.subf %sub3A_1170, %get3A_1122 : vector<16xf32>
      %bitcast_convert_type3A_1172 = tpu.bitcast %sub3A_1171 : vector<16xf32> -> vector<16xi32>
      %shift_right_logical3A_1173 = arith.constant 23 : i32
      %shift_right_logical3A_1174 = vector.broadcast %shift_right_logical3A_1173 : i32 to vector<16xi32>
      %shift_right_logical3A_1175 = arith.shrui %bitcast_convert_type3A_1172, %shift_right_logical3A_1174 : vector<16xi32>
      %convert_element_type3A_1176 = arith.sitofp %shift_right_logical3A_1175 : vector<16xi32> to vector<16xf32>
      %sub3A_1177 = arith.constant 1.270000e+02 : f32
      %sub3A_1178 = vector.broadcast %sub3A_1177 : f32 to vector<16xf32>
      %sub3A_1179 = arith.subf %convert_element_type3A_1176, %sub3A_1178 : vector<16xf32>
      %and3A_1180 = arith.constant 8388607 : i32
      %and3A_1181 = vector.broadcast %and3A_1180 : i32 to vector<16xi32>
      %and3A_1182 = arith.andi %bitcast_convert_type3A_1172, %and3A_1181 : vector<16xi32>
      %or3A_1183 = arith.constant 1065353216 : i32
      %or3A_1184 = vector.broadcast %or3A_1183 : i32 to vector<16xi32>
      %or3A_1185 = arith.ori %and3A_1182, %or3A_1184 : vector<16xi32>
      %bitcast_convert_type3A_1186 = tpu.bitcast %or3A_1185 : vector<16xi32> -> vector<16xf32>
      %sub3A_1187 = arith.constant 1.000000e+00 : f32
      %sub3A_1188 = vector.broadcast %sub3A_1187 : f32 to vector<16xf32>
      %sub3A_1189 = arith.subf %bitcast_convert_type3A_1186, %sub3A_1188 : vector<16xf32>
      %mul3A_1190 = arith.constant 0.0313766226 : f32
      %mul3A_1191 = vector.broadcast %mul3A_1190 : f32 to vector<16xf32>
      %mul3A_1192 = arith.mulf %mul3A_1191, %sub3A_1189 : vector<16xf32>
      %add3A_1193 = arith.constant -0.134133309 : f32
      %add3A_1194 = vector.broadcast %add3A_1193 : f32 to vector<16xf32>
      %add3A_1195 = arith.addf %mul3A_1192, %add3A_1194 : vector<16xf32>
      %mul3A_1196 = arith.mulf %add3A_1195, %sub3A_1189 : vector<16xf32>
      %add3A_1197 = arith.constant 0.28782469 : f32
      %add3A_1198 = vector.broadcast %add3A_1197 : f32 to vector<16xf32>
      %add3A_1199 = arith.addf %mul3A_1196, %add3A_1198 : vector<16xf32>
      %mul3A_1200 = arith.mulf %add3A_1199, %sub3A_1189 : vector<16xf32>
      %add3A_1201 = arith.constant -0.491347462 : f32
      %add3A_1202 = vector.broadcast %add3A_1201 : f32 to vector<16xf32>
      %add3A_1203 = arith.addf %mul3A_1200, %add3A_1202 : vector<16xf32>
      %mul3A_1204 = arith.mulf %add3A_1203, %sub3A_1189 : vector<16xf32>
      %add3A_1205 = arith.constant 0.999434947 : f32
      %add3A_1206 = vector.broadcast %add3A_1205 : f32 to vector<16xf32>
      %add3A_1207 = arith.addf %mul3A_1204, %add3A_1206 : vector<16xf32>
      %mul3A_1208 = arith.mulf %add3A_1207, %sub3A_1189 : vector<16xf32>
      %mul3A_1209 = arith.constant 0.693147182 : f32
      %mul3A_1210 = vector.broadcast %mul3A_1209 : f32 to vector<16xf32>
      %mul3A_1211 = arith.mulf %sub3A_1179, %mul3A_1210 : vector<16xf32>
      %add3A_1212 = arith.addf %mul3A_1211, %mul3A_1208 : vector<16xf32>
      %mul3A_1213 = arith.mulf %get3A_1125, %add3A_1168 : vector<16xf32>
      %sub3A_1214 = arith.constant 1.000000e+00 : f32
      %sub3A_1215 = vector.broadcast %sub3A_1214 : f32 to vector<16xf32>
      %sub3A_1216 = arith.subf %sub3A_1215, %get3A_1125 : vector<16xf32>
      %mul3A_1217 = arith.mulf %sub3A_1216, %add3A_1212 : vector<16xf32>
      %add3A_1218 = arith.addf %mul3A_1213, %mul3A_1217 : vector<16xf32>
      %neg3A_1219 = arith.constant 0.000000e+00 : f32
      %neg3A_1220 = vector.broadcast %neg3A_1219 : f32 to vector<16xf32>
      %neg3A_1221 = arith.subf %neg3A_1220, %add3A_1218 : vector<16xf32>
      %add3A_1222 = arith.addf %add3A_1019, %neg3A_1221 : vector<16xf32>
      %ge3A_1223 = arith.constant 1.000000e-01 : f32
      %ge3A_1224 = vector.broadcast %ge3A_1223 : f32 to vector<16xf32>
      %ge3A_1225 = arith.cmpf oge, %abs3A_1127, %ge3A_1224 : vector<16xf32>
      %jit3A_1226 = arith.constant 1.000000e+00 : f32
      %jit3A_1227 = arith.constant 0.000000e+00 : f32
      %broadcast_in_dim3A_1228 = vector.broadcast %jit3A_1226 : f32 to vector<16xf32>
      %broadcast_in_dim3A_1229 = vector.broadcast %jit3A_1227 : f32 to vector<16xf32>
      %select_n3A_1230 = arith.select %ge3A_1225, %broadcast_in_dim3A_1228, %broadcast_in_dim3A_1229 : vector<16xi1>, vector<16xf32>
      %mul3A_1231 = arith.mulf %select_n3A_1230, %neg3A_1221 : vector<16xf32>
      %add3A_1232 = arith.addf %add3A_1026, %mul3A_1231 : vector<16xf32>
      %add3A_1233 = arith.addf %add3A_1027, %select_n3A_1230 : vector<16xf32>
      %ge3A_1234 = arith.constant 2.000000e-01 : f32
      %ge3A_1235 = vector.broadcast %ge3A_1234 : f32 to vector<16xf32>
      %ge3A_1236 = arith.cmpf oge, %abs3A_1127, %ge3A_1235 : vector<16xf32>
      %jit3A_1237 = arith.constant 1.000000e+00 : f32
      %jit3A_1238 = arith.constant 0.000000e+00 : f32
      %broadcast_in_dim3A_1239 = vector.broadcast %jit3A_1237 : f32 to vector<16xf32>
      %broadcast_in_dim3A_1240 = vector.broadcast %jit3A_1238 : f32 to vector<16xf32>
      %select_n3A_1241 = arith.select %ge3A_1236, %broadcast_in_dim3A_1239, %broadcast_in_dim3A_1240 : vector<16xi1>, vector<16xf32>
      %mul3A_1242 = arith.mulf %select_n3A_1241, %neg3A_1221 : vector<16xf32>
      %add3A_1243 = arith.addf %add3A_1037, %mul3A_1242 : vector<16xf32>
      %add3A_1244 = arith.addf %add3A_1038, %select_n3A_1241 : vector<16xf32>
      %ge3A_1245 = arith.constant 3.000000e-01 : f32
      %ge3A_1246 = vector.broadcast %ge3A_1245 : f32 to vector<16xf32>
      %ge3A_1247 = arith.cmpf oge, %abs3A_1127, %ge3A_1246 : vector<16xf32>
      %jit3A_1248 = arith.constant 1.000000e+00 : f32
      %jit3A_1249 = arith.constant 0.000000e+00 : f32
      %broadcast_in_dim3A_1250 = vector.broadcast %jit3A_1248 : f32 to vector<16xf32>
      %broadcast_in_dim3A_1251 = vector.broadcast %jit3A_1249 : f32 to vector<16xf32>
      %select_n3A_1252 = arith.select %ge3A_1247, %broadcast_in_dim3A_1250, %broadcast_in_dim3A_1251 : vector<16xi1>, vector<16xf32>
      %mul3A_1253 = arith.mulf %select_n3A_1252, %neg3A_1221 : vector<16xf32>
      %add3A_1254 = arith.addf %add3A_1048, %mul3A_1253 : vector<16xf32>
      %add3A_1255 = arith.addf %add3A_1049, %select_n3A_1252 : vector<16xf32>
      %ge3A_1256 = arith.constant 4.000000e-01 : f32
      %ge3A_1257 = vector.broadcast %ge3A_1256 : f32 to vector<16xf32>
      %ge3A_1258 = arith.cmpf oge, %abs3A_1127, %ge3A_1257 : vector<16xf32>
      %jit3A_1259 = arith.constant 1.000000e+00 : f32
      %jit3A_1260 = arith.constant 0.000000e+00 : f32
      %broadcast_in_dim3A_1261 = vector.broadcast %jit3A_1259 : f32 to vector<16xf32>
      %broadcast_in_dim3A_1262 = vector.broadcast %jit3A_1260 : f32 to vector<16xf32>
      %select_n3A_1263 = arith.select %ge3A_1258, %broadcast_in_dim3A_1261, %broadcast_in_dim3A_1262 : vector<16xi1>, vector<16xf32>
      %mul3A_1264 = arith.mulf %select_n3A_1263, %neg3A_1221 : vector<16xf32>
      %add3A_1265 = arith.addf %add3A_1059, %mul3A_1264 : vector<16xf32>
      %add3A_1266 = arith.addf %add3A_1060, %select_n3A_1263 : vector<16xf32>
      %ge3A_1267 = arith.constant 5.000000e-01 : f32
      %ge3A_1268 = vector.broadcast %ge3A_1267 : f32 to vector<16xf32>
      %ge3A_1269 = arith.cmpf oge, %abs3A_1127, %ge3A_1268 : vector<16xf32>
      %jit3A_1270 = arith.constant 1.000000e+00 : f32
      %jit3A_1271 = arith.constant 0.000000e+00 : f32
      %broadcast_in_dim3A_1272 = vector.broadcast %jit3A_1270 : f32 to vector<16xf32>
      %broadcast_in_dim3A_1273 = vector.broadcast %jit3A_1271 : f32 to vector<16xf32>
      %select_n3A_1274 = arith.select %ge3A_1269, %broadcast_in_dim3A_1272, %broadcast_in_dim3A_1273 : vector<16xi1>, vector<16xf32>
      %mul3A_1275 = arith.mulf %select_n3A_1274, %neg3A_1221 : vector<16xf32>
      %add3A_1276 = arith.addf %add3A_1070, %mul3A_1275 : vector<16xf32>
      %add3A_1277 = arith.addf %add3A_1071, %select_n3A_1274 : vector<16xf32>
      %ge3A_1278 = arith.constant 6.000000e-01 : f32
      %ge3A_1279 = vector.broadcast %ge3A_1278 : f32 to vector<16xf32>
      %ge3A_1280 = arith.cmpf oge, %abs3A_1127, %ge3A_1279 : vector<16xf32>
      %jit3A_1281 = arith.constant 1.000000e+00 : f32
      %jit3A_1282 = arith.constant 0.000000e+00 : f32
      %broadcast_in_dim3A_1283 = vector.broadcast %jit3A_1281 : f32 to vector<16xf32>
      %broadcast_in_dim3A_1284 = vector.broadcast %jit3A_1282 : f32 to vector<16xf32>
      %select_n3A_1285 = arith.select %ge3A_1280, %broadcast_in_dim3A_1283, %broadcast_in_dim3A_1284 : vector<16xi1>, vector<16xf32>
      %mul3A_1286 = arith.mulf %select_n3A_1285, %neg3A_1221 : vector<16xf32>
      %add3A_1287 = arith.addf %add3A_1081, %mul3A_1286 : vector<16xf32>
      %add3A_1288 = arith.addf %add3A_1082, %select_n3A_1285 : vector<16xf32>
      %ge3A_1289 = arith.constant 0.699999988 : f32
      %ge3A_1290 = vector.broadcast %ge3A_1289 : f32 to vector<16xf32>
      %ge3A_1291 = arith.cmpf oge, %abs3A_1127, %ge3A_1290 : vector<16xf32>
      %jit3A_1292 = arith.constant 1.000000e+00 : f32
      %jit3A_1293 = arith.constant 0.000000e+00 : f32
      %broadcast_in_dim3A_1294 = vector.broadcast %jit3A_1292 : f32 to vector<16xf32>
      %broadcast_in_dim3A_1295 = vector.broadcast %jit3A_1293 : f32 to vector<16xf32>
      %select_n3A_1296 = arith.select %ge3A_1291, %broadcast_in_dim3A_1294, %broadcast_in_dim3A_1295 : vector<16xi1>, vector<16xf32>
      %mul3A_1297 = arith.mulf %select_n3A_1296, %neg3A_1221 : vector<16xf32>
      %add3A_1298 = arith.addf %add3A_1092, %mul3A_1297 : vector<16xf32>
      %add3A_1299 = arith.addf %add3A_1093, %select_n3A_1296 : vector<16xf32>
      %ge3A_1300 = arith.constant 8.000000e-01 : f32
      %ge3A_1301 = vector.broadcast %ge3A_1300 : f32 to vector<16xf32>
      %ge3A_1302 = arith.cmpf oge, %abs3A_1127, %ge3A_1301 : vector<16xf32>
      %jit3A_1303 = arith.constant 1.000000e+00 : f32
      %jit3A_1304 = arith.constant 0.000000e+00 : f32
      %broadcast_in_dim3A_1305 = vector.broadcast %jit3A_1303 : f32 to vector<16xf32>
      %broadcast_in_dim3A_1306 = vector.broadcast %jit3A_1304 : f32 to vector<16xf32>
      %select_n3A_1307 = arith.select %ge3A_1302, %broadcast_in_dim3A_1305, %broadcast_in_dim3A_1306 : vector<16xi1>, vector<16xf32>
      %mul3A_1308 = arith.mulf %select_n3A_1307, %neg3A_1221 : vector<16xf32>
      %add3A_1309 = arith.addf %add3A_1103, %mul3A_1308 : vector<16xf32>
      %add3A_1310 = arith.addf %add3A_1104, %select_n3A_1307 : vector<16xf32>
      %ge3A_1311 = arith.constant 0.899999976 : f32
      %ge3A_1312 = vector.broadcast %ge3A_1311 : f32 to vector<16xf32>
      %ge3A_1313 = arith.cmpf oge, %abs3A_1127, %ge3A_1312 : vector<16xf32>
      %jit3A_1314 = arith.constant 1.000000e+00 : f32
      %jit3A_1315 = arith.constant 0.000000e+00 : f32
      %broadcast_in_dim3A_1316 = vector.broadcast %jit3A_1314 : f32 to vector<16xf32>
      %broadcast_in_dim3A_1317 = vector.broadcast %jit3A_1315 : f32 to vector<16xf32>
      %select_n3A_1318 = arith.select %ge3A_1313, %broadcast_in_dim3A_1316, %broadcast_in_dim3A_1317 : vector<16xi1>, vector<16xf32>
      %mul3A_1319 = arith.mulf %select_n3A_1318, %neg3A_1221 : vector<16xf32>
      %add3A_1320 = arith.addf %add3A_1114, %mul3A_1319 : vector<16xf32>
      %add3A_1321 = arith.addf %add3A_1115, %select_n3A_1318 : vector<16xf32>
      scf.yield %add3A_1222, %add3A_1232, %add3A_1243, %add3A_1254, %add3A_1265, %add3A_1276, %add3A_1287, %add3A_1298, %add3A_1309, %add3A_1320, %add3A_1233, %add3A_1244, %add3A_1255, %add3A_1266, %add3A_1277, %add3A_1288, %add3A_1299, %add3A_1310, %add3A_1321 : vector<16xf32>, vector<16xf32>, vector<16xf32>, vector<16xf32>, vector<16xf32>, vector<16xf32>, vector<16xf32>, vector<16xf32>, vector<16xf32>, vector<16xf32>, vector<16xf32>, vector<16xf32>, vector<16xf32>, vector<16xf32>, vector<16xf32>, vector<16xf32>, vector<16xf32>, vector<16xf32>, vector<16xf32>
    }
    %scan3A_307 = arith.constant 2000 : i32
    %swap3A_308 = arith.constant 0 : index
    %swap3A_309 = tpu.vector_load %arg9[%swap3A_308] {strides = array<i32>} : memref<304xf32, #tpu.memory_space<vmem>>, vector<16xf32>,
    %swap3A_310 = vector.shape_cast %swap3A_309 : vector<16xf32> to vector<16xf32>
    %swap3A_311 = vector.shape_cast %scan3A_306#0 : vector<16xf32> to vector<16xf32>
    tpu.vector_store %arg9[%swap3A_308], %swap3A_311 {add = true, strides = array<i32>} : memref<304xf32, #tpu.memory_space<vmem>>, vector<16xf32>,
    %swap3A_312 = arith.constant 16 : index
    %swap3A_313 = tpu.vector_load %arg9[%swap3A_312] {strides = array<i32>} : memref<304xf32, #tpu.memory_space<vmem>>, vector<16xf32>,
    %swap3A_314 = vector.shape_cast %swap3A_313 : vector<16xf32> to vector<16xf32>
    %swap3A_315 = vector.shape_cast %scan3A_306#1 : vector<16xf32> to vector<16xf32>
    tpu.vector_store %arg9[%swap3A_312], %swap3A_315 {add = true, strides = array<i32>} : memref<304xf32, #tpu.memory_space<vmem>>, vector<16xf32>,
    %swap3A_316 = arith.constant 32 : index
    %swap3A_317 = tpu.vector_load %arg9[%swap3A_316] {strides = array<i32>} : memref<304xf32, #tpu.memory_space<vmem>>, vector<16xf32>,
    %swap3A_318 = vector.shape_cast %swap3A_317 : vector<16xf32> to vector<16xf32>
    %swap3A_319 = vector.shape_cast %scan3A_306#2 : vector<16xf32> to vector<16xf32>
    tpu.vector_store %arg9[%swap3A_316], %swap3A_319 {add = true, strides = array<i32>} : memref<304xf32, #tpu.memory_space<vmem>>, vector<16xf32>,
    %swap3A_320 = arith.constant 48 : index
    %swap3A_321 = tpu.vector_load %arg9[%swap3A_320] {strides = array<i32>} : memref<304xf32, #tpu.memory_space<vmem>>, vector<16xf32>,
    %swap3A_322 = vector.shape_cast %swap3A_321 : vector<16xf32> to vector<16xf32>
    %swap3A_323 = vector.shape_cast %scan3A_306#3 : vector<16xf32> to vector<16xf32>
    tpu.vector_store %arg9[%swap3A_320], %swap3A_323 {add = true, strides = array<i32>} : memref<304xf32, #tpu.memory_space<vmem>>, vector<16xf32>,
    %swap3A_324 = arith.constant 64 : index
    %swap3A_325 = tpu.vector_load %arg9[%swap3A_324] {strides = array<i32>} : memref<304xf32, #tpu.memory_space<vmem>>, vector<16xf32>,
    %swap3A_326 = vector.shape_cast %swap3A_325 : vector<16xf32> to vector<16xf32>
    %swap3A_327 = vector.shape_cast %scan3A_306#4 : vector<16xf32> to vector<16xf32>
    tpu.vector_store %arg9[%swap3A_324], %swap3A_327 {add = true, strides = array<i32>} : memref<304xf32, #tpu.memory_space<vmem>>, vector<16xf32>,
    %swap3A_328 = arith.constant 80 : index
    %swap3A_329 = tpu.vector_load %arg9[%swap3A_328] {strides = array<i32>} : memref<304xf32, #tpu.memory_space<vmem>>, vector<16xf32>,
    %swap3A_330 = vector.shape_cast %swap3A_329 : vector<16xf32> to vector<16xf32>
    %swap3A_331 = vector.shape_cast %scan3A_306#5 : vector<16xf32> to vector<16xf32>
    tpu.vector_store %arg9[%swap3A_328], %swap3A_331 {add = true, strides = array<i32>} : memref<304xf32, #tpu.memory_space<vmem>>, vector<16xf32>,
    %swap3A_332 = arith.constant 96 : index
    %swap3A_333 = tpu.vector_load %arg9[%swap3A_332] {strides = array<i32>} : memref<304xf32, #tpu.memory_space<vmem>>, vector<16xf32>,
    %swap3A_334 = vector.shape_cast %swap3A_333 : vector<16xf32> to vector<16xf32>
    %swap3A_335 = vector.shape_cast %scan3A_306#6 : vector<16xf32> to vector<16xf32>
    tpu.vector_store %arg9[%swap3A_332], %swap3A_335 {add = true, strides = array<i32>} : memref<304xf32, #tpu.memory_space<vmem>>, vector<16xf32>,
    %swap3A_336 = arith.constant 112 : index
    %swap3A_337 = tpu.vector_load %arg9[%swap3A_336] {strides = array<i32>} : memref<304xf32, #tpu.memory_space<vmem>>, vector<16xf32>,
    %swap3A_338 = vector.shape_cast %swap3A_337 : vector<16xf32> to vector<16xf32>
    %swap3A_339 = vector.shape_cast %scan3A_306#7 : vector<16xf32> to vector<16xf32>
    tpu.vector_store %arg9[%swap3A_336], %swap3A_339 {add = true, strides = array<i32>} : memref<304xf32, #tpu.memory_space<vmem>>, vector<16xf32>,
    %swap3A_340 = arith.constant 128 : index
    %swap3A_341 = tpu.vector_load %arg9[%swap3A_340] {strides = array<i32>} : memref<304xf32, #tpu.memory_space<vmem>>, vector<16xf32>,
    %swap3A_342 = vector.shape_cast %swap3A_341 : vector<16xf32> to vector<16xf32>
    %swap3A_343 = vector.shape_cast %scan3A_306#8 : vector<16xf32> to vector<16xf32>
    tpu.vector_store %arg9[%swap3A_340], %swap3A_343 {add = true, strides = array<i32>} : memref<304xf32, #tpu.memory_space<vmem>>, vector<16xf32>,
    %swap3A_344 = arith.constant 144 : index
    %swap3A_345 = tpu.vector_load %arg9[%swap3A_344] {strides = array<i32>} : memref<304xf32, #tpu.memory_space<vmem>>, vector<16xf32>,
    %swap3A_346 = vector.shape_cast %swap3A_345 : vector<16xf32> to vector<16xf32>
    %swap3A_347 = vector.shape_cast %scan3A_306#9 : vector<16xf32> to vector<16xf32>
    tpu.vector_store %arg9[%swap3A_344], %swap3A_347 {add = true, strides = array<i32>} : memref<304xf32, #tpu.memory_space<vmem>>, vector<16xf32>,
    %swap3A_348 = arith.constant 160 : index
    %swap3A_349 = tpu.vector_load %arg9[%swap3A_348] {strides = array<i32>} : memref<304xf32, #tpu.memory_space<vmem>>, vector<16xf32>,
    %swap3A_350 = vector.shape_cast %swap3A_349 : vector<16xf32> to vector<16xf32>
    %swap3A_351 = vector.shape_cast %scan3A_306#10 : vector<16xf32> to vector<16xf32>
    tpu.vector_store %arg9[%swap3A_348], %swap3A_351 {add = true, strides = array<i32>} : memref<304xf32, #tpu.memory_space<vmem>>, vector<16xf32>,
    %swap3A_352 = arith.constant 176 : index
    %swap3A_353 = tpu.vector_load %arg9[%swap3A_352] {strides = array<i32>} : memref<304xf32, #tpu.memory_space<vmem>>, vector<16xf32>,
    %swap3A_354 = vector.shape_cast %swap3A_353 : vector<16xf32> to vector<16xf32>
    %swap3A_355 = vector.shape_cast %scan3A_306#11 : vector<16xf32> to vector<16xf32>
    tpu.vector_store %arg9[%swap3A_352], %swap3A_355 {add = true, strides = array<i32>} : memref<304xf32, #tpu.memory_space<vmem>>, vector<16xf32>,
    %swap3A_356 = arith.constant 192 : index
    %swap3A_357 = tpu.vector_load %arg9[%swap3A_356] {strides = array<i32>} : memref<304xf32, #tpu.memory_space<vmem>>, vector<16xf32>,
    %swap3A_358 = vector.shape_cast %swap3A_357 : vector<16xf32> to vector<16xf32>
    %swap3A_359 = vector.shape_cast %scan3A_306#12 : vector<16xf32> to vector<16xf32>
    tpu.vector_store %arg9[%swap3A_356], %swap3A_359 {add = true, strides = array<i32>} : memref<304xf32, #tpu.memory_space<vmem>>, vector<16xf32>,
    %swap3A_360 = arith.constant 208 : index
    %swap3A_361 = tpu.vector_load %arg9[%swap3A_360] {strides = array<i32>} : memref<304xf32, #tpu.memory_space<vmem>>, vector<16xf32>,
    %swap3A_362 = vector.shape_cast %swap3A_361 : vector<16xf32> to vector<16xf32>
    %swap3A_363 = vector.shape_cast %scan3A_306#13 : vector<16xf32> to vector<16xf32>
    tpu.vector_store %arg9[%swap3A_360], %swap3A_363 {add = true, strides = array<i32>} : memref<304xf32, #tpu.memory_space<vmem>>, vector<16xf32>,
    %swap3A_364 = arith.constant 224 : index
    %swap3A_365 = tpu.vector_load %arg9[%swap3A_364] {strides = array<i32>} : memref<304xf32, #tpu.memory_space<vmem>>, vector<16xf32>,
    %swap3A_366 = vector.shape_cast %swap3A_365 : vector<16xf32> to vector<16xf32>
    %swap3A_367 = vector.shape_cast %scan3A_306#14 : vector<16xf32> to vector<16xf32>
    tpu.vector_store %arg9[%swap3A_364], %swap3A_367 {add = true, strides = array<i32>} : memref<304xf32, #tpu.memory_space<vmem>>, vector<16xf32>,
    %swap3A_368 = arith.constant 240 : index
    %swap3A_369 = tpu.vector_load %arg9[%swap3A_368] {strides = array<i32>} : memref<304xf32, #tpu.memory_space<vmem>>, vector<16xf32>,
    %swap3A_370 = vector.shape_cast %swap3A_369 : vector<16xf32> to vector<16xf32>
    %swap3A_371 = vector.shape_cast %scan3A_306#15 : vector<16xf32> to vector<16xf32>
    tpu.vector_store %arg9[%swap3A_368], %swap3A_371 {add = true, strides = array<i32>} : memref<304xf32, #tpu.memory_space<vmem>>, vector<16xf32>,
    %swap3A_372 = arith.constant 256 : index
    %swap3A_373 = tpu.vector_load %arg9[%swap3A_372] {strides = array<i32>} : memref<304xf32, #tpu.memory_space<vmem>>, vector<16xf32>,
    %swap3A_374 = vector.shape_cast %swap3A_373 : vector<16xf32> to vector<16xf32>
    %swap3A_375 = vector.shape_cast %scan3A_306#16 : vector<16xf32> to vector<16xf32>
    tpu.vector_store %arg9[%swap3A_372], %swap3A_375 {add = true, strides = array<i32>} : memref<304xf32, #tpu.memory_space<vmem>>, vector<16xf32>,
    %swap3A_376 = arith.constant 272 : index
    %swap3A_377 = tpu.vector_load %arg9[%swap3A_376] {strides = array<i32>} : memref<304xf32, #tpu.memory_space<vmem>>, vector<16xf32>,
    %swap3A_378 = vector.shape_cast %swap3A_377 : vector<16xf32> to vector<16xf32>
    %swap3A_379 = vector.shape_cast %scan3A_306#17 : vector<16xf32> to vector<16xf32>
    tpu.vector_store %arg9[%swap3A_376], %swap3A_379 {add = true, strides = array<i32>} : memref<304xf32, #tpu.memory_space<vmem>>, vector<16xf32>,
    %swap3A_380 = arith.constant 288 : index
    %swap3A_381 = tpu.vector_load %arg9[%swap3A_380] {strides = array<i32>} : memref<304xf32, #tpu.memory_space<vmem>>, vector<16xf32>,
    %swap3A_382 = vector.shape_cast %swap3A_381 : vector<16xf32> to vector<16xf32>
    %swap3A_383 = vector.shape_cast %scan3A_306#18 : vector<16xf32> to vector<16xf32>
    tpu.vector_store %arg9[%swap3A_380], %swap3A_383 {add = true, strides = array<i32>} : memref<304xf32, #tpu.memory_space<vmem>>, vector<16xf32>,
    %dma_wait3A_384 = tpu.memref_slice %arg2[%add3A_257] : memref<16384000xf32, #tpu.memory_space<hbm>> -> memref<32000xf32, #tpu.memory_space<hbm>>
    %dma_wait3A_385 = tpu.memref_slice %arg2[%add3A_257] : memref<16384000xf32, #tpu.memory_space<hbm>> -> memref<32000xf32, #tpu.memory_space<hbm>>
    tpu.wait_dma2 semaphore(%arg10 : memref<!tpu.dma_semaphore, #tpu.memory_space<semaphore_mem>>) src(%dma_wait3A_385 : memref<32000xf32, #tpu.memory_space<hbm>>) dst(%arg5 : memref<32000xf32, #tpu.memory_space<vmem>>)
    %dma_wait3A_386 = tpu.memref_slice %arg3[%add3A_259] : memref<16384000xf32, #tpu.memory_space<hbm>> -> memref<32000xf32, #tpu.memory_space<hbm>>
    %dma_wait3A_387 = tpu.memref_slice %arg3[%add3A_259] : memref<16384000xf32, #tpu.memory_space<hbm>> -> memref<32000xf32, #tpu.memory_space<hbm>>
    tpu.wait_dma2 semaphore(%arg11 : memref<!tpu.dma_semaphore, #tpu.memory_space<semaphore_mem>>) src(%dma_wait3A_387 : memref<32000xf32, #tpu.memory_space<hbm>>) dst(%arg6 : memref<32000xf32, #tpu.memory_space<vmem>>)
    %add3A_388 = arith.constant 96000 : i32
    %add3A_389 = arith.addi %mul3A_2, %add3A_388 : i32
    %add3A_390 = arith.constant 96000 : i32
    %add3A_391 = arith.addi %mul3A_2, %add3A_390 : i32
    %dma_start3A_392 = tpu.memref_slice %arg2[%add3A_389] : memref<16384000xf32, #tpu.memory_space<hbm>> -> memref<32000xf32, #tpu.memory_space<hbm>>
    %dma_start3A_393 = tpu.memref_slice %arg2[%add3A_389] : memref<16384000xf32, #tpu.memory_space<hbm>> -> memref<32000xf32, #tpu.memory_space<hbm>>
    tpu.enqueue_dma source(%dma_start3A_393 : memref<32000xf32, #tpu.memory_space<hbm>>) target(%arg7 : memref<32000xf32, #tpu.memory_space<vmem>>) target_semaphore(%arg12 : memref<!tpu.dma_semaphore, #tpu.memory_space<semaphore_mem>>)
    %dma_start3A_394 = tpu.memref_slice %arg3[%add3A_391] : memref<16384000xf32, #tpu.memory_space<hbm>> -> memref<32000xf32, #tpu.memory_space<hbm>>
    %dma_start3A_395 = tpu.memref_slice %arg3[%add3A_391] : memref<16384000xf32, #tpu.memory_space<hbm>> -> memref<32000xf32, #tpu.memory_space<hbm>>
    tpu.enqueue_dma source(%dma_start3A_395 : memref<32000xf32, #tpu.memory_space<hbm>>) target(%arg8 : memref<32000xf32, #tpu.memory_space<vmem>>) target_semaphore(%arg13 : memref<!tpu.dma_semaphore, #tpu.memory_space<semaphore_mem>>)
    %broadcast_in_dim3A_396 = arith.constant 0.000000e+00 : f32
    %broadcast_in_dim3A_397 = vector.broadcast %broadcast_in_dim3A_396 : f32 to vector<16xf32>
    %broadcast_in_dim3A_398 = arith.constant 0.000000e+00 : f32
    %broadcast_in_dim3A_399 = vector.broadcast %broadcast_in_dim3A_398 : f32 to vector<16xf32>
    %broadcast_in_dim3A_400 = arith.constant 0.000000e+00 : f32
    %broadcast_in_dim3A_401 = vector.broadcast %broadcast_in_dim3A_400 : f32 to vector<16xf32>
    %broadcast_in_dim3A_402 = arith.constant 0.000000e+00 : f32
    %broadcast_in_dim3A_403 = vector.broadcast %broadcast_in_dim3A_402 : f32 to vector<16xf32>
    %broadcast_in_dim3A_404 = arith.constant 0.000000e+00 : f32
    %broadcast_in_dim3A_405 = vector.broadcast %broadcast_in_dim3A_404 : f32 to vector<16xf32>
    %broadcast_in_dim3A_406 = arith.constant 0.000000e+00 : f32
    %broadcast_in_dim3A_407 = vector.broadcast %broadcast_in_dim3A_406 : f32 to vector<16xf32>
    %broadcast_in_dim3A_408 = arith.constant 0.000000e+00 : f32
    %broadcast_in_dim3A_409 = vector.broadcast %broadcast_in_dim3A_408 : f32 to vector<16xf32>
    %broadcast_in_dim3A_410 = arith.constant 0.000000e+00 : f32
    %broadcast_in_dim3A_411 = vector.broadcast %broadcast_in_dim3A_410 : f32 to vector<16xf32>
    %broadcast_in_dim3A_412 = arith.constant 0.000000e+00 : f32
    %broadcast_in_dim3A_413 = vector.broadcast %broadcast_in_dim3A_412 : f32 to vector<16xf32>
    %broadcast_in_dim3A_414 = arith.constant 0.000000e+00 : f32
    %broadcast_in_dim3A_415 = vector.broadcast %broadcast_in_dim3A_414 : f32 to vector<16xf32>
    %broadcast_in_dim3A_416 = arith.constant 0.000000e+00 : f32
    %broadcast_in_dim3A_417 = vector.broadcast %broadcast_in_dim3A_416 : f32 to vector<16xf32>
    %broadcast_in_dim3A_418 = arith.constant 0.000000e+00 : f32
    %broadcast_in_dim3A_419 = vector.broadcast %broadcast_in_dim3A_418 : f32 to vector<16xf32>
    %broadcast_in_dim3A_420 = arith.constant 0.000000e+00 : f32
    %broadcast_in_dim3A_421 = vector.broadcast %broadcast_in_dim3A_420 : f32 to vector<16xf32>
    %broadcast_in_dim3A_422 = arith.constant 0.000000e+00 : f32
    %broadcast_in_dim3A_423 = vector.broadcast %broadcast_in_dim3A_422 : f32 to vector<16xf32>
    %broadcast_in_dim3A_424 = arith.constant 0.000000e+00 : f32
    %broadcast_in_dim3A_425 = vector.broadcast %broadcast_in_dim3A_424 : f32 to vector<16xf32>
    %broadcast_in_dim3A_426 = arith.constant 0.000000e+00 : f32
    %broadcast_in_dim3A_427 = vector.broadcast %broadcast_in_dim3A_426 : f32 to vector<16xf32>
    %broadcast_in_dim3A_428 = arith.constant 0.000000e+00 : f32
    %broadcast_in_dim3A_429 = vector.broadcast %broadcast_in_dim3A_428 : f32 to vector<16xf32>
    %broadcast_in_dim3A_430 = arith.constant 0.000000e+00 : f32
    %broadcast_in_dim3A_431 = vector.broadcast %broadcast_in_dim3A_430 : f32 to vector<16xf32>
    %broadcast_in_dim3A_432 = arith.constant 0.000000e+00 : f32
    %broadcast_in_dim3A_433 = vector.broadcast %broadcast_in_dim3A_432 : f32 to vector<16xf32>
    %scan3A_434 = arith.constant 0 : i32
    %scan3A_435 = arith.constant 2000 : i32
    %scan3A_436 = arith.addi %scan3A_434, %scan3A_435 : i32
    %scan3A_437 = arith.constant 2 : i32
    %scan3A_438:19 = scf.for %scan3A_904 = %scan3A_434 to %scan3A_436 step %scan3A_437 iter_args(%scan3A_905 = %broadcast_in_dim3A_397, %scan3A_906 = %broadcast_in_dim3A_399, %scan3A_907 = %broadcast_in_dim3A_401, %scan3A_908 = %broadcast_in_dim3A_403, %scan3A_909 = %broadcast_in_dim3A_405, %scan3A_910 = %broadcast_in_dim3A_407, %scan3A_911 = %broadcast_in_dim3A_409, %scan3A_912 = %broadcast_in_dim3A_411, %scan3A_913 = %broadcast_in_dim3A_413, %scan3A_914 = %broadcast_in_dim3A_415, %scan3A_915 = %broadcast_in_dim3A_417, %scan3A_916 = %broadcast_in_dim3A_419, %scan3A_917 = %broadcast_in_dim3A_421, %scan3A_918 = %broadcast_in_dim3A_423, %scan3A_919 = %broadcast_in_dim3A_425, %scan3A_920 = %broadcast_in_dim3A_427, %scan3A_921 = %broadcast_in_dim3A_429, %scan3A_922 = %broadcast_in_dim3A_431, %scan3A_923 = %broadcast_in_dim3A_433) -> (vector<16xf32>, vector<16xf32>, vector<16xf32>, vector<16xf32>, vector<16xf32>, vector<16xf32>, vector<16xf32>, vector<16xf32>, vector<16xf32>, vector<16xf32>, vector<16xf32>, vector<16xf32>, vector<16xf32>, vector<16xf32>, vector<16xf32>, vector<16xf32>, vector<16xf32>, vector<16xf32>, vector<16xf32>)  : i32 {
      %mul3A_924 = arith.constant 16 : i32
      %mul3A_925 = arith.muli %scan3A_904, %mul3A_924 : i32
      %get3A = arith.index_cast %mul3A_925 : i32 to index
      %get3A_926 = tpu.vector_load %arg5[%get3A] {strides = array<i32>} : memref<32000xf32, #tpu.memory_space<vmem>>, vector<16xf32>,
      %get3A_927 = vector.shape_cast %get3A_926 : vector<16xf32> to vector<16xf32>
      %get3A_928 = arith.index_cast %mul3A_925 : i32 to index
      %get3A_929 = tpu.vector_load %arg6[%get3A_928] {strides = array<i32>} : memref<32000xf32, #tpu.memory_space<vmem>>, vector<16xf32>,
      %get3A_930 = vector.shape_cast %get3A_929 : vector<16xf32> to vector<16xf32>
      %sub3A = arith.subf %get3A_927, %get3A_930 : vector<16xf32>
      %abs3A = math.absf %sub3A : vector<16xf32>
      %bitcast_convert_type3A = tpu.bitcast %get3A_927 : vector<16xf32> -> vector<16xi32>
      %shift_right_logical3A = arith.constant 23 : i32
      %shift_right_logical3A_931 = vector.broadcast %shift_right_logical3A : i32 to vector<16xi32>
      %shift_right_logical3A_932 = arith.shrui %bitcast_convert_type3A, %shift_right_logical3A_931 : vector<16xi32>
      %convert_element_type3A = arith.sitofp %shift_right_logical3A_932 : vector<16xi32> to vector<16xf32>
      %sub3A_933 = arith.constant 1.270000e+02 : f32
      %sub3A_934 = vector.broadcast %sub3A_933 : f32 to vector<16xf32>
      %sub3A_935 = arith.subf %convert_element_type3A, %sub3A_934 : vector<16xf32>
      %and3A = arith.constant 8388607 : i32
      %and3A_936 = vector.broadcast %and3A : i32 to vector<16xi32>
      %and3A_937 = arith.andi %bitcast_convert_type3A, %and3A_936 : vector<16xi32>
      %or3A = arith.constant 1065353216 : i32
      %or3A_938 = vector.broadcast %or3A : i32 to vector<16xi32>
      %or3A_939 = arith.ori %and3A_937, %or3A_938 : vector<16xi32>
      %bitcast_convert_type3A_940 = tpu.bitcast %or3A_939 : vector<16xi32> -> vector<16xf32>
      %sub3A_941 = arith.constant 1.000000e+00 : f32
      %sub3A_942 = vector.broadcast %sub3A_941 : f32 to vector<16xf32>
      %sub3A_943 = arith.subf %bitcast_convert_type3A_940, %sub3A_942 : vector<16xf32>
      %mul3A_944 = arith.constant 0.0313766226 : f32
      %mul3A_945 = vector.broadcast %mul3A_944 : f32 to vector<16xf32>
      %mul3A_946 = arith.mulf %mul3A_945, %sub3A_943 : vector<16xf32>
      %add3A_947 = arith.constant -0.134133309 : f32
      %add3A_948 = vector.broadcast %add3A_947 : f32 to vector<16xf32>
      %add3A_949 = arith.addf %mul3A_946, %add3A_948 : vector<16xf32>
      %mul3A_950 = arith.mulf %add3A_949, %sub3A_943 : vector<16xf32>
      %add3A_951 = arith.constant 0.28782469 : f32
      %add3A_952 = vector.broadcast %add3A_951 : f32 to vector<16xf32>
      %add3A_953 = arith.addf %mul3A_950, %add3A_952 : vector<16xf32>
      %mul3A_954 = arith.mulf %add3A_953, %sub3A_943 : vector<16xf32>
      %add3A_955 = arith.constant -0.491347462 : f32
      %add3A_956 = vector.broadcast %add3A_955 : f32 to vector<16xf32>
      %add3A_957 = arith.addf %mul3A_954, %add3A_956 : vector<16xf32>
      %mul3A_958 = arith.mulf %add3A_957, %sub3A_943 : vector<16xf32>
      %add3A_959 = arith.constant 0.999434947 : f32
      %add3A_960 = vector.broadcast %add3A_959 : f32 to vector<16xf32>
      %add3A_961 = arith.addf %mul3A_958, %add3A_960 : vector<16xf32>
      %mul3A_962 = arith.mulf %add3A_961, %sub3A_943 : vector<16xf32>
      %mul3A_963 = arith.constant 0.693147182 : f32
      %mul3A_964 = vector.broadcast %mul3A_963 : f32 to vector<16xf32>
      %mul3A_965 = arith.mulf %sub3A_935, %mul3A_964 : vector<16xf32>
      %add3A_966 = arith.addf %mul3A_965, %mul3A_962 : vector<16xf32>
      %sub3A_967 = arith.constant 1.000000e+00 : f32
      %sub3A_968 = vector.broadcast %sub3A_967 : f32 to vector<16xf32>
      %sub3A_969 = arith.subf %sub3A_968, %get3A_927 : vector<16xf32>
      %bitcast_convert_type3A_970 = tpu.bitcast %sub3A_969 : vector<16xf32> -> vector<16xi32>
      %shift_right_logical3A_971 = arith.constant 23 : i32
      %shift_right_logical3A_972 = vector.broadcast %shift_right_logical3A_971 : i32 to vector<16xi32>
      %shift_right_logical3A_973 = arith.shrui %bitcast_convert_type3A_970, %shift_right_logical3A_972 : vector<16xi32>
      %convert_element_type3A_974 = arith.sitofp %shift_right_logical3A_973 : vector<16xi32> to vector<16xf32>
      %sub3A_975 = arith.constant 1.270000e+02 : f32
      %sub3A_976 = vector.broadcast %sub3A_975 : f32 to vector<16xf32>
      %sub3A_977 = arith.subf %convert_element_type3A_974, %sub3A_976 : vector<16xf32>
      %and3A_978 = arith.constant 8388607 : i32
      %and3A_979 = vector.broadcast %and3A_978 : i32 to vector<16xi32>
      %and3A_980 = arith.andi %bitcast_convert_type3A_970, %and3A_979 : vector<16xi32>
      %or3A_981 = arith.constant 1065353216 : i32
      %or3A_982 = vector.broadcast %or3A_981 : i32 to vector<16xi32>
      %or3A_983 = arith.ori %and3A_980, %or3A_982 : vector<16xi32>
      %bitcast_convert_type3A_984 = tpu.bitcast %or3A_983 : vector<16xi32> -> vector<16xf32>
      %sub3A_985 = arith.constant 1.000000e+00 : f32
      %sub3A_986 = vector.broadcast %sub3A_985 : f32 to vector<16xf32>
      %sub3A_987 = arith.subf %bitcast_convert_type3A_984, %sub3A_986 : vector<16xf32>
      %mul3A_988 = arith.constant 0.0313766226 : f32
      %mul3A_989 = vector.broadcast %mul3A_988 : f32 to vector<16xf32>
      %mul3A_990 = arith.mulf %mul3A_989, %sub3A_987 : vector<16xf32>
      %add3A_991 = arith.constant -0.134133309 : f32
      %add3A_992 = vector.broadcast %add3A_991 : f32 to vector<16xf32>
      %add3A_993 = arith.addf %mul3A_990, %add3A_992 : vector<16xf32>
      %mul3A_994 = arith.mulf %add3A_993, %sub3A_987 : vector<16xf32>
      %add3A_995 = arith.constant 0.28782469 : f32
      %add3A_996 = vector.broadcast %add3A_995 : f32 to vector<16xf32>
      %add3A_997 = arith.addf %mul3A_994, %add3A_996 : vector<16xf32>
      %mul3A_998 = arith.mulf %add3A_997, %sub3A_987 : vector<16xf32>
      %add3A_999 = arith.constant -0.491347462 : f32
      %add3A_1000 = vector.broadcast %add3A_999 : f32 to vector<16xf32>
      %add3A_1001 = arith.addf %mul3A_998, %add3A_1000 : vector<16xf32>
      %mul3A_1002 = arith.mulf %add3A_1001, %sub3A_987 : vector<16xf32>
      %add3A_1003 = arith.constant 0.999434947 : f32
      %add3A_1004 = vector.broadcast %add3A_1003 : f32 to vector<16xf32>
      %add3A_1005 = arith.addf %mul3A_1002, %add3A_1004 : vector<16xf32>
      %mul3A_1006 = arith.mulf %add3A_1005, %sub3A_987 : vector<16xf32>
      %mul3A_1007 = arith.constant 0.693147182 : f32
      %mul3A_1008 = vector.broadcast %mul3A_1007 : f32 to vector<16xf32>
      %mul3A_1009 = arith.mulf %sub3A_977, %mul3A_1008 : vector<16xf32>
      %add3A_1010 = arith.addf %mul3A_1009, %mul3A_1006 : vector<16xf32>
      %mul3A_1011 = arith.mulf %get3A_930, %add3A_966 : vector<16xf32>
      %sub3A_1012 = arith.constant 1.000000e+00 : f32
      %sub3A_1013 = vector.broadcast %sub3A_1012 : f32 to vector<16xf32>
      %sub3A_1014 = arith.subf %sub3A_1013, %get3A_930 : vector<16xf32>
      %mul3A_1015 = arith.mulf %sub3A_1014, %add3A_1010 : vector<16xf32>
      %add3A_1016 = arith.addf %mul3A_1011, %mul3A_1015 : vector<16xf32>
      %neg3A = arith.constant 0.000000e+00 : f32
      %neg3A_1017 = vector.broadcast %neg3A : f32 to vector<16xf32>
      %neg3A_1018 = arith.subf %neg3A_1017, %add3A_1016 : vector<16xf32>
      %add3A_1019 = arith.addf %scan3A_905, %neg3A_1018 : vector<16xf32>
      %ge3A = arith.constant 1.000000e-01 : f32
      %ge3A_1020 = vector.broadcast %ge3A : f32 to vector<16xf32>
      %ge3A_1021 = arith.cmpf oge, %abs3A, %ge3A_1020 : vector<16xf32>
      %jit3A = arith.constant 1.000000e+00 : f32
      %jit3A_1022 = arith.constant 0.000000e+00 : f32
      %broadcast_in_dim3A_1023 = vector.broadcast %jit3A : f32 to vector<16xf32>
      %broadcast_in_dim3A_1024 = vector.broadcast %jit3A_1022 : f32 to vector<16xf32>
      %select_n3A = arith.select %ge3A_1021, %broadcast_in_dim3A_1023, %broadcast_in_dim3A_1024 : vector<16xi1>, vector<16xf32>
      %mul3A_1025 = arith.mulf %select_n3A, %neg3A_1018 : vector<16xf32>
      %add3A_1026 = arith.addf %scan3A_906, %mul3A_1025 : vector<16xf32>
      %add3A_1027 = arith.addf %scan3A_915, %select_n3A : vector<16xf32>
      %ge3A_1028 = arith.constant 2.000000e-01 : f32
      %ge3A_1029 = vector.broadcast %ge3A_1028 : f32 to vector<16xf32>
      %ge3A_1030 = arith.cmpf oge, %abs3A, %ge3A_1029 : vector<16xf32>
      %jit3A_1031 = arith.constant 1.000000e+00 : f32
      %jit3A_1032 = arith.constant 0.000000e+00 : f32
      %broadcast_in_dim3A_1033 = vector.broadcast %jit3A_1031 : f32 to vector<16xf32>
      %broadcast_in_dim3A_1034 = vector.broadcast %jit3A_1032 : f32 to vector<16xf32>
      %select_n3A_1035 = arith.select %ge3A_1030, %broadcast_in_dim3A_1033, %broadcast_in_dim3A_1034 : vector<16xi1>, vector<16xf32>
      %mul3A_1036 = arith.mulf %select_n3A_1035, %neg3A_1018 : vector<16xf32>
      %add3A_1037 = arith.addf %scan3A_907, %mul3A_1036 : vector<16xf32>
      %add3A_1038 = arith.addf %scan3A_916, %select_n3A_1035 : vector<16xf32>
      %ge3A_1039 = arith.constant 3.000000e-01 : f32
      %ge3A_1040 = vector.broadcast %ge3A_1039 : f32 to vector<16xf32>
      %ge3A_1041 = arith.cmpf oge, %abs3A, %ge3A_1040 : vector<16xf32>
      %jit3A_1042 = arith.constant 1.000000e+00 : f32
      %jit3A_1043 = arith.constant 0.000000e+00 : f32
      %broadcast_in_dim3A_1044 = vector.broadcast %jit3A_1042 : f32 to vector<16xf32>
      %broadcast_in_dim3A_1045 = vector.broadcast %jit3A_1043 : f32 to vector<16xf32>
      %select_n3A_1046 = arith.select %ge3A_1041, %broadcast_in_dim3A_1044, %broadcast_in_dim3A_1045 : vector<16xi1>, vector<16xf32>
      %mul3A_1047 = arith.mulf %select_n3A_1046, %neg3A_1018 : vector<16xf32>
      %add3A_1048 = arith.addf %scan3A_908, %mul3A_1047 : vector<16xf32>
      %add3A_1049 = arith.addf %scan3A_917, %select_n3A_1046 : vector<16xf32>
      %ge3A_1050 = arith.constant 4.000000e-01 : f32
      %ge3A_1051 = vector.broadcast %ge3A_1050 : f32 to vector<16xf32>
      %ge3A_1052 = arith.cmpf oge, %abs3A, %ge3A_1051 : vector<16xf32>
      %jit3A_1053 = arith.constant 1.000000e+00 : f32
      %jit3A_1054 = arith.constant 0.000000e+00 : f32
      %broadcast_in_dim3A_1055 = vector.broadcast %jit3A_1053 : f32 to vector<16xf32>
      %broadcast_in_dim3A_1056 = vector.broadcast %jit3A_1054 : f32 to vector<16xf32>
      %select_n3A_1057 = arith.select %ge3A_1052, %broadcast_in_dim3A_1055, %broadcast_in_dim3A_1056 : vector<16xi1>, vector<16xf32>
      %mul3A_1058 = arith.mulf %select_n3A_1057, %neg3A_1018 : vector<16xf32>
      %add3A_1059 = arith.addf %scan3A_909, %mul3A_1058 : vector<16xf32>
      %add3A_1060 = arith.addf %scan3A_918, %select_n3A_1057 : vector<16xf32>
      %ge3A_1061 = arith.constant 5.000000e-01 : f32
      %ge3A_1062 = vector.broadcast %ge3A_1061 : f32 to vector<16xf32>
      %ge3A_1063 = arith.cmpf oge, %abs3A, %ge3A_1062 : vector<16xf32>
      %jit3A_1064 = arith.constant 1.000000e+00 : f32
      %jit3A_1065 = arith.constant 0.000000e+00 : f32
      %broadcast_in_dim3A_1066 = vector.broadcast %jit3A_1064 : f32 to vector<16xf32>
      %broadcast_in_dim3A_1067 = vector.broadcast %jit3A_1065 : f32 to vector<16xf32>
      %select_n3A_1068 = arith.select %ge3A_1063, %broadcast_in_dim3A_1066, %broadcast_in_dim3A_1067 : vector<16xi1>, vector<16xf32>
      %mul3A_1069 = arith.mulf %select_n3A_1068, %neg3A_1018 : vector<16xf32>
      %add3A_1070 = arith.addf %scan3A_910, %mul3A_1069 : vector<16xf32>
      %add3A_1071 = arith.addf %scan3A_919, %select_n3A_1068 : vector<16xf32>
      %ge3A_1072 = arith.constant 6.000000e-01 : f32
      %ge3A_1073 = vector.broadcast %ge3A_1072 : f32 to vector<16xf32>
      %ge3A_1074 = arith.cmpf oge, %abs3A, %ge3A_1073 : vector<16xf32>
      %jit3A_1075 = arith.constant 1.000000e+00 : f32
      %jit3A_1076 = arith.constant 0.000000e+00 : f32
      %broadcast_in_dim3A_1077 = vector.broadcast %jit3A_1075 : f32 to vector<16xf32>
      %broadcast_in_dim3A_1078 = vector.broadcast %jit3A_1076 : f32 to vector<16xf32>
      %select_n3A_1079 = arith.select %ge3A_1074, %broadcast_in_dim3A_1077, %broadcast_in_dim3A_1078 : vector<16xi1>, vector<16xf32>
      %mul3A_1080 = arith.mulf %select_n3A_1079, %neg3A_1018 : vector<16xf32>
      %add3A_1081 = arith.addf %scan3A_911, %mul3A_1080 : vector<16xf32>
      %add3A_1082 = arith.addf %scan3A_920, %select_n3A_1079 : vector<16xf32>
      %ge3A_1083 = arith.constant 0.699999988 : f32
      %ge3A_1084 = vector.broadcast %ge3A_1083 : f32 to vector<16xf32>
      %ge3A_1085 = arith.cmpf oge, %abs3A, %ge3A_1084 : vector<16xf32>
      %jit3A_1086 = arith.constant 1.000000e+00 : f32
      %jit3A_1087 = arith.constant 0.000000e+00 : f32
      %broadcast_in_dim3A_1088 = vector.broadcast %jit3A_1086 : f32 to vector<16xf32>
      %broadcast_in_dim3A_1089 = vector.broadcast %jit3A_1087 : f32 to vector<16xf32>
      %select_n3A_1090 = arith.select %ge3A_1085, %broadcast_in_dim3A_1088, %broadcast_in_dim3A_1089 : vector<16xi1>, vector<16xf32>
      %mul3A_1091 = arith.mulf %select_n3A_1090, %neg3A_1018 : vector<16xf32>
      %add3A_1092 = arith.addf %scan3A_912, %mul3A_1091 : vector<16xf32>
      %add3A_1093 = arith.addf %scan3A_921, %select_n3A_1090 : vector<16xf32>
      %ge3A_1094 = arith.constant 8.000000e-01 : f32
      %ge3A_1095 = vector.broadcast %ge3A_1094 : f32 to vector<16xf32>
      %ge3A_1096 = arith.cmpf oge, %abs3A, %ge3A_1095 : vector<16xf32>
      %jit3A_1097 = arith.constant 1.000000e+00 : f32
      %jit3A_1098 = arith.constant 0.000000e+00 : f32
      %broadcast_in_dim3A_1099 = vector.broadcast %jit3A_1097 : f32 to vector<16xf32>
      %broadcast_in_dim3A_1100 = vector.broadcast %jit3A_1098 : f32 to vector<16xf32>
      %select_n3A_1101 = arith.select %ge3A_1096, %broadcast_in_dim3A_1099, %broadcast_in_dim3A_1100 : vector<16xi1>, vector<16xf32>
      %mul3A_1102 = arith.mulf %select_n3A_1101, %neg3A_1018 : vector<16xf32>
      %add3A_1103 = arith.addf %scan3A_913, %mul3A_1102 : vector<16xf32>
      %add3A_1104 = arith.addf %scan3A_922, %select_n3A_1101 : vector<16xf32>
      %ge3A_1105 = arith.constant 0.899999976 : f32
      %ge3A_1106 = vector.broadcast %ge3A_1105 : f32 to vector<16xf32>
      %ge3A_1107 = arith.cmpf oge, %abs3A, %ge3A_1106 : vector<16xf32>
      %jit3A_1108 = arith.constant 1.000000e+00 : f32
      %jit3A_1109 = arith.constant 0.000000e+00 : f32
      %broadcast_in_dim3A_1110 = vector.broadcast %jit3A_1108 : f32 to vector<16xf32>
      %broadcast_in_dim3A_1111 = vector.broadcast %jit3A_1109 : f32 to vector<16xf32>
      %select_n3A_1112 = arith.select %ge3A_1107, %broadcast_in_dim3A_1110, %broadcast_in_dim3A_1111 : vector<16xi1>, vector<16xf32>
      %mul3A_1113 = arith.mulf %select_n3A_1112, %neg3A_1018 : vector<16xf32>
      %add3A_1114 = arith.addf %scan3A_914, %mul3A_1113 : vector<16xf32>
      %add3A_1115 = arith.addf %scan3A_923, %select_n3A_1112 : vector<16xf32>
      %scan3A_1116 = arith.constant 1 : i32
      %scan3A_1117 = arith.addi %scan3A_904, %scan3A_1116 : i32
      %mul3A_1118 = arith.constant 16 : i32
      %mul3A_1119 = arith.muli %scan3A_1117, %mul3A_1118 : i32
      %get3A_1120 = arith.index_cast %mul3A_1119 : i32 to index
      %get3A_1121 = tpu.vector_load %arg5[%get3A_1120] {strides = array<i32>} : memref<32000xf32, #tpu.memory_space<vmem>>, vector<16xf32>,
      %get3A_1122 = vector.shape_cast %get3A_1121 : vector<16xf32> to vector<16xf32>
      %get3A_1123 = arith.index_cast %mul3A_1119 : i32 to index
      %get3A_1124 = tpu.vector_load %arg6[%get3A_1123] {strides = array<i32>} : memref<32000xf32, #tpu.memory_space<vmem>>, vector<16xf32>,
      %get3A_1125 = vector.shape_cast %get3A_1124 : vector<16xf32> to vector<16xf32>
      %sub3A_1126 = arith.subf %get3A_1122, %get3A_1125 : vector<16xf32>
      %abs3A_1127 = math.absf %sub3A_1126 : vector<16xf32>
      %bitcast_convert_type3A_1128 = tpu.bitcast %get3A_1122 : vector<16xf32> -> vector<16xi32>
      %shift_right_logical3A_1129 = arith.constant 23 : i32
      %shift_right_logical3A_1130 = vector.broadcast %shift_right_logical3A_1129 : i32 to vector<16xi32>
      %shift_right_logical3A_1131 = arith.shrui %bitcast_convert_type3A_1128, %shift_right_logical3A_1130 : vector<16xi32>
      %convert_element_type3A_1132 = arith.sitofp %shift_right_logical3A_1131 : vector<16xi32> to vector<16xf32>
      %sub3A_1133 = arith.constant 1.270000e+02 : f32
      %sub3A_1134 = vector.broadcast %sub3A_1133 : f32 to vector<16xf32>
      %sub3A_1135 = arith.subf %convert_element_type3A_1132, %sub3A_1134 : vector<16xf32>
      %and3A_1136 = arith.constant 8388607 : i32
      %and3A_1137 = vector.broadcast %and3A_1136 : i32 to vector<16xi32>
      %and3A_1138 = arith.andi %bitcast_convert_type3A_1128, %and3A_1137 : vector<16xi32>
      %or3A_1139 = arith.constant 1065353216 : i32
      %or3A_1140 = vector.broadcast %or3A_1139 : i32 to vector<16xi32>
      %or3A_1141 = arith.ori %and3A_1138, %or3A_1140 : vector<16xi32>
      %bitcast_convert_type3A_1142 = tpu.bitcast %or3A_1141 : vector<16xi32> -> vector<16xf32>
      %sub3A_1143 = arith.constant 1.000000e+00 : f32
      %sub3A_1144 = vector.broadcast %sub3A_1143 : f32 to vector<16xf32>
      %sub3A_1145 = arith.subf %bitcast_convert_type3A_1142, %sub3A_1144 : vector<16xf32>
      %mul3A_1146 = arith.constant 0.0313766226 : f32
      %mul3A_1147 = vector.broadcast %mul3A_1146 : f32 to vector<16xf32>
      %mul3A_1148 = arith.mulf %mul3A_1147, %sub3A_1145 : vector<16xf32>
      %add3A_1149 = arith.constant -0.134133309 : f32
      %add3A_1150 = vector.broadcast %add3A_1149 : f32 to vector<16xf32>
      %add3A_1151 = arith.addf %mul3A_1148, %add3A_1150 : vector<16xf32>
      %mul3A_1152 = arith.mulf %add3A_1151, %sub3A_1145 : vector<16xf32>
      %add3A_1153 = arith.constant 0.28782469 : f32
      %add3A_1154 = vector.broadcast %add3A_1153 : f32 to vector<16xf32>
      %add3A_1155 = arith.addf %mul3A_1152, %add3A_1154 : vector<16xf32>
      %mul3A_1156 = arith.mulf %add3A_1155, %sub3A_1145 : vector<16xf32>
      %add3A_1157 = arith.constant -0.491347462 : f32
      %add3A_1158 = vector.broadcast %add3A_1157 : f32 to vector<16xf32>
      %add3A_1159 = arith.addf %mul3A_1156, %add3A_1158 : vector<16xf32>
      %mul3A_1160 = arith.mulf %add3A_1159, %sub3A_1145 : vector<16xf32>
      %add3A_1161 = arith.constant 0.999434947 : f32
      %add3A_1162 = vector.broadcast %add3A_1161 : f32 to vector<16xf32>
      %add3A_1163 = arith.addf %mul3A_1160, %add3A_1162 : vector<16xf32>
      %mul3A_1164 = arith.mulf %add3A_1163, %sub3A_1145 : vector<16xf32>
      %mul3A_1165 = arith.constant 0.693147182 : f32
      %mul3A_1166 = vector.broadcast %mul3A_1165 : f32 to vector<16xf32>
      %mul3A_1167 = arith.mulf %sub3A_1135, %mul3A_1166 : vector<16xf32>
      %add3A_1168 = arith.addf %mul3A_1167, %mul3A_1164 : vector<16xf32>
      %sub3A_1169 = arith.constant 1.000000e+00 : f32
      %sub3A_1170 = vector.broadcast %sub3A_1169 : f32 to vector<16xf32>
      %sub3A_1171 = arith.subf %sub3A_1170, %get3A_1122 : vector<16xf32>
      %bitcast_convert_type3A_1172 = tpu.bitcast %sub3A_1171 : vector<16xf32> -> vector<16xi32>
      %shift_right_logical3A_1173 = arith.constant 23 : i32
      %shift_right_logical3A_1174 = vector.broadcast %shift_right_logical3A_1173 : i32 to vector<16xi32>
      %shift_right_logical3A_1175 = arith.shrui %bitcast_convert_type3A_1172, %shift_right_logical3A_1174 : vector<16xi32>
      %convert_element_type3A_1176 = arith.sitofp %shift_right_logical3A_1175 : vector<16xi32> to vector<16xf32>
      %sub3A_1177 = arith.constant 1.270000e+02 : f32
      %sub3A_1178 = vector.broadcast %sub3A_1177 : f32 to vector<16xf32>
      %sub3A_1179 = arith.subf %convert_element_type3A_1176, %sub3A_1178 : vector<16xf32>
      %and3A_1180 = arith.constant 8388607 : i32
      %and3A_1181 = vector.broadcast %and3A_1180 : i32 to vector<16xi32>
      %and3A_1182 = arith.andi %bitcast_convert_type3A_1172, %and3A_1181 : vector<16xi32>
      %or3A_1183 = arith.constant 1065353216 : i32
      %or3A_1184 = vector.broadcast %or3A_1183 : i32 to vector<16xi32>
      %or3A_1185 = arith.ori %and3A_1182, %or3A_1184 : vector<16xi32>
      %bitcast_convert_type3A_1186 = tpu.bitcast %or3A_1185 : vector<16xi32> -> vector<16xf32>
      %sub3A_1187 = arith.constant 1.000000e+00 : f32
      %sub3A_1188 = vector.broadcast %sub3A_1187 : f32 to vector<16xf32>
      %sub3A_1189 = arith.subf %bitcast_convert_type3A_1186, %sub3A_1188 : vector<16xf32>
      %mul3A_1190 = arith.constant 0.0313766226 : f32
      %mul3A_1191 = vector.broadcast %mul3A_1190 : f32 to vector<16xf32>
      %mul3A_1192 = arith.mulf %mul3A_1191, %sub3A_1189 : vector<16xf32>
      %add3A_1193 = arith.constant -0.134133309 : f32
      %add3A_1194 = vector.broadcast %add3A_1193 : f32 to vector<16xf32>
      %add3A_1195 = arith.addf %mul3A_1192, %add3A_1194 : vector<16xf32>
      %mul3A_1196 = arith.mulf %add3A_1195, %sub3A_1189 : vector<16xf32>
      %add3A_1197 = arith.constant 0.28782469 : f32
      %add3A_1198 = vector.broadcast %add3A_1197 : f32 to vector<16xf32>
      %add3A_1199 = arith.addf %mul3A_1196, %add3A_1198 : vector<16xf32>
      %mul3A_1200 = arith.mulf %add3A_1199, %sub3A_1189 : vector<16xf32>
      %add3A_1201 = arith.constant -0.491347462 : f32
      %add3A_1202 = vector.broadcast %add3A_1201 : f32 to vector<16xf32>
      %add3A_1203 = arith.addf %mul3A_1200, %add3A_1202 : vector<16xf32>
      %mul3A_1204 = arith.mulf %add3A_1203, %sub3A_1189 : vector<16xf32>
      %add3A_1205 = arith.constant 0.999434947 : f32
      %add3A_1206 = vector.broadcast %add3A_1205 : f32 to vector<16xf32>
      %add3A_1207 = arith.addf %mul3A_1204, %add3A_1206 : vector<16xf32>
      %mul3A_1208 = arith.mulf %add3A_1207, %sub3A_1189 : vector<16xf32>
      %mul3A_1209 = arith.constant 0.693147182 : f32
      %mul3A_1210 = vector.broadcast %mul3A_1209 : f32 to vector<16xf32>
      %mul3A_1211 = arith.mulf %sub3A_1179, %mul3A_1210 : vector<16xf32>
      %add3A_1212 = arith.addf %mul3A_1211, %mul3A_1208 : vector<16xf32>
      %mul3A_1213 = arith.mulf %get3A_1125, %add3A_1168 : vector<16xf32>
      %sub3A_1214 = arith.constant 1.000000e+00 : f32
      %sub3A_1215 = vector.broadcast %sub3A_1214 : f32 to vector<16xf32>
      %sub3A_1216 = arith.subf %sub3A_1215, %get3A_1125 : vector<16xf32>
      %mul3A_1217 = arith.mulf %sub3A_1216, %add3A_1212 : vector<16xf32>
      %add3A_1218 = arith.addf %mul3A_1213, %mul3A_1217 : vector<16xf32>
      %neg3A_1219 = arith.constant 0.000000e+00 : f32
      %neg3A_1220 = vector.broadcast %neg3A_1219 : f32 to vector<16xf32>
      %neg3A_1221 = arith.subf %neg3A_1220, %add3A_1218 : vector<16xf32>
      %add3A_1222 = arith.addf %add3A_1019, %neg3A_1221 : vector<16xf32>
      %ge3A_1223 = arith.constant 1.000000e-01 : f32
      %ge3A_1224 = vector.broadcast %ge3A_1223 : f32 to vector<16xf32>
      %ge3A_1225 = arith.cmpf oge, %abs3A_1127, %ge3A_1224 : vector<16xf32>
      %jit3A_1226 = arith.constant 1.000000e+00 : f32
      %jit3A_1227 = arith.constant 0.000000e+00 : f32
      %broadcast_in_dim3A_1228 = vector.broadcast %jit3A_1226 : f32 to vector<16xf32>
      %broadcast_in_dim3A_1229 = vector.broadcast %jit3A_1227 : f32 to vector<16xf32>
      %select_n3A_1230 = arith.select %ge3A_1225, %broadcast_in_dim3A_1228, %broadcast_in_dim3A_1229 : vector<16xi1>, vector<16xf32>
      %mul3A_1231 = arith.mulf %select_n3A_1230, %neg3A_1221 : vector<16xf32>
      %add3A_1232 = arith.addf %add3A_1026, %mul3A_1231 : vector<16xf32>
      %add3A_1233 = arith.addf %add3A_1027, %select_n3A_1230 : vector<16xf32>
      %ge3A_1234 = arith.constant 2.000000e-01 : f32
      %ge3A_1235 = vector.broadcast %ge3A_1234 : f32 to vector<16xf32>
      %ge3A_1236 = arith.cmpf oge, %abs3A_1127, %ge3A_1235 : vector<16xf32>
      %jit3A_1237 = arith.constant 1.000000e+00 : f32
      %jit3A_1238 = arith.constant 0.000000e+00 : f32
      %broadcast_in_dim3A_1239 = vector.broadcast %jit3A_1237 : f32 to vector<16xf32>
      %broadcast_in_dim3A_1240 = vector.broadcast %jit3A_1238 : f32 to vector<16xf32>
      %select_n3A_1241 = arith.select %ge3A_1236, %broadcast_in_dim3A_1239, %broadcast_in_dim3A_1240 : vector<16xi1>, vector<16xf32>
      %mul3A_1242 = arith.mulf %select_n3A_1241, %neg3A_1221 : vector<16xf32>
      %add3A_1243 = arith.addf %add3A_1037, %mul3A_1242 : vector<16xf32>
      %add3A_1244 = arith.addf %add3A_1038, %select_n3A_1241 : vector<16xf32>
      %ge3A_1245 = arith.constant 3.000000e-01 : f32
      %ge3A_1246 = vector.broadcast %ge3A_1245 : f32 to vector<16xf32>
      %ge3A_1247 = arith.cmpf oge, %abs3A_1127, %ge3A_1246 : vector<16xf32>
      %jit3A_1248 = arith.constant 1.000000e+00 : f32
      %jit3A_1249 = arith.constant 0.000000e+00 : f32
      %broadcast_in_dim3A_1250 = vector.broadcast %jit3A_1248 : f32 to vector<16xf32>
      %broadcast_in_dim3A_1251 = vector.broadcast %jit3A_1249 : f32 to vector<16xf32>
      %select_n3A_1252 = arith.select %ge3A_1247, %broadcast_in_dim3A_1250, %broadcast_in_dim3A_1251 : vector<16xi1>, vector<16xf32>
      %mul3A_1253 = arith.mulf %select_n3A_1252, %neg3A_1221 : vector<16xf32>
      %add3A_1254 = arith.addf %add3A_1048, %mul3A_1253 : vector<16xf32>
      %add3A_1255 = arith.addf %add3A_1049, %select_n3A_1252 : vector<16xf32>
      %ge3A_1256 = arith.constant 4.000000e-01 : f32
      %ge3A_1257 = vector.broadcast %ge3A_1256 : f32 to vector<16xf32>
      %ge3A_1258 = arith.cmpf oge, %abs3A_1127, %ge3A_1257 : vector<16xf32>
      %jit3A_1259 = arith.constant 1.000000e+00 : f32
      %jit3A_1260 = arith.constant 0.000000e+00 : f32
      %broadcast_in_dim3A_1261 = vector.broadcast %jit3A_1259 : f32 to vector<16xf32>
      %broadcast_in_dim3A_1262 = vector.broadcast %jit3A_1260 : f32 to vector<16xf32>
      %select_n3A_1263 = arith.select %ge3A_1258, %broadcast_in_dim3A_1261, %broadcast_in_dim3A_1262 : vector<16xi1>, vector<16xf32>
      %mul3A_1264 = arith.mulf %select_n3A_1263, %neg3A_1221 : vector<16xf32>
      %add3A_1265 = arith.addf %add3A_1059, %mul3A_1264 : vector<16xf32>
      %add3A_1266 = arith.addf %add3A_1060, %select_n3A_1263 : vector<16xf32>
      %ge3A_1267 = arith.constant 5.000000e-01 : f32
      %ge3A_1268 = vector.broadcast %ge3A_1267 : f32 to vector<16xf32>
      %ge3A_1269 = arith.cmpf oge, %abs3A_1127, %ge3A_1268 : vector<16xf32>
      %jit3A_1270 = arith.constant 1.000000e+00 : f32
      %jit3A_1271 = arith.constant 0.000000e+00 : f32
      %broadcast_in_dim3A_1272 = vector.broadcast %jit3A_1270 : f32 to vector<16xf32>
      %broadcast_in_dim3A_1273 = vector.broadcast %jit3A_1271 : f32 to vector<16xf32>
      %select_n3A_1274 = arith.select %ge3A_1269, %broadcast_in_dim3A_1272, %broadcast_in_dim3A_1273 : vector<16xi1>, vector<16xf32>
      %mul3A_1275 = arith.mulf %select_n3A_1274, %neg3A_1221 : vector<16xf32>
      %add3A_1276 = arith.addf %add3A_1070, %mul3A_1275 : vector<16xf32>
      %add3A_1277 = arith.addf %add3A_1071, %select_n3A_1274 : vector<16xf32>
      %ge3A_1278 = arith.constant 6.000000e-01 : f32
      %ge3A_1279 = vector.broadcast %ge3A_1278 : f32 to vector<16xf32>
      %ge3A_1280 = arith.cmpf oge, %abs3A_1127, %ge3A_1279 : vector<16xf32>
      %jit3A_1281 = arith.constant 1.000000e+00 : f32
      %jit3A_1282 = arith.constant 0.000000e+00 : f32
      %broadcast_in_dim3A_1283 = vector.broadcast %jit3A_1281 : f32 to vector<16xf32>
      %broadcast_in_dim3A_1284 = vector.broadcast %jit3A_1282 : f32 to vector<16xf32>
      %select_n3A_1285 = arith.select %ge3A_1280, %broadcast_in_dim3A_1283, %broadcast_in_dim3A_1284 : vector<16xi1>, vector<16xf32>
      %mul3A_1286 = arith.mulf %select_n3A_1285, %neg3A_1221 : vector<16xf32>
      %add3A_1287 = arith.addf %add3A_1081, %mul3A_1286 : vector<16xf32>
      %add3A_1288 = arith.addf %add3A_1082, %select_n3A_1285 : vector<16xf32>
      %ge3A_1289 = arith.constant 0.699999988 : f32
      %ge3A_1290 = vector.broadcast %ge3A_1289 : f32 to vector<16xf32>
      %ge3A_1291 = arith.cmpf oge, %abs3A_1127, %ge3A_1290 : vector<16xf32>
      %jit3A_1292 = arith.constant 1.000000e+00 : f32
      %jit3A_1293 = arith.constant 0.000000e+00 : f32
      %broadcast_in_dim3A_1294 = vector.broadcast %jit3A_1292 : f32 to vector<16xf32>
      %broadcast_in_dim3A_1295 = vector.broadcast %jit3A_1293 : f32 to vector<16xf32>
      %select_n3A_1296 = arith.select %ge3A_1291, %broadcast_in_dim3A_1294, %broadcast_in_dim3A_1295 : vector<16xi1>, vector<16xf32>
      %mul3A_1297 = arith.mulf %select_n3A_1296, %neg3A_1221 : vector<16xf32>
      %add3A_1298 = arith.addf %add3A_1092, %mul3A_1297 : vector<16xf32>
      %add3A_1299 = arith.addf %add3A_1093, %select_n3A_1296 : vector<16xf32>
      %ge3A_1300 = arith.constant 8.000000e-01 : f32
      %ge3A_1301 = vector.broadcast %ge3A_1300 : f32 to vector<16xf32>
      %ge3A_1302 = arith.cmpf oge, %abs3A_1127, %ge3A_1301 : vector<16xf32>
      %jit3A_1303 = arith.constant 1.000000e+00 : f32
      %jit3A_1304 = arith.constant 0.000000e+00 : f32
      %broadcast_in_dim3A_1305 = vector.broadcast %jit3A_1303 : f32 to vector<16xf32>
      %broadcast_in_dim3A_1306 = vector.broadcast %jit3A_1304 : f32 to vector<16xf32>
      %select_n3A_1307 = arith.select %ge3A_1302, %broadcast_in_dim3A_1305, %broadcast_in_dim3A_1306 : vector<16xi1>, vector<16xf32>
      %mul3A_1308 = arith.mulf %select_n3A_1307, %neg3A_1221 : vector<16xf32>
      %add3A_1309 = arith.addf %add3A_1103, %mul3A_1308 : vector<16xf32>
      %add3A_1310 = arith.addf %add3A_1104, %select_n3A_1307 : vector<16xf32>
      %ge3A_1311 = arith.constant 0.899999976 : f32
      %ge3A_1312 = vector.broadcast %ge3A_1311 : f32 to vector<16xf32>
      %ge3A_1313 = arith.cmpf oge, %abs3A_1127, %ge3A_1312 : vector<16xf32>
      %jit3A_1314 = arith.constant 1.000000e+00 : f32
      %jit3A_1315 = arith.constant 0.000000e+00 : f32
      %broadcast_in_dim3A_1316 = vector.broadcast %jit3A_1314 : f32 to vector<16xf32>
      %broadcast_in_dim3A_1317 = vector.broadcast %jit3A_1315 : f32 to vector<16xf32>
      %select_n3A_1318 = arith.select %ge3A_1313, %broadcast_in_dim3A_1316, %broadcast_in_dim3A_1317 : vector<16xi1>, vector<16xf32>
      %mul3A_1319 = arith.mulf %select_n3A_1318, %neg3A_1221 : vector<16xf32>
      %add3A_1320 = arith.addf %add3A_1114, %mul3A_1319 : vector<16xf32>
      %add3A_1321 = arith.addf %add3A_1115, %select_n3A_1318 : vector<16xf32>
      scf.yield %add3A_1222, %add3A_1232, %add3A_1243, %add3A_1254, %add3A_1265, %add3A_1276, %add3A_1287, %add3A_1298, %add3A_1309, %add3A_1320, %add3A_1233, %add3A_1244, %add3A_1255, %add3A_1266, %add3A_1277, %add3A_1288, %add3A_1299, %add3A_1310, %add3A_1321 : vector<16xf32>, vector<16xf32>, vector<16xf32>, vector<16xf32>, vector<16xf32>, vector<16xf32>, vector<16xf32>, vector<16xf32>, vector<16xf32>, vector<16xf32>, vector<16xf32>, vector<16xf32>, vector<16xf32>, vector<16xf32>, vector<16xf32>, vector<16xf32>, vector<16xf32>, vector<16xf32>, vector<16xf32>
    }
    %scan3A_439 = arith.constant 2000 : i32
    %swap3A_440 = arith.constant 0 : index
    %swap3A_441 = tpu.vector_load %arg9[%swap3A_440] {strides = array<i32>} : memref<304xf32, #tpu.memory_space<vmem>>, vector<16xf32>,
    %swap3A_442 = vector.shape_cast %swap3A_441 : vector<16xf32> to vector<16xf32>
    %swap3A_443 = vector.shape_cast %scan3A_438#0 : vector<16xf32> to vector<16xf32>
    tpu.vector_store %arg9[%swap3A_440], %swap3A_443 {add = true, strides = array<i32>} : memref<304xf32, #tpu.memory_space<vmem>>, vector<16xf32>,
    %swap3A_444 = arith.constant 16 : index
    %swap3A_445 = tpu.vector_load %arg9[%swap3A_444] {strides = array<i32>} : memref<304xf32, #tpu.memory_space<vmem>>, vector<16xf32>,
    %swap3A_446 = vector.shape_cast %swap3A_445 : vector<16xf32> to vector<16xf32>
    %swap3A_447 = vector.shape_cast %scan3A_438#1 : vector<16xf32> to vector<16xf32>
    tpu.vector_store %arg9[%swap3A_444], %swap3A_447 {add = true, strides = array<i32>} : memref<304xf32, #tpu.memory_space<vmem>>, vector<16xf32>,
    %swap3A_448 = arith.constant 32 : index
    %swap3A_449 = tpu.vector_load %arg9[%swap3A_448] {strides = array<i32>} : memref<304xf32, #tpu.memory_space<vmem>>, vector<16xf32>,
    %swap3A_450 = vector.shape_cast %swap3A_449 : vector<16xf32> to vector<16xf32>
    %swap3A_451 = vector.shape_cast %scan3A_438#2 : vector<16xf32> to vector<16xf32>
    tpu.vector_store %arg9[%swap3A_448], %swap3A_451 {add = true, strides = array<i32>} : memref<304xf32, #tpu.memory_space<vmem>>, vector<16xf32>,
    %swap3A_452 = arith.constant 48 : index
    %swap3A_453 = tpu.vector_load %arg9[%swap3A_452] {strides = array<i32>} : memref<304xf32, #tpu.memory_space<vmem>>, vector<16xf32>,
    %swap3A_454 = vector.shape_cast %swap3A_453 : vector<16xf32> to vector<16xf32>
    %swap3A_455 = vector.shape_cast %scan3A_438#3 : vector<16xf32> to vector<16xf32>
    tpu.vector_store %arg9[%swap3A_452], %swap3A_455 {add = true, strides = array<i32>} : memref<304xf32, #tpu.memory_space<vmem>>, vector<16xf32>,
    %swap3A_456 = arith.constant 64 : index
    %swap3A_457 = tpu.vector_load %arg9[%swap3A_456] {strides = array<i32>} : memref<304xf32, #tpu.memory_space<vmem>>, vector<16xf32>,
    %swap3A_458 = vector.shape_cast %swap3A_457 : vector<16xf32> to vector<16xf32>
    %swap3A_459 = vector.shape_cast %scan3A_438#4 : vector<16xf32> to vector<16xf32>
    tpu.vector_store %arg9[%swap3A_456], %swap3A_459 {add = true, strides = array<i32>} : memref<304xf32, #tpu.memory_space<vmem>>, vector<16xf32>,
    %swap3A_460 = arith.constant 80 : index
    %swap3A_461 = tpu.vector_load %arg9[%swap3A_460] {strides = array<i32>} : memref<304xf32, #tpu.memory_space<vmem>>, vector<16xf32>,
    %swap3A_462 = vector.shape_cast %swap3A_461 : vector<16xf32> to vector<16xf32>
    %swap3A_463 = vector.shape_cast %scan3A_438#5 : vector<16xf32> to vector<16xf32>
    tpu.vector_store %arg9[%swap3A_460], %swap3A_463 {add = true, strides = array<i32>} : memref<304xf32, #tpu.memory_space<vmem>>, vector<16xf32>,
    %swap3A_464 = arith.constant 96 : index
    %swap3A_465 = tpu.vector_load %arg9[%swap3A_464] {strides = array<i32>} : memref<304xf32, #tpu.memory_space<vmem>>, vector<16xf32>,
    %swap3A_466 = vector.shape_cast %swap3A_465 : vector<16xf32> to vector<16xf32>
    %swap3A_467 = vector.shape_cast %scan3A_438#6 : vector<16xf32> to vector<16xf32>
    tpu.vector_store %arg9[%swap3A_464], %swap3A_467 {add = true, strides = array<i32>} : memref<304xf32, #tpu.memory_space<vmem>>, vector<16xf32>,
    %swap3A_468 = arith.constant 112 : index
    %swap3A_469 = tpu.vector_load %arg9[%swap3A_468] {strides = array<i32>} : memref<304xf32, #tpu.memory_space<vmem>>, vector<16xf32>,
    %swap3A_470 = vector.shape_cast %swap3A_469 : vector<16xf32> to vector<16xf32>
    %swap3A_471 = vector.shape_cast %scan3A_438#7 : vector<16xf32> to vector<16xf32>
    tpu.vector_store %arg9[%swap3A_468], %swap3A_471 {add = true, strides = array<i32>} : memref<304xf32, #tpu.memory_space<vmem>>, vector<16xf32>,
    %swap3A_472 = arith.constant 128 : index
    %swap3A_473 = tpu.vector_load %arg9[%swap3A_472] {strides = array<i32>} : memref<304xf32, #tpu.memory_space<vmem>>, vector<16xf32>,
    %swap3A_474 = vector.shape_cast %swap3A_473 : vector<16xf32> to vector<16xf32>
    %swap3A_475 = vector.shape_cast %scan3A_438#8 : vector<16xf32> to vector<16xf32>
    tpu.vector_store %arg9[%swap3A_472], %swap3A_475 {add = true, strides = array<i32>} : memref<304xf32, #tpu.memory_space<vmem>>, vector<16xf32>,
    %swap3A_476 = arith.constant 144 : index
    %swap3A_477 = tpu.vector_load %arg9[%swap3A_476] {strides = array<i32>} : memref<304xf32, #tpu.memory_space<vmem>>, vector<16xf32>,
    %swap3A_478 = vector.shape_cast %swap3A_477 : vector<16xf32> to vector<16xf32>
    %swap3A_479 = vector.shape_cast %scan3A_438#9 : vector<16xf32> to vector<16xf32>
    tpu.vector_store %arg9[%swap3A_476], %swap3A_479 {add = true, strides = array<i32>} : memref<304xf32, #tpu.memory_space<vmem>>, vector<16xf32>,
    %swap3A_480 = arith.constant 160 : index
    %swap3A_481 = tpu.vector_load %arg9[%swap3A_480] {strides = array<i32>} : memref<304xf32, #tpu.memory_space<vmem>>, vector<16xf32>,
    %swap3A_482 = vector.shape_cast %swap3A_481 : vector<16xf32> to vector<16xf32>
    %swap3A_483 = vector.shape_cast %scan3A_438#10 : vector<16xf32> to vector<16xf32>
    tpu.vector_store %arg9[%swap3A_480], %swap3A_483 {add = true, strides = array<i32>} : memref<304xf32, #tpu.memory_space<vmem>>, vector<16xf32>,
    %swap3A_484 = arith.constant 176 : index
    %swap3A_485 = tpu.vector_load %arg9[%swap3A_484] {strides = array<i32>} : memref<304xf32, #tpu.memory_space<vmem>>, vector<16xf32>,
    %swap3A_486 = vector.shape_cast %swap3A_485 : vector<16xf32> to vector<16xf32>
    %swap3A_487 = vector.shape_cast %scan3A_438#11 : vector<16xf32> to vector<16xf32>
    tpu.vector_store %arg9[%swap3A_484], %swap3A_487 {add = true, strides = array<i32>} : memref<304xf32, #tpu.memory_space<vmem>>, vector<16xf32>,
    %swap3A_488 = arith.constant 192 : index
    %swap3A_489 = tpu.vector_load %arg9[%swap3A_488] {strides = array<i32>} : memref<304xf32, #tpu.memory_space<vmem>>, vector<16xf32>,
    %swap3A_490 = vector.shape_cast %swap3A_489 : vector<16xf32> to vector<16xf32>
    %swap3A_491 = vector.shape_cast %scan3A_438#12 : vector<16xf32> to vector<16xf32>
    tpu.vector_store %arg9[%swap3A_488], %swap3A_491 {add = true, strides = array<i32>} : memref<304xf32, #tpu.memory_space<vmem>>, vector<16xf32>,
    %swap3A_492 = arith.constant 208 : index
    %swap3A_493 = tpu.vector_load %arg9[%swap3A_492] {strides = array<i32>} : memref<304xf32, #tpu.memory_space<vmem>>, vector<16xf32>,
    %swap3A_494 = vector.shape_cast %swap3A_493 : vector<16xf32> to vector<16xf32>
    %swap3A_495 = vector.shape_cast %scan3A_438#13 : vector<16xf32> to vector<16xf32>
    tpu.vector_store %arg9[%swap3A_492], %swap3A_495 {add = true, strides = array<i32>} : memref<304xf32, #tpu.memory_space<vmem>>, vector<16xf32>,
    %swap3A_496 = arith.constant 224 : index
    %swap3A_497 = tpu.vector_load %arg9[%swap3A_496] {strides = array<i32>} : memref<304xf32, #tpu.memory_space<vmem>>, vector<16xf32>,
    %swap3A_498 = vector.shape_cast %swap3A_497 : vector<16xf32> to vector<16xf32>
    %swap3A_499 = vector.shape_cast %scan3A_438#14 : vector<16xf32> to vector<16xf32>
    tpu.vector_store %arg9[%swap3A_496], %swap3A_499 {add = true, strides = array<i32>} : memref<304xf32, #tpu.memory_space<vmem>>, vector<16xf32>,
    %swap3A_500 = arith.constant 240 : index
    %swap3A_501 = tpu.vector_load %arg9[%swap3A_500] {strides = array<i32>} : memref<304xf32, #tpu.memory_space<vmem>>, vector<16xf32>,
    %swap3A_502 = vector.shape_cast %swap3A_501 : vector<16xf32> to vector<16xf32>
    %swap3A_503 = vector.shape_cast %scan3A_438#15 : vector<16xf32> to vector<16xf32>
    tpu.vector_store %arg9[%swap3A_500], %swap3A_503 {add = true, strides = array<i32>} : memref<304xf32, #tpu.memory_space<vmem>>, vector<16xf32>,
    %swap3A_504 = arith.constant 256 : index
    %swap3A_505 = tpu.vector_load %arg9[%swap3A_504] {strides = array<i32>} : memref<304xf32, #tpu.memory_space<vmem>>, vector<16xf32>,
    %swap3A_506 = vector.shape_cast %swap3A_505 : vector<16xf32> to vector<16xf32>
    %swap3A_507 = vector.shape_cast %scan3A_438#16 : vector<16xf32> to vector<16xf32>
    tpu.vector_store %arg9[%swap3A_504], %swap3A_507 {add = true, strides = array<i32>} : memref<304xf32, #tpu.memory_space<vmem>>, vector<16xf32>,
    %swap3A_508 = arith.constant 272 : index
    %swap3A_509 = tpu.vector_load %arg9[%swap3A_508] {strides = array<i32>} : memref<304xf32, #tpu.memory_space<vmem>>, vector<16xf32>,
    %swap3A_510 = vector.shape_cast %swap3A_509 : vector<16xf32> to vector<16xf32>
    %swap3A_511 = vector.shape_cast %scan3A_438#17 : vector<16xf32> to vector<16xf32>
    tpu.vector_store %arg9[%swap3A_508], %swap3A_511 {add = true, strides = array<i32>} : memref<304xf32, #tpu.memory_space<vmem>>, vector<16xf32>,
    %swap3A_512 = arith.constant 288 : index
    %swap3A_513 = tpu.vector_load %arg9[%swap3A_512] {strides = array<i32>} : memref<304xf32, #tpu.memory_space<vmem>>, vector<16xf32>,
    %swap3A_514 = vector.shape_cast %swap3A_513 : vector<16xf32> to vector<16xf32>
    %swap3A_515 = vector.shape_cast %scan3A_438#18 : vector<16xf32> to vector<16xf32>
    tpu.vector_store %arg9[%swap3A_512], %swap3A_515 {add = true, strides = array<i32>} : memref<304xf32, #tpu.memory_space<vmem>>, vector<16xf32>,
    %dma_wait3A_516 = tpu.memref_slice %arg2[%add3A_389] : memref<16384000xf32, #tpu.memory_space<hbm>> -> memref<32000xf32, #tpu.memory_space<hbm>>
    %dma_wait3A_517 = tpu.memref_slice %arg2[%add3A_389] : memref<16384000xf32, #tpu.memory_space<hbm>> -> memref<32000xf32, #tpu.memory_space<hbm>>
    tpu.wait_dma2 semaphore(%arg12 : memref<!tpu.dma_semaphore, #tpu.memory_space<semaphore_mem>>) src(%dma_wait3A_517 : memref<32000xf32, #tpu.memory_space<hbm>>) dst(%arg7 : memref<32000xf32, #tpu.memory_space<vmem>>)
    %dma_wait3A_518 = tpu.memref_slice %arg3[%add3A_391] : memref<16384000xf32, #tpu.memory_space<hbm>> -> memref<32000xf32, #tpu.memory_space<hbm>>
    %dma_wait3A_519 = tpu.memref_slice %arg3[%add3A_391] : memref<16384000xf32, #tpu.memory_space<hbm>> -> memref<32000xf32, #tpu.memory_space<hbm>>
    tpu.wait_dma2 semaphore(%arg13 : memref<!tpu.dma_semaphore, #tpu.memory_space<semaphore_mem>>) src(%dma_wait3A_519 : memref<32000xf32, #tpu.memory_space<hbm>>) dst(%arg8 : memref<32000xf32, #tpu.memory_space<vmem>>)
    %add3A_520 = arith.constant 128000 : i32
    %add3A_521 = arith.addi %mul3A_2, %add3A_520 : i32
    %add3A_522 = arith.constant 128000 : i32
    %add3A_523 = arith.addi %mul3A_2, %add3A_522 : i32
    %dma_start3A_524 = tpu.memref_slice %arg2[%add3A_521] : memref<16384000xf32, #tpu.memory_space<hbm>> -> memref<32000xf32, #tpu.memory_space<hbm>>
    %dma_start3A_525 = tpu.memref_slice %arg2[%add3A_521] : memref<16384000xf32, #tpu.memory_space<hbm>> -> memref<32000xf32, #tpu.memory_space<hbm>>
    tpu.enqueue_dma source(%dma_start3A_525 : memref<32000xf32, #tpu.memory_space<hbm>>) target(%arg5 : memref<32000xf32, #tpu.memory_space<vmem>>) target_semaphore(%arg10 : memref<!tpu.dma_semaphore, #tpu.memory_space<semaphore_mem>>)
    %dma_start3A_526 = tpu.memref_slice %arg3[%add3A_523] : memref<16384000xf32, #tpu.memory_space<hbm>> -> memref<32000xf32, #tpu.memory_space<hbm>>
    %dma_start3A_527 = tpu.memref_slice %arg3[%add3A_523] : memref<16384000xf32, #tpu.memory_space<hbm>> -> memref<32000xf32, #tpu.memory_space<hbm>>
    tpu.enqueue_dma source(%dma_start3A_527 : memref<32000xf32, #tpu.memory_space<hbm>>) target(%arg6 : memref<32000xf32, #tpu.memory_space<vmem>>) target_semaphore(%arg11 : memref<!tpu.dma_semaphore, #tpu.memory_space<semaphore_mem>>)
    %broadcast_in_dim3A_528 = arith.constant 0.000000e+00 : f32
    %broadcast_in_dim3A_529 = vector.broadcast %broadcast_in_dim3A_528 : f32 to vector<16xf32>
    %broadcast_in_dim3A_530 = arith.constant 0.000000e+00 : f32
    %broadcast_in_dim3A_531 = vector.broadcast %broadcast_in_dim3A_530 : f32 to vector<16xf32>
    %broadcast_in_dim3A_532 = arith.constant 0.000000e+00 : f32
    %broadcast_in_dim3A_533 = vector.broadcast %broadcast_in_dim3A_532 : f32 to vector<16xf32>
    %broadcast_in_dim3A_534 = arith.constant 0.000000e+00 : f32
    %broadcast_in_dim3A_535 = vector.broadcast %broadcast_in_dim3A_534 : f32 to vector<16xf32>
    %broadcast_in_dim3A_536 = arith.constant 0.000000e+00 : f32
    %broadcast_in_dim3A_537 = vector.broadcast %broadcast_in_dim3A_536 : f32 to vector<16xf32>
    %broadcast_in_dim3A_538 = arith.constant 0.000000e+00 : f32
    %broadcast_in_dim3A_539 = vector.broadcast %broadcast_in_dim3A_538 : f32 to vector<16xf32>
    %broadcast_in_dim3A_540 = arith.constant 0.000000e+00 : f32
    %broadcast_in_dim3A_541 = vector.broadcast %broadcast_in_dim3A_540 : f32 to vector<16xf32>
    %broadcast_in_dim3A_542 = arith.constant 0.000000e+00 : f32
    %broadcast_in_dim3A_543 = vector.broadcast %broadcast_in_dim3A_542 : f32 to vector<16xf32>
    %broadcast_in_dim3A_544 = arith.constant 0.000000e+00 : f32
    %broadcast_in_dim3A_545 = vector.broadcast %broadcast_in_dim3A_544 : f32 to vector<16xf32>
    %broadcast_in_dim3A_546 = arith.constant 0.000000e+00 : f32
    %broadcast_in_dim3A_547 = vector.broadcast %broadcast_in_dim3A_546 : f32 to vector<16xf32>
    %broadcast_in_dim3A_548 = arith.constant 0.000000e+00 : f32
    %broadcast_in_dim3A_549 = vector.broadcast %broadcast_in_dim3A_548 : f32 to vector<16xf32>
    %broadcast_in_dim3A_550 = arith.constant 0.000000e+00 : f32
    %broadcast_in_dim3A_551 = vector.broadcast %broadcast_in_dim3A_550 : f32 to vector<16xf32>
    %broadcast_in_dim3A_552 = arith.constant 0.000000e+00 : f32
    %broadcast_in_dim3A_553 = vector.broadcast %broadcast_in_dim3A_552 : f32 to vector<16xf32>
    %broadcast_in_dim3A_554 = arith.constant 0.000000e+00 : f32
    %broadcast_in_dim3A_555 = vector.broadcast %broadcast_in_dim3A_554 : f32 to vector<16xf32>
    %broadcast_in_dim3A_556 = arith.constant 0.000000e+00 : f32
    %broadcast_in_dim3A_557 = vector.broadcast %broadcast_in_dim3A_556 : f32 to vector<16xf32>
    %broadcast_in_dim3A_558 = arith.constant 0.000000e+00 : f32
    %broadcast_in_dim3A_559 = vector.broadcast %broadcast_in_dim3A_558 : f32 to vector<16xf32>
    %broadcast_in_dim3A_560 = arith.constant 0.000000e+00 : f32
    %broadcast_in_dim3A_561 = vector.broadcast %broadcast_in_dim3A_560 : f32 to vector<16xf32>
    %broadcast_in_dim3A_562 = arith.constant 0.000000e+00 : f32
    %broadcast_in_dim3A_563 = vector.broadcast %broadcast_in_dim3A_562 : f32 to vector<16xf32>
    %broadcast_in_dim3A_564 = arith.constant 0.000000e+00 : f32
    %broadcast_in_dim3A_565 = vector.broadcast %broadcast_in_dim3A_564 : f32 to vector<16xf32>
    %scan3A_566 = arith.constant 0 : i32
    %scan3A_567 = arith.constant 2000 : i32
    %scan3A_568 = arith.addi %scan3A_566, %scan3A_567 : i32
    %scan3A_569 = arith.constant 2 : i32
    %scan3A_570:19 = scf.for %scan3A_904 = %scan3A_566 to %scan3A_568 step %scan3A_569 iter_args(%scan3A_905 = %broadcast_in_dim3A_529, %scan3A_906 = %broadcast_in_dim3A_531, %scan3A_907 = %broadcast_in_dim3A_533, %scan3A_908 = %broadcast_in_dim3A_535, %scan3A_909 = %broadcast_in_dim3A_537, %scan3A_910 = %broadcast_in_dim3A_539, %scan3A_911 = %broadcast_in_dim3A_541, %scan3A_912 = %broadcast_in_dim3A_543, %scan3A_913 = %broadcast_in_dim3A_545, %scan3A_914 = %broadcast_in_dim3A_547, %scan3A_915 = %broadcast_in_dim3A_549, %scan3A_916 = %broadcast_in_dim3A_551, %scan3A_917 = %broadcast_in_dim3A_553, %scan3A_918 = %broadcast_in_dim3A_555, %scan3A_919 = %broadcast_in_dim3A_557, %scan3A_920 = %broadcast_in_dim3A_559, %scan3A_921 = %broadcast_in_dim3A_561, %scan3A_922 = %broadcast_in_dim3A_563, %scan3A_923 = %broadcast_in_dim3A_565) -> (vector<16xf32>, vector<16xf32>, vector<16xf32>, vector<16xf32>, vector<16xf32>, vector<16xf32>, vector<16xf32>, vector<16xf32>, vector<16xf32>, vector<16xf32>, vector<16xf32>, vector<16xf32>, vector<16xf32>, vector<16xf32>, vector<16xf32>, vector<16xf32>, vector<16xf32>, vector<16xf32>, vector<16xf32>)  : i32 {
      %mul3A_924 = arith.constant 16 : i32
      %mul3A_925 = arith.muli %scan3A_904, %mul3A_924 : i32
      %get3A = arith.index_cast %mul3A_925 : i32 to index
      %get3A_926 = tpu.vector_load %arg7[%get3A] {strides = array<i32>} : memref<32000xf32, #tpu.memory_space<vmem>>, vector<16xf32>,
      %get3A_927 = vector.shape_cast %get3A_926 : vector<16xf32> to vector<16xf32>
      %get3A_928 = arith.index_cast %mul3A_925 : i32 to index
      %get3A_929 = tpu.vector_load %arg8[%get3A_928] {strides = array<i32>} : memref<32000xf32, #tpu.memory_space<vmem>>, vector<16xf32>,
      %get3A_930 = vector.shape_cast %get3A_929 : vector<16xf32> to vector<16xf32>
      %sub3A = arith.subf %get3A_927, %get3A_930 : vector<16xf32>
      %abs3A = math.absf %sub3A : vector<16xf32>
      %bitcast_convert_type3A = tpu.bitcast %get3A_927 : vector<16xf32> -> vector<16xi32>
      %shift_right_logical3A = arith.constant 23 : i32
      %shift_right_logical3A_931 = vector.broadcast %shift_right_logical3A : i32 to vector<16xi32>
      %shift_right_logical3A_932 = arith.shrui %bitcast_convert_type3A, %shift_right_logical3A_931 : vector<16xi32>
      %convert_element_type3A = arith.sitofp %shift_right_logical3A_932 : vector<16xi32> to vector<16xf32>
      %sub3A_933 = arith.constant 1.270000e+02 : f32
      %sub3A_934 = vector.broadcast %sub3A_933 : f32 to vector<16xf32>
      %sub3A_935 = arith.subf %convert_element_type3A, %sub3A_934 : vector<16xf32>
      %and3A = arith.constant 8388607 : i32
      %and3A_936 = vector.broadcast %and3A : i32 to vector<16xi32>
      %and3A_937 = arith.andi %bitcast_convert_type3A, %and3A_936 : vector<16xi32>
      %or3A = arith.constant 1065353216 : i32
      %or3A_938 = vector.broadcast %or3A : i32 to vector<16xi32>
      %or3A_939 = arith.ori %and3A_937, %or3A_938 : vector<16xi32>
      %bitcast_convert_type3A_940 = tpu.bitcast %or3A_939 : vector<16xi32> -> vector<16xf32>
      %sub3A_941 = arith.constant 1.000000e+00 : f32
      %sub3A_942 = vector.broadcast %sub3A_941 : f32 to vector<16xf32>
      %sub3A_943 = arith.subf %bitcast_convert_type3A_940, %sub3A_942 : vector<16xf32>
      %mul3A_944 = arith.constant 0.0313766226 : f32
      %mul3A_945 = vector.broadcast %mul3A_944 : f32 to vector<16xf32>
      %mul3A_946 = arith.mulf %mul3A_945, %sub3A_943 : vector<16xf32>
      %add3A_947 = arith.constant -0.134133309 : f32
      %add3A_948 = vector.broadcast %add3A_947 : f32 to vector<16xf32>
      %add3A_949 = arith.addf %mul3A_946, %add3A_948 : vector<16xf32>
      %mul3A_950 = arith.mulf %add3A_949, %sub3A_943 : vector<16xf32>
      %add3A_951 = arith.constant 0.28782469 : f32
      %add3A_952 = vector.broadcast %add3A_951 : f32 to vector<16xf32>
      %add3A_953 = arith.addf %mul3A_950, %add3A_952 : vector<16xf32>
      %mul3A_954 = arith.mulf %add3A_953, %sub3A_943 : vector<16xf32>
      %add3A_955 = arith.constant -0.491347462 : f32
      %add3A_956 = vector.broadcast %add3A_955 : f32 to vector<16xf32>
      %add3A_957 = arith.addf %mul3A_954, %add3A_956 : vector<16xf32>
      %mul3A_958 = arith.mulf %add3A_957, %sub3A_943 : vector<16xf32>
      %add3A_959 = arith.constant 0.999434947 : f32
      %add3A_960 = vector.broadcast %add3A_959 : f32 to vector<16xf32>
      %add3A_961 = arith.addf %mul3A_958, %add3A_960 : vector<16xf32>
      %mul3A_962 = arith.mulf %add3A_961, %sub3A_943 : vector<16xf32>
      %mul3A_963 = arith.constant 0.693147182 : f32
      %mul3A_964 = vector.broadcast %mul3A_963 : f32 to vector<16xf32>
      %mul3A_965 = arith.mulf %sub3A_935, %mul3A_964 : vector<16xf32>
      %add3A_966 = arith.addf %mul3A_965, %mul3A_962 : vector<16xf32>
      %sub3A_967 = arith.constant 1.000000e+00 : f32
      %sub3A_968 = vector.broadcast %sub3A_967 : f32 to vector<16xf32>
      %sub3A_969 = arith.subf %sub3A_968, %get3A_927 : vector<16xf32>
      %bitcast_convert_type3A_970 = tpu.bitcast %sub3A_969 : vector<16xf32> -> vector<16xi32>
      %shift_right_logical3A_971 = arith.constant 23 : i32
      %shift_right_logical3A_972 = vector.broadcast %shift_right_logical3A_971 : i32 to vector<16xi32>
      %shift_right_logical3A_973 = arith.shrui %bitcast_convert_type3A_970, %shift_right_logical3A_972 : vector<16xi32>
      %convert_element_type3A_974 = arith.sitofp %shift_right_logical3A_973 : vector<16xi32> to vector<16xf32>
      %sub3A_975 = arith.constant 1.270000e+02 : f32
      %sub3A_976 = vector.broadcast %sub3A_975 : f32 to vector<16xf32>
      %sub3A_977 = arith.subf %convert_element_type3A_974, %sub3A_976 : vector<16xf32>
      %and3A_978 = arith.constant 8388607 : i32
      %and3A_979 = vector.broadcast %and3A_978 : i32 to vector<16xi32>
      %and3A_980 = arith.andi %bitcast_convert_type3A_970, %and3A_979 : vector<16xi32>
      %or3A_981 = arith.constant 1065353216 : i32
      %or3A_982 = vector.broadcast %or3A_981 : i32 to vector<16xi32>
      %or3A_983 = arith.ori %and3A_980, %or3A_982 : vector<16xi32>
      %bitcast_convert_type3A_984 = tpu.bitcast %or3A_983 : vector<16xi32> -> vector<16xf32>
      %sub3A_985 = arith.constant 1.000000e+00 : f32
      %sub3A_986 = vector.broadcast %sub3A_985 : f32 to vector<16xf32>
      %sub3A_987 = arith.subf %bitcast_convert_type3A_984, %sub3A_986 : vector<16xf32>
      %mul3A_988 = arith.constant 0.0313766226 : f32
      %mul3A_989 = vector.broadcast %mul3A_988 : f32 to vector<16xf32>
      %mul3A_990 = arith.mulf %mul3A_989, %sub3A_987 : vector<16xf32>
      %add3A_991 = arith.constant -0.134133309 : f32
      %add3A_992 = vector.broadcast %add3A_991 : f32 to vector<16xf32>
      %add3A_993 = arith.addf %mul3A_990, %add3A_992 : vector<16xf32>
      %mul3A_994 = arith.mulf %add3A_993, %sub3A_987 : vector<16xf32>
      %add3A_995 = arith.constant 0.28782469 : f32
      %add3A_996 = vector.broadcast %add3A_995 : f32 to vector<16xf32>
      %add3A_997 = arith.addf %mul3A_994, %add3A_996 : vector<16xf32>
      %mul3A_998 = arith.mulf %add3A_997, %sub3A_987 : vector<16xf32>
      %add3A_999 = arith.constant -0.491347462 : f32
      %add3A_1000 = vector.broadcast %add3A_999 : f32 to vector<16xf32>
      %add3A_1001 = arith.addf %mul3A_998, %add3A_1000 : vector<16xf32>
      %mul3A_1002 = arith.mulf %add3A_1001, %sub3A_987 : vector<16xf32>
      %add3A_1003 = arith.constant 0.999434947 : f32
      %add3A_1004 = vector.broadcast %add3A_1003 : f32 to vector<16xf32>
      %add3A_1005 = arith.addf %mul3A_1002, %add3A_1004 : vector<16xf32>
      %mul3A_1006 = arith.mulf %add3A_1005, %sub3A_987 : vector<16xf32>
      %mul3A_1007 = arith.constant 0.693147182 : f32
      %mul3A_1008 = vector.broadcast %mul3A_1007 : f32 to vector<16xf32>
      %mul3A_1009 = arith.mulf %sub3A_977, %mul3A_1008 : vector<16xf32>
      %add3A_1010 = arith.addf %mul3A_1009, %mul3A_1006 : vector<16xf32>
      %mul3A_1011 = arith.mulf %get3A_930, %add3A_966 : vector<16xf32>
      %sub3A_1012 = arith.constant 1.000000e+00 : f32
      %sub3A_1013 = vector.broadcast %sub3A_1012 : f32 to vector<16xf32>
      %sub3A_1014 = arith.subf %sub3A_1013, %get3A_930 : vector<16xf32>
      %mul3A_1015 = arith.mulf %sub3A_1014, %add3A_1010 : vector<16xf32>
      %add3A_1016 = arith.addf %mul3A_1011, %mul3A_1015 : vector<16xf32>
      %neg3A = arith.constant 0.000000e+00 : f32
      %neg3A_1017 = vector.broadcast %neg3A : f32 to vector<16xf32>
      %neg3A_1018 = arith.subf %neg3A_1017, %add3A_1016 : vector<16xf32>
      %add3A_1019 = arith.addf %scan3A_905, %neg3A_1018 : vector<16xf32>
      %ge3A = arith.constant 1.000000e-01 : f32
      %ge3A_1020 = vector.broadcast %ge3A : f32 to vector<16xf32>
      %ge3A_1021 = arith.cmpf oge, %abs3A, %ge3A_1020 : vector<16xf32>
      %jit3A = arith.constant 1.000000e+00 : f32
      %jit3A_1022 = arith.constant 0.000000e+00 : f32
      %broadcast_in_dim3A_1023 = vector.broadcast %jit3A : f32 to vector<16xf32>
      %broadcast_in_dim3A_1024 = vector.broadcast %jit3A_1022 : f32 to vector<16xf32>
      %select_n3A = arith.select %ge3A_1021, %broadcast_in_dim3A_1023, %broadcast_in_dim3A_1024 : vector<16xi1>, vector<16xf32>
      %mul3A_1025 = arith.mulf %select_n3A, %neg3A_1018 : vector<16xf32>
      %add3A_1026 = arith.addf %scan3A_906, %mul3A_1025 : vector<16xf32>
      %add3A_1027 = arith.addf %scan3A_915, %select_n3A : vector<16xf32>
      %ge3A_1028 = arith.constant 2.000000e-01 : f32
      %ge3A_1029 = vector.broadcast %ge3A_1028 : f32 to vector<16xf32>
      %ge3A_1030 = arith.cmpf oge, %abs3A, %ge3A_1029 : vector<16xf32>
      %jit3A_1031 = arith.constant 1.000000e+00 : f32
      %jit3A_1032 = arith.constant 0.000000e+00 : f32
      %broadcast_in_dim3A_1033 = vector.broadcast %jit3A_1031 : f32 to vector<16xf32>
      %broadcast_in_dim3A_1034 = vector.broadcast %jit3A_1032 : f32 to vector<16xf32>
      %select_n3A_1035 = arith.select %ge3A_1030, %broadcast_in_dim3A_1033, %broadcast_in_dim3A_1034 : vector<16xi1>, vector<16xf32>
      %mul3A_1036 = arith.mulf %select_n3A_1035, %neg3A_1018 : vector<16xf32>
      %add3A_1037 = arith.addf %scan3A_907, %mul3A_1036 : vector<16xf32>
      %add3A_1038 = arith.addf %scan3A_916, %select_n3A_1035 : vector<16xf32>
      %ge3A_1039 = arith.constant 3.000000e-01 : f32
      %ge3A_1040 = vector.broadcast %ge3A_1039 : f32 to vector<16xf32>
      %ge3A_1041 = arith.cmpf oge, %abs3A, %ge3A_1040 : vector<16xf32>
      %jit3A_1042 = arith.constant 1.000000e+00 : f32
      %jit3A_1043 = arith.constant 0.000000e+00 : f32
      %broadcast_in_dim3A_1044 = vector.broadcast %jit3A_1042 : f32 to vector<16xf32>
      %broadcast_in_dim3A_1045 = vector.broadcast %jit3A_1043 : f32 to vector<16xf32>
      %select_n3A_1046 = arith.select %ge3A_1041, %broadcast_in_dim3A_1044, %broadcast_in_dim3A_1045 : vector<16xi1>, vector<16xf32>
      %mul3A_1047 = arith.mulf %select_n3A_1046, %neg3A_1018 : vector<16xf32>
      %add3A_1048 = arith.addf %scan3A_908, %mul3A_1047 : vector<16xf32>
      %add3A_1049 = arith.addf %scan3A_917, %select_n3A_1046 : vector<16xf32>
      %ge3A_1050 = arith.constant 4.000000e-01 : f32
      %ge3A_1051 = vector.broadcast %ge3A_1050 : f32 to vector<16xf32>
      %ge3A_1052 = arith.cmpf oge, %abs3A, %ge3A_1051 : vector<16xf32>
      %jit3A_1053 = arith.constant 1.000000e+00 : f32
      %jit3A_1054 = arith.constant 0.000000e+00 : f32
      %broadcast_in_dim3A_1055 = vector.broadcast %jit3A_1053 : f32 to vector<16xf32>
      %broadcast_in_dim3A_1056 = vector.broadcast %jit3A_1054 : f32 to vector<16xf32>
      %select_n3A_1057 = arith.select %ge3A_1052, %broadcast_in_dim3A_1055, %broadcast_in_dim3A_1056 : vector<16xi1>, vector<16xf32>
      %mul3A_1058 = arith.mulf %select_n3A_1057, %neg3A_1018 : vector<16xf32>
      %add3A_1059 = arith.addf %scan3A_909, %mul3A_1058 : vector<16xf32>
      %add3A_1060 = arith.addf %scan3A_918, %select_n3A_1057 : vector<16xf32>
      %ge3A_1061 = arith.constant 5.000000e-01 : f32
      %ge3A_1062 = vector.broadcast %ge3A_1061 : f32 to vector<16xf32>
      %ge3A_1063 = arith.cmpf oge, %abs3A, %ge3A_1062 : vector<16xf32>
      %jit3A_1064 = arith.constant 1.000000e+00 : f32
      %jit3A_1065 = arith.constant 0.000000e+00 : f32
      %broadcast_in_dim3A_1066 = vector.broadcast %jit3A_1064 : f32 to vector<16xf32>
      %broadcast_in_dim3A_1067 = vector.broadcast %jit3A_1065 : f32 to vector<16xf32>
      %select_n3A_1068 = arith.select %ge3A_1063, %broadcast_in_dim3A_1066, %broadcast_in_dim3A_1067 : vector<16xi1>, vector<16xf32>
      %mul3A_1069 = arith.mulf %select_n3A_1068, %neg3A_1018 : vector<16xf32>
      %add3A_1070 = arith.addf %scan3A_910, %mul3A_1069 : vector<16xf32>
      %add3A_1071 = arith.addf %scan3A_919, %select_n3A_1068 : vector<16xf32>
      %ge3A_1072 = arith.constant 6.000000e-01 : f32
      %ge3A_1073 = vector.broadcast %ge3A_1072 : f32 to vector<16xf32>
      %ge3A_1074 = arith.cmpf oge, %abs3A, %ge3A_1073 : vector<16xf32>
      %jit3A_1075 = arith.constant 1.000000e+00 : f32
      %jit3A_1076 = arith.constant 0.000000e+00 : f32
      %broadcast_in_dim3A_1077 = vector.broadcast %jit3A_1075 : f32 to vector<16xf32>
      %broadcast_in_dim3A_1078 = vector.broadcast %jit3A_1076 : f32 to vector<16xf32>
      %select_n3A_1079 = arith.select %ge3A_1074, %broadcast_in_dim3A_1077, %broadcast_in_dim3A_1078 : vector<16xi1>, vector<16xf32>
      %mul3A_1080 = arith.mulf %select_n3A_1079, %neg3A_1018 : vector<16xf32>
      %add3A_1081 = arith.addf %scan3A_911, %mul3A_1080 : vector<16xf32>
      %add3A_1082 = arith.addf %scan3A_920, %select_n3A_1079 : vector<16xf32>
      %ge3A_1083 = arith.constant 0.699999988 : f32
      %ge3A_1084 = vector.broadcast %ge3A_1083 : f32 to vector<16xf32>
      %ge3A_1085 = arith.cmpf oge, %abs3A, %ge3A_1084 : vector<16xf32>
      %jit3A_1086 = arith.constant 1.000000e+00 : f32
      %jit3A_1087 = arith.constant 0.000000e+00 : f32
      %broadcast_in_dim3A_1088 = vector.broadcast %jit3A_1086 : f32 to vector<16xf32>
      %broadcast_in_dim3A_1089 = vector.broadcast %jit3A_1087 : f32 to vector<16xf32>
      %select_n3A_1090 = arith.select %ge3A_1085, %broadcast_in_dim3A_1088, %broadcast_in_dim3A_1089 : vector<16xi1>, vector<16xf32>
      %mul3A_1091 = arith.mulf %select_n3A_1090, %neg3A_1018 : vector<16xf32>
      %add3A_1092 = arith.addf %scan3A_912, %mul3A_1091 : vector<16xf32>
      %add3A_1093 = arith.addf %scan3A_921, %select_n3A_1090 : vector<16xf32>
      %ge3A_1094 = arith.constant 8.000000e-01 : f32
      %ge3A_1095 = vector.broadcast %ge3A_1094 : f32 to vector<16xf32>
      %ge3A_1096 = arith.cmpf oge, %abs3A, %ge3A_1095 : vector<16xf32>
      %jit3A_1097 = arith.constant 1.000000e+00 : f32
      %jit3A_1098 = arith.constant 0.000000e+00 : f32
      %broadcast_in_dim3A_1099 = vector.broadcast %jit3A_1097 : f32 to vector<16xf32>
      %broadcast_in_dim3A_1100 = vector.broadcast %jit3A_1098 : f32 to vector<16xf32>
      %select_n3A_1101 = arith.select %ge3A_1096, %broadcast_in_dim3A_1099, %broadcast_in_dim3A_1100 : vector<16xi1>, vector<16xf32>
      %mul3A_1102 = arith.mulf %select_n3A_1101, %neg3A_1018 : vector<16xf32>
      %add3A_1103 = arith.addf %scan3A_913, %mul3A_1102 : vector<16xf32>
      %add3A_1104 = arith.addf %scan3A_922, %select_n3A_1101 : vector<16xf32>
      %ge3A_1105 = arith.constant 0.899999976 : f32
      %ge3A_1106 = vector.broadcast %ge3A_1105 : f32 to vector<16xf32>
      %ge3A_1107 = arith.cmpf oge, %abs3A, %ge3A_1106 : vector<16xf32>
      %jit3A_1108 = arith.constant 1.000000e+00 : f32
      %jit3A_1109 = arith.constant 0.000000e+00 : f32
      %broadcast_in_dim3A_1110 = vector.broadcast %jit3A_1108 : f32 to vector<16xf32>
      %broadcast_in_dim3A_1111 = vector.broadcast %jit3A_1109 : f32 to vector<16xf32>
      %select_n3A_1112 = arith.select %ge3A_1107, %broadcast_in_dim3A_1110, %broadcast_in_dim3A_1111 : vector<16xi1>, vector<16xf32>
      %mul3A_1113 = arith.mulf %select_n3A_1112, %neg3A_1018 : vector<16xf32>
      %add3A_1114 = arith.addf %scan3A_914, %mul3A_1113 : vector<16xf32>
      %add3A_1115 = arith.addf %scan3A_923, %select_n3A_1112 : vector<16xf32>
      %scan3A_1116 = arith.constant 1 : i32
      %scan3A_1117 = arith.addi %scan3A_904, %scan3A_1116 : i32
      %mul3A_1118 = arith.constant 16 : i32
      %mul3A_1119 = arith.muli %scan3A_1117, %mul3A_1118 : i32
      %get3A_1120 = arith.index_cast %mul3A_1119 : i32 to index
      %get3A_1121 = tpu.vector_load %arg7[%get3A_1120] {strides = array<i32>} : memref<32000xf32, #tpu.memory_space<vmem>>, vector<16xf32>,
      %get3A_1122 = vector.shape_cast %get3A_1121 : vector<16xf32> to vector<16xf32>
      %get3A_1123 = arith.index_cast %mul3A_1119 : i32 to index
      %get3A_1124 = tpu.vector_load %arg8[%get3A_1123] {strides = array<i32>} : memref<32000xf32, #tpu.memory_space<vmem>>, vector<16xf32>,
      %get3A_1125 = vector.shape_cast %get3A_1124 : vector<16xf32> to vector<16xf32>
      %sub3A_1126 = arith.subf %get3A_1122, %get3A_1125 : vector<16xf32>
      %abs3A_1127 = math.absf %sub3A_1126 : vector<16xf32>
      %bitcast_convert_type3A_1128 = tpu.bitcast %get3A_1122 : vector<16xf32> -> vector<16xi32>
      %shift_right_logical3A_1129 = arith.constant 23 : i32
      %shift_right_logical3A_1130 = vector.broadcast %shift_right_logical3A_1129 : i32 to vector<16xi32>
      %shift_right_logical3A_1131 = arith.shrui %bitcast_convert_type3A_1128, %shift_right_logical3A_1130 : vector<16xi32>
      %convert_element_type3A_1132 = arith.sitofp %shift_right_logical3A_1131 : vector<16xi32> to vector<16xf32>
      %sub3A_1133 = arith.constant 1.270000e+02 : f32
      %sub3A_1134 = vector.broadcast %sub3A_1133 : f32 to vector<16xf32>
      %sub3A_1135 = arith.subf %convert_element_type3A_1132, %sub3A_1134 : vector<16xf32>
      %and3A_1136 = arith.constant 8388607 : i32
      %and3A_1137 = vector.broadcast %and3A_1136 : i32 to vector<16xi32>
      %and3A_1138 = arith.andi %bitcast_convert_type3A_1128, %and3A_1137 : vector<16xi32>
      %or3A_1139 = arith.constant 1065353216 : i32
      %or3A_1140 = vector.broadcast %or3A_1139 : i32 to vector<16xi32>
      %or3A_1141 = arith.ori %and3A_1138, %or3A_1140 : vector<16xi32>
      %bitcast_convert_type3A_1142 = tpu.bitcast %or3A_1141 : vector<16xi32> -> vector<16xf32>
      %sub3A_1143 = arith.constant 1.000000e+00 : f32
      %sub3A_1144 = vector.broadcast %sub3A_1143 : f32 to vector<16xf32>
      %sub3A_1145 = arith.subf %bitcast_convert_type3A_1142, %sub3A_1144 : vector<16xf32>
      %mul3A_1146 = arith.constant 0.0313766226 : f32
      %mul3A_1147 = vector.broadcast %mul3A_1146 : f32 to vector<16xf32>
      %mul3A_1148 = arith.mulf %mul3A_1147, %sub3A_1145 : vector<16xf32>
      %add3A_1149 = arith.constant -0.134133309 : f32
      %add3A_1150 = vector.broadcast %add3A_1149 : f32 to vector<16xf32>
      %add3A_1151 = arith.addf %mul3A_1148, %add3A_1150 : vector<16xf32>
      %mul3A_1152 = arith.mulf %add3A_1151, %sub3A_1145 : vector<16xf32>
      %add3A_1153 = arith.constant 0.28782469 : f32
      %add3A_1154 = vector.broadcast %add3A_1153 : f32 to vector<16xf32>
      %add3A_1155 = arith.addf %mul3A_1152, %add3A_1154 : vector<16xf32>
      %mul3A_1156 = arith.mulf %add3A_1155, %sub3A_1145 : vector<16xf32>
      %add3A_1157 = arith.constant -0.491347462 : f32
      %add3A_1158 = vector.broadcast %add3A_1157 : f32 to vector<16xf32>
      %add3A_1159 = arith.addf %mul3A_1156, %add3A_1158 : vector<16xf32>
      %mul3A_1160 = arith.mulf %add3A_1159, %sub3A_1145 : vector<16xf32>
      %add3A_1161 = arith.constant 0.999434947 : f32
      %add3A_1162 = vector.broadcast %add3A_1161 : f32 to vector<16xf32>
      %add3A_1163 = arith.addf %mul3A_1160, %add3A_1162 : vector<16xf32>
      %mul3A_1164 = arith.mulf %add3A_1163, %sub3A_1145 : vector<16xf32>
      %mul3A_1165 = arith.constant 0.693147182 : f32
      %mul3A_1166 = vector.broadcast %mul3A_1165 : f32 to vector<16xf32>
      %mul3A_1167 = arith.mulf %sub3A_1135, %mul3A_1166 : vector<16xf32>
      %add3A_1168 = arith.addf %mul3A_1167, %mul3A_1164 : vector<16xf32>
      %sub3A_1169 = arith.constant 1.000000e+00 : f32
      %sub3A_1170 = vector.broadcast %sub3A_1169 : f32 to vector<16xf32>
      %sub3A_1171 = arith.subf %sub3A_1170, %get3A_1122 : vector<16xf32>
      %bitcast_convert_type3A_1172 = tpu.bitcast %sub3A_1171 : vector<16xf32> -> vector<16xi32>
      %shift_right_logical3A_1173 = arith.constant 23 : i32
      %shift_right_logical3A_1174 = vector.broadcast %shift_right_logical3A_1173 : i32 to vector<16xi32>
      %shift_right_logical3A_1175 = arith.shrui %bitcast_convert_type3A_1172, %shift_right_logical3A_1174 : vector<16xi32>
      %convert_element_type3A_1176 = arith.sitofp %shift_right_logical3A_1175 : vector<16xi32> to vector<16xf32>
      %sub3A_1177 = arith.constant 1.270000e+02 : f32
      %sub3A_1178 = vector.broadcast %sub3A_1177 : f32 to vector<16xf32>
      %sub3A_1179 = arith.subf %convert_element_type3A_1176, %sub3A_1178 : vector<16xf32>
      %and3A_1180 = arith.constant 8388607 : i32
      %and3A_1181 = vector.broadcast %and3A_1180 : i32 to vector<16xi32>
      %and3A_1182 = arith.andi %bitcast_convert_type3A_1172, %and3A_1181 : vector<16xi32>
      %or3A_1183 = arith.constant 1065353216 : i32
      %or3A_1184 = vector.broadcast %or3A_1183 : i32 to vector<16xi32>
      %or3A_1185 = arith.ori %and3A_1182, %or3A_1184 : vector<16xi32>
      %bitcast_convert_type3A_1186 = tpu.bitcast %or3A_1185 : vector<16xi32> -> vector<16xf32>
      %sub3A_1187 = arith.constant 1.000000e+00 : f32
      %sub3A_1188 = vector.broadcast %sub3A_1187 : f32 to vector<16xf32>
      %sub3A_1189 = arith.subf %bitcast_convert_type3A_1186, %sub3A_1188 : vector<16xf32>
      %mul3A_1190 = arith.constant 0.0313766226 : f32
      %mul3A_1191 = vector.broadcast %mul3A_1190 : f32 to vector<16xf32>
      %mul3A_1192 = arith.mulf %mul3A_1191, %sub3A_1189 : vector<16xf32>
      %add3A_1193 = arith.constant -0.134133309 : f32
      %add3A_1194 = vector.broadcast %add3A_1193 : f32 to vector<16xf32>
      %add3A_1195 = arith.addf %mul3A_1192, %add3A_1194 : vector<16xf32>
      %mul3A_1196 = arith.mulf %add3A_1195, %sub3A_1189 : vector<16xf32>
      %add3A_1197 = arith.constant 0.28782469 : f32
      %add3A_1198 = vector.broadcast %add3A_1197 : f32 to vector<16xf32>
      %add3A_1199 = arith.addf %mul3A_1196, %add3A_1198 : vector<16xf32>
      %mul3A_1200 = arith.mulf %add3A_1199, %sub3A_1189 : vector<16xf32>
      %add3A_1201 = arith.constant -0.491347462 : f32
      %add3A_1202 = vector.broadcast %add3A_1201 : f32 to vector<16xf32>
      %add3A_1203 = arith.addf %mul3A_1200, %add3A_1202 : vector<16xf32>
      %mul3A_1204 = arith.mulf %add3A_1203, %sub3A_1189 : vector<16xf32>
      %add3A_1205 = arith.constant 0.999434947 : f32
      %add3A_1206 = vector.broadcast %add3A_1205 : f32 to vector<16xf32>
      %add3A_1207 = arith.addf %mul3A_1204, %add3A_1206 : vector<16xf32>
      %mul3A_1208 = arith.mulf %add3A_1207, %sub3A_1189 : vector<16xf32>
      %mul3A_1209 = arith.constant 0.693147182 : f32
      %mul3A_1210 = vector.broadcast %mul3A_1209 : f32 to vector<16xf32>
      %mul3A_1211 = arith.mulf %sub3A_1179, %mul3A_1210 : vector<16xf32>
      %add3A_1212 = arith.addf %mul3A_1211, %mul3A_1208 : vector<16xf32>
      %mul3A_1213 = arith.mulf %get3A_1125, %add3A_1168 : vector<16xf32>
      %sub3A_1214 = arith.constant 1.000000e+00 : f32
      %sub3A_1215 = vector.broadcast %sub3A_1214 : f32 to vector<16xf32>
      %sub3A_1216 = arith.subf %sub3A_1215, %get3A_1125 : vector<16xf32>
      %mul3A_1217 = arith.mulf %sub3A_1216, %add3A_1212 : vector<16xf32>
      %add3A_1218 = arith.addf %mul3A_1213, %mul3A_1217 : vector<16xf32>
      %neg3A_1219 = arith.constant 0.000000e+00 : f32
      %neg3A_1220 = vector.broadcast %neg3A_1219 : f32 to vector<16xf32>
      %neg3A_1221 = arith.subf %neg3A_1220, %add3A_1218 : vector<16xf32>
      %add3A_1222 = arith.addf %add3A_1019, %neg3A_1221 : vector<16xf32>
      %ge3A_1223 = arith.constant 1.000000e-01 : f32
      %ge3A_1224 = vector.broadcast %ge3A_1223 : f32 to vector<16xf32>
      %ge3A_1225 = arith.cmpf oge, %abs3A_1127, %ge3A_1224 : vector<16xf32>
      %jit3A_1226 = arith.constant 1.000000e+00 : f32
      %jit3A_1227 = arith.constant 0.000000e+00 : f32
      %broadcast_in_dim3A_1228 = vector.broadcast %jit3A_1226 : f32 to vector<16xf32>
      %broadcast_in_dim3A_1229 = vector.broadcast %jit3A_1227 : f32 to vector<16xf32>
      %select_n3A_1230 = arith.select %ge3A_1225, %broadcast_in_dim3A_1228, %broadcast_in_dim3A_1229 : vector<16xi1>, vector<16xf32>
      %mul3A_1231 = arith.mulf %select_n3A_1230, %neg3A_1221 : vector<16xf32>
      %add3A_1232 = arith.addf %add3A_1026, %mul3A_1231 : vector<16xf32>
      %add3A_1233 = arith.addf %add3A_1027, %select_n3A_1230 : vector<16xf32>
      %ge3A_1234 = arith.constant 2.000000e-01 : f32
      %ge3A_1235 = vector.broadcast %ge3A_1234 : f32 to vector<16xf32>
      %ge3A_1236 = arith.cmpf oge, %abs3A_1127, %ge3A_1235 : vector<16xf32>
      %jit3A_1237 = arith.constant 1.000000e+00 : f32
      %jit3A_1238 = arith.constant 0.000000e+00 : f32
      %broadcast_in_dim3A_1239 = vector.broadcast %jit3A_1237 : f32 to vector<16xf32>
      %broadcast_in_dim3A_1240 = vector.broadcast %jit3A_1238 : f32 to vector<16xf32>
      %select_n3A_1241 = arith.select %ge3A_1236, %broadcast_in_dim3A_1239, %broadcast_in_dim3A_1240 : vector<16xi1>, vector<16xf32>
      %mul3A_1242 = arith.mulf %select_n3A_1241, %neg3A_1221 : vector<16xf32>
      %add3A_1243 = arith.addf %add3A_1037, %mul3A_1242 : vector<16xf32>
      %add3A_1244 = arith.addf %add3A_1038, %select_n3A_1241 : vector<16xf32>
      %ge3A_1245 = arith.constant 3.000000e-01 : f32
      %ge3A_1246 = vector.broadcast %ge3A_1245 : f32 to vector<16xf32>
      %ge3A_1247 = arith.cmpf oge, %abs3A_1127, %ge3A_1246 : vector<16xf32>
      %jit3A_1248 = arith.constant 1.000000e+00 : f32
      %jit3A_1249 = arith.constant 0.000000e+00 : f32
      %broadcast_in_dim3A_1250 = vector.broadcast %jit3A_1248 : f32 to vector<16xf32>
      %broadcast_in_dim3A_1251 = vector.broadcast %jit3A_1249 : f32 to vector<16xf32>
      %select_n3A_1252 = arith.select %ge3A_1247, %broadcast_in_dim3A_1250, %broadcast_in_dim3A_1251 : vector<16xi1>, vector<16xf32>
      %mul3A_1253 = arith.mulf %select_n3A_1252, %neg3A_1221 : vector<16xf32>
      %add3A_1254 = arith.addf %add3A_1048, %mul3A_1253 : vector<16xf32>
      %add3A_1255 = arith.addf %add3A_1049, %select_n3A_1252 : vector<16xf32>
      %ge3A_1256 = arith.constant 4.000000e-01 : f32
      %ge3A_1257 = vector.broadcast %ge3A_1256 : f32 to vector<16xf32>
      %ge3A_1258 = arith.cmpf oge, %abs3A_1127, %ge3A_1257 : vector<16xf32>
      %jit3A_1259 = arith.constant 1.000000e+00 : f32
      %jit3A_1260 = arith.constant 0.000000e+00 : f32
      %broadcast_in_dim3A_1261 = vector.broadcast %jit3A_1259 : f32 to vector<16xf32>
      %broadcast_in_dim3A_1262 = vector.broadcast %jit3A_1260 : f32 to vector<16xf32>
      %select_n3A_1263 = arith.select %ge3A_1258, %broadcast_in_dim3A_1261, %broadcast_in_dim3A_1262 : vector<16xi1>, vector<16xf32>
      %mul3A_1264 = arith.mulf %select_n3A_1263, %neg3A_1221 : vector<16xf32>
      %add3A_1265 = arith.addf %add3A_1059, %mul3A_1264 : vector<16xf32>
      %add3A_1266 = arith.addf %add3A_1060, %select_n3A_1263 : vector<16xf32>
      %ge3A_1267 = arith.constant 5.000000e-01 : f32
      %ge3A_1268 = vector.broadcast %ge3A_1267 : f32 to vector<16xf32>
      %ge3A_1269 = arith.cmpf oge, %abs3A_1127, %ge3A_1268 : vector<16xf32>
      %jit3A_1270 = arith.constant 1.000000e+00 : f32
      %jit3A_1271 = arith.constant 0.000000e+00 : f32
      %broadcast_in_dim3A_1272 = vector.broadcast %jit3A_1270 : f32 to vector<16xf32>
      %broadcast_in_dim3A_1273 = vector.broadcast %jit3A_1271 : f32 to vector<16xf32>
      %select_n3A_1274 = arith.select %ge3A_1269, %broadcast_in_dim3A_1272, %broadcast_in_dim3A_1273 : vector<16xi1>, vector<16xf32>
      %mul3A_1275 = arith.mulf %select_n3A_1274, %neg3A_1221 : vector<16xf32>
      %add3A_1276 = arith.addf %add3A_1070, %mul3A_1275 : vector<16xf32>
      %add3A_1277 = arith.addf %add3A_1071, %select_n3A_1274 : vector<16xf32>
      %ge3A_1278 = arith.constant 6.000000e-01 : f32
      %ge3A_1279 = vector.broadcast %ge3A_1278 : f32 to vector<16xf32>
      %ge3A_1280 = arith.cmpf oge, %abs3A_1127, %ge3A_1279 : vector<16xf32>
      %jit3A_1281 = arith.constant 1.000000e+00 : f32
      %jit3A_1282 = arith.constant 0.000000e+00 : f32
      %broadcast_in_dim3A_1283 = vector.broadcast %jit3A_1281 : f32 to vector<16xf32>
      %broadcast_in_dim3A_1284 = vector.broadcast %jit3A_1282 : f32 to vector<16xf32>
      %select_n3A_1285 = arith.select %ge3A_1280, %broadcast_in_dim3A_1283, %broadcast_in_dim3A_1284 : vector<16xi1>, vector<16xf32>
      %mul3A_1286 = arith.mulf %select_n3A_1285, %neg3A_1221 : vector<16xf32>
      %add3A_1287 = arith.addf %add3A_1081, %mul3A_1286 : vector<16xf32>
      %add3A_1288 = arith.addf %add3A_1082, %select_n3A_1285 : vector<16xf32>
      %ge3A_1289 = arith.constant 0.699999988 : f32
      %ge3A_1290 = vector.broadcast %ge3A_1289 : f32 to vector<16xf32>
      %ge3A_1291 = arith.cmpf oge, %abs3A_1127, %ge3A_1290 : vector<16xf32>
      %jit3A_1292 = arith.constant 1.000000e+00 : f32
      %jit3A_1293 = arith.constant 0.000000e+00 : f32
      %broadcast_in_dim3A_1294 = vector.broadcast %jit3A_1292 : f32 to vector<16xf32>
      %broadcast_in_dim3A_1295 = vector.broadcast %jit3A_1293 : f32 to vector<16xf32>
      %select_n3A_1296 = arith.select %ge3A_1291, %broadcast_in_dim3A_1294, %broadcast_in_dim3A_1295 : vector<16xi1>, vector<16xf32>
      %mul3A_1297 = arith.mulf %select_n3A_1296, %neg3A_1221 : vector<16xf32>
      %add3A_1298 = arith.addf %add3A_1092, %mul3A_1297 : vector<16xf32>
      %add3A_1299 = arith.addf %add3A_1093, %select_n3A_1296 : vector<16xf32>
      %ge3A_1300 = arith.constant 8.000000e-01 : f32
      %ge3A_1301 = vector.broadcast %ge3A_1300 : f32 to vector<16xf32>
      %ge3A_1302 = arith.cmpf oge, %abs3A_1127, %ge3A_1301 : vector<16xf32>
      %jit3A_1303 = arith.constant 1.000000e+00 : f32
      %jit3A_1304 = arith.constant 0.000000e+00 : f32
      %broadcast_in_dim3A_1305 = vector.broadcast %jit3A_1303 : f32 to vector<16xf32>
      %broadcast_in_dim3A_1306 = vector.broadcast %jit3A_1304 : f32 to vector<16xf32>
      %select_n3A_1307 = arith.select %ge3A_1302, %broadcast_in_dim3A_1305, %broadcast_in_dim3A_1306 : vector<16xi1>, vector<16xf32>
      %mul3A_1308 = arith.mulf %select_n3A_1307, %neg3A_1221 : vector<16xf32>
      %add3A_1309 = arith.addf %add3A_1103, %mul3A_1308 : vector<16xf32>
      %add3A_1310 = arith.addf %add3A_1104, %select_n3A_1307 : vector<16xf32>
      %ge3A_1311 = arith.constant 0.899999976 : f32
      %ge3A_1312 = vector.broadcast %ge3A_1311 : f32 to vector<16xf32>
      %ge3A_1313 = arith.cmpf oge, %abs3A_1127, %ge3A_1312 : vector<16xf32>
      %jit3A_1314 = arith.constant 1.000000e+00 : f32
      %jit3A_1315 = arith.constant 0.000000e+00 : f32
      %broadcast_in_dim3A_1316 = vector.broadcast %jit3A_1314 : f32 to vector<16xf32>
      %broadcast_in_dim3A_1317 = vector.broadcast %jit3A_1315 : f32 to vector<16xf32>
      %select_n3A_1318 = arith.select %ge3A_1313, %broadcast_in_dim3A_1316, %broadcast_in_dim3A_1317 : vector<16xi1>, vector<16xf32>
      %mul3A_1319 = arith.mulf %select_n3A_1318, %neg3A_1221 : vector<16xf32>
      %add3A_1320 = arith.addf %add3A_1114, %mul3A_1319 : vector<16xf32>
      %add3A_1321 = arith.addf %add3A_1115, %select_n3A_1318 : vector<16xf32>
      scf.yield %add3A_1222, %add3A_1232, %add3A_1243, %add3A_1254, %add3A_1265, %add3A_1276, %add3A_1287, %add3A_1298, %add3A_1309, %add3A_1320, %add3A_1233, %add3A_1244, %add3A_1255, %add3A_1266, %add3A_1277, %add3A_1288, %add3A_1299, %add3A_1310, %add3A_1321 : vector<16xf32>, vector<16xf32>, vector<16xf32>, vector<16xf32>, vector<16xf32>, vector<16xf32>, vector<16xf32>, vector<16xf32>, vector<16xf32>, vector<16xf32>, vector<16xf32>, vector<16xf32>, vector<16xf32>, vector<16xf32>, vector<16xf32>, vector<16xf32>, vector<16xf32>, vector<16xf32>, vector<16xf32>
    }
    %scan3A_571 = arith.constant 2000 : i32
    %swap3A_572 = arith.constant 0 : index
    %swap3A_573 = tpu.vector_load %arg9[%swap3A_572] {strides = array<i32>} : memref<304xf32, #tpu.memory_space<vmem>>, vector<16xf32>,
    %swap3A_574 = vector.shape_cast %swap3A_573 : vector<16xf32> to vector<16xf32>
    %swap3A_575 = vector.shape_cast %scan3A_570#0 : vector<16xf32> to vector<16xf32>
    tpu.vector_store %arg9[%swap3A_572], %swap3A_575 {add = true, strides = array<i32>} : memref<304xf32, #tpu.memory_space<vmem>>, vector<16xf32>,
    %swap3A_576 = arith.constant 16 : index
    %swap3A_577 = tpu.vector_load %arg9[%swap3A_576] {strides = array<i32>} : memref<304xf32, #tpu.memory_space<vmem>>, vector<16xf32>,
    %swap3A_578 = vector.shape_cast %swap3A_577 : vector<16xf32> to vector<16xf32>
    %swap3A_579 = vector.shape_cast %scan3A_570#1 : vector<16xf32> to vector<16xf32>
    tpu.vector_store %arg9[%swap3A_576], %swap3A_579 {add = true, strides = array<i32>} : memref<304xf32, #tpu.memory_space<vmem>>, vector<16xf32>,
    %swap3A_580 = arith.constant 32 : index
    %swap3A_581 = tpu.vector_load %arg9[%swap3A_580] {strides = array<i32>} : memref<304xf32, #tpu.memory_space<vmem>>, vector<16xf32>,
    %swap3A_582 = vector.shape_cast %swap3A_581 : vector<16xf32> to vector<16xf32>
    %swap3A_583 = vector.shape_cast %scan3A_570#2 : vector<16xf32> to vector<16xf32>
    tpu.vector_store %arg9[%swap3A_580], %swap3A_583 {add = true, strides = array<i32>} : memref<304xf32, #tpu.memory_space<vmem>>, vector<16xf32>,
    %swap3A_584 = arith.constant 48 : index
    %swap3A_585 = tpu.vector_load %arg9[%swap3A_584] {strides = array<i32>} : memref<304xf32, #tpu.memory_space<vmem>>, vector<16xf32>,
    %swap3A_586 = vector.shape_cast %swap3A_585 : vector<16xf32> to vector<16xf32>
    %swap3A_587 = vector.shape_cast %scan3A_570#3 : vector<16xf32> to vector<16xf32>
    tpu.vector_store %arg9[%swap3A_584], %swap3A_587 {add = true, strides = array<i32>} : memref<304xf32, #tpu.memory_space<vmem>>, vector<16xf32>,
    %swap3A_588 = arith.constant 64 : index
    %swap3A_589 = tpu.vector_load %arg9[%swap3A_588] {strides = array<i32>} : memref<304xf32, #tpu.memory_space<vmem>>, vector<16xf32>,
    %swap3A_590 = vector.shape_cast %swap3A_589 : vector<16xf32> to vector<16xf32>
    %swap3A_591 = vector.shape_cast %scan3A_570#4 : vector<16xf32> to vector<16xf32>
    tpu.vector_store %arg9[%swap3A_588], %swap3A_591 {add = true, strides = array<i32>} : memref<304xf32, #tpu.memory_space<vmem>>, vector<16xf32>,
    %swap3A_592 = arith.constant 80 : index
    %swap3A_593 = tpu.vector_load %arg9[%swap3A_592] {strides = array<i32>} : memref<304xf32, #tpu.memory_space<vmem>>, vector<16xf32>,
    %swap3A_594 = vector.shape_cast %swap3A_593 : vector<16xf32> to vector<16xf32>
    %swap3A_595 = vector.shape_cast %scan3A_570#5 : vector<16xf32> to vector<16xf32>
    tpu.vector_store %arg9[%swap3A_592], %swap3A_595 {add = true, strides = array<i32>} : memref<304xf32, #tpu.memory_space<vmem>>, vector<16xf32>,
    %swap3A_596 = arith.constant 96 : index
    %swap3A_597 = tpu.vector_load %arg9[%swap3A_596] {strides = array<i32>} : memref<304xf32, #tpu.memory_space<vmem>>, vector<16xf32>,
    %swap3A_598 = vector.shape_cast %swap3A_597 : vector<16xf32> to vector<16xf32>
    %swap3A_599 = vector.shape_cast %scan3A_570#6 : vector<16xf32> to vector<16xf32>
    tpu.vector_store %arg9[%swap3A_596], %swap3A_599 {add = true, strides = array<i32>} : memref<304xf32, #tpu.memory_space<vmem>>, vector<16xf32>,
    %swap3A_600 = arith.constant 112 : index
    %swap3A_601 = tpu.vector_load %arg9[%swap3A_600] {strides = array<i32>} : memref<304xf32, #tpu.memory_space<vmem>>, vector<16xf32>,
    %swap3A_602 = vector.shape_cast %swap3A_601 : vector<16xf32> to vector<16xf32>
    %swap3A_603 = vector.shape_cast %scan3A_570#7 : vector<16xf32> to vector<16xf32>
    tpu.vector_store %arg9[%swap3A_600], %swap3A_603 {add = true, strides = array<i32>} : memref<304xf32, #tpu.memory_space<vmem>>, vector<16xf32>,
    %swap3A_604 = arith.constant 128 : index
    %swap3A_605 = tpu.vector_load %arg9[%swap3A_604] {strides = array<i32>} : memref<304xf32, #tpu.memory_space<vmem>>, vector<16xf32>,
    %swap3A_606 = vector.shape_cast %swap3A_605 : vector<16xf32> to vector<16xf32>
    %swap3A_607 = vector.shape_cast %scan3A_570#8 : vector<16xf32> to vector<16xf32>
    tpu.vector_store %arg9[%swap3A_604], %swap3A_607 {add = true, strides = array<i32>} : memref<304xf32, #tpu.memory_space<vmem>>, vector<16xf32>,
    %swap3A_608 = arith.constant 144 : index
    %swap3A_609 = tpu.vector_load %arg9[%swap3A_608] {strides = array<i32>} : memref<304xf32, #tpu.memory_space<vmem>>, vector<16xf32>,
    %swap3A_610 = vector.shape_cast %swap3A_609 : vector<16xf32> to vector<16xf32>
    %swap3A_611 = vector.shape_cast %scan3A_570#9 : vector<16xf32> to vector<16xf32>
    tpu.vector_store %arg9[%swap3A_608], %swap3A_611 {add = true, strides = array<i32>} : memref<304xf32, #tpu.memory_space<vmem>>, vector<16xf32>,
    %swap3A_612 = arith.constant 160 : index
    %swap3A_613 = tpu.vector_load %arg9[%swap3A_612] {strides = array<i32>} : memref<304xf32, #tpu.memory_space<vmem>>, vector<16xf32>,
    %swap3A_614 = vector.shape_cast %swap3A_613 : vector<16xf32> to vector<16xf32>
    %swap3A_615 = vector.shape_cast %scan3A_570#10 : vector<16xf32> to vector<16xf32>
    tpu.vector_store %arg9[%swap3A_612], %swap3A_615 {add = true, strides = array<i32>} : memref<304xf32, #tpu.memory_space<vmem>>, vector<16xf32>,
    %swap3A_616 = arith.constant 176 : index
    %swap3A_617 = tpu.vector_load %arg9[%swap3A_616] {strides = array<i32>} : memref<304xf32, #tpu.memory_space<vmem>>, vector<16xf32>,
    %swap3A_618 = vector.shape_cast %swap3A_617 : vector<16xf32> to vector<16xf32>
    %swap3A_619 = vector.shape_cast %scan3A_570#11 : vector<16xf32> to vector<16xf32>
    tpu.vector_store %arg9[%swap3A_616], %swap3A_619 {add = true, strides = array<i32>} : memref<304xf32, #tpu.memory_space<vmem>>, vector<16xf32>,
    %swap3A_620 = arith.constant 192 : index
    %swap3A_621 = tpu.vector_load %arg9[%swap3A_620] {strides = array<i32>} : memref<304xf32, #tpu.memory_space<vmem>>, vector<16xf32>,
    %swap3A_622 = vector.shape_cast %swap3A_621 : vector<16xf32> to vector<16xf32>
    %swap3A_623 = vector.shape_cast %scan3A_570#12 : vector<16xf32> to vector<16xf32>
    tpu.vector_store %arg9[%swap3A_620], %swap3A_623 {add = true, strides = array<i32>} : memref<304xf32, #tpu.memory_space<vmem>>, vector<16xf32>,
    %swap3A_624 = arith.constant 208 : index
    %swap3A_625 = tpu.vector_load %arg9[%swap3A_624] {strides = array<i32>} : memref<304xf32, #tpu.memory_space<vmem>>, vector<16xf32>,
    %swap3A_626 = vector.shape_cast %swap3A_625 : vector<16xf32> to vector<16xf32>
    %swap3A_627 = vector.shape_cast %scan3A_570#13 : vector<16xf32> to vector<16xf32>
    tpu.vector_store %arg9[%swap3A_624], %swap3A_627 {add = true, strides = array<i32>} : memref<304xf32, #tpu.memory_space<vmem>>, vector<16xf32>,
    %swap3A_628 = arith.constant 224 : index
    %swap3A_629 = tpu.vector_load %arg9[%swap3A_628] {strides = array<i32>} : memref<304xf32, #tpu.memory_space<vmem>>, vector<16xf32>,
    %swap3A_630 = vector.shape_cast %swap3A_629 : vector<16xf32> to vector<16xf32>
    %swap3A_631 = vector.shape_cast %scan3A_570#14 : vector<16xf32> to vector<16xf32>
    tpu.vector_store %arg9[%swap3A_628], %swap3A_631 {add = true, strides = array<i32>} : memref<304xf32, #tpu.memory_space<vmem>>, vector<16xf32>,
    %swap3A_632 = arith.constant 240 : index
    %swap3A_633 = tpu.vector_load %arg9[%swap3A_632] {strides = array<i32>} : memref<304xf32, #tpu.memory_space<vmem>>, vector<16xf32>,
    %swap3A_634 = vector.shape_cast %swap3A_633 : vector<16xf32> to vector<16xf32>
    %swap3A_635 = vector.shape_cast %scan3A_570#15 : vector<16xf32> to vector<16xf32>
    tpu.vector_store %arg9[%swap3A_632], %swap3A_635 {add = true, strides = array<i32>} : memref<304xf32, #tpu.memory_space<vmem>>, vector<16xf32>,
    %swap3A_636 = arith.constant 256 : index
    %swap3A_637 = tpu.vector_load %arg9[%swap3A_636] {strides = array<i32>} : memref<304xf32, #tpu.memory_space<vmem>>, vector<16xf32>,
    %swap3A_638 = vector.shape_cast %swap3A_637 : vector<16xf32> to vector<16xf32>
    %swap3A_639 = vector.shape_cast %scan3A_570#16 : vector<16xf32> to vector<16xf32>
    tpu.vector_store %arg9[%swap3A_636], %swap3A_639 {add = true, strides = array<i32>} : memref<304xf32, #tpu.memory_space<vmem>>, vector<16xf32>,
    %swap3A_640 = arith.constant 272 : index
    %swap3A_641 = tpu.vector_load %arg9[%swap3A_640] {strides = array<i32>} : memref<304xf32, #tpu.memory_space<vmem>>, vector<16xf32>,
    %swap3A_642 = vector.shape_cast %swap3A_641 : vector<16xf32> to vector<16xf32>
    %swap3A_643 = vector.shape_cast %scan3A_570#17 : vector<16xf32> to vector<16xf32>
    tpu.vector_store %arg9[%swap3A_640], %swap3A_643 {add = true, strides = array<i32>} : memref<304xf32, #tpu.memory_space<vmem>>, vector<16xf32>,
    %swap3A_644 = arith.constant 288 : index
    %swap3A_645 = tpu.vector_load %arg9[%swap3A_644] {strides = array<i32>} : memref<304xf32, #tpu.memory_space<vmem>>, vector<16xf32>,
    %swap3A_646 = vector.shape_cast %swap3A_645 : vector<16xf32> to vector<16xf32>
    %swap3A_647 = vector.shape_cast %scan3A_570#18 : vector<16xf32> to vector<16xf32>
    tpu.vector_store %arg9[%swap3A_644], %swap3A_647 {add = true, strides = array<i32>} : memref<304xf32, #tpu.memory_space<vmem>>, vector<16xf32>,
    %dma_wait3A_648 = tpu.memref_slice %arg2[%add3A_521] : memref<16384000xf32, #tpu.memory_space<hbm>> -> memref<32000xf32, #tpu.memory_space<hbm>>
    %dma_wait3A_649 = tpu.memref_slice %arg2[%add3A_521] : memref<16384000xf32, #tpu.memory_space<hbm>> -> memref<32000xf32, #tpu.memory_space<hbm>>
    tpu.wait_dma2 semaphore(%arg10 : memref<!tpu.dma_semaphore, #tpu.memory_space<semaphore_mem>>) src(%dma_wait3A_649 : memref<32000xf32, #tpu.memory_space<hbm>>) dst(%arg5 : memref<32000xf32, #tpu.memory_space<vmem>>)
    %dma_wait3A_650 = tpu.memref_slice %arg3[%add3A_523] : memref<16384000xf32, #tpu.memory_space<hbm>> -> memref<32000xf32, #tpu.memory_space<hbm>>
    %dma_wait3A_651 = tpu.memref_slice %arg3[%add3A_523] : memref<16384000xf32, #tpu.memory_space<hbm>> -> memref<32000xf32, #tpu.memory_space<hbm>>
    tpu.wait_dma2 semaphore(%arg11 : memref<!tpu.dma_semaphore, #tpu.memory_space<semaphore_mem>>) src(%dma_wait3A_651 : memref<32000xf32, #tpu.memory_space<hbm>>) dst(%arg6 : memref<32000xf32, #tpu.memory_space<vmem>>)
    %add3A_652 = arith.constant 160000 : i32
    %add3A_653 = arith.addi %mul3A_2, %add3A_652 : i32
    %add3A_654 = arith.constant 160000 : i32
    %add3A_655 = arith.addi %mul3A_2, %add3A_654 : i32
    %dma_start3A_656 = tpu.memref_slice %arg2[%add3A_653] : memref<16384000xf32, #tpu.memory_space<hbm>> -> memref<32000xf32, #tpu.memory_space<hbm>>
    %dma_start3A_657 = tpu.memref_slice %arg2[%add3A_653] : memref<16384000xf32, #tpu.memory_space<hbm>> -> memref<32000xf32, #tpu.memory_space<hbm>>
    tpu.enqueue_dma source(%dma_start3A_657 : memref<32000xf32, #tpu.memory_space<hbm>>) target(%arg7 : memref<32000xf32, #tpu.memory_space<vmem>>) target_semaphore(%arg12 : memref<!tpu.dma_semaphore, #tpu.memory_space<semaphore_mem>>)
    %dma_start3A_658 = tpu.memref_slice %arg3[%add3A_655] : memref<16384000xf32, #tpu.memory_space<hbm>> -> memref<32000xf32, #tpu.memory_space<hbm>>
    %dma_start3A_659 = tpu.memref_slice %arg3[%add3A_655] : memref<16384000xf32, #tpu.memory_space<hbm>> -> memref<32000xf32, #tpu.memory_space<hbm>>
    tpu.enqueue_dma source(%dma_start3A_659 : memref<32000xf32, #tpu.memory_space<hbm>>) target(%arg8 : memref<32000xf32, #tpu.memory_space<vmem>>) target_semaphore(%arg13 : memref<!tpu.dma_semaphore, #tpu.memory_space<semaphore_mem>>)
    %broadcast_in_dim3A_660 = arith.constant 0.000000e+00 : f32
    %broadcast_in_dim3A_661 = vector.broadcast %broadcast_in_dim3A_660 : f32 to vector<16xf32>
    %broadcast_in_dim3A_662 = arith.constant 0.000000e+00 : f32
    %broadcast_in_dim3A_663 = vector.broadcast %broadcast_in_dim3A_662 : f32 to vector<16xf32>
    %broadcast_in_dim3A_664 = arith.constant 0.000000e+00 : f32
    %broadcast_in_dim3A_665 = vector.broadcast %broadcast_in_dim3A_664 : f32 to vector<16xf32>
    %broadcast_in_dim3A_666 = arith.constant 0.000000e+00 : f32
    %broadcast_in_dim3A_667 = vector.broadcast %broadcast_in_dim3A_666 : f32 to vector<16xf32>
    %broadcast_in_dim3A_668 = arith.constant 0.000000e+00 : f32
    %broadcast_in_dim3A_669 = vector.broadcast %broadcast_in_dim3A_668 : f32 to vector<16xf32>
    %broadcast_in_dim3A_670 = arith.constant 0.000000e+00 : f32
    %broadcast_in_dim3A_671 = vector.broadcast %broadcast_in_dim3A_670 : f32 to vector<16xf32>
    %broadcast_in_dim3A_672 = arith.constant 0.000000e+00 : f32
    %broadcast_in_dim3A_673 = vector.broadcast %broadcast_in_dim3A_672 : f32 to vector<16xf32>
    %broadcast_in_dim3A_674 = arith.constant 0.000000e+00 : f32
    %broadcast_in_dim3A_675 = vector.broadcast %broadcast_in_dim3A_674 : f32 to vector<16xf32>
    %broadcast_in_dim3A_676 = arith.constant 0.000000e+00 : f32
    %broadcast_in_dim3A_677 = vector.broadcast %broadcast_in_dim3A_676 : f32 to vector<16xf32>
    %broadcast_in_dim3A_678 = arith.constant 0.000000e+00 : f32
    %broadcast_in_dim3A_679 = vector.broadcast %broadcast_in_dim3A_678 : f32 to vector<16xf32>
    %broadcast_in_dim3A_680 = arith.constant 0.000000e+00 : f32
    %broadcast_in_dim3A_681 = vector.broadcast %broadcast_in_dim3A_680 : f32 to vector<16xf32>
    %broadcast_in_dim3A_682 = arith.constant 0.000000e+00 : f32
    %broadcast_in_dim3A_683 = vector.broadcast %broadcast_in_dim3A_682 : f32 to vector<16xf32>
    %broadcast_in_dim3A_684 = arith.constant 0.000000e+00 : f32
    %broadcast_in_dim3A_685 = vector.broadcast %broadcast_in_dim3A_684 : f32 to vector<16xf32>
    %broadcast_in_dim3A_686 = arith.constant 0.000000e+00 : f32
    %broadcast_in_dim3A_687 = vector.broadcast %broadcast_in_dim3A_686 : f32 to vector<16xf32>
    %broadcast_in_dim3A_688 = arith.constant 0.000000e+00 : f32
    %broadcast_in_dim3A_689 = vector.broadcast %broadcast_in_dim3A_688 : f32 to vector<16xf32>
    %broadcast_in_dim3A_690 = arith.constant 0.000000e+00 : f32
    %broadcast_in_dim3A_691 = vector.broadcast %broadcast_in_dim3A_690 : f32 to vector<16xf32>
    %broadcast_in_dim3A_692 = arith.constant 0.000000e+00 : f32
    %broadcast_in_dim3A_693 = vector.broadcast %broadcast_in_dim3A_692 : f32 to vector<16xf32>
    %broadcast_in_dim3A_694 = arith.constant 0.000000e+00 : f32
    %broadcast_in_dim3A_695 = vector.broadcast %broadcast_in_dim3A_694 : f32 to vector<16xf32>
    %broadcast_in_dim3A_696 = arith.constant 0.000000e+00 : f32
    %broadcast_in_dim3A_697 = vector.broadcast %broadcast_in_dim3A_696 : f32 to vector<16xf32>
    %scan3A_698 = arith.constant 0 : i32
    %scan3A_699 = arith.constant 2000 : i32
    %scan3A_700 = arith.addi %scan3A_698, %scan3A_699 : i32
    %scan3A_701 = arith.constant 2 : i32
    %scan3A_702:19 = scf.for %scan3A_904 = %scan3A_698 to %scan3A_700 step %scan3A_701 iter_args(%scan3A_905 = %broadcast_in_dim3A_661, %scan3A_906 = %broadcast_in_dim3A_663, %scan3A_907 = %broadcast_in_dim3A_665, %scan3A_908 = %broadcast_in_dim3A_667, %scan3A_909 = %broadcast_in_dim3A_669, %scan3A_910 = %broadcast_in_dim3A_671, %scan3A_911 = %broadcast_in_dim3A_673, %scan3A_912 = %broadcast_in_dim3A_675, %scan3A_913 = %broadcast_in_dim3A_677, %scan3A_914 = %broadcast_in_dim3A_679, %scan3A_915 = %broadcast_in_dim3A_681, %scan3A_916 = %broadcast_in_dim3A_683, %scan3A_917 = %broadcast_in_dim3A_685, %scan3A_918 = %broadcast_in_dim3A_687, %scan3A_919 = %broadcast_in_dim3A_689, %scan3A_920 = %broadcast_in_dim3A_691, %scan3A_921 = %broadcast_in_dim3A_693, %scan3A_922 = %broadcast_in_dim3A_695, %scan3A_923 = %broadcast_in_dim3A_697) -> (vector<16xf32>, vector<16xf32>, vector<16xf32>, vector<16xf32>, vector<16xf32>, vector<16xf32>, vector<16xf32>, vector<16xf32>, vector<16xf32>, vector<16xf32>, vector<16xf32>, vector<16xf32>, vector<16xf32>, vector<16xf32>, vector<16xf32>, vector<16xf32>, vector<16xf32>, vector<16xf32>, vector<16xf32>)  : i32 {
      %mul3A_924 = arith.constant 16 : i32
      %mul3A_925 = arith.muli %scan3A_904, %mul3A_924 : i32
      %get3A = arith.index_cast %mul3A_925 : i32 to index
      %get3A_926 = tpu.vector_load %arg5[%get3A] {strides = array<i32>} : memref<32000xf32, #tpu.memory_space<vmem>>, vector<16xf32>,
      %get3A_927 = vector.shape_cast %get3A_926 : vector<16xf32> to vector<16xf32>
      %get3A_928 = arith.index_cast %mul3A_925 : i32 to index
      %get3A_929 = tpu.vector_load %arg6[%get3A_928] {strides = array<i32>} : memref<32000xf32, #tpu.memory_space<vmem>>, vector<16xf32>,
      %get3A_930 = vector.shape_cast %get3A_929 : vector<16xf32> to vector<16xf32>
      %sub3A = arith.subf %get3A_927, %get3A_930 : vector<16xf32>
      %abs3A = math.absf %sub3A : vector<16xf32>
      %bitcast_convert_type3A = tpu.bitcast %get3A_927 : vector<16xf32> -> vector<16xi32>
      %shift_right_logical3A = arith.constant 23 : i32
      %shift_right_logical3A_931 = vector.broadcast %shift_right_logical3A : i32 to vector<16xi32>
      %shift_right_logical3A_932 = arith.shrui %bitcast_convert_type3A, %shift_right_logical3A_931 : vector<16xi32>
      %convert_element_type3A = arith.sitofp %shift_right_logical3A_932 : vector<16xi32> to vector<16xf32>
      %sub3A_933 = arith.constant 1.270000e+02 : f32
      %sub3A_934 = vector.broadcast %sub3A_933 : f32 to vector<16xf32>
      %sub3A_935 = arith.subf %convert_element_type3A, %sub3A_934 : vector<16xf32>
      %and3A = arith.constant 8388607 : i32
      %and3A_936 = vector.broadcast %and3A : i32 to vector<16xi32>
      %and3A_937 = arith.andi %bitcast_convert_type3A, %and3A_936 : vector<16xi32>
      %or3A = arith.constant 1065353216 : i32
      %or3A_938 = vector.broadcast %or3A : i32 to vector<16xi32>
      %or3A_939 = arith.ori %and3A_937, %or3A_938 : vector<16xi32>
      %bitcast_convert_type3A_940 = tpu.bitcast %or3A_939 : vector<16xi32> -> vector<16xf32>
      %sub3A_941 = arith.constant 1.000000e+00 : f32
      %sub3A_942 = vector.broadcast %sub3A_941 : f32 to vector<16xf32>
      %sub3A_943 = arith.subf %bitcast_convert_type3A_940, %sub3A_942 : vector<16xf32>
      %mul3A_944 = arith.constant 0.0313766226 : f32
      %mul3A_945 = vector.broadcast %mul3A_944 : f32 to vector<16xf32>
      %mul3A_946 = arith.mulf %mul3A_945, %sub3A_943 : vector<16xf32>
      %add3A_947 = arith.constant -0.134133309 : f32
      %add3A_948 = vector.broadcast %add3A_947 : f32 to vector<16xf32>
      %add3A_949 = arith.addf %mul3A_946, %add3A_948 : vector<16xf32>
      %mul3A_950 = arith.mulf %add3A_949, %sub3A_943 : vector<16xf32>
      %add3A_951 = arith.constant 0.28782469 : f32
      %add3A_952 = vector.broadcast %add3A_951 : f32 to vector<16xf32>
      %add3A_953 = arith.addf %mul3A_950, %add3A_952 : vector<16xf32>
      %mul3A_954 = arith.mulf %add3A_953, %sub3A_943 : vector<16xf32>
      %add3A_955 = arith.constant -0.491347462 : f32
      %add3A_956 = vector.broadcast %add3A_955 : f32 to vector<16xf32>
      %add3A_957 = arith.addf %mul3A_954, %add3A_956 : vector<16xf32>
      %mul3A_958 = arith.mulf %add3A_957, %sub3A_943 : vector<16xf32>
      %add3A_959 = arith.constant 0.999434947 : f32
      %add3A_960 = vector.broadcast %add3A_959 : f32 to vector<16xf32>
      %add3A_961 = arith.addf %mul3A_958, %add3A_960 : vector<16xf32>
      %mul3A_962 = arith.mulf %add3A_961, %sub3A_943 : vector<16xf32>
      %mul3A_963 = arith.constant 0.693147182 : f32
      %mul3A_964 = vector.broadcast %mul3A_963 : f32 to vector<16xf32>
      %mul3A_965 = arith.mulf %sub3A_935, %mul3A_964 : vector<16xf32>
      %add3A_966 = arith.addf %mul3A_965, %mul3A_962 : vector<16xf32>
      %sub3A_967 = arith.constant 1.000000e+00 : f32
      %sub3A_968 = vector.broadcast %sub3A_967 : f32 to vector<16xf32>
      %sub3A_969 = arith.subf %sub3A_968, %get3A_927 : vector<16xf32>
      %bitcast_convert_type3A_970 = tpu.bitcast %sub3A_969 : vector<16xf32> -> vector<16xi32>
      %shift_right_logical3A_971 = arith.constant 23 : i32
      %shift_right_logical3A_972 = vector.broadcast %shift_right_logical3A_971 : i32 to vector<16xi32>
      %shift_right_logical3A_973 = arith.shrui %bitcast_convert_type3A_970, %shift_right_logical3A_972 : vector<16xi32>
      %convert_element_type3A_974 = arith.sitofp %shift_right_logical3A_973 : vector<16xi32> to vector<16xf32>
      %sub3A_975 = arith.constant 1.270000e+02 : f32
      %sub3A_976 = vector.broadcast %sub3A_975 : f32 to vector<16xf32>
      %sub3A_977 = arith.subf %convert_element_type3A_974, %sub3A_976 : vector<16xf32>
      %and3A_978 = arith.constant 8388607 : i32
      %and3A_979 = vector.broadcast %and3A_978 : i32 to vector<16xi32>
      %and3A_980 = arith.andi %bitcast_convert_type3A_970, %and3A_979 : vector<16xi32>
      %or3A_981 = arith.constant 1065353216 : i32
      %or3A_982 = vector.broadcast %or3A_981 : i32 to vector<16xi32>
      %or3A_983 = arith.ori %and3A_980, %or3A_982 : vector<16xi32>
      %bitcast_convert_type3A_984 = tpu.bitcast %or3A_983 : vector<16xi32> -> vector<16xf32>
      %sub3A_985 = arith.constant 1.000000e+00 : f32
      %sub3A_986 = vector.broadcast %sub3A_985 : f32 to vector<16xf32>
      %sub3A_987 = arith.subf %bitcast_convert_type3A_984, %sub3A_986 : vector<16xf32>
      %mul3A_988 = arith.constant 0.0313766226 : f32
      %mul3A_989 = vector.broadcast %mul3A_988 : f32 to vector<16xf32>
      %mul3A_990 = arith.mulf %mul3A_989, %sub3A_987 : vector<16xf32>
      %add3A_991 = arith.constant -0.134133309 : f32
      %add3A_992 = vector.broadcast %add3A_991 : f32 to vector<16xf32>
      %add3A_993 = arith.addf %mul3A_990, %add3A_992 : vector<16xf32>
      %mul3A_994 = arith.mulf %add3A_993, %sub3A_987 : vector<16xf32>
      %add3A_995 = arith.constant 0.28782469 : f32
      %add3A_996 = vector.broadcast %add3A_995 : f32 to vector<16xf32>
      %add3A_997 = arith.addf %mul3A_994, %add3A_996 : vector<16xf32>
      %mul3A_998 = arith.mulf %add3A_997, %sub3A_987 : vector<16xf32>
      %add3A_999 = arith.constant -0.491347462 : f32
      %add3A_1000 = vector.broadcast %add3A_999 : f32 to vector<16xf32>
      %add3A_1001 = arith.addf %mul3A_998, %add3A_1000 : vector<16xf32>
      %mul3A_1002 = arith.mulf %add3A_1001, %sub3A_987 : vector<16xf32>
      %add3A_1003 = arith.constant 0.999434947 : f32
      %add3A_1004 = vector.broadcast %add3A_1003 : f32 to vector<16xf32>
      %add3A_1005 = arith.addf %mul3A_1002, %add3A_1004 : vector<16xf32>
      %mul3A_1006 = arith.mulf %add3A_1005, %sub3A_987 : vector<16xf32>
      %mul3A_1007 = arith.constant 0.693147182 : f32
      %mul3A_1008 = vector.broadcast %mul3A_1007 : f32 to vector<16xf32>
      %mul3A_1009 = arith.mulf %sub3A_977, %mul3A_1008 : vector<16xf32>
      %add3A_1010 = arith.addf %mul3A_1009, %mul3A_1006 : vector<16xf32>
      %mul3A_1011 = arith.mulf %get3A_930, %add3A_966 : vector<16xf32>
      %sub3A_1012 = arith.constant 1.000000e+00 : f32
      %sub3A_1013 = vector.broadcast %sub3A_1012 : f32 to vector<16xf32>
      %sub3A_1014 = arith.subf %sub3A_1013, %get3A_930 : vector<16xf32>
      %mul3A_1015 = arith.mulf %sub3A_1014, %add3A_1010 : vector<16xf32>
      %add3A_1016 = arith.addf %mul3A_1011, %mul3A_1015 : vector<16xf32>
      %neg3A = arith.constant 0.000000e+00 : f32
      %neg3A_1017 = vector.broadcast %neg3A : f32 to vector<16xf32>
      %neg3A_1018 = arith.subf %neg3A_1017, %add3A_1016 : vector<16xf32>
      %add3A_1019 = arith.addf %scan3A_905, %neg3A_1018 : vector<16xf32>
      %ge3A = arith.constant 1.000000e-01 : f32
      %ge3A_1020 = vector.broadcast %ge3A : f32 to vector<16xf32>
      %ge3A_1021 = arith.cmpf oge, %abs3A, %ge3A_1020 : vector<16xf32>
      %jit3A = arith.constant 1.000000e+00 : f32
      %jit3A_1022 = arith.constant 0.000000e+00 : f32
      %broadcast_in_dim3A_1023 = vector.broadcast %jit3A : f32 to vector<16xf32>
      %broadcast_in_dim3A_1024 = vector.broadcast %jit3A_1022 : f32 to vector<16xf32>
      %select_n3A = arith.select %ge3A_1021, %broadcast_in_dim3A_1023, %broadcast_in_dim3A_1024 : vector<16xi1>, vector<16xf32>
      %mul3A_1025 = arith.mulf %select_n3A, %neg3A_1018 : vector<16xf32>
      %add3A_1026 = arith.addf %scan3A_906, %mul3A_1025 : vector<16xf32>
      %add3A_1027 = arith.addf %scan3A_915, %select_n3A : vector<16xf32>
      %ge3A_1028 = arith.constant 2.000000e-01 : f32
      %ge3A_1029 = vector.broadcast %ge3A_1028 : f32 to vector<16xf32>
      %ge3A_1030 = arith.cmpf oge, %abs3A, %ge3A_1029 : vector<16xf32>
      %jit3A_1031 = arith.constant 1.000000e+00 : f32
      %jit3A_1032 = arith.constant 0.000000e+00 : f32
      %broadcast_in_dim3A_1033 = vector.broadcast %jit3A_1031 : f32 to vector<16xf32>
      %broadcast_in_dim3A_1034 = vector.broadcast %jit3A_1032 : f32 to vector<16xf32>
      %select_n3A_1035 = arith.select %ge3A_1030, %broadcast_in_dim3A_1033, %broadcast_in_dim3A_1034 : vector<16xi1>, vector<16xf32>
      %mul3A_1036 = arith.mulf %select_n3A_1035, %neg3A_1018 : vector<16xf32>
      %add3A_1037 = arith.addf %scan3A_907, %mul3A_1036 : vector<16xf32>
      %add3A_1038 = arith.addf %scan3A_916, %select_n3A_1035 : vector<16xf32>
      %ge3A_1039 = arith.constant 3.000000e-01 : f32
      %ge3A_1040 = vector.broadcast %ge3A_1039 : f32 to vector<16xf32>
      %ge3A_1041 = arith.cmpf oge, %abs3A, %ge3A_1040 : vector<16xf32>
      %jit3A_1042 = arith.constant 1.000000e+00 : f32
      %jit3A_1043 = arith.constant 0.000000e+00 : f32
      %broadcast_in_dim3A_1044 = vector.broadcast %jit3A_1042 : f32 to vector<16xf32>
      %broadcast_in_dim3A_1045 = vector.broadcast %jit3A_1043 : f32 to vector<16xf32>
      %select_n3A_1046 = arith.select %ge3A_1041, %broadcast_in_dim3A_1044, %broadcast_in_dim3A_1045 : vector<16xi1>, vector<16xf32>
      %mul3A_1047 = arith.mulf %select_n3A_1046, %neg3A_1018 : vector<16xf32>
      %add3A_1048 = arith.addf %scan3A_908, %mul3A_1047 : vector<16xf32>
      %add3A_1049 = arith.addf %scan3A_917, %select_n3A_1046 : vector<16xf32>
      %ge3A_1050 = arith.constant 4.000000e-01 : f32
      %ge3A_1051 = vector.broadcast %ge3A_1050 : f32 to vector<16xf32>
      %ge3A_1052 = arith.cmpf oge, %abs3A, %ge3A_1051 : vector<16xf32>
      %jit3A_1053 = arith.constant 1.000000e+00 : f32
      %jit3A_1054 = arith.constant 0.000000e+00 : f32
      %broadcast_in_dim3A_1055 = vector.broadcast %jit3A_1053 : f32 to vector<16xf32>
      %broadcast_in_dim3A_1056 = vector.broadcast %jit3A_1054 : f32 to vector<16xf32>
      %select_n3A_1057 = arith.select %ge3A_1052, %broadcast_in_dim3A_1055, %broadcast_in_dim3A_1056 : vector<16xi1>, vector<16xf32>
      %mul3A_1058 = arith.mulf %select_n3A_1057, %neg3A_1018 : vector<16xf32>
      %add3A_1059 = arith.addf %scan3A_909, %mul3A_1058 : vector<16xf32>
      %add3A_1060 = arith.addf %scan3A_918, %select_n3A_1057 : vector<16xf32>
      %ge3A_1061 = arith.constant 5.000000e-01 : f32
      %ge3A_1062 = vector.broadcast %ge3A_1061 : f32 to vector<16xf32>
      %ge3A_1063 = arith.cmpf oge, %abs3A, %ge3A_1062 : vector<16xf32>
      %jit3A_1064 = arith.constant 1.000000e+00 : f32
      %jit3A_1065 = arith.constant 0.000000e+00 : f32
      %broadcast_in_dim3A_1066 = vector.broadcast %jit3A_1064 : f32 to vector<16xf32>
      %broadcast_in_dim3A_1067 = vector.broadcast %jit3A_1065 : f32 to vector<16xf32>
      %select_n3A_1068 = arith.select %ge3A_1063, %broadcast_in_dim3A_1066, %broadcast_in_dim3A_1067 : vector<16xi1>, vector<16xf32>
      %mul3A_1069 = arith.mulf %select_n3A_1068, %neg3A_1018 : vector<16xf32>
      %add3A_1070 = arith.addf %scan3A_910, %mul3A_1069 : vector<16xf32>
      %add3A_1071 = arith.addf %scan3A_919, %select_n3A_1068 : vector<16xf32>
      %ge3A_1072 = arith.constant 6.000000e-01 : f32
      %ge3A_1073 = vector.broadcast %ge3A_1072 : f32 to vector<16xf32>
      %ge3A_1074 = arith.cmpf oge, %abs3A, %ge3A_1073 : vector<16xf32>
      %jit3A_1075 = arith.constant 1.000000e+00 : f32
      %jit3A_1076 = arith.constant 0.000000e+00 : f32
      %broadcast_in_dim3A_1077 = vector.broadcast %jit3A_1075 : f32 to vector<16xf32>
      %broadcast_in_dim3A_1078 = vector.broadcast %jit3A_1076 : f32 to vector<16xf32>
      %select_n3A_1079 = arith.select %ge3A_1074, %broadcast_in_dim3A_1077, %broadcast_in_dim3A_1078 : vector<16xi1>, vector<16xf32>
      %mul3A_1080 = arith.mulf %select_n3A_1079, %neg3A_1018 : vector<16xf32>
      %add3A_1081 = arith.addf %scan3A_911, %mul3A_1080 : vector<16xf32>
      %add3A_1082 = arith.addf %scan3A_920, %select_n3A_1079 : vector<16xf32>
      %ge3A_1083 = arith.constant 0.699999988 : f32
      %ge3A_1084 = vector.broadcast %ge3A_1083 : f32 to vector<16xf32>
      %ge3A_1085 = arith.cmpf oge, %abs3A, %ge3A_1084 : vector<16xf32>
      %jit3A_1086 = arith.constant 1.000000e+00 : f32
      %jit3A_1087 = arith.constant 0.000000e+00 : f32
      %broadcast_in_dim3A_1088 = vector.broadcast %jit3A_1086 : f32 to vector<16xf32>
      %broadcast_in_dim3A_1089 = vector.broadcast %jit3A_1087 : f32 to vector<16xf32>
      %select_n3A_1090 = arith.select %ge3A_1085, %broadcast_in_dim3A_1088, %broadcast_in_dim3A_1089 : vector<16xi1>, vector<16xf32>
      %mul3A_1091 = arith.mulf %select_n3A_1090, %neg3A_1018 : vector<16xf32>
      %add3A_1092 = arith.addf %scan3A_912, %mul3A_1091 : vector<16xf32>
      %add3A_1093 = arith.addf %scan3A_921, %select_n3A_1090 : vector<16xf32>
      %ge3A_1094 = arith.constant 8.000000e-01 : f32
      %ge3A_1095 = vector.broadcast %ge3A_1094 : f32 to vector<16xf32>
      %ge3A_1096 = arith.cmpf oge, %abs3A, %ge3A_1095 : vector<16xf32>
      %jit3A_1097 = arith.constant 1.000000e+00 : f32
      %jit3A_1098 = arith.constant 0.000000e+00 : f32
      %broadcast_in_dim3A_1099 = vector.broadcast %jit3A_1097 : f32 to vector<16xf32>
      %broadcast_in_dim3A_1100 = vector.broadcast %jit3A_1098 : f32 to vector<16xf32>
      %select_n3A_1101 = arith.select %ge3A_1096, %broadcast_in_dim3A_1099, %broadcast_in_dim3A_1100 : vector<16xi1>, vector<16xf32>
      %mul3A_1102 = arith.mulf %select_n3A_1101, %neg3A_1018 : vector<16xf32>
      %add3A_1103 = arith.addf %scan3A_913, %mul3A_1102 : vector<16xf32>
      %add3A_1104 = arith.addf %scan3A_922, %select_n3A_1101 : vector<16xf32>
      %ge3A_1105 = arith.constant 0.899999976 : f32
      %ge3A_1106 = vector.broadcast %ge3A_1105 : f32 to vector<16xf32>
      %ge3A_1107 = arith.cmpf oge, %abs3A, %ge3A_1106 : vector<16xf32>
      %jit3A_1108 = arith.constant 1.000000e+00 : f32
      %jit3A_1109 = arith.constant 0.000000e+00 : f32
      %broadcast_in_dim3A_1110 = vector.broadcast %jit3A_1108 : f32 to vector<16xf32>
      %broadcast_in_dim3A_1111 = vector.broadcast %jit3A_1109 : f32 to vector<16xf32>
      %select_n3A_1112 = arith.select %ge3A_1107, %broadcast_in_dim3A_1110, %broadcast_in_dim3A_1111 : vector<16xi1>, vector<16xf32>
      %mul3A_1113 = arith.mulf %select_n3A_1112, %neg3A_1018 : vector<16xf32>
      %add3A_1114 = arith.addf %scan3A_914, %mul3A_1113 : vector<16xf32>
      %add3A_1115 = arith.addf %scan3A_923, %select_n3A_1112 : vector<16xf32>
      %scan3A_1116 = arith.constant 1 : i32
      %scan3A_1117 = arith.addi %scan3A_904, %scan3A_1116 : i32
      %mul3A_1118 = arith.constant 16 : i32
      %mul3A_1119 = arith.muli %scan3A_1117, %mul3A_1118 : i32
      %get3A_1120 = arith.index_cast %mul3A_1119 : i32 to index
      %get3A_1121 = tpu.vector_load %arg5[%get3A_1120] {strides = array<i32>} : memref<32000xf32, #tpu.memory_space<vmem>>, vector<16xf32>,
      %get3A_1122 = vector.shape_cast %get3A_1121 : vector<16xf32> to vector<16xf32>
      %get3A_1123 = arith.index_cast %mul3A_1119 : i32 to index
      %get3A_1124 = tpu.vector_load %arg6[%get3A_1123] {strides = array<i32>} : memref<32000xf32, #tpu.memory_space<vmem>>, vector<16xf32>,
      %get3A_1125 = vector.shape_cast %get3A_1124 : vector<16xf32> to vector<16xf32>
      %sub3A_1126 = arith.subf %get3A_1122, %get3A_1125 : vector<16xf32>
      %abs3A_1127 = math.absf %sub3A_1126 : vector<16xf32>
      %bitcast_convert_type3A_1128 = tpu.bitcast %get3A_1122 : vector<16xf32> -> vector<16xi32>
      %shift_right_logical3A_1129 = arith.constant 23 : i32
      %shift_right_logical3A_1130 = vector.broadcast %shift_right_logical3A_1129 : i32 to vector<16xi32>
      %shift_right_logical3A_1131 = arith.shrui %bitcast_convert_type3A_1128, %shift_right_logical3A_1130 : vector<16xi32>
      %convert_element_type3A_1132 = arith.sitofp %shift_right_logical3A_1131 : vector<16xi32> to vector<16xf32>
      %sub3A_1133 = arith.constant 1.270000e+02 : f32
      %sub3A_1134 = vector.broadcast %sub3A_1133 : f32 to vector<16xf32>
      %sub3A_1135 = arith.subf %convert_element_type3A_1132, %sub3A_1134 : vector<16xf32>
      %and3A_1136 = arith.constant 8388607 : i32
      %and3A_1137 = vector.broadcast %and3A_1136 : i32 to vector<16xi32>
      %and3A_1138 = arith.andi %bitcast_convert_type3A_1128, %and3A_1137 : vector<16xi32>
      %or3A_1139 = arith.constant 1065353216 : i32
      %or3A_1140 = vector.broadcast %or3A_1139 : i32 to vector<16xi32>
      %or3A_1141 = arith.ori %and3A_1138, %or3A_1140 : vector<16xi32>
      %bitcast_convert_type3A_1142 = tpu.bitcast %or3A_1141 : vector<16xi32> -> vector<16xf32>
      %sub3A_1143 = arith.constant 1.000000e+00 : f32
      %sub3A_1144 = vector.broadcast %sub3A_1143 : f32 to vector<16xf32>
      %sub3A_1145 = arith.subf %bitcast_convert_type3A_1142, %sub3A_1144 : vector<16xf32>
      %mul3A_1146 = arith.constant 0.0313766226 : f32
      %mul3A_1147 = vector.broadcast %mul3A_1146 : f32 to vector<16xf32>
      %mul3A_1148 = arith.mulf %mul3A_1147, %sub3A_1145 : vector<16xf32>
      %add3A_1149 = arith.constant -0.134133309 : f32
      %add3A_1150 = vector.broadcast %add3A_1149 : f32 to vector<16xf32>
      %add3A_1151 = arith.addf %mul3A_1148, %add3A_1150 : vector<16xf32>
      %mul3A_1152 = arith.mulf %add3A_1151, %sub3A_1145 : vector<16xf32>
      %add3A_1153 = arith.constant 0.28782469 : f32
      %add3A_1154 = vector.broadcast %add3A_1153 : f32 to vector<16xf32>
      %add3A_1155 = arith.addf %mul3A_1152, %add3A_1154 : vector<16xf32>
      %mul3A_1156 = arith.mulf %add3A_1155, %sub3A_1145 : vector<16xf32>
      %add3A_1157 = arith.constant -0.491347462 : f32
      %add3A_1158 = vector.broadcast %add3A_1157 : f32 to vector<16xf32>
      %add3A_1159 = arith.addf %mul3A_1156, %add3A_1158 : vector<16xf32>
      %mul3A_1160 = arith.mulf %add3A_1159, %sub3A_1145 : vector<16xf32>
      %add3A_1161 = arith.constant 0.999434947 : f32
      %add3A_1162 = vector.broadcast %add3A_1161 : f32 to vector<16xf32>
      %add3A_1163 = arith.addf %mul3A_1160, %add3A_1162 : vector<16xf32>
      %mul3A_1164 = arith.mulf %add3A_1163, %sub3A_1145 : vector<16xf32>
      %mul3A_1165 = arith.constant 0.693147182 : f32
      %mul3A_1166 = vector.broadcast %mul3A_1165 : f32 to vector<16xf32>
      %mul3A_1167 = arith.mulf %sub3A_1135, %mul3A_1166 : vector<16xf32>
      %add3A_1168 = arith.addf %mul3A_1167, %mul3A_1164 : vector<16xf32>
      %sub3A_1169 = arith.constant 1.000000e+00 : f32
      %sub3A_1170 = vector.broadcast %sub3A_1169 : f32 to vector<16xf32>
      %sub3A_1171 = arith.subf %sub3A_1170, %get3A_1122 : vector<16xf32>
      %bitcast_convert_type3A_1172 = tpu.bitcast %sub3A_1171 : vector<16xf32> -> vector<16xi32>
      %shift_right_logical3A_1173 = arith.constant 23 : i32
      %shift_right_logical3A_1174 = vector.broadcast %shift_right_logical3A_1173 : i32 to vector<16xi32>
      %shift_right_logical3A_1175 = arith.shrui %bitcast_convert_type3A_1172, %shift_right_logical3A_1174 : vector<16xi32>
      %convert_element_type3A_1176 = arith.sitofp %shift_right_logical3A_1175 : vector<16xi32> to vector<16xf32>
      %sub3A_1177 = arith.constant 1.270000e+02 : f32
      %sub3A_1178 = vector.broadcast %sub3A_1177 : f32 to vector<16xf32>
      %sub3A_1179 = arith.subf %convert_element_type3A_1176, %sub3A_1178 : vector<16xf32>
      %and3A_1180 = arith.constant 8388607 : i32
      %and3A_1181 = vector.broadcast %and3A_1180 : i32 to vector<16xi32>
      %and3A_1182 = arith.andi %bitcast_convert_type3A_1172, %and3A_1181 : vector<16xi32>
      %or3A_1183 = arith.constant 1065353216 : i32
      %or3A_1184 = vector.broadcast %or3A_1183 : i32 to vector<16xi32>
      %or3A_1185 = arith.ori %and3A_1182, %or3A_1184 : vector<16xi32>
      %bitcast_convert_type3A_1186 = tpu.bitcast %or3A_1185 : vector<16xi32> -> vector<16xf32>
      %sub3A_1187 = arith.constant 1.000000e+00 : f32
      %sub3A_1188 = vector.broadcast %sub3A_1187 : f32 to vector<16xf32>
      %sub3A_1189 = arith.subf %bitcast_convert_type3A_1186, %sub3A_1188 : vector<16xf32>
      %mul3A_1190 = arith.constant 0.0313766226 : f32
      %mul3A_1191 = vector.broadcast %mul3A_1190 : f32 to vector<16xf32>
      %mul3A_1192 = arith.mulf %mul3A_1191, %sub3A_1189 : vector<16xf32>
      %add3A_1193 = arith.constant -0.134133309 : f32
      %add3A_1194 = vector.broadcast %add3A_1193 : f32 to vector<16xf32>
      %add3A_1195 = arith.addf %mul3A_1192, %add3A_1194 : vector<16xf32>
      %mul3A_1196 = arith.mulf %add3A_1195, %sub3A_1189 : vector<16xf32>
      %add3A_1197 = arith.constant 0.28782469 : f32
      %add3A_1198 = vector.broadcast %add3A_1197 : f32 to vector<16xf32>
      %add3A_1199 = arith.addf %mul3A_1196, %add3A_1198 : vector<16xf32>
      %mul3A_1200 = arith.mulf %add3A_1199, %sub3A_1189 : vector<16xf32>
      %add3A_1201 = arith.constant -0.491347462 : f32
      %add3A_1202 = vector.broadcast %add3A_1201 : f32 to vector<16xf32>
      %add3A_1203 = arith.addf %mul3A_1200, %add3A_1202 : vector<16xf32>
      %mul3A_1204 = arith.mulf %add3A_1203, %sub3A_1189 : vector<16xf32>
      %add3A_1205 = arith.constant 0.999434947 : f32
      %add3A_1206 = vector.broadcast %add3A_1205 : f32 to vector<16xf32>
      %add3A_1207 = arith.addf %mul3A_1204, %add3A_1206 : vector<16xf32>
      %mul3A_1208 = arith.mulf %add3A_1207, %sub3A_1189 : vector<16xf32>
      %mul3A_1209 = arith.constant 0.693147182 : f32
      %mul3A_1210 = vector.broadcast %mul3A_1209 : f32 to vector<16xf32>
      %mul3A_1211 = arith.mulf %sub3A_1179, %mul3A_1210 : vector<16xf32>
      %add3A_1212 = arith.addf %mul3A_1211, %mul3A_1208 : vector<16xf32>
      %mul3A_1213 = arith.mulf %get3A_1125, %add3A_1168 : vector<16xf32>
      %sub3A_1214 = arith.constant 1.000000e+00 : f32
      %sub3A_1215 = vector.broadcast %sub3A_1214 : f32 to vector<16xf32>
      %sub3A_1216 = arith.subf %sub3A_1215, %get3A_1125 : vector<16xf32>
      %mul3A_1217 = arith.mulf %sub3A_1216, %add3A_1212 : vector<16xf32>
      %add3A_1218 = arith.addf %mul3A_1213, %mul3A_1217 : vector<16xf32>
      %neg3A_1219 = arith.constant 0.000000e+00 : f32
      %neg3A_1220 = vector.broadcast %neg3A_1219 : f32 to vector<16xf32>
      %neg3A_1221 = arith.subf %neg3A_1220, %add3A_1218 : vector<16xf32>
      %add3A_1222 = arith.addf %add3A_1019, %neg3A_1221 : vector<16xf32>
      %ge3A_1223 = arith.constant 1.000000e-01 : f32
      %ge3A_1224 = vector.broadcast %ge3A_1223 : f32 to vector<16xf32>
      %ge3A_1225 = arith.cmpf oge, %abs3A_1127, %ge3A_1224 : vector<16xf32>
      %jit3A_1226 = arith.constant 1.000000e+00 : f32
      %jit3A_1227 = arith.constant 0.000000e+00 : f32
      %broadcast_in_dim3A_1228 = vector.broadcast %jit3A_1226 : f32 to vector<16xf32>
      %broadcast_in_dim3A_1229 = vector.broadcast %jit3A_1227 : f32 to vector<16xf32>
      %select_n3A_1230 = arith.select %ge3A_1225, %broadcast_in_dim3A_1228, %broadcast_in_dim3A_1229 : vector<16xi1>, vector<16xf32>
      %mul3A_1231 = arith.mulf %select_n3A_1230, %neg3A_1221 : vector<16xf32>
      %add3A_1232 = arith.addf %add3A_1026, %mul3A_1231 : vector<16xf32>
      %add3A_1233 = arith.addf %add3A_1027, %select_n3A_1230 : vector<16xf32>
      %ge3A_1234 = arith.constant 2.000000e-01 : f32
      %ge3A_1235 = vector.broadcast %ge3A_1234 : f32 to vector<16xf32>
      %ge3A_1236 = arith.cmpf oge, %abs3A_1127, %ge3A_1235 : vector<16xf32>
      %jit3A_1237 = arith.constant 1.000000e+00 : f32
      %jit3A_1238 = arith.constant 0.000000e+00 : f32
      %broadcast_in_dim3A_1239 = vector.broadcast %jit3A_1237 : f32 to vector<16xf32>
      %broadcast_in_dim3A_1240 = vector.broadcast %jit3A_1238 : f32 to vector<16xf32>
      %select_n3A_1241 = arith.select %ge3A_1236, %broadcast_in_dim3A_1239, %broadcast_in_dim3A_1240 : vector<16xi1>, vector<16xf32>
      %mul3A_1242 = arith.mulf %select_n3A_1241, %neg3A_1221 : vector<16xf32>
      %add3A_1243 = arith.addf %add3A_1037, %mul3A_1242 : vector<16xf32>
      %add3A_1244 = arith.addf %add3A_1038, %select_n3A_1241 : vector<16xf32>
      %ge3A_1245 = arith.constant 3.000000e-01 : f32
      %ge3A_1246 = vector.broadcast %ge3A_1245 : f32 to vector<16xf32>
      %ge3A_1247 = arith.cmpf oge, %abs3A_1127, %ge3A_1246 : vector<16xf32>
      %jit3A_1248 = arith.constant 1.000000e+00 : f32
      %jit3A_1249 = arith.constant 0.000000e+00 : f32
      %broadcast_in_dim3A_1250 = vector.broadcast %jit3A_1248 : f32 to vector<16xf32>
      %broadcast_in_dim3A_1251 = vector.broadcast %jit3A_1249 : f32 to vector<16xf32>
      %select_n3A_1252 = arith.select %ge3A_1247, %broadcast_in_dim3A_1250, %broadcast_in_dim3A_1251 : vector<16xi1>, vector<16xf32>
      %mul3A_1253 = arith.mulf %select_n3A_1252, %neg3A_1221 : vector<16xf32>
      %add3A_1254 = arith.addf %add3A_1048, %mul3A_1253 : vector<16xf32>
      %add3A_1255 = arith.addf %add3A_1049, %select_n3A_1252 : vector<16xf32>
      %ge3A_1256 = arith.constant 4.000000e-01 : f32
      %ge3A_1257 = vector.broadcast %ge3A_1256 : f32 to vector<16xf32>
      %ge3A_1258 = arith.cmpf oge, %abs3A_1127, %ge3A_1257 : vector<16xf32>
      %jit3A_1259 = arith.constant 1.000000e+00 : f32
      %jit3A_1260 = arith.constant 0.000000e+00 : f32
      %broadcast_in_dim3A_1261 = vector.broadcast %jit3A_1259 : f32 to vector<16xf32>
      %broadcast_in_dim3A_1262 = vector.broadcast %jit3A_1260 : f32 to vector<16xf32>
      %select_n3A_1263 = arith.select %ge3A_1258, %broadcast_in_dim3A_1261, %broadcast_in_dim3A_1262 : vector<16xi1>, vector<16xf32>
      %mul3A_1264 = arith.mulf %select_n3A_1263, %neg3A_1221 : vector<16xf32>
      %add3A_1265 = arith.addf %add3A_1059, %mul3A_1264 : vector<16xf32>
      %add3A_1266 = arith.addf %add3A_1060, %select_n3A_1263 : vector<16xf32>
      %ge3A_1267 = arith.constant 5.000000e-01 : f32
      %ge3A_1268 = vector.broadcast %ge3A_1267 : f32 to vector<16xf32>
      %ge3A_1269 = arith.cmpf oge, %abs3A_1127, %ge3A_1268 : vector<16xf32>
      %jit3A_1270 = arith.constant 1.000000e+00 : f32
      %jit3A_1271 = arith.constant 0.000000e+00 : f32
      %broadcast_in_dim3A_1272 = vector.broadcast %jit3A_1270 : f32 to vector<16xf32>
      %broadcast_in_dim3A_1273 = vector.broadcast %jit3A_1271 : f32 to vector<16xf32>
      %select_n3A_1274 = arith.select %ge3A_1269, %broadcast_in_dim3A_1272, %broadcast_in_dim3A_1273 : vector<16xi1>, vector<16xf32>
      %mul3A_1275 = arith.mulf %select_n3A_1274, %neg3A_1221 : vector<16xf32>
      %add3A_1276 = arith.addf %add3A_1070, %mul3A_1275 : vector<16xf32>
      %add3A_1277 = arith.addf %add3A_1071, %select_n3A_1274 : vector<16xf32>
      %ge3A_1278 = arith.constant 6.000000e-01 : f32
      %ge3A_1279 = vector.broadcast %ge3A_1278 : f32 to vector<16xf32>
      %ge3A_1280 = arith.cmpf oge, %abs3A_1127, %ge3A_1279 : vector<16xf32>
      %jit3A_1281 = arith.constant 1.000000e+00 : f32
      %jit3A_1282 = arith.constant 0.000000e+00 : f32
      %broadcast_in_dim3A_1283 = vector.broadcast %jit3A_1281 : f32 to vector<16xf32>
      %broadcast_in_dim3A_1284 = vector.broadcast %jit3A_1282 : f32 to vector<16xf32>
      %select_n3A_1285 = arith.select %ge3A_1280, %broadcast_in_dim3A_1283, %broadcast_in_dim3A_1284 : vector<16xi1>, vector<16xf32>
      %mul3A_1286 = arith.mulf %select_n3A_1285, %neg3A_1221 : vector<16xf32>
      %add3A_1287 = arith.addf %add3A_1081, %mul3A_1286 : vector<16xf32>
      %add3A_1288 = arith.addf %add3A_1082, %select_n3A_1285 : vector<16xf32>
      %ge3A_1289 = arith.constant 0.699999988 : f32
      %ge3A_1290 = vector.broadcast %ge3A_1289 : f32 to vector<16xf32>
      %ge3A_1291 = arith.cmpf oge, %abs3A_1127, %ge3A_1290 : vector<16xf32>
      %jit3A_1292 = arith.constant 1.000000e+00 : f32
      %jit3A_1293 = arith.constant 0.000000e+00 : f32
      %broadcast_in_dim3A_1294 = vector.broadcast %jit3A_1292 : f32 to vector<16xf32>
      %broadcast_in_dim3A_1295 = vector.broadcast %jit3A_1293 : f32 to vector<16xf32>
      %select_n3A_1296 = arith.select %ge3A_1291, %broadcast_in_dim3A_1294, %broadcast_in_dim3A_1295 : vector<16xi1>, vector<16xf32>
      %mul3A_1297 = arith.mulf %select_n3A_1296, %neg3A_1221 : vector<16xf32>
      %add3A_1298 = arith.addf %add3A_1092, %mul3A_1297 : vector<16xf32>
      %add3A_1299 = arith.addf %add3A_1093, %select_n3A_1296 : vector<16xf32>
      %ge3A_1300 = arith.constant 8.000000e-01 : f32
      %ge3A_1301 = vector.broadcast %ge3A_1300 : f32 to vector<16xf32>
      %ge3A_1302 = arith.cmpf oge, %abs3A_1127, %ge3A_1301 : vector<16xf32>
      %jit3A_1303 = arith.constant 1.000000e+00 : f32
      %jit3A_1304 = arith.constant 0.000000e+00 : f32
      %broadcast_in_dim3A_1305 = vector.broadcast %jit3A_1303 : f32 to vector<16xf32>
      %broadcast_in_dim3A_1306 = vector.broadcast %jit3A_1304 : f32 to vector<16xf32>
      %select_n3A_1307 = arith.select %ge3A_1302, %broadcast_in_dim3A_1305, %broadcast_in_dim3A_1306 : vector<16xi1>, vector<16xf32>
      %mul3A_1308 = arith.mulf %select_n3A_1307, %neg3A_1221 : vector<16xf32>
      %add3A_1309 = arith.addf %add3A_1103, %mul3A_1308 : vector<16xf32>
      %add3A_1310 = arith.addf %add3A_1104, %select_n3A_1307 : vector<16xf32>
      %ge3A_1311 = arith.constant 0.899999976 : f32
      %ge3A_1312 = vector.broadcast %ge3A_1311 : f32 to vector<16xf32>
      %ge3A_1313 = arith.cmpf oge, %abs3A_1127, %ge3A_1312 : vector<16xf32>
      %jit3A_1314 = arith.constant 1.000000e+00 : f32
      %jit3A_1315 = arith.constant 0.000000e+00 : f32
      %broadcast_in_dim3A_1316 = vector.broadcast %jit3A_1314 : f32 to vector<16xf32>
      %broadcast_in_dim3A_1317 = vector.broadcast %jit3A_1315 : f32 to vector<16xf32>
      %select_n3A_1318 = arith.select %ge3A_1313, %broadcast_in_dim3A_1316, %broadcast_in_dim3A_1317 : vector<16xi1>, vector<16xf32>
      %mul3A_1319 = arith.mulf %select_n3A_1318, %neg3A_1221 : vector<16xf32>
      %add3A_1320 = arith.addf %add3A_1114, %mul3A_1319 : vector<16xf32>
      %add3A_1321 = arith.addf %add3A_1115, %select_n3A_1318 : vector<16xf32>
      scf.yield %add3A_1222, %add3A_1232, %add3A_1243, %add3A_1254, %add3A_1265, %add3A_1276, %add3A_1287, %add3A_1298, %add3A_1309, %add3A_1320, %add3A_1233, %add3A_1244, %add3A_1255, %add3A_1266, %add3A_1277, %add3A_1288, %add3A_1299, %add3A_1310, %add3A_1321 : vector<16xf32>, vector<16xf32>, vector<16xf32>, vector<16xf32>, vector<16xf32>, vector<16xf32>, vector<16xf32>, vector<16xf32>, vector<16xf32>, vector<16xf32>, vector<16xf32>, vector<16xf32>, vector<16xf32>, vector<16xf32>, vector<16xf32>, vector<16xf32>, vector<16xf32>, vector<16xf32>, vector<16xf32>
    }
    %scan3A_703 = arith.constant 2000 : i32
    %swap3A_704 = arith.constant 0 : index
    %swap3A_705 = tpu.vector_load %arg9[%swap3A_704] {strides = array<i32>} : memref<304xf32, #tpu.memory_space<vmem>>, vector<16xf32>,
    %swap3A_706 = vector.shape_cast %swap3A_705 : vector<16xf32> to vector<16xf32>
    %swap3A_707 = vector.shape_cast %scan3A_702#0 : vector<16xf32> to vector<16xf32>
    tpu.vector_store %arg9[%swap3A_704], %swap3A_707 {add = true, strides = array<i32>} : memref<304xf32, #tpu.memory_space<vmem>>, vector<16xf32>,
    %swap3A_708 = arith.constant 16 : index
    %swap3A_709 = tpu.vector_load %arg9[%swap3A_708] {strides = array<i32>} : memref<304xf32, #tpu.memory_space<vmem>>, vector<16xf32>,
    %swap3A_710 = vector.shape_cast %swap3A_709 : vector<16xf32> to vector<16xf32>
    %swap3A_711 = vector.shape_cast %scan3A_702#1 : vector<16xf32> to vector<16xf32>
    tpu.vector_store %arg9[%swap3A_708], %swap3A_711 {add = true, strides = array<i32>} : memref<304xf32, #tpu.memory_space<vmem>>, vector<16xf32>,
    %swap3A_712 = arith.constant 32 : index
    %swap3A_713 = tpu.vector_load %arg9[%swap3A_712] {strides = array<i32>} : memref<304xf32, #tpu.memory_space<vmem>>, vector<16xf32>,
    %swap3A_714 = vector.shape_cast %swap3A_713 : vector<16xf32> to vector<16xf32>
    %swap3A_715 = vector.shape_cast %scan3A_702#2 : vector<16xf32> to vector<16xf32>
    tpu.vector_store %arg9[%swap3A_712], %swap3A_715 {add = true, strides = array<i32>} : memref<304xf32, #tpu.memory_space<vmem>>, vector<16xf32>,
    %swap3A_716 = arith.constant 48 : index
    %swap3A_717 = tpu.vector_load %arg9[%swap3A_716] {strides = array<i32>} : memref<304xf32, #tpu.memory_space<vmem>>, vector<16xf32>,
    %swap3A_718 = vector.shape_cast %swap3A_717 : vector<16xf32> to vector<16xf32>
    %swap3A_719 = vector.shape_cast %scan3A_702#3 : vector<16xf32> to vector<16xf32>
    tpu.vector_store %arg9[%swap3A_716], %swap3A_719 {add = true, strides = array<i32>} : memref<304xf32, #tpu.memory_space<vmem>>, vector<16xf32>,
    %swap3A_720 = arith.constant 64 : index
    %swap3A_721 = tpu.vector_load %arg9[%swap3A_720] {strides = array<i32>} : memref<304xf32, #tpu.memory_space<vmem>>, vector<16xf32>,
    %swap3A_722 = vector.shape_cast %swap3A_721 : vector<16xf32> to vector<16xf32>
    %swap3A_723 = vector.shape_cast %scan3A_702#4 : vector<16xf32> to vector<16xf32>
    tpu.vector_store %arg9[%swap3A_720], %swap3A_723 {add = true, strides = array<i32>} : memref<304xf32, #tpu.memory_space<vmem>>, vector<16xf32>,
    %swap3A_724 = arith.constant 80 : index
    %swap3A_725 = tpu.vector_load %arg9[%swap3A_724] {strides = array<i32>} : memref<304xf32, #tpu.memory_space<vmem>>, vector<16xf32>,
    %swap3A_726 = vector.shape_cast %swap3A_725 : vector<16xf32> to vector<16xf32>
    %swap3A_727 = vector.shape_cast %scan3A_702#5 : vector<16xf32> to vector<16xf32>
    tpu.vector_store %arg9[%swap3A_724], %swap3A_727 {add = true, strides = array<i32>} : memref<304xf32, #tpu.memory_space<vmem>>, vector<16xf32>,
    %swap3A_728 = arith.constant 96 : index
    %swap3A_729 = tpu.vector_load %arg9[%swap3A_728] {strides = array<i32>} : memref<304xf32, #tpu.memory_space<vmem>>, vector<16xf32>,
    %swap3A_730 = vector.shape_cast %swap3A_729 : vector<16xf32> to vector<16xf32>
    %swap3A_731 = vector.shape_cast %scan3A_702#6 : vector<16xf32> to vector<16xf32>
    tpu.vector_store %arg9[%swap3A_728], %swap3A_731 {add = true, strides = array<i32>} : memref<304xf32, #tpu.memory_space<vmem>>, vector<16xf32>,
    %swap3A_732 = arith.constant 112 : index
    %swap3A_733 = tpu.vector_load %arg9[%swap3A_732] {strides = array<i32>} : memref<304xf32, #tpu.memory_space<vmem>>, vector<16xf32>,
    %swap3A_734 = vector.shape_cast %swap3A_733 : vector<16xf32> to vector<16xf32>
    %swap3A_735 = vector.shape_cast %scan3A_702#7 : vector<16xf32> to vector<16xf32>
    tpu.vector_store %arg9[%swap3A_732], %swap3A_735 {add = true, strides = array<i32>} : memref<304xf32, #tpu.memory_space<vmem>>, vector<16xf32>,
    %swap3A_736 = arith.constant 128 : index
    %swap3A_737 = tpu.vector_load %arg9[%swap3A_736] {strides = array<i32>} : memref<304xf32, #tpu.memory_space<vmem>>, vector<16xf32>,
    %swap3A_738 = vector.shape_cast %swap3A_737 : vector<16xf32> to vector<16xf32>
    %swap3A_739 = vector.shape_cast %scan3A_702#8 : vector<16xf32> to vector<16xf32>
    tpu.vector_store %arg9[%swap3A_736], %swap3A_739 {add = true, strides = array<i32>} : memref<304xf32, #tpu.memory_space<vmem>>, vector<16xf32>,
    %swap3A_740 = arith.constant 144 : index
    %swap3A_741 = tpu.vector_load %arg9[%swap3A_740] {strides = array<i32>} : memref<304xf32, #tpu.memory_space<vmem>>, vector<16xf32>,
    %swap3A_742 = vector.shape_cast %swap3A_741 : vector<16xf32> to vector<16xf32>
    %swap3A_743 = vector.shape_cast %scan3A_702#9 : vector<16xf32> to vector<16xf32>
    tpu.vector_store %arg9[%swap3A_740], %swap3A_743 {add = true, strides = array<i32>} : memref<304xf32, #tpu.memory_space<vmem>>, vector<16xf32>,
    %swap3A_744 = arith.constant 160 : index
    %swap3A_745 = tpu.vector_load %arg9[%swap3A_744] {strides = array<i32>} : memref<304xf32, #tpu.memory_space<vmem>>, vector<16xf32>,
    %swap3A_746 = vector.shape_cast %swap3A_745 : vector<16xf32> to vector<16xf32>
    %swap3A_747 = vector.shape_cast %scan3A_702#10 : vector<16xf32> to vector<16xf32>
    tpu.vector_store %arg9[%swap3A_744], %swap3A_747 {add = true, strides = array<i32>} : memref<304xf32, #tpu.memory_space<vmem>>, vector<16xf32>,
    %swap3A_748 = arith.constant 176 : index
    %swap3A_749 = tpu.vector_load %arg9[%swap3A_748] {strides = array<i32>} : memref<304xf32, #tpu.memory_space<vmem>>, vector<16xf32>,
    %swap3A_750 = vector.shape_cast %swap3A_749 : vector<16xf32> to vector<16xf32>
    %swap3A_751 = vector.shape_cast %scan3A_702#11 : vector<16xf32> to vector<16xf32>
    tpu.vector_store %arg9[%swap3A_748], %swap3A_751 {add = true, strides = array<i32>} : memref<304xf32, #tpu.memory_space<vmem>>, vector<16xf32>,
    %swap3A_752 = arith.constant 192 : index
    %swap3A_753 = tpu.vector_load %arg9[%swap3A_752] {strides = array<i32>} : memref<304xf32, #tpu.memory_space<vmem>>, vector<16xf32>,
    %swap3A_754 = vector.shape_cast %swap3A_753 : vector<16xf32> to vector<16xf32>
    %swap3A_755 = vector.shape_cast %scan3A_702#12 : vector<16xf32> to vector<16xf32>
    tpu.vector_store %arg9[%swap3A_752], %swap3A_755 {add = true, strides = array<i32>} : memref<304xf32, #tpu.memory_space<vmem>>, vector<16xf32>,
    %swap3A_756 = arith.constant 208 : index
    %swap3A_757 = tpu.vector_load %arg9[%swap3A_756] {strides = array<i32>} : memref<304xf32, #tpu.memory_space<vmem>>, vector<16xf32>,
    %swap3A_758 = vector.shape_cast %swap3A_757 : vector<16xf32> to vector<16xf32>
    %swap3A_759 = vector.shape_cast %scan3A_702#13 : vector<16xf32> to vector<16xf32>
    tpu.vector_store %arg9[%swap3A_756], %swap3A_759 {add = true, strides = array<i32>} : memref<304xf32, #tpu.memory_space<vmem>>, vector<16xf32>,
    %swap3A_760 = arith.constant 224 : index
    %swap3A_761 = tpu.vector_load %arg9[%swap3A_760] {strides = array<i32>} : memref<304xf32, #tpu.memory_space<vmem>>, vector<16xf32>,
    %swap3A_762 = vector.shape_cast %swap3A_761 : vector<16xf32> to vector<16xf32>
    %swap3A_763 = vector.shape_cast %scan3A_702#14 : vector<16xf32> to vector<16xf32>
    tpu.vector_store %arg9[%swap3A_760], %swap3A_763 {add = true, strides = array<i32>} : memref<304xf32, #tpu.memory_space<vmem>>, vector<16xf32>,
    %swap3A_764 = arith.constant 240 : index
    %swap3A_765 = tpu.vector_load %arg9[%swap3A_764] {strides = array<i32>} : memref<304xf32, #tpu.memory_space<vmem>>, vector<16xf32>,
    %swap3A_766 = vector.shape_cast %swap3A_765 : vector<16xf32> to vector<16xf32>
    %swap3A_767 = vector.shape_cast %scan3A_702#15 : vector<16xf32> to vector<16xf32>
    tpu.vector_store %arg9[%swap3A_764], %swap3A_767 {add = true, strides = array<i32>} : memref<304xf32, #tpu.memory_space<vmem>>, vector<16xf32>,
    %swap3A_768 = arith.constant 256 : index
    %swap3A_769 = tpu.vector_load %arg9[%swap3A_768] {strides = array<i32>} : memref<304xf32, #tpu.memory_space<vmem>>, vector<16xf32>,
    %swap3A_770 = vector.shape_cast %swap3A_769 : vector<16xf32> to vector<16xf32>
    %swap3A_771 = vector.shape_cast %scan3A_702#16 : vector<16xf32> to vector<16xf32>
    tpu.vector_store %arg9[%swap3A_768], %swap3A_771 {add = true, strides = array<i32>} : memref<304xf32, #tpu.memory_space<vmem>>, vector<16xf32>,
    %swap3A_772 = arith.constant 272 : index
    %swap3A_773 = tpu.vector_load %arg9[%swap3A_772] {strides = array<i32>} : memref<304xf32, #tpu.memory_space<vmem>>, vector<16xf32>,
    %swap3A_774 = vector.shape_cast %swap3A_773 : vector<16xf32> to vector<16xf32>
    %swap3A_775 = vector.shape_cast %scan3A_702#17 : vector<16xf32> to vector<16xf32>
    tpu.vector_store %arg9[%swap3A_772], %swap3A_775 {add = true, strides = array<i32>} : memref<304xf32, #tpu.memory_space<vmem>>, vector<16xf32>,
    %swap3A_776 = arith.constant 288 : index
    %swap3A_777 = tpu.vector_load %arg9[%swap3A_776] {strides = array<i32>} : memref<304xf32, #tpu.memory_space<vmem>>, vector<16xf32>,
    %swap3A_778 = vector.shape_cast %swap3A_777 : vector<16xf32> to vector<16xf32>
    %swap3A_779 = vector.shape_cast %scan3A_702#18 : vector<16xf32> to vector<16xf32>
    tpu.vector_store %arg9[%swap3A_776], %swap3A_779 {add = true, strides = array<i32>} : memref<304xf32, #tpu.memory_space<vmem>>, vector<16xf32>,
    %dma_wait3A_780 = tpu.memref_slice %arg2[%add3A_653] : memref<16384000xf32, #tpu.memory_space<hbm>> -> memref<32000xf32, #tpu.memory_space<hbm>>
    %dma_wait3A_781 = tpu.memref_slice %arg2[%add3A_653] : memref<16384000xf32, #tpu.memory_space<hbm>> -> memref<32000xf32, #tpu.memory_space<hbm>>
    tpu.wait_dma2 semaphore(%arg12 : memref<!tpu.dma_semaphore, #tpu.memory_space<semaphore_mem>>) src(%dma_wait3A_781 : memref<32000xf32, #tpu.memory_space<hbm>>) dst(%arg7 : memref<32000xf32, #tpu.memory_space<vmem>>)
    %dma_wait3A_782 = tpu.memref_slice %arg3[%add3A_655] : memref<16384000xf32, #tpu.memory_space<hbm>> -> memref<32000xf32, #tpu.memory_space<hbm>>
    %dma_wait3A_783 = tpu.memref_slice %arg3[%add3A_655] : memref<16384000xf32, #tpu.memory_space<hbm>> -> memref<32000xf32, #tpu.memory_space<hbm>>
    tpu.wait_dma2 semaphore(%arg13 : memref<!tpu.dma_semaphore, #tpu.memory_space<semaphore_mem>>) src(%dma_wait3A_783 : memref<32000xf32, #tpu.memory_space<hbm>>) dst(%arg8 : memref<32000xf32, #tpu.memory_space<vmem>>)
    %broadcast_in_dim3A_784 = arith.constant 0.000000e+00 : f32
    %broadcast_in_dim3A_785 = vector.broadcast %broadcast_in_dim3A_784 : f32 to vector<16xf32>
    %broadcast_in_dim3A_786 = arith.constant 0.000000e+00 : f32
    %broadcast_in_dim3A_787 = vector.broadcast %broadcast_in_dim3A_786 : f32 to vector<16xf32>
    %broadcast_in_dim3A_788 = arith.constant 0.000000e+00 : f32
    %broadcast_in_dim3A_789 = vector.broadcast %broadcast_in_dim3A_788 : f32 to vector<16xf32>
    %broadcast_in_dim3A_790 = arith.constant 0.000000e+00 : f32
    %broadcast_in_dim3A_791 = vector.broadcast %broadcast_in_dim3A_790 : f32 to vector<16xf32>
    %broadcast_in_dim3A_792 = arith.constant 0.000000e+00 : f32
    %broadcast_in_dim3A_793 = vector.broadcast %broadcast_in_dim3A_792 : f32 to vector<16xf32>
    %broadcast_in_dim3A_794 = arith.constant 0.000000e+00 : f32
    %broadcast_in_dim3A_795 = vector.broadcast %broadcast_in_dim3A_794 : f32 to vector<16xf32>
    %broadcast_in_dim3A_796 = arith.constant 0.000000e+00 : f32
    %broadcast_in_dim3A_797 = vector.broadcast %broadcast_in_dim3A_796 : f32 to vector<16xf32>
    %broadcast_in_dim3A_798 = arith.constant 0.000000e+00 : f32
    %broadcast_in_dim3A_799 = vector.broadcast %broadcast_in_dim3A_798 : f32 to vector<16xf32>
    %broadcast_in_dim3A_800 = arith.constant 0.000000e+00 : f32
    %broadcast_in_dim3A_801 = vector.broadcast %broadcast_in_dim3A_800 : f32 to vector<16xf32>
    %broadcast_in_dim3A_802 = arith.constant 0.000000e+00 : f32
    %broadcast_in_dim3A_803 = vector.broadcast %broadcast_in_dim3A_802 : f32 to vector<16xf32>
    %broadcast_in_dim3A_804 = arith.constant 0.000000e+00 : f32
    %broadcast_in_dim3A_805 = vector.broadcast %broadcast_in_dim3A_804 : f32 to vector<16xf32>
    %broadcast_in_dim3A_806 = arith.constant 0.000000e+00 : f32
    %broadcast_in_dim3A_807 = vector.broadcast %broadcast_in_dim3A_806 : f32 to vector<16xf32>
    %broadcast_in_dim3A_808 = arith.constant 0.000000e+00 : f32
    %broadcast_in_dim3A_809 = vector.broadcast %broadcast_in_dim3A_808 : f32 to vector<16xf32>
    %broadcast_in_dim3A_810 = arith.constant 0.000000e+00 : f32
    %broadcast_in_dim3A_811 = vector.broadcast %broadcast_in_dim3A_810 : f32 to vector<16xf32>
    %broadcast_in_dim3A_812 = arith.constant 0.000000e+00 : f32
    %broadcast_in_dim3A_813 = vector.broadcast %broadcast_in_dim3A_812 : f32 to vector<16xf32>
    %broadcast_in_dim3A_814 = arith.constant 0.000000e+00 : f32
    %broadcast_in_dim3A_815 = vector.broadcast %broadcast_in_dim3A_814 : f32 to vector<16xf32>
    %broadcast_in_dim3A_816 = arith.constant 0.000000e+00 : f32
    %broadcast_in_dim3A_817 = vector.broadcast %broadcast_in_dim3A_816 : f32 to vector<16xf32>
    %broadcast_in_dim3A_818 = arith.constant 0.000000e+00 : f32
    %broadcast_in_dim3A_819 = vector.broadcast %broadcast_in_dim3A_818 : f32 to vector<16xf32>
    %broadcast_in_dim3A_820 = arith.constant 0.000000e+00 : f32
    %broadcast_in_dim3A_821 = vector.broadcast %broadcast_in_dim3A_820 : f32 to vector<16xf32>
    %scan3A_822 = arith.constant 0 : i32
    %scan3A_823 = arith.constant 2000 : i32
    %scan3A_824 = arith.addi %scan3A_822, %scan3A_823 : i32
    %scan3A_825 = arith.constant 2 : i32
    %scan3A_826:19 = scf.for %scan3A_904 = %scan3A_822 to %scan3A_824 step %scan3A_825 iter_args(%scan3A_905 = %broadcast_in_dim3A_785, %scan3A_906 = %broadcast_in_dim3A_787, %scan3A_907 = %broadcast_in_dim3A_789, %scan3A_908 = %broadcast_in_dim3A_791, %scan3A_909 = %broadcast_in_dim3A_793, %scan3A_910 = %broadcast_in_dim3A_795, %scan3A_911 = %broadcast_in_dim3A_797, %scan3A_912 = %broadcast_in_dim3A_799, %scan3A_913 = %broadcast_in_dim3A_801, %scan3A_914 = %broadcast_in_dim3A_803, %scan3A_915 = %broadcast_in_dim3A_805, %scan3A_916 = %broadcast_in_dim3A_807, %scan3A_917 = %broadcast_in_dim3A_809, %scan3A_918 = %broadcast_in_dim3A_811, %scan3A_919 = %broadcast_in_dim3A_813, %scan3A_920 = %broadcast_in_dim3A_815, %scan3A_921 = %broadcast_in_dim3A_817, %scan3A_922 = %broadcast_in_dim3A_819, %scan3A_923 = %broadcast_in_dim3A_821) -> (vector<16xf32>, vector<16xf32>, vector<16xf32>, vector<16xf32>, vector<16xf32>, vector<16xf32>, vector<16xf32>, vector<16xf32>, vector<16xf32>, vector<16xf32>, vector<16xf32>, vector<16xf32>, vector<16xf32>, vector<16xf32>, vector<16xf32>, vector<16xf32>, vector<16xf32>, vector<16xf32>, vector<16xf32>)  : i32 {
      %mul3A_924 = arith.constant 16 : i32
      %mul3A_925 = arith.muli %scan3A_904, %mul3A_924 : i32
      %get3A = arith.index_cast %mul3A_925 : i32 to index
      %get3A_926 = tpu.vector_load %arg7[%get3A] {strides = array<i32>} : memref<32000xf32, #tpu.memory_space<vmem>>, vector<16xf32>,
      %get3A_927 = vector.shape_cast %get3A_926 : vector<16xf32> to vector<16xf32>
      %get3A_928 = arith.index_cast %mul3A_925 : i32 to index
      %get3A_929 = tpu.vector_load %arg8[%get3A_928] {strides = array<i32>} : memref<32000xf32, #tpu.memory_space<vmem>>, vector<16xf32>,
      %get3A_930 = vector.shape_cast %get3A_929 : vector<16xf32> to vector<16xf32>
      %sub3A = arith.subf %get3A_927, %get3A_930 : vector<16xf32>
      %abs3A = math.absf %sub3A : vector<16xf32>
      %bitcast_convert_type3A = tpu.bitcast %get3A_927 : vector<16xf32> -> vector<16xi32>
      %shift_right_logical3A = arith.constant 23 : i32
      %shift_right_logical3A_931 = vector.broadcast %shift_right_logical3A : i32 to vector<16xi32>
      %shift_right_logical3A_932 = arith.shrui %bitcast_convert_type3A, %shift_right_logical3A_931 : vector<16xi32>
      %convert_element_type3A = arith.sitofp %shift_right_logical3A_932 : vector<16xi32> to vector<16xf32>
      %sub3A_933 = arith.constant 1.270000e+02 : f32
      %sub3A_934 = vector.broadcast %sub3A_933 : f32 to vector<16xf32>
      %sub3A_935 = arith.subf %convert_element_type3A, %sub3A_934 : vector<16xf32>
      %and3A = arith.constant 8388607 : i32
      %and3A_936 = vector.broadcast %and3A : i32 to vector<16xi32>
      %and3A_937 = arith.andi %bitcast_convert_type3A, %and3A_936 : vector<16xi32>
      %or3A = arith.constant 1065353216 : i32
      %or3A_938 = vector.broadcast %or3A : i32 to vector<16xi32>
      %or3A_939 = arith.ori %and3A_937, %or3A_938 : vector<16xi32>
      %bitcast_convert_type3A_940 = tpu.bitcast %or3A_939 : vector<16xi32> -> vector<16xf32>
      %sub3A_941 = arith.constant 1.000000e+00 : f32
      %sub3A_942 = vector.broadcast %sub3A_941 : f32 to vector<16xf32>
      %sub3A_943 = arith.subf %bitcast_convert_type3A_940, %sub3A_942 : vector<16xf32>
      %mul3A_944 = arith.constant 0.0313766226 : f32
      %mul3A_945 = vector.broadcast %mul3A_944 : f32 to vector<16xf32>
      %mul3A_946 = arith.mulf %mul3A_945, %sub3A_943 : vector<16xf32>
      %add3A_947 = arith.constant -0.134133309 : f32
      %add3A_948 = vector.broadcast %add3A_947 : f32 to vector<16xf32>
      %add3A_949 = arith.addf %mul3A_946, %add3A_948 : vector<16xf32>
      %mul3A_950 = arith.mulf %add3A_949, %sub3A_943 : vector<16xf32>
      %add3A_951 = arith.constant 0.28782469 : f32
      %add3A_952 = vector.broadcast %add3A_951 : f32 to vector<16xf32>
      %add3A_953 = arith.addf %mul3A_950, %add3A_952 : vector<16xf32>
      %mul3A_954 = arith.mulf %add3A_953, %sub3A_943 : vector<16xf32>
      %add3A_955 = arith.constant -0.491347462 : f32
      %add3A_956 = vector.broadcast %add3A_955 : f32 to vector<16xf32>
      %add3A_957 = arith.addf %mul3A_954, %add3A_956 : vector<16xf32>
      %mul3A_958 = arith.mulf %add3A_957, %sub3A_943 : vector<16xf32>
      %add3A_959 = arith.constant 0.999434947 : f32
      %add3A_960 = vector.broadcast %add3A_959 : f32 to vector<16xf32>
      %add3A_961 = arith.addf %mul3A_958, %add3A_960 : vector<16xf32>
      %mul3A_962 = arith.mulf %add3A_961, %sub3A_943 : vector<16xf32>
      %mul3A_963 = arith.constant 0.693147182 : f32
      %mul3A_964 = vector.broadcast %mul3A_963 : f32 to vector<16xf32>
      %mul3A_965 = arith.mulf %sub3A_935, %mul3A_964 : vector<16xf32>
      %add3A_966 = arith.addf %mul3A_965, %mul3A_962 : vector<16xf32>
      %sub3A_967 = arith.constant 1.000000e+00 : f32
      %sub3A_968 = vector.broadcast %sub3A_967 : f32 to vector<16xf32>
      %sub3A_969 = arith.subf %sub3A_968, %get3A_927 : vector<16xf32>
      %bitcast_convert_type3A_970 = tpu.bitcast %sub3A_969 : vector<16xf32> -> vector<16xi32>
      %shift_right_logical3A_971 = arith.constant 23 : i32
      %shift_right_logical3A_972 = vector.broadcast %shift_right_logical3A_971 : i32 to vector<16xi32>
      %shift_right_logical3A_973 = arith.shrui %bitcast_convert_type3A_970, %shift_right_logical3A_972 : vector<16xi32>
      %convert_element_type3A_974 = arith.sitofp %shift_right_logical3A_973 : vector<16xi32> to vector<16xf32>
      %sub3A_975 = arith.constant 1.270000e+02 : f32
      %sub3A_976 = vector.broadcast %sub3A_975 : f32 to vector<16xf32>
      %sub3A_977 = arith.subf %convert_element_type3A_974, %sub3A_976 : vector<16xf32>
      %and3A_978 = arith.constant 8388607 : i32
      %and3A_979 = vector.broadcast %and3A_978 : i32 to vector<16xi32>
      %and3A_980 = arith.andi %bitcast_convert_type3A_970, %and3A_979 : vector<16xi32>
      %or3A_981 = arith.constant 1065353216 : i32
      %or3A_982 = vector.broadcast %or3A_981 : i32 to vector<16xi32>
      %or3A_983 = arith.ori %and3A_980, %or3A_982 : vector<16xi32>
      %bitcast_convert_type3A_984 = tpu.bitcast %or3A_983 : vector<16xi32> -> vector<16xf32>
      %sub3A_985 = arith.constant 1.000000e+00 : f32
      %sub3A_986 = vector.broadcast %sub3A_985 : f32 to vector<16xf32>
      %sub3A_987 = arith.subf %bitcast_convert_type3A_984, %sub3A_986 : vector<16xf32>
      %mul3A_988 = arith.constant 0.0313766226 : f32
      %mul3A_989 = vector.broadcast %mul3A_988 : f32 to vector<16xf32>
      %mul3A_990 = arith.mulf %mul3A_989, %sub3A_987 : vector<16xf32>
      %add3A_991 = arith.constant -0.134133309 : f32
      %add3A_992 = vector.broadcast %add3A_991 : f32 to vector<16xf32>
      %add3A_993 = arith.addf %mul3A_990, %add3A_992 : vector<16xf32>
      %mul3A_994 = arith.mulf %add3A_993, %sub3A_987 : vector<16xf32>
      %add3A_995 = arith.constant 0.28782469 : f32
      %add3A_996 = vector.broadcast %add3A_995 : f32 to vector<16xf32>
      %add3A_997 = arith.addf %mul3A_994, %add3A_996 : vector<16xf32>
      %mul3A_998 = arith.mulf %add3A_997, %sub3A_987 : vector<16xf32>
      %add3A_999 = arith.constant -0.491347462 : f32
      %add3A_1000 = vector.broadcast %add3A_999 : f32 to vector<16xf32>
      %add3A_1001 = arith.addf %mul3A_998, %add3A_1000 : vector<16xf32>
      %mul3A_1002 = arith.mulf %add3A_1001, %sub3A_987 : vector<16xf32>
      %add3A_1003 = arith.constant 0.999434947 : f32
      %add3A_1004 = vector.broadcast %add3A_1003 : f32 to vector<16xf32>
      %add3A_1005 = arith.addf %mul3A_1002, %add3A_1004 : vector<16xf32>
      %mul3A_1006 = arith.mulf %add3A_1005, %sub3A_987 : vector<16xf32>
      %mul3A_1007 = arith.constant 0.693147182 : f32
      %mul3A_1008 = vector.broadcast %mul3A_1007 : f32 to vector<16xf32>
      %mul3A_1009 = arith.mulf %sub3A_977, %mul3A_1008 : vector<16xf32>
      %add3A_1010 = arith.addf %mul3A_1009, %mul3A_1006 : vector<16xf32>
      %mul3A_1011 = arith.mulf %get3A_930, %add3A_966 : vector<16xf32>
      %sub3A_1012 = arith.constant 1.000000e+00 : f32
      %sub3A_1013 = vector.broadcast %sub3A_1012 : f32 to vector<16xf32>
      %sub3A_1014 = arith.subf %sub3A_1013, %get3A_930 : vector<16xf32>
      %mul3A_1015 = arith.mulf %sub3A_1014, %add3A_1010 : vector<16xf32>
      %add3A_1016 = arith.addf %mul3A_1011, %mul3A_1015 : vector<16xf32>
      %neg3A = arith.constant 0.000000e+00 : f32
      %neg3A_1017 = vector.broadcast %neg3A : f32 to vector<16xf32>
      %neg3A_1018 = arith.subf %neg3A_1017, %add3A_1016 : vector<16xf32>
      %add3A_1019 = arith.addf %scan3A_905, %neg3A_1018 : vector<16xf32>
      %ge3A = arith.constant 1.000000e-01 : f32
      %ge3A_1020 = vector.broadcast %ge3A : f32 to vector<16xf32>
      %ge3A_1021 = arith.cmpf oge, %abs3A, %ge3A_1020 : vector<16xf32>
      %jit3A = arith.constant 1.000000e+00 : f32
      %jit3A_1022 = arith.constant 0.000000e+00 : f32
      %broadcast_in_dim3A_1023 = vector.broadcast %jit3A : f32 to vector<16xf32>
      %broadcast_in_dim3A_1024 = vector.broadcast %jit3A_1022 : f32 to vector<16xf32>
      %select_n3A = arith.select %ge3A_1021, %broadcast_in_dim3A_1023, %broadcast_in_dim3A_1024 : vector<16xi1>, vector<16xf32>
      %mul3A_1025 = arith.mulf %select_n3A, %neg3A_1018 : vector<16xf32>
      %add3A_1026 = arith.addf %scan3A_906, %mul3A_1025 : vector<16xf32>
      %add3A_1027 = arith.addf %scan3A_915, %select_n3A : vector<16xf32>
      %ge3A_1028 = arith.constant 2.000000e-01 : f32
      %ge3A_1029 = vector.broadcast %ge3A_1028 : f32 to vector<16xf32>
      %ge3A_1030 = arith.cmpf oge, %abs3A, %ge3A_1029 : vector<16xf32>
      %jit3A_1031 = arith.constant 1.000000e+00 : f32
      %jit3A_1032 = arith.constant 0.000000e+00 : f32
      %broadcast_in_dim3A_1033 = vector.broadcast %jit3A_1031 : f32 to vector<16xf32>
      %broadcast_in_dim3A_1034 = vector.broadcast %jit3A_1032 : f32 to vector<16xf32>
      %select_n3A_1035 = arith.select %ge3A_1030, %broadcast_in_dim3A_1033, %broadcast_in_dim3A_1034 : vector<16xi1>, vector<16xf32>
      %mul3A_1036 = arith.mulf %select_n3A_1035, %neg3A_1018 : vector<16xf32>
      %add3A_1037 = arith.addf %scan3A_907, %mul3A_1036 : vector<16xf32>
      %add3A_1038 = arith.addf %scan3A_916, %select_n3A_1035 : vector<16xf32>
      %ge3A_1039 = arith.constant 3.000000e-01 : f32
      %ge3A_1040 = vector.broadcast %ge3A_1039 : f32 to vector<16xf32>
      %ge3A_1041 = arith.cmpf oge, %abs3A, %ge3A_1040 : vector<16xf32>
      %jit3A_1042 = arith.constant 1.000000e+00 : f32
      %jit3A_1043 = arith.constant 0.000000e+00 : f32
      %broadcast_in_dim3A_1044 = vector.broadcast %jit3A_1042 : f32 to vector<16xf32>
      %broadcast_in_dim3A_1045 = vector.broadcast %jit3A_1043 : f32 to vector<16xf32>
      %select_n3A_1046 = arith.select %ge3A_1041, %broadcast_in_dim3A_1044, %broadcast_in_dim3A_1045 : vector<16xi1>, vector<16xf32>
      %mul3A_1047 = arith.mulf %select_n3A_1046, %neg3A_1018 : vector<16xf32>
      %add3A_1048 = arith.addf %scan3A_908, %mul3A_1047 : vector<16xf32>
      %add3A_1049 = arith.addf %scan3A_917, %select_n3A_1046 : vector<16xf32>
      %ge3A_1050 = arith.constant 4.000000e-01 : f32
      %ge3A_1051 = vector.broadcast %ge3A_1050 : f32 to vector<16xf32>
      %ge3A_1052 = arith.cmpf oge, %abs3A, %ge3A_1051 : vector<16xf32>
      %jit3A_1053 = arith.constant 1.000000e+00 : f32
      %jit3A_1054 = arith.constant 0.000000e+00 : f32
      %broadcast_in_dim3A_1055 = vector.broadcast %jit3A_1053 : f32 to vector<16xf32>
      %broadcast_in_dim3A_1056 = vector.broadcast %jit3A_1054 : f32 to vector<16xf32>
      %select_n3A_1057 = arith.select %ge3A_1052, %broadcast_in_dim3A_1055, %broadcast_in_dim3A_1056 : vector<16xi1>, vector<16xf32>
      %mul3A_1058 = arith.mulf %select_n3A_1057, %neg3A_1018 : vector<16xf32>
      %add3A_1059 = arith.addf %scan3A_909, %mul3A_1058 : vector<16xf32>
      %add3A_1060 = arith.addf %scan3A_918, %select_n3A_1057 : vector<16xf32>
      %ge3A_1061 = arith.constant 5.000000e-01 : f32
      %ge3A_1062 = vector.broadcast %ge3A_1061 : f32 to vector<16xf32>
      %ge3A_1063 = arith.cmpf oge, %abs3A, %ge3A_1062 : vector<16xf32>
      %jit3A_1064 = arith.constant 1.000000e+00 : f32
      %jit3A_1065 = arith.constant 0.000000e+00 : f32
      %broadcast_in_dim3A_1066 = vector.broadcast %jit3A_1064 : f32 to vector<16xf32>
      %broadcast_in_dim3A_1067 = vector.broadcast %jit3A_1065 : f32 to vector<16xf32>
      %select_n3A_1068 = arith.select %ge3A_1063, %broadcast_in_dim3A_1066, %broadcast_in_dim3A_1067 : vector<16xi1>, vector<16xf32>
      %mul3A_1069 = arith.mulf %select_n3A_1068, %neg3A_1018 : vector<16xf32>
      %add3A_1070 = arith.addf %scan3A_910, %mul3A_1069 : vector<16xf32>
      %add3A_1071 = arith.addf %scan3A_919, %select_n3A_1068 : vector<16xf32>
      %ge3A_1072 = arith.constant 6.000000e-01 : f32
      %ge3A_1073 = vector.broadcast %ge3A_1072 : f32 to vector<16xf32>
      %ge3A_1074 = arith.cmpf oge, %abs3A, %ge3A_1073 : vector<16xf32>
      %jit3A_1075 = arith.constant 1.000000e+00 : f32
      %jit3A_1076 = arith.constant 0.000000e+00 : f32
      %broadcast_in_dim3A_1077 = vector.broadcast %jit3A_1075 : f32 to vector<16xf32>
      %broadcast_in_dim3A_1078 = vector.broadcast %jit3A_1076 : f32 to vector<16xf32>
      %select_n3A_1079 = arith.select %ge3A_1074, %broadcast_in_dim3A_1077, %broadcast_in_dim3A_1078 : vector<16xi1>, vector<16xf32>
      %mul3A_1080 = arith.mulf %select_n3A_1079, %neg3A_1018 : vector<16xf32>
      %add3A_1081 = arith.addf %scan3A_911, %mul3A_1080 : vector<16xf32>
      %add3A_1082 = arith.addf %scan3A_920, %select_n3A_1079 : vector<16xf32>
      %ge3A_1083 = arith.constant 0.699999988 : f32
      %ge3A_1084 = vector.broadcast %ge3A_1083 : f32 to vector<16xf32>
      %ge3A_1085 = arith.cmpf oge, %abs3A, %ge3A_1084 : vector<16xf32>
      %jit3A_1086 = arith.constant 1.000000e+00 : f32
      %jit3A_1087 = arith.constant 0.000000e+00 : f32
      %broadcast_in_dim3A_1088 = vector.broadcast %jit3A_1086 : f32 to vector<16xf32>
      %broadcast_in_dim3A_1089 = vector.broadcast %jit3A_1087 : f32 to vector<16xf32>
      %select_n3A_1090 = arith.select %ge3A_1085, %broadcast_in_dim3A_1088, %broadcast_in_dim3A_1089 : vector<16xi1>, vector<16xf32>
      %mul3A_1091 = arith.mulf %select_n3A_1090, %neg3A_1018 : vector<16xf32>
      %add3A_1092 = arith.addf %scan3A_912, %mul3A_1091 : vector<16xf32>
      %add3A_1093 = arith.addf %scan3A_921, %select_n3A_1090 : vector<16xf32>
      %ge3A_1094 = arith.constant 8.000000e-01 : f32
      %ge3A_1095 = vector.broadcast %ge3A_1094 : f32 to vector<16xf32>
      %ge3A_1096 = arith.cmpf oge, %abs3A, %ge3A_1095 : vector<16xf32>
      %jit3A_1097 = arith.constant 1.000000e+00 : f32
      %jit3A_1098 = arith.constant 0.000000e+00 : f32
      %broadcast_in_dim3A_1099 = vector.broadcast %jit3A_1097 : f32 to vector<16xf32>
      %broadcast_in_dim3A_1100 = vector.broadcast %jit3A_1098 : f32 to vector<16xf32>
      %select_n3A_1101 = arith.select %ge3A_1096, %broadcast_in_dim3A_1099, %broadcast_in_dim3A_1100 : vector<16xi1>, vector<16xf32>
      %mul3A_1102 = arith.mulf %select_n3A_1101, %neg3A_1018 : vector<16xf32>
      %add3A_1103 = arith.addf %scan3A_913, %mul3A_1102 : vector<16xf32>
      %add3A_1104 = arith.addf %scan3A_922, %select_n3A_1101 : vector<16xf32>
      %ge3A_1105 = arith.constant 0.899999976 : f32
      %ge3A_1106 = vector.broadcast %ge3A_1105 : f32 to vector<16xf32>
      %ge3A_1107 = arith.cmpf oge, %abs3A, %ge3A_1106 : vector<16xf32>
      %jit3A_1108 = arith.constant 1.000000e+00 : f32
      %jit3A_1109 = arith.constant 0.000000e+00 : f32
      %broadcast_in_dim3A_1110 = vector.broadcast %jit3A_1108 : f32 to vector<16xf32>
      %broadcast_in_dim3A_1111 = vector.broadcast %jit3A_1109 : f32 to vector<16xf32>
      %select_n3A_1112 = arith.select %ge3A_1107, %broadcast_in_dim3A_1110, %broadcast_in_dim3A_1111 : vector<16xi1>, vector<16xf32>
      %mul3A_1113 = arith.mulf %select_n3A_1112, %neg3A_1018 : vector<16xf32>
      %add3A_1114 = arith.addf %scan3A_914, %mul3A_1113 : vector<16xf32>
      %add3A_1115 = arith.addf %scan3A_923, %select_n3A_1112 : vector<16xf32>
      %scan3A_1116 = arith.constant 1 : i32
      %scan3A_1117 = arith.addi %scan3A_904, %scan3A_1116 : i32
      %mul3A_1118 = arith.constant 16 : i32
      %mul3A_1119 = arith.muli %scan3A_1117, %mul3A_1118 : i32
      %get3A_1120 = arith.index_cast %mul3A_1119 : i32 to index
      %get3A_1121 = tpu.vector_load %arg7[%get3A_1120] {strides = array<i32>} : memref<32000xf32, #tpu.memory_space<vmem>>, vector<16xf32>,
      %get3A_1122 = vector.shape_cast %get3A_1121 : vector<16xf32> to vector<16xf32>
      %get3A_1123 = arith.index_cast %mul3A_1119 : i32 to index
      %get3A_1124 = tpu.vector_load %arg8[%get3A_1123] {strides = array<i32>} : memref<32000xf32, #tpu.memory_space<vmem>>, vector<16xf32>,
      %get3A_1125 = vector.shape_cast %get3A_1124 : vector<16xf32> to vector<16xf32>
      %sub3A_1126 = arith.subf %get3A_1122, %get3A_1125 : vector<16xf32>
      %abs3A_1127 = math.absf %sub3A_1126 : vector<16xf32>
      %bitcast_convert_type3A_1128 = tpu.bitcast %get3A_1122 : vector<16xf32> -> vector<16xi32>
      %shift_right_logical3A_1129 = arith.constant 23 : i32
      %shift_right_logical3A_1130 = vector.broadcast %shift_right_logical3A_1129 : i32 to vector<16xi32>
      %shift_right_logical3A_1131 = arith.shrui %bitcast_convert_type3A_1128, %shift_right_logical3A_1130 : vector<16xi32>
      %convert_element_type3A_1132 = arith.sitofp %shift_right_logical3A_1131 : vector<16xi32> to vector<16xf32>
      %sub3A_1133 = arith.constant 1.270000e+02 : f32
      %sub3A_1134 = vector.broadcast %sub3A_1133 : f32 to vector<16xf32>
      %sub3A_1135 = arith.subf %convert_element_type3A_1132, %sub3A_1134 : vector<16xf32>
      %and3A_1136 = arith.constant 8388607 : i32
      %and3A_1137 = vector.broadcast %and3A_1136 : i32 to vector<16xi32>
      %and3A_1138 = arith.andi %bitcast_convert_type3A_1128, %and3A_1137 : vector<16xi32>
      %or3A_1139 = arith.constant 1065353216 : i32
      %or3A_1140 = vector.broadcast %or3A_1139 : i32 to vector<16xi32>
      %or3A_1141 = arith.ori %and3A_1138, %or3A_1140 : vector<16xi32>
      %bitcast_convert_type3A_1142 = tpu.bitcast %or3A_1141 : vector<16xi32> -> vector<16xf32>
      %sub3A_1143 = arith.constant 1.000000e+00 : f32
      %sub3A_1144 = vector.broadcast %sub3A_1143 : f32 to vector<16xf32>
      %sub3A_1145 = arith.subf %bitcast_convert_type3A_1142, %sub3A_1144 : vector<16xf32>
      %mul3A_1146 = arith.constant 0.0313766226 : f32
      %mul3A_1147 = vector.broadcast %mul3A_1146 : f32 to vector<16xf32>
      %mul3A_1148 = arith.mulf %mul3A_1147, %sub3A_1145 : vector<16xf32>
      %add3A_1149 = arith.constant -0.134133309 : f32
      %add3A_1150 = vector.broadcast %add3A_1149 : f32 to vector<16xf32>
      %add3A_1151 = arith.addf %mul3A_1148, %add3A_1150 : vector<16xf32>
      %mul3A_1152 = arith.mulf %add3A_1151, %sub3A_1145 : vector<16xf32>
      %add3A_1153 = arith.constant 0.28782469 : f32
      %add3A_1154 = vector.broadcast %add3A_1153 : f32 to vector<16xf32>
      %add3A_1155 = arith.addf %mul3A_1152, %add3A_1154 : vector<16xf32>
      %mul3A_1156 = arith.mulf %add3A_1155, %sub3A_1145 : vector<16xf32>
      %add3A_1157 = arith.constant -0.491347462 : f32
      %add3A_1158 = vector.broadcast %add3A_1157 : f32 to vector<16xf32>
      %add3A_1159 = arith.addf %mul3A_1156, %add3A_1158 : vector<16xf32>
      %mul3A_1160 = arith.mulf %add3A_1159, %sub3A_1145 : vector<16xf32>
      %add3A_1161 = arith.constant 0.999434947 : f32
      %add3A_1162 = vector.broadcast %add3A_1161 : f32 to vector<16xf32>
      %add3A_1163 = arith.addf %mul3A_1160, %add3A_1162 : vector<16xf32>
      %mul3A_1164 = arith.mulf %add3A_1163, %sub3A_1145 : vector<16xf32>
      %mul3A_1165 = arith.constant 0.693147182 : f32
      %mul3A_1166 = vector.broadcast %mul3A_1165 : f32 to vector<16xf32>
      %mul3A_1167 = arith.mulf %sub3A_1135, %mul3A_1166 : vector<16xf32>
      %add3A_1168 = arith.addf %mul3A_1167, %mul3A_1164 : vector<16xf32>
      %sub3A_1169 = arith.constant 1.000000e+00 : f32
      %sub3A_1170 = vector.broadcast %sub3A_1169 : f32 to vector<16xf32>
      %sub3A_1171 = arith.subf %sub3A_1170, %get3A_1122 : vector<16xf32>
      %bitcast_convert_type3A_1172 = tpu.bitcast %sub3A_1171 : vector<16xf32> -> vector<16xi32>
      %shift_right_logical3A_1173 = arith.constant 23 : i32
      %shift_right_logical3A_1174 = vector.broadcast %shift_right_logical3A_1173 : i32 to vector<16xi32>
      %shift_right_logical3A_1175 = arith.shrui %bitcast_convert_type3A_1172, %shift_right_logical3A_1174 : vector<16xi32>
      %convert_element_type3A_1176 = arith.sitofp %shift_right_logical3A_1175 : vector<16xi32> to vector<16xf32>
      %sub3A_1177 = arith.constant 1.270000e+02 : f32
      %sub3A_1178 = vector.broadcast %sub3A_1177 : f32 to vector<16xf32>
      %sub3A_1179 = arith.subf %convert_element_type3A_1176, %sub3A_1178 : vector<16xf32>
      %and3A_1180 = arith.constant 8388607 : i32
      %and3A_1181 = vector.broadcast %and3A_1180 : i32 to vector<16xi32>
      %and3A_1182 = arith.andi %bitcast_convert_type3A_1172, %and3A_1181 : vector<16xi32>
      %or3A_1183 = arith.constant 1065353216 : i32
      %or3A_1184 = vector.broadcast %or3A_1183 : i32 to vector<16xi32>
      %or3A_1185 = arith.ori %and3A_1182, %or3A_1184 : vector<16xi32>
      %bitcast_convert_type3A_1186 = tpu.bitcast %or3A_1185 : vector<16xi32> -> vector<16xf32>
      %sub3A_1187 = arith.constant 1.000000e+00 : f32
      %sub3A_1188 = vector.broadcast %sub3A_1187 : f32 to vector<16xf32>
      %sub3A_1189 = arith.subf %bitcast_convert_type3A_1186, %sub3A_1188 : vector<16xf32>
      %mul3A_1190 = arith.constant 0.0313766226 : f32
      %mul3A_1191 = vector.broadcast %mul3A_1190 : f32 to vector<16xf32>
      %mul3A_1192 = arith.mulf %mul3A_1191, %sub3A_1189 : vector<16xf32>
      %add3A_1193 = arith.constant -0.134133309 : f32
      %add3A_1194 = vector.broadcast %add3A_1193 : f32 to vector<16xf32>
      %add3A_1195 = arith.addf %mul3A_1192, %add3A_1194 : vector<16xf32>
      %mul3A_1196 = arith.mulf %add3A_1195, %sub3A_1189 : vector<16xf32>
      %add3A_1197 = arith.constant 0.28782469 : f32
      %add3A_1198 = vector.broadcast %add3A_1197 : f32 to vector<16xf32>
      %add3A_1199 = arith.addf %mul3A_1196, %add3A_1198 : vector<16xf32>
      %mul3A_1200 = arith.mulf %add3A_1199, %sub3A_1189 : vector<16xf32>
      %add3A_1201 = arith.constant -0.491347462 : f32
      %add3A_1202 = vector.broadcast %add3A_1201 : f32 to vector<16xf32>
      %add3A_1203 = arith.addf %mul3A_1200, %add3A_1202 : vector<16xf32>
      %mul3A_1204 = arith.mulf %add3A_1203, %sub3A_1189 : vector<16xf32>
      %add3A_1205 = arith.constant 0.999434947 : f32
      %add3A_1206 = vector.broadcast %add3A_1205 : f32 to vector<16xf32>
      %add3A_1207 = arith.addf %mul3A_1204, %add3A_1206 : vector<16xf32>
      %mul3A_1208 = arith.mulf %add3A_1207, %sub3A_1189 : vector<16xf32>
      %mul3A_1209 = arith.constant 0.693147182 : f32
      %mul3A_1210 = vector.broadcast %mul3A_1209 : f32 to vector<16xf32>
      %mul3A_1211 = arith.mulf %sub3A_1179, %mul3A_1210 : vector<16xf32>
      %add3A_1212 = arith.addf %mul3A_1211, %mul3A_1208 : vector<16xf32>
      %mul3A_1213 = arith.mulf %get3A_1125, %add3A_1168 : vector<16xf32>
      %sub3A_1214 = arith.constant 1.000000e+00 : f32
      %sub3A_1215 = vector.broadcast %sub3A_1214 : f32 to vector<16xf32>
      %sub3A_1216 = arith.subf %sub3A_1215, %get3A_1125 : vector<16xf32>
      %mul3A_1217 = arith.mulf %sub3A_1216, %add3A_1212 : vector<16xf32>
      %add3A_1218 = arith.addf %mul3A_1213, %mul3A_1217 : vector<16xf32>
      %neg3A_1219 = arith.constant 0.000000e+00 : f32
      %neg3A_1220 = vector.broadcast %neg3A_1219 : f32 to vector<16xf32>
      %neg3A_1221 = arith.subf %neg3A_1220, %add3A_1218 : vector<16xf32>
      %add3A_1222 = arith.addf %add3A_1019, %neg3A_1221 : vector<16xf32>
      %ge3A_1223 = arith.constant 1.000000e-01 : f32
      %ge3A_1224 = vector.broadcast %ge3A_1223 : f32 to vector<16xf32>
      %ge3A_1225 = arith.cmpf oge, %abs3A_1127, %ge3A_1224 : vector<16xf32>
      %jit3A_1226 = arith.constant 1.000000e+00 : f32
      %jit3A_1227 = arith.constant 0.000000e+00 : f32
      %broadcast_in_dim3A_1228 = vector.broadcast %jit3A_1226 : f32 to vector<16xf32>
      %broadcast_in_dim3A_1229 = vector.broadcast %jit3A_1227 : f32 to vector<16xf32>
      %select_n3A_1230 = arith.select %ge3A_1225, %broadcast_in_dim3A_1228, %broadcast_in_dim3A_1229 : vector<16xi1>, vector<16xf32>
      %mul3A_1231 = arith.mulf %select_n3A_1230, %neg3A_1221 : vector<16xf32>
      %add3A_1232 = arith.addf %add3A_1026, %mul3A_1231 : vector<16xf32>
      %add3A_1233 = arith.addf %add3A_1027, %select_n3A_1230 : vector<16xf32>
      %ge3A_1234 = arith.constant 2.000000e-01 : f32
      %ge3A_1235 = vector.broadcast %ge3A_1234 : f32 to vector<16xf32>
      %ge3A_1236 = arith.cmpf oge, %abs3A_1127, %ge3A_1235 : vector<16xf32>
      %jit3A_1237 = arith.constant 1.000000e+00 : f32
      %jit3A_1238 = arith.constant 0.000000e+00 : f32
      %broadcast_in_dim3A_1239 = vector.broadcast %jit3A_1237 : f32 to vector<16xf32>
      %broadcast_in_dim3A_1240 = vector.broadcast %jit3A_1238 : f32 to vector<16xf32>
      %select_n3A_1241 = arith.select %ge3A_1236, %broadcast_in_dim3A_1239, %broadcast_in_dim3A_1240 : vector<16xi1>, vector<16xf32>
      %mul3A_1242 = arith.mulf %select_n3A_1241, %neg3A_1221 : vector<16xf32>
      %add3A_1243 = arith.addf %add3A_1037, %mul3A_1242 : vector<16xf32>
      %add3A_1244 = arith.addf %add3A_1038, %select_n3A_1241 : vector<16xf32>
      %ge3A_1245 = arith.constant 3.000000e-01 : f32
      %ge3A_1246 = vector.broadcast %ge3A_1245 : f32 to vector<16xf32>
      %ge3A_1247 = arith.cmpf oge, %abs3A_1127, %ge3A_1246 : vector<16xf32>
      %jit3A_1248 = arith.constant 1.000000e+00 : f32
      %jit3A_1249 = arith.constant 0.000000e+00 : f32
      %broadcast_in_dim3A_1250 = vector.broadcast %jit3A_1248 : f32 to vector<16xf32>
      %broadcast_in_dim3A_1251 = vector.broadcast %jit3A_1249 : f32 to vector<16xf32>
      %select_n3A_1252 = arith.select %ge3A_1247, %broadcast_in_dim3A_1250, %broadcast_in_dim3A_1251 : vector<16xi1>, vector<16xf32>
      %mul3A_1253 = arith.mulf %select_n3A_1252, %neg3A_1221 : vector<16xf32>
      %add3A_1254 = arith.addf %add3A_1048, %mul3A_1253 : vector<16xf32>
      %add3A_1255 = arith.addf %add3A_1049, %select_n3A_1252 : vector<16xf32>
      %ge3A_1256 = arith.constant 4.000000e-01 : f32
      %ge3A_1257 = vector.broadcast %ge3A_1256 : f32 to vector<16xf32>
      %ge3A_1258 = arith.cmpf oge, %abs3A_1127, %ge3A_1257 : vector<16xf32>
      %jit3A_1259 = arith.constant 1.000000e+00 : f32
      %jit3A_1260 = arith.constant 0.000000e+00 : f32
      %broadcast_in_dim3A_1261 = vector.broadcast %jit3A_1259 : f32 to vector<16xf32>
      %broadcast_in_dim3A_1262 = vector.broadcast %jit3A_1260 : f32 to vector<16xf32>
      %select_n3A_1263 = arith.select %ge3A_1258, %broadcast_in_dim3A_1261, %broadcast_in_dim3A_1262 : vector<16xi1>, vector<16xf32>
      %mul3A_1264 = arith.mulf %select_n3A_1263, %neg3A_1221 : vector<16xf32>
      %add3A_1265 = arith.addf %add3A_1059, %mul3A_1264 : vector<16xf32>
      %add3A_1266 = arith.addf %add3A_1060, %select_n3A_1263 : vector<16xf32>
      %ge3A_1267 = arith.constant 5.000000e-01 : f32
      %ge3A_1268 = vector.broadcast %ge3A_1267 : f32 to vector<16xf32>
      %ge3A_1269 = arith.cmpf oge, %abs3A_1127, %ge3A_1268 : vector<16xf32>
      %jit3A_1270 = arith.constant 1.000000e+00 : f32
      %jit3A_1271 = arith.constant 0.000000e+00 : f32
      %broadcast_in_dim3A_1272 = vector.broadcast %jit3A_1270 : f32 to vector<16xf32>
      %broadcast_in_dim3A_1273 = vector.broadcast %jit3A_1271 : f32 to vector<16xf32>
      %select_n3A_1274 = arith.select %ge3A_1269, %broadcast_in_dim3A_1272, %broadcast_in_dim3A_1273 : vector<16xi1>, vector<16xf32>
      %mul3A_1275 = arith.mulf %select_n3A_1274, %neg3A_1221 : vector<16xf32>
      %add3A_1276 = arith.addf %add3A_1070, %mul3A_1275 : vector<16xf32>
      %add3A_1277 = arith.addf %add3A_1071, %select_n3A_1274 : vector<16xf32>
      %ge3A_1278 = arith.constant 6.000000e-01 : f32
      %ge3A_1279 = vector.broadcast %ge3A_1278 : f32 to vector<16xf32>
      %ge3A_1280 = arith.cmpf oge, %abs3A_1127, %ge3A_1279 : vector<16xf32>
      %jit3A_1281 = arith.constant 1.000000e+00 : f32
      %jit3A_1282 = arith.constant 0.000000e+00 : f32
      %broadcast_in_dim3A_1283 = vector.broadcast %jit3A_1281 : f32 to vector<16xf32>
      %broadcast_in_dim3A_1284 = vector.broadcast %jit3A_1282 : f32 to vector<16xf32>
      %select_n3A_1285 = arith.select %ge3A_1280, %broadcast_in_dim3A_1283, %broadcast_in_dim3A_1284 : vector<16xi1>, vector<16xf32>
      %mul3A_1286 = arith.mulf %select_n3A_1285, %neg3A_1221 : vector<16xf32>
      %add3A_1287 = arith.addf %add3A_1081, %mul3A_1286 : vector<16xf32>
      %add3A_1288 = arith.addf %add3A_1082, %select_n3A_1285 : vector<16xf32>
      %ge3A_1289 = arith.constant 0.699999988 : f32
      %ge3A_1290 = vector.broadcast %ge3A_1289 : f32 to vector<16xf32>
      %ge3A_1291 = arith.cmpf oge, %abs3A_1127, %ge3A_1290 : vector<16xf32>
      %jit3A_1292 = arith.constant 1.000000e+00 : f32
      %jit3A_1293 = arith.constant 0.000000e+00 : f32
      %broadcast_in_dim3A_1294 = vector.broadcast %jit3A_1292 : f32 to vector<16xf32>
      %broadcast_in_dim3A_1295 = vector.broadcast %jit3A_1293 : f32 to vector<16xf32>
      %select_n3A_1296 = arith.select %ge3A_1291, %broadcast_in_dim3A_1294, %broadcast_in_dim3A_1295 : vector<16xi1>, vector<16xf32>
      %mul3A_1297 = arith.mulf %select_n3A_1296, %neg3A_1221 : vector<16xf32>
      %add3A_1298 = arith.addf %add3A_1092, %mul3A_1297 : vector<16xf32>
      %add3A_1299 = arith.addf %add3A_1093, %select_n3A_1296 : vector<16xf32>
      %ge3A_1300 = arith.constant 8.000000e-01 : f32
      %ge3A_1301 = vector.broadcast %ge3A_1300 : f32 to vector<16xf32>
      %ge3A_1302 = arith.cmpf oge, %abs3A_1127, %ge3A_1301 : vector<16xf32>
      %jit3A_1303 = arith.constant 1.000000e+00 : f32
      %jit3A_1304 = arith.constant 0.000000e+00 : f32
      %broadcast_in_dim3A_1305 = vector.broadcast %jit3A_1303 : f32 to vector<16xf32>
      %broadcast_in_dim3A_1306 = vector.broadcast %jit3A_1304 : f32 to vector<16xf32>
      %select_n3A_1307 = arith.select %ge3A_1302, %broadcast_in_dim3A_1305, %broadcast_in_dim3A_1306 : vector<16xi1>, vector<16xf32>
      %mul3A_1308 = arith.mulf %select_n3A_1307, %neg3A_1221 : vector<16xf32>
      %add3A_1309 = arith.addf %add3A_1103, %mul3A_1308 : vector<16xf32>
      %add3A_1310 = arith.addf %add3A_1104, %select_n3A_1307 : vector<16xf32>
      %ge3A_1311 = arith.constant 0.899999976 : f32
      %ge3A_1312 = vector.broadcast %ge3A_1311 : f32 to vector<16xf32>
      %ge3A_1313 = arith.cmpf oge, %abs3A_1127, %ge3A_1312 : vector<16xf32>
      %jit3A_1314 = arith.constant 1.000000e+00 : f32
      %jit3A_1315 = arith.constant 0.000000e+00 : f32
      %broadcast_in_dim3A_1316 = vector.broadcast %jit3A_1314 : f32 to vector<16xf32>
      %broadcast_in_dim3A_1317 = vector.broadcast %jit3A_1315 : f32 to vector<16xf32>
      %select_n3A_1318 = arith.select %ge3A_1313, %broadcast_in_dim3A_1316, %broadcast_in_dim3A_1317 : vector<16xi1>, vector<16xf32>
      %mul3A_1319 = arith.mulf %select_n3A_1318, %neg3A_1221 : vector<16xf32>
      %add3A_1320 = arith.addf %add3A_1114, %mul3A_1319 : vector<16xf32>
      %add3A_1321 = arith.addf %add3A_1115, %select_n3A_1318 : vector<16xf32>
      scf.yield %add3A_1222, %add3A_1232, %add3A_1243, %add3A_1254, %add3A_1265, %add3A_1276, %add3A_1287, %add3A_1298, %add3A_1309, %add3A_1320, %add3A_1233, %add3A_1244, %add3A_1255, %add3A_1266, %add3A_1277, %add3A_1288, %add3A_1299, %add3A_1310, %add3A_1321 : vector<16xf32>, vector<16xf32>, vector<16xf32>, vector<16xf32>, vector<16xf32>, vector<16xf32>, vector<16xf32>, vector<16xf32>, vector<16xf32>, vector<16xf32>, vector<16xf32>, vector<16xf32>, vector<16xf32>, vector<16xf32>, vector<16xf32>, vector<16xf32>, vector<16xf32>, vector<16xf32>, vector<16xf32>
    }
    %scan3A_827 = arith.constant 2000 : i32
    %swap3A_828 = arith.constant 0 : index
    %swap3A_829 = tpu.vector_load %arg9[%swap3A_828] {strides = array<i32>} : memref<304xf32, #tpu.memory_space<vmem>>, vector<16xf32>,
    %swap3A_830 = vector.shape_cast %swap3A_829 : vector<16xf32> to vector<16xf32>
    %swap3A_831 = vector.shape_cast %scan3A_826#0 : vector<16xf32> to vector<16xf32>
    tpu.vector_store %arg9[%swap3A_828], %swap3A_831 {add = true, strides = array<i32>} : memref<304xf32, #tpu.memory_space<vmem>>, vector<16xf32>,
    %swap3A_832 = arith.constant 16 : index
    %swap3A_833 = tpu.vector_load %arg9[%swap3A_832] {strides = array<i32>} : memref<304xf32, #tpu.memory_space<vmem>>, vector<16xf32>,
    %swap3A_834 = vector.shape_cast %swap3A_833 : vector<16xf32> to vector<16xf32>
    %swap3A_835 = vector.shape_cast %scan3A_826#1 : vector<16xf32> to vector<16xf32>
    tpu.vector_store %arg9[%swap3A_832], %swap3A_835 {add = true, strides = array<i32>} : memref<304xf32, #tpu.memory_space<vmem>>, vector<16xf32>,
    %swap3A_836 = arith.constant 32 : index
    %swap3A_837 = tpu.vector_load %arg9[%swap3A_836] {strides = array<i32>} : memref<304xf32, #tpu.memory_space<vmem>>, vector<16xf32>,
    %swap3A_838 = vector.shape_cast %swap3A_837 : vector<16xf32> to vector<16xf32>
    %swap3A_839 = vector.shape_cast %scan3A_826#2 : vector<16xf32> to vector<16xf32>
    tpu.vector_store %arg9[%swap3A_836], %swap3A_839 {add = true, strides = array<i32>} : memref<304xf32, #tpu.memory_space<vmem>>, vector<16xf32>,
    %swap3A_840 = arith.constant 48 : index
    %swap3A_841 = tpu.vector_load %arg9[%swap3A_840] {strides = array<i32>} : memref<304xf32, #tpu.memory_space<vmem>>, vector<16xf32>,
    %swap3A_842 = vector.shape_cast %swap3A_841 : vector<16xf32> to vector<16xf32>
    %swap3A_843 = vector.shape_cast %scan3A_826#3 : vector<16xf32> to vector<16xf32>
    tpu.vector_store %arg9[%swap3A_840], %swap3A_843 {add = true, strides = array<i32>} : memref<304xf32, #tpu.memory_space<vmem>>, vector<16xf32>,
    %swap3A_844 = arith.constant 64 : index
    %swap3A_845 = tpu.vector_load %arg9[%swap3A_844] {strides = array<i32>} : memref<304xf32, #tpu.memory_space<vmem>>, vector<16xf32>,
    %swap3A_846 = vector.shape_cast %swap3A_845 : vector<16xf32> to vector<16xf32>
    %swap3A_847 = vector.shape_cast %scan3A_826#4 : vector<16xf32> to vector<16xf32>
    tpu.vector_store %arg9[%swap3A_844], %swap3A_847 {add = true, strides = array<i32>} : memref<304xf32, #tpu.memory_space<vmem>>, vector<16xf32>,
    %swap3A_848 = arith.constant 80 : index
    %swap3A_849 = tpu.vector_load %arg9[%swap3A_848] {strides = array<i32>} : memref<304xf32, #tpu.memory_space<vmem>>, vector<16xf32>,
    %swap3A_850 = vector.shape_cast %swap3A_849 : vector<16xf32> to vector<16xf32>
    %swap3A_851 = vector.shape_cast %scan3A_826#5 : vector<16xf32> to vector<16xf32>
    tpu.vector_store %arg9[%swap3A_848], %swap3A_851 {add = true, strides = array<i32>} : memref<304xf32, #tpu.memory_space<vmem>>, vector<16xf32>,
    %swap3A_852 = arith.constant 96 : index
    %swap3A_853 = tpu.vector_load %arg9[%swap3A_852] {strides = array<i32>} : memref<304xf32, #tpu.memory_space<vmem>>, vector<16xf32>,
    %swap3A_854 = vector.shape_cast %swap3A_853 : vector<16xf32> to vector<16xf32>
    %swap3A_855 = vector.shape_cast %scan3A_826#6 : vector<16xf32> to vector<16xf32>
    tpu.vector_store %arg9[%swap3A_852], %swap3A_855 {add = true, strides = array<i32>} : memref<304xf32, #tpu.memory_space<vmem>>, vector<16xf32>,
    %swap3A_856 = arith.constant 112 : index
    %swap3A_857 = tpu.vector_load %arg9[%swap3A_856] {strides = array<i32>} : memref<304xf32, #tpu.memory_space<vmem>>, vector<16xf32>,
    %swap3A_858 = vector.shape_cast %swap3A_857 : vector<16xf32> to vector<16xf32>
    %swap3A_859 = vector.shape_cast %scan3A_826#7 : vector<16xf32> to vector<16xf32>
    tpu.vector_store %arg9[%swap3A_856], %swap3A_859 {add = true, strides = array<i32>} : memref<304xf32, #tpu.memory_space<vmem>>, vector<16xf32>,
    %swap3A_860 = arith.constant 128 : index
    %swap3A_861 = tpu.vector_load %arg9[%swap3A_860] {strides = array<i32>} : memref<304xf32, #tpu.memory_space<vmem>>, vector<16xf32>,
    %swap3A_862 = vector.shape_cast %swap3A_861 : vector<16xf32> to vector<16xf32>
    %swap3A_863 = vector.shape_cast %scan3A_826#8 : vector<16xf32> to vector<16xf32>
    tpu.vector_store %arg9[%swap3A_860], %swap3A_863 {add = true, strides = array<i32>} : memref<304xf32, #tpu.memory_space<vmem>>, vector<16xf32>,
    %swap3A_864 = arith.constant 144 : index
    %swap3A_865 = tpu.vector_load %arg9[%swap3A_864] {strides = array<i32>} : memref<304xf32, #tpu.memory_space<vmem>>, vector<16xf32>,
    %swap3A_866 = vector.shape_cast %swap3A_865 : vector<16xf32> to vector<16xf32>
    %swap3A_867 = vector.shape_cast %scan3A_826#9 : vector<16xf32> to vector<16xf32>
    tpu.vector_store %arg9[%swap3A_864], %swap3A_867 {add = true, strides = array<i32>} : memref<304xf32, #tpu.memory_space<vmem>>, vector<16xf32>,
    %swap3A_868 = arith.constant 160 : index
    %swap3A_869 = tpu.vector_load %arg9[%swap3A_868] {strides = array<i32>} : memref<304xf32, #tpu.memory_space<vmem>>, vector<16xf32>,
    %swap3A_870 = vector.shape_cast %swap3A_869 : vector<16xf32> to vector<16xf32>
    %swap3A_871 = vector.shape_cast %scan3A_826#10 : vector<16xf32> to vector<16xf32>
    tpu.vector_store %arg9[%swap3A_868], %swap3A_871 {add = true, strides = array<i32>} : memref<304xf32, #tpu.memory_space<vmem>>, vector<16xf32>,
    %swap3A_872 = arith.constant 176 : index
    %swap3A_873 = tpu.vector_load %arg9[%swap3A_872] {strides = array<i32>} : memref<304xf32, #tpu.memory_space<vmem>>, vector<16xf32>,
    %swap3A_874 = vector.shape_cast %swap3A_873 : vector<16xf32> to vector<16xf32>
    %swap3A_875 = vector.shape_cast %scan3A_826#11 : vector<16xf32> to vector<16xf32>
    tpu.vector_store %arg9[%swap3A_872], %swap3A_875 {add = true, strides = array<i32>} : memref<304xf32, #tpu.memory_space<vmem>>, vector<16xf32>,
    %swap3A_876 = arith.constant 192 : index
    %swap3A_877 = tpu.vector_load %arg9[%swap3A_876] {strides = array<i32>} : memref<304xf32, #tpu.memory_space<vmem>>, vector<16xf32>,
    %swap3A_878 = vector.shape_cast %swap3A_877 : vector<16xf32> to vector<16xf32>
    %swap3A_879 = vector.shape_cast %scan3A_826#12 : vector<16xf32> to vector<16xf32>
    tpu.vector_store %arg9[%swap3A_876], %swap3A_879 {add = true, strides = array<i32>} : memref<304xf32, #tpu.memory_space<vmem>>, vector<16xf32>,
    %swap3A_880 = arith.constant 208 : index
    %swap3A_881 = tpu.vector_load %arg9[%swap3A_880] {strides = array<i32>} : memref<304xf32, #tpu.memory_space<vmem>>, vector<16xf32>,
    %swap3A_882 = vector.shape_cast %swap3A_881 : vector<16xf32> to vector<16xf32>
    %swap3A_883 = vector.shape_cast %scan3A_826#13 : vector<16xf32> to vector<16xf32>
    tpu.vector_store %arg9[%swap3A_880], %swap3A_883 {add = true, strides = array<i32>} : memref<304xf32, #tpu.memory_space<vmem>>, vector<16xf32>,
    %swap3A_884 = arith.constant 224 : index
    %swap3A_885 = tpu.vector_load %arg9[%swap3A_884] {strides = array<i32>} : memref<304xf32, #tpu.memory_space<vmem>>, vector<16xf32>,
    %swap3A_886 = vector.shape_cast %swap3A_885 : vector<16xf32> to vector<16xf32>
    %swap3A_887 = vector.shape_cast %scan3A_826#14 : vector<16xf32> to vector<16xf32>
    tpu.vector_store %arg9[%swap3A_884], %swap3A_887 {add = true, strides = array<i32>} : memref<304xf32, #tpu.memory_space<vmem>>, vector<16xf32>,
    %swap3A_888 = arith.constant 240 : index
    %swap3A_889 = tpu.vector_load %arg9[%swap3A_888] {strides = array<i32>} : memref<304xf32, #tpu.memory_space<vmem>>, vector<16xf32>,
    %swap3A_890 = vector.shape_cast %swap3A_889 : vector<16xf32> to vector<16xf32>
    %swap3A_891 = vector.shape_cast %scan3A_826#15 : vector<16xf32> to vector<16xf32>
    tpu.vector_store %arg9[%swap3A_888], %swap3A_891 {add = true, strides = array<i32>} : memref<304xf32, #tpu.memory_space<vmem>>, vector<16xf32>,
    %swap3A_892 = arith.constant 256 : index
    %swap3A_893 = tpu.vector_load %arg9[%swap3A_892] {strides = array<i32>} : memref<304xf32, #tpu.memory_space<vmem>>, vector<16xf32>,
    %swap3A_894 = vector.shape_cast %swap3A_893 : vector<16xf32> to vector<16xf32>
    %swap3A_895 = vector.shape_cast %scan3A_826#16 : vector<16xf32> to vector<16xf32>
    tpu.vector_store %arg9[%swap3A_892], %swap3A_895 {add = true, strides = array<i32>} : memref<304xf32, #tpu.memory_space<vmem>>, vector<16xf32>,
    %swap3A_896 = arith.constant 272 : index
    %swap3A_897 = tpu.vector_load %arg9[%swap3A_896] {strides = array<i32>} : memref<304xf32, #tpu.memory_space<vmem>>, vector<16xf32>,
    %swap3A_898 = vector.shape_cast %swap3A_897 : vector<16xf32> to vector<16xf32>
    %swap3A_899 = vector.shape_cast %scan3A_826#17 : vector<16xf32> to vector<16xf32>
    tpu.vector_store %arg9[%swap3A_896], %swap3A_899 {add = true, strides = array<i32>} : memref<304xf32, #tpu.memory_space<vmem>>, vector<16xf32>,
    %swap3A_900 = arith.constant 288 : index
    %swap3A_901 = tpu.vector_load %arg9[%swap3A_900] {strides = array<i32>} : memref<304xf32, #tpu.memory_space<vmem>>, vector<16xf32>,
    %swap3A_902 = vector.shape_cast %swap3A_901 : vector<16xf32> to vector<16xf32>
    %swap3A_903 = vector.shape_cast %scan3A_826#18 : vector<16xf32> to vector<16xf32>
    tpu.vector_store %arg9[%swap3A_900], %swap3A_903 {add = true, strides = array<i32>} : memref<304xf32, #tpu.memory_space<vmem>>, vector<16xf32>,
    "tpu.region"() ({
      %run_scoped3A = tpu.sem_alloc : memref<!tpu.dma_semaphore, #tpu.memory_space<semaphore_mem>>
      %dma_start3A_904 = arith.constant 0 : i32
      %dma_start3A_905 = tpu.memref_slice %arg4[%add3A, %dma_start3A_904] : memref<32x304xf32, #tpu.memory_space<hbm>> -> memref<1x304xf32, #tpu.memory_space<hbm>>
      %dma_start3A_906 = tpu.memref_squeeze %dma_start3A_905 : memref<1x304xf32, #tpu.memory_space<hbm>> -> memref<304xf32, #tpu.memory_space<hbm>>
      %dma_start3A_907 = arith.constant 0 : i32
      %dma_start3A_908 = tpu.memref_slice %arg4[%add3A, %dma_start3A_907] : memref<32x304xf32, #tpu.memory_space<hbm>> -> memref<1x304xf32, #tpu.memory_space<hbm>>
      %dma_start3A_909 = tpu.memref_squeeze %dma_start3A_908 : memref<1x304xf32, #tpu.memory_space<hbm>> -> memref<304xf32, #tpu.memory_space<hbm>>
      tpu.enqueue_dma source(%arg9 : memref<304xf32, #tpu.memory_space<vmem>>) target(%dma_start3A_909 : memref<304xf32, #tpu.memory_space<hbm>>) target_semaphore(%run_scoped3A : memref<!tpu.dma_semaphore, #tpu.memory_space<semaphore_mem>>)
      %dma_wait3A_910 = arith.constant 0 : i32
      %dma_wait3A_911 = tpu.memref_slice %arg4[%add3A, %dma_wait3A_910] : memref<32x304xf32, #tpu.memory_space<hbm>> -> memref<1x304xf32, #tpu.memory_space<hbm>>
      %dma_wait3A_912 = tpu.memref_squeeze %dma_wait3A_911 : memref<1x304xf32, #tpu.memory_space<hbm>> -> memref<304xf32, #tpu.memory_space<hbm>>
      %dma_wait3A_913 = arith.constant 0 : i32
      %dma_wait3A_914 = tpu.memref_slice %arg4[%add3A, %dma_wait3A_913] : memref<32x304xf32, #tpu.memory_space<hbm>> -> memref<1x304xf32, #tpu.memory_space<hbm>>
      %dma_wait3A_915 = tpu.memref_squeeze %dma_wait3A_914 : memref<1x304xf32, #tpu.memory_space<hbm>> -> memref<304xf32, #tpu.memory_space<hbm>>
      tpu.wait_dma2 semaphore(%run_scoped3A : memref<!tpu.dma_semaphore, #tpu.memory_space<semaphore_mem>>) src(%arg9 : memref<304xf32, #tpu.memory_space<vmem>>) dst(%dma_wait3A_915 : memref<304xf32, #tpu.memory_space<hbm>>)
      tpu.yield
    }) : () -> ()
    return
  }
}

module attributes {stable_mosaic.version = 14 : i64} {
  func.func @_tc_body(%arg0: i32, %arg1: memref<1000x1024xf32, #tpu.memory_space<vmem>>, %arg2: memref<1000x1024xf32, #tpu.memory_space<vmem>>, %arg3: memref<1x22xf32, #tpu.memory_space<smem>>, %arg4: memref<22xf32, #tpu.memory_space<smem>>) attributes {dimension_semantics = [#tpu.dimension_semantics<arbitrary>], iteration_bounds = array<i64: 10>, scalar_prefetch = 0 : i64, scratch_operands = 1 : i64, tpu.core_type = #tpu.core_type<tc>, window_params = [{transform_indices = @transform_0, window_bounds = array<i64: 1000, 1024>}, {transform_indices = @transform_1, window_bounds = array<i64: 1000, 1024>}, {transform_indices = @transform_2, window_bounds = array<i64: 1, 22>}]} {
    %eq3A = arith.constant 0 : i32
    %eq3A_0 = arith.cmpi eq, %arg0, %eq3A : i32
    %convert_element_type3A = arith.extui %eq3A_0 : i1 to i32
    %cond3A = arith.constant 0 : i32
    %cond3A_1 = arith.cmpi ne, %convert_element_type3A, %cond3A : i32
    scf.if %cond3A_1 {
      %swap3A_312 = arith.constant 0.000000e+00 : f32
      %swap3A_313 = arith.constant 0 : index
      %swap3A_314 = memref.load %arg4[%swap3A_313] : memref<22xf32, #tpu.memory_space<smem>>
      memref.store %swap3A_312, %arg4[%swap3A_313] : memref<22xf32, #tpu.memory_space<smem>>
      %swap3A_315 = arith.constant 0.000000e+00 : f32
      %swap3A_316 = arith.constant 1 : index
      %swap3A_317 = memref.load %arg4[%swap3A_316] : memref<22xf32, #tpu.memory_space<smem>>
      memref.store %swap3A_315, %arg4[%swap3A_316] : memref<22xf32, #tpu.memory_space<smem>>
      %swap3A_318 = arith.constant 0.000000e+00 : f32
      %swap3A_319 = arith.constant 2 : index
      %swap3A_320 = memref.load %arg4[%swap3A_319] : memref<22xf32, #tpu.memory_space<smem>>
      memref.store %swap3A_318, %arg4[%swap3A_319] : memref<22xf32, #tpu.memory_space<smem>>
      %swap3A_321 = arith.constant 0.000000e+00 : f32
      %swap3A_322 = arith.constant 3 : index
      %swap3A_323 = memref.load %arg4[%swap3A_322] : memref<22xf32, #tpu.memory_space<smem>>
      memref.store %swap3A_321, %arg4[%swap3A_322] : memref<22xf32, #tpu.memory_space<smem>>
      %swap3A_324 = arith.constant 0.000000e+00 : f32
      %swap3A_325 = arith.constant 4 : index
      %swap3A_326 = memref.load %arg4[%swap3A_325] : memref<22xf32, #tpu.memory_space<smem>>
      memref.store %swap3A_324, %arg4[%swap3A_325] : memref<22xf32, #tpu.memory_space<smem>>
      %swap3A_327 = arith.constant 0.000000e+00 : f32
      %swap3A_328 = arith.constant 5 : index
      %swap3A_329 = memref.load %arg4[%swap3A_328] : memref<22xf32, #tpu.memory_space<smem>>
      memref.store %swap3A_327, %arg4[%swap3A_328] : memref<22xf32, #tpu.memory_space<smem>>
      %swap3A_330 = arith.constant 0.000000e+00 : f32
      %swap3A_331 = arith.constant 6 : index
      %swap3A_332 = memref.load %arg4[%swap3A_331] : memref<22xf32, #tpu.memory_space<smem>>
      memref.store %swap3A_330, %arg4[%swap3A_331] : memref<22xf32, #tpu.memory_space<smem>>
      %swap3A_333 = arith.constant 0.000000e+00 : f32
      %swap3A_334 = arith.constant 7 : index
      %swap3A_335 = memref.load %arg4[%swap3A_334] : memref<22xf32, #tpu.memory_space<smem>>
      memref.store %swap3A_333, %arg4[%swap3A_334] : memref<22xf32, #tpu.memory_space<smem>>
      %swap3A_336 = arith.constant 0.000000e+00 : f32
      %swap3A_337 = arith.constant 8 : index
      %swap3A_338 = memref.load %arg4[%swap3A_337] : memref<22xf32, #tpu.memory_space<smem>>
      memref.store %swap3A_336, %arg4[%swap3A_337] : memref<22xf32, #tpu.memory_space<smem>>
      %swap3A_339 = arith.constant 0.000000e+00 : f32
      %swap3A_340 = arith.constant 9 : index
      %swap3A_341 = memref.load %arg4[%swap3A_340] : memref<22xf32, #tpu.memory_space<smem>>
      memref.store %swap3A_339, %arg4[%swap3A_340] : memref<22xf32, #tpu.memory_space<smem>>
      %swap3A_342 = arith.constant 0.000000e+00 : f32
      %swap3A_343 = arith.constant 10 : index
      %swap3A_344 = memref.load %arg4[%swap3A_343] : memref<22xf32, #tpu.memory_space<smem>>
      memref.store %swap3A_342, %arg4[%swap3A_343] : memref<22xf32, #tpu.memory_space<smem>>
      %swap3A_345 = arith.constant 0.000000e+00 : f32
      %swap3A_346 = arith.constant 11 : index
      %swap3A_347 = memref.load %arg4[%swap3A_346] : memref<22xf32, #tpu.memory_space<smem>>
      memref.store %swap3A_345, %arg4[%swap3A_346] : memref<22xf32, #tpu.memory_space<smem>>
      %swap3A_348 = arith.constant 0.000000e+00 : f32
      %swap3A_349 = arith.constant 12 : index
      %swap3A_350 = memref.load %arg4[%swap3A_349] : memref<22xf32, #tpu.memory_space<smem>>
      memref.store %swap3A_348, %arg4[%swap3A_349] : memref<22xf32, #tpu.memory_space<smem>>
      %swap3A_351 = arith.constant 0.000000e+00 : f32
      %swap3A_352 = arith.constant 13 : index
      %swap3A_353 = memref.load %arg4[%swap3A_352] : memref<22xf32, #tpu.memory_space<smem>>
      memref.store %swap3A_351, %arg4[%swap3A_352] : memref<22xf32, #tpu.memory_space<smem>>
      %swap3A_354 = arith.constant 0.000000e+00 : f32
      %swap3A_355 = arith.constant 14 : index
      %swap3A_356 = memref.load %arg4[%swap3A_355] : memref<22xf32, #tpu.memory_space<smem>>
      memref.store %swap3A_354, %arg4[%swap3A_355] : memref<22xf32, #tpu.memory_space<smem>>
      %swap3A_357 = arith.constant 0.000000e+00 : f32
      %swap3A_358 = arith.constant 15 : index
      %swap3A_359 = memref.load %arg4[%swap3A_358] : memref<22xf32, #tpu.memory_space<smem>>
      memref.store %swap3A_357, %arg4[%swap3A_358] : memref<22xf32, #tpu.memory_space<smem>>
      %swap3A_360 = arith.constant 0.000000e+00 : f32
      %swap3A_361 = arith.constant 16 : index
      %swap3A_362 = memref.load %arg4[%swap3A_361] : memref<22xf32, #tpu.memory_space<smem>>
      memref.store %swap3A_360, %arg4[%swap3A_361] : memref<22xf32, #tpu.memory_space<smem>>
      %swap3A_363 = arith.constant 0.000000e+00 : f32
      %swap3A_364 = arith.constant 17 : index
      %swap3A_365 = memref.load %arg4[%swap3A_364] : memref<22xf32, #tpu.memory_space<smem>>
      memref.store %swap3A_363, %arg4[%swap3A_364] : memref<22xf32, #tpu.memory_space<smem>>
      %swap3A_366 = arith.constant 0.000000e+00 : f32
      %swap3A_367 = arith.constant 18 : index
      %swap3A_368 = memref.load %arg4[%swap3A_367] : memref<22xf32, #tpu.memory_space<smem>>
      memref.store %swap3A_366, %arg4[%swap3A_367] : memref<22xf32, #tpu.memory_space<smem>>
      %swap3A_369 = arith.constant 0.000000e+00 : f32
      %swap3A_370 = arith.constant 19 : index
      %swap3A_371 = memref.load %arg4[%swap3A_370] : memref<22xf32, #tpu.memory_space<smem>>
      memref.store %swap3A_369, %arg4[%swap3A_370] : memref<22xf32, #tpu.memory_space<smem>>
      %swap3A_372 = arith.constant 0.000000e+00 : f32
      %swap3A_373 = arith.constant 20 : index
      %swap3A_374 = memref.load %arg4[%swap3A_373] : memref<22xf32, #tpu.memory_space<smem>>
      memref.store %swap3A_372, %arg4[%swap3A_373] : memref<22xf32, #tpu.memory_space<smem>>
      %swap3A_375 = arith.constant 0.000000e+00 : f32
      %swap3A_376 = arith.constant 21 : index
      %swap3A_377 = memref.load %arg4[%swap3A_376] : memref<22xf32, #tpu.memory_space<smem>>
      memref.store %swap3A_375, %arg4[%swap3A_376] : memref<22xf32, #tpu.memory_space<smem>>
    } else {
    }
    %get3A = arith.constant 0 : index
    %get3A_2 = arith.constant 0 : index
    %get3A_3 = vector.load %arg1[%get3A, %get3A_2] : memref<1000x1024xf32, #tpu.memory_space<vmem>>, vector<1000x1024xf32>
    %get3A_4 = arith.constant 0 : index
    %get3A_5 = arith.constant 0 : index
    %get3A_6 = vector.load %arg2[%get3A_4, %get3A_5] : memref<1000x1024xf32, #tpu.memory_space<vmem>>, vector<1000x1024xf32>
    %sub3A = arith.subf %get3A_3, %get3A_6 : vector<1000x1024xf32>
    %abs3A = math.absf %sub3A : vector<1000x1024xf32>
    %log3A = math.log %get3A_3 : vector<1000x1024xf32>
    %sub3A_7 = arith.constant 1.000000e+00 : f32
    %sub3A_8 = vector.broadcast %sub3A_7 : f32 to vector<1000x1024xf32>
    %sub3A_9 = arith.subf %sub3A_8, %get3A_3 : vector<1000x1024xf32>
    %log3A_10 = math.log %sub3A_9 : vector<1000x1024xf32>
    %mul3A = arith.mulf %get3A_6, %log3A : vector<1000x1024xf32>
    %sub3A_11 = arith.constant 1.000000e+00 : f32
    %sub3A_12 = vector.broadcast %sub3A_11 : f32 to vector<1000x1024xf32>
    %sub3A_13 = arith.subf %sub3A_12, %get3A_6 : vector<1000x1024xf32>
    %mul3A_14 = arith.mulf %sub3A_13, %log3A_10 : vector<1000x1024xf32>
    %add3A = arith.addf %mul3A, %mul3A_14 : vector<1000x1024xf32>
    %neg3A = arith.constant 0.000000e+00 : f32
    %neg3A_15 = vector.broadcast %neg3A : f32 to vector<1000x1024xf32>
    %neg3A_16 = arith.subf %neg3A_15, %add3A : vector<1000x1024xf32>
    %get3A_17 = arith.constant 0 : index
    %get3A_18 = memref.load %arg4[%get3A_17] : memref<22xf32, #tpu.memory_space<smem>>
    %add3A_19 = arith.constant 1.024000e+06 : f32
    %add3A_20 = arith.addf %get3A_18, %add3A_19 : f32
    %swap3A = arith.constant 0 : index
    %swap3A_21 = memref.load %arg4[%swap3A] : memref<22xf32, #tpu.memory_space<smem>>
    memref.store %add3A_20, %arg4[%swap3A] : memref<22xf32, #tpu.memory_space<smem>>
    %get3A_22 = arith.constant 11 : index
    %get3A_23 = memref.load %arg4[%get3A_22] : memref<22xf32, #tpu.memory_space<smem>>
    %reduce_sum3A = vector.shape_cast %neg3A_16 : vector<1000x1024xf32> to vector<1x1000x1024xf32>
    %reduce_sum3A_24 = arith.constant dense<0.000000e+00> : vector<1xf32>
    %reduce_sum3A_25 = vector.multi_reduction <add>, %reduce_sum3A, %reduce_sum3A_24 [1, 2] : vector<1x1000x1024xf32> to vector<1xf32>
    %reduce_sum3A_26 = vector.shape_cast %reduce_sum3A_25 : vector<1xf32> to vector<1x1x1xf32>
    %reduce_sum3A_27 = vector.extract %reduce_sum3A_26[0, 0, 0] : f32 from vector<1x1x1xf32>
    %add3A_28 = arith.addf %get3A_23, %reduce_sum3A_27 : f32
    %swap3A_29 = arith.constant 11 : index
    %swap3A_30 = memref.load %arg4[%swap3A_29] : memref<22xf32, #tpu.memory_space<smem>>
    memref.store %add3A_28, %arg4[%swap3A_29] : memref<22xf32, #tpu.memory_space<smem>>
    %ge3A = arith.constant 1.000000e-01 : f32
    %ge3A_31 = vector.broadcast %ge3A : f32 to vector<1000x1024xf32>
    %ge3A_32 = arith.cmpf oge, %abs3A, %ge3A_31 : vector<1000x1024xf32>
    %get3A_33 = arith.constant 1 : index
    %get3A_34 = memref.load %arg4[%get3A_33] : memref<22xf32, #tpu.memory_space<smem>>
    %convert_element_type3A_35 = arith.extui %ge3A_32 : vector<1000x1024xi1> to vector<1000x1024xi32>
    %convert_element_type3A_36 = arith.sitofp %convert_element_type3A_35 : vector<1000x1024xi32> to vector<1000x1024xf32>
    %reduce_sum3A_37 = vector.shape_cast %convert_element_type3A_36 : vector<1000x1024xf32> to vector<1x1000x1024xf32>
    %reduce_sum3A_38 = arith.constant dense<0.000000e+00> : vector<1xf32>
    %reduce_sum3A_39 = vector.multi_reduction <add>, %reduce_sum3A_37, %reduce_sum3A_38 [1, 2] : vector<1x1000x1024xf32> to vector<1xf32>
    %reduce_sum3A_40 = vector.shape_cast %reduce_sum3A_39 : vector<1xf32> to vector<1x1x1xf32>
    %reduce_sum3A_41 = vector.extract %reduce_sum3A_40[0, 0, 0] : f32 from vector<1x1x1xf32>
    %add3A_42 = arith.addf %get3A_34, %reduce_sum3A_41 : f32
    %swap3A_43 = arith.constant 1 : index
    %swap3A_44 = memref.load %arg4[%swap3A_43] : memref<22xf32, #tpu.memory_space<smem>>
    memref.store %add3A_42, %arg4[%swap3A_43] : memref<22xf32, #tpu.memory_space<smem>>
    %get3A_45 = arith.constant 12 : index
    %get3A_46 = memref.load %arg4[%get3A_45] : memref<22xf32, #tpu.memory_space<smem>>
    %jit3A = arith.constant 0.000000e+00 : f32
    %broadcast_in_dim3A = vector.broadcast %jit3A : f32 to vector<1000x1024xf32>
    %select_n3A = arith.select %ge3A_32, %neg3A_16, %broadcast_in_dim3A : vector<1000x1024xi1>, vector<1000x1024xf32>
    %reduce_sum3A_47 = vector.shape_cast %select_n3A : vector<1000x1024xf32> to vector<1x1000x1024xf32>
    %reduce_sum3A_48 = arith.constant dense<0.000000e+00> : vector<1xf32>
    %reduce_sum3A_49 = vector.multi_reduction <add>, %reduce_sum3A_47, %reduce_sum3A_48 [1, 2] : vector<1x1000x1024xf32> to vector<1xf32>
    %reduce_sum3A_50 = vector.shape_cast %reduce_sum3A_49 : vector<1xf32> to vector<1x1x1xf32>
    %reduce_sum3A_51 = vector.extract %reduce_sum3A_50[0, 0, 0] : f32 from vector<1x1x1xf32>
    %add3A_52 = arith.addf %get3A_46, %reduce_sum3A_51 : f32
    %swap3A_53 = arith.constant 12 : index
    %swap3A_54 = memref.load %arg4[%swap3A_53] : memref<22xf32, #tpu.memory_space<smem>>
    memref.store %add3A_52, %arg4[%swap3A_53] : memref<22xf32, #tpu.memory_space<smem>>
    %ge3A_55 = arith.constant 2.000000e-01 : f32
    %ge3A_56 = vector.broadcast %ge3A_55 : f32 to vector<1000x1024xf32>
    %ge3A_57 = arith.cmpf oge, %abs3A, %ge3A_56 : vector<1000x1024xf32>
    %get3A_58 = arith.constant 2 : index
    %get3A_59 = memref.load %arg4[%get3A_58] : memref<22xf32, #tpu.memory_space<smem>>
    %convert_element_type3A_60 = arith.extui %ge3A_57 : vector<1000x1024xi1> to vector<1000x1024xi32>
    %convert_element_type3A_61 = arith.sitofp %convert_element_type3A_60 : vector<1000x1024xi32> to vector<1000x1024xf32>
    %reduce_sum3A_62 = vector.shape_cast %convert_element_type3A_61 : vector<1000x1024xf32> to vector<1x1000x1024xf32>
    %reduce_sum3A_63 = arith.constant dense<0.000000e+00> : vector<1xf32>
    %reduce_sum3A_64 = vector.multi_reduction <add>, %reduce_sum3A_62, %reduce_sum3A_63 [1, 2] : vector<1x1000x1024xf32> to vector<1xf32>
    %reduce_sum3A_65 = vector.shape_cast %reduce_sum3A_64 : vector<1xf32> to vector<1x1x1xf32>
    %reduce_sum3A_66 = vector.extract %reduce_sum3A_65[0, 0, 0] : f32 from vector<1x1x1xf32>
    %add3A_67 = arith.addf %get3A_59, %reduce_sum3A_66 : f32
    %swap3A_68 = arith.constant 2 : index
    %swap3A_69 = memref.load %arg4[%swap3A_68] : memref<22xf32, #tpu.memory_space<smem>>
    memref.store %add3A_67, %arg4[%swap3A_68] : memref<22xf32, #tpu.memory_space<smem>>
    %get3A_70 = arith.constant 13 : index
    %get3A_71 = memref.load %arg4[%get3A_70] : memref<22xf32, #tpu.memory_space<smem>>
    %jit3A_72 = arith.constant 0.000000e+00 : f32
    %broadcast_in_dim3A_73 = vector.broadcast %jit3A_72 : f32 to vector<1000x1024xf32>
    %select_n3A_74 = arith.select %ge3A_57, %neg3A_16, %broadcast_in_dim3A_73 : vector<1000x1024xi1>, vector<1000x1024xf32>
    %reduce_sum3A_75 = vector.shape_cast %select_n3A_74 : vector<1000x1024xf32> to vector<1x1000x1024xf32>
    %reduce_sum3A_76 = arith.constant dense<0.000000e+00> : vector<1xf32>
    %reduce_sum3A_77 = vector.multi_reduction <add>, %reduce_sum3A_75, %reduce_sum3A_76 [1, 2] : vector<1x1000x1024xf32> to vector<1xf32>
    %reduce_sum3A_78 = vector.shape_cast %reduce_sum3A_77 : vector<1xf32> to vector<1x1x1xf32>
    %reduce_sum3A_79 = vector.extract %reduce_sum3A_78[0, 0, 0] : f32 from vector<1x1x1xf32>
    %add3A_80 = arith.addf %get3A_71, %reduce_sum3A_79 : f32
    %swap3A_81 = arith.constant 13 : index
    %swap3A_82 = memref.load %arg4[%swap3A_81] : memref<22xf32, #tpu.memory_space<smem>>
    memref.store %add3A_80, %arg4[%swap3A_81] : memref<22xf32, #tpu.memory_space<smem>>
    %ge3A_83 = arith.constant 3.000000e-01 : f32
    %ge3A_84 = vector.broadcast %ge3A_83 : f32 to vector<1000x1024xf32>
    %ge3A_85 = arith.cmpf oge, %abs3A, %ge3A_84 : vector<1000x1024xf32>
    %get3A_86 = arith.constant 3 : index
    %get3A_87 = memref.load %arg4[%get3A_86] : memref<22xf32, #tpu.memory_space<smem>>
    %convert_element_type3A_88 = arith.extui %ge3A_85 : vector<1000x1024xi1> to vector<1000x1024xi32>
    %convert_element_type3A_89 = arith.sitofp %convert_element_type3A_88 : vector<1000x1024xi32> to vector<1000x1024xf32>
    %reduce_sum3A_90 = vector.shape_cast %convert_element_type3A_89 : vector<1000x1024xf32> to vector<1x1000x1024xf32>
    %reduce_sum3A_91 = arith.constant dense<0.000000e+00> : vector<1xf32>
    %reduce_sum3A_92 = vector.multi_reduction <add>, %reduce_sum3A_90, %reduce_sum3A_91 [1, 2] : vector<1x1000x1024xf32> to vector<1xf32>
    %reduce_sum3A_93 = vector.shape_cast %reduce_sum3A_92 : vector<1xf32> to vector<1x1x1xf32>
    %reduce_sum3A_94 = vector.extract %reduce_sum3A_93[0, 0, 0] : f32 from vector<1x1x1xf32>
    %add3A_95 = arith.addf %get3A_87, %reduce_sum3A_94 : f32
    %swap3A_96 = arith.constant 3 : index
    %swap3A_97 = memref.load %arg4[%swap3A_96] : memref<22xf32, #tpu.memory_space<smem>>
    memref.store %add3A_95, %arg4[%swap3A_96] : memref<22xf32, #tpu.memory_space<smem>>
    %get3A_98 = arith.constant 14 : index
    %get3A_99 = memref.load %arg4[%get3A_98] : memref<22xf32, #tpu.memory_space<smem>>
    %jit3A_100 = arith.constant 0.000000e+00 : f32
    %broadcast_in_dim3A_101 = vector.broadcast %jit3A_100 : f32 to vector<1000x1024xf32>
    %select_n3A_102 = arith.select %ge3A_85, %neg3A_16, %broadcast_in_dim3A_101 : vector<1000x1024xi1>, vector<1000x1024xf32>
    %reduce_sum3A_103 = vector.shape_cast %select_n3A_102 : vector<1000x1024xf32> to vector<1x1000x1024xf32>
    %reduce_sum3A_104 = arith.constant dense<0.000000e+00> : vector<1xf32>
    %reduce_sum3A_105 = vector.multi_reduction <add>, %reduce_sum3A_103, %reduce_sum3A_104 [1, 2] : vector<1x1000x1024xf32> to vector<1xf32>
    %reduce_sum3A_106 = vector.shape_cast %reduce_sum3A_105 : vector<1xf32> to vector<1x1x1xf32>
    %reduce_sum3A_107 = vector.extract %reduce_sum3A_106[0, 0, 0] : f32 from vector<1x1x1xf32>
    %add3A_108 = arith.addf %get3A_99, %reduce_sum3A_107 : f32
    %swap3A_109 = arith.constant 14 : index
    %swap3A_110 = memref.load %arg4[%swap3A_109] : memref<22xf32, #tpu.memory_space<smem>>
    memref.store %add3A_108, %arg4[%swap3A_109] : memref<22xf32, #tpu.memory_space<smem>>
    %ge3A_111 = arith.constant 4.000000e-01 : f32
    %ge3A_112 = vector.broadcast %ge3A_111 : f32 to vector<1000x1024xf32>
    %ge3A_113 = arith.cmpf oge, %abs3A, %ge3A_112 : vector<1000x1024xf32>
    %get3A_114 = arith.constant 4 : index
    %get3A_115 = memref.load %arg4[%get3A_114] : memref<22xf32, #tpu.memory_space<smem>>
    %convert_element_type3A_116 = arith.extui %ge3A_113 : vector<1000x1024xi1> to vector<1000x1024xi32>
    %convert_element_type3A_117 = arith.sitofp %convert_element_type3A_116 : vector<1000x1024xi32> to vector<1000x1024xf32>
    %reduce_sum3A_118 = vector.shape_cast %convert_element_type3A_117 : vector<1000x1024xf32> to vector<1x1000x1024xf32>
    %reduce_sum3A_119 = arith.constant dense<0.000000e+00> : vector<1xf32>
    %reduce_sum3A_120 = vector.multi_reduction <add>, %reduce_sum3A_118, %reduce_sum3A_119 [1, 2] : vector<1x1000x1024xf32> to vector<1xf32>
    %reduce_sum3A_121 = vector.shape_cast %reduce_sum3A_120 : vector<1xf32> to vector<1x1x1xf32>
    %reduce_sum3A_122 = vector.extract %reduce_sum3A_121[0, 0, 0] : f32 from vector<1x1x1xf32>
    %add3A_123 = arith.addf %get3A_115, %reduce_sum3A_122 : f32
    %swap3A_124 = arith.constant 4 : index
    %swap3A_125 = memref.load %arg4[%swap3A_124] : memref<22xf32, #tpu.memory_space<smem>>
    memref.store %add3A_123, %arg4[%swap3A_124] : memref<22xf32, #tpu.memory_space<smem>>
    %get3A_126 = arith.constant 15 : index
    %get3A_127 = memref.load %arg4[%get3A_126] : memref<22xf32, #tpu.memory_space<smem>>
    %jit3A_128 = arith.constant 0.000000e+00 : f32
    %broadcast_in_dim3A_129 = vector.broadcast %jit3A_128 : f32 to vector<1000x1024xf32>
    %select_n3A_130 = arith.select %ge3A_113, %neg3A_16, %broadcast_in_dim3A_129 : vector<1000x1024xi1>, vector<1000x1024xf32>
    %reduce_sum3A_131 = vector.shape_cast %select_n3A_130 : vector<1000x1024xf32> to vector<1x1000x1024xf32>
    %reduce_sum3A_132 = arith.constant dense<0.000000e+00> : vector<1xf32>
    %reduce_sum3A_133 = vector.multi_reduction <add>, %reduce_sum3A_131, %reduce_sum3A_132 [1, 2] : vector<1x1000x1024xf32> to vector<1xf32>
    %reduce_sum3A_134 = vector.shape_cast %reduce_sum3A_133 : vector<1xf32> to vector<1x1x1xf32>
    %reduce_sum3A_135 = vector.extract %reduce_sum3A_134[0, 0, 0] : f32 from vector<1x1x1xf32>
    %add3A_136 = arith.addf %get3A_127, %reduce_sum3A_135 : f32
    %swap3A_137 = arith.constant 15 : index
    %swap3A_138 = memref.load %arg4[%swap3A_137] : memref<22xf32, #tpu.memory_space<smem>>
    memref.store %add3A_136, %arg4[%swap3A_137] : memref<22xf32, #tpu.memory_space<smem>>
    %ge3A_139 = arith.constant 5.000000e-01 : f32
    %ge3A_140 = vector.broadcast %ge3A_139 : f32 to vector<1000x1024xf32>
    %ge3A_141 = arith.cmpf oge, %abs3A, %ge3A_140 : vector<1000x1024xf32>
    %get3A_142 = arith.constant 5 : index
    %get3A_143 = memref.load %arg4[%get3A_142] : memref<22xf32, #tpu.memory_space<smem>>
    %convert_element_type3A_144 = arith.extui %ge3A_141 : vector<1000x1024xi1> to vector<1000x1024xi32>
    %convert_element_type3A_145 = arith.sitofp %convert_element_type3A_144 : vector<1000x1024xi32> to vector<1000x1024xf32>
    %reduce_sum3A_146 = vector.shape_cast %convert_element_type3A_145 : vector<1000x1024xf32> to vector<1x1000x1024xf32>
    %reduce_sum3A_147 = arith.constant dense<0.000000e+00> : vector<1xf32>
    %reduce_sum3A_148 = vector.multi_reduction <add>, %reduce_sum3A_146, %reduce_sum3A_147 [1, 2] : vector<1x1000x1024xf32> to vector<1xf32>
    %reduce_sum3A_149 = vector.shape_cast %reduce_sum3A_148 : vector<1xf32> to vector<1x1x1xf32>
    %reduce_sum3A_150 = vector.extract %reduce_sum3A_149[0, 0, 0] : f32 from vector<1x1x1xf32>
    %add3A_151 = arith.addf %get3A_143, %reduce_sum3A_150 : f32
    %swap3A_152 = arith.constant 5 : index
    %swap3A_153 = memref.load %arg4[%swap3A_152] : memref<22xf32, #tpu.memory_space<smem>>
    memref.store %add3A_151, %arg4[%swap3A_152] : memref<22xf32, #tpu.memory_space<smem>>
    %get3A_154 = arith.constant 16 : index
    %get3A_155 = memref.load %arg4[%get3A_154] : memref<22xf32, #tpu.memory_space<smem>>
    %jit3A_156 = arith.constant 0.000000e+00 : f32
    %broadcast_in_dim3A_157 = vector.broadcast %jit3A_156 : f32 to vector<1000x1024xf32>
    %select_n3A_158 = arith.select %ge3A_141, %neg3A_16, %broadcast_in_dim3A_157 : vector<1000x1024xi1>, vector<1000x1024xf32>
    %reduce_sum3A_159 = vector.shape_cast %select_n3A_158 : vector<1000x1024xf32> to vector<1x1000x1024xf32>
    %reduce_sum3A_160 = arith.constant dense<0.000000e+00> : vector<1xf32>
    %reduce_sum3A_161 = vector.multi_reduction <add>, %reduce_sum3A_159, %reduce_sum3A_160 [1, 2] : vector<1x1000x1024xf32> to vector<1xf32>
    %reduce_sum3A_162 = vector.shape_cast %reduce_sum3A_161 : vector<1xf32> to vector<1x1x1xf32>
    %reduce_sum3A_163 = vector.extract %reduce_sum3A_162[0, 0, 0] : f32 from vector<1x1x1xf32>
    %add3A_164 = arith.addf %get3A_155, %reduce_sum3A_163 : f32
    %swap3A_165 = arith.constant 16 : index
    %swap3A_166 = memref.load %arg4[%swap3A_165] : memref<22xf32, #tpu.memory_space<smem>>
    memref.store %add3A_164, %arg4[%swap3A_165] : memref<22xf32, #tpu.memory_space<smem>>
    %ge3A_167 = arith.constant 6.000000e-01 : f32
    %ge3A_168 = vector.broadcast %ge3A_167 : f32 to vector<1000x1024xf32>
    %ge3A_169 = arith.cmpf oge, %abs3A, %ge3A_168 : vector<1000x1024xf32>
    %get3A_170 = arith.constant 6 : index
    %get3A_171 = memref.load %arg4[%get3A_170] : memref<22xf32, #tpu.memory_space<smem>>
    %convert_element_type3A_172 = arith.extui %ge3A_169 : vector<1000x1024xi1> to vector<1000x1024xi32>
    %convert_element_type3A_173 = arith.sitofp %convert_element_type3A_172 : vector<1000x1024xi32> to vector<1000x1024xf32>
    %reduce_sum3A_174 = vector.shape_cast %convert_element_type3A_173 : vector<1000x1024xf32> to vector<1x1000x1024xf32>
    %reduce_sum3A_175 = arith.constant dense<0.000000e+00> : vector<1xf32>
    %reduce_sum3A_176 = vector.multi_reduction <add>, %reduce_sum3A_174, %reduce_sum3A_175 [1, 2] : vector<1x1000x1024xf32> to vector<1xf32>
    %reduce_sum3A_177 = vector.shape_cast %reduce_sum3A_176 : vector<1xf32> to vector<1x1x1xf32>
    %reduce_sum3A_178 = vector.extract %reduce_sum3A_177[0, 0, 0] : f32 from vector<1x1x1xf32>
    %add3A_179 = arith.addf %get3A_171, %reduce_sum3A_178 : f32
    %swap3A_180 = arith.constant 6 : index
    %swap3A_181 = memref.load %arg4[%swap3A_180] : memref<22xf32, #tpu.memory_space<smem>>
    memref.store %add3A_179, %arg4[%swap3A_180] : memref<22xf32, #tpu.memory_space<smem>>
    %get3A_182 = arith.constant 17 : index
    %get3A_183 = memref.load %arg4[%get3A_182] : memref<22xf32, #tpu.memory_space<smem>>
    %jit3A_184 = arith.constant 0.000000e+00 : f32
    %broadcast_in_dim3A_185 = vector.broadcast %jit3A_184 : f32 to vector<1000x1024xf32>
    %select_n3A_186 = arith.select %ge3A_169, %neg3A_16, %broadcast_in_dim3A_185 : vector<1000x1024xi1>, vector<1000x1024xf32>
    %reduce_sum3A_187 = vector.shape_cast %select_n3A_186 : vector<1000x1024xf32> to vector<1x1000x1024xf32>
    %reduce_sum3A_188 = arith.constant dense<0.000000e+00> : vector<1xf32>
    %reduce_sum3A_189 = vector.multi_reduction <add>, %reduce_sum3A_187, %reduce_sum3A_188 [1, 2] : vector<1x1000x1024xf32> to vector<1xf32>
    %reduce_sum3A_190 = vector.shape_cast %reduce_sum3A_189 : vector<1xf32> to vector<1x1x1xf32>
    %reduce_sum3A_191 = vector.extract %reduce_sum3A_190[0, 0, 0] : f32 from vector<1x1x1xf32>
    %add3A_192 = arith.addf %get3A_183, %reduce_sum3A_191 : f32
    %swap3A_193 = arith.constant 17 : index
    %swap3A_194 = memref.load %arg4[%swap3A_193] : memref<22xf32, #tpu.memory_space<smem>>
    memref.store %add3A_192, %arg4[%swap3A_193] : memref<22xf32, #tpu.memory_space<smem>>
    %ge3A_195 = arith.constant 0.699999988 : f32
    %ge3A_196 = vector.broadcast %ge3A_195 : f32 to vector<1000x1024xf32>
    %ge3A_197 = arith.cmpf oge, %abs3A, %ge3A_196 : vector<1000x1024xf32>
    %get3A_198 = arith.constant 7 : index
    %get3A_199 = memref.load %arg4[%get3A_198] : memref<22xf32, #tpu.memory_space<smem>>
    %convert_element_type3A_200 = arith.extui %ge3A_197 : vector<1000x1024xi1> to vector<1000x1024xi32>
    %convert_element_type3A_201 = arith.sitofp %convert_element_type3A_200 : vector<1000x1024xi32> to vector<1000x1024xf32>
    %reduce_sum3A_202 = vector.shape_cast %convert_element_type3A_201 : vector<1000x1024xf32> to vector<1x1000x1024xf32>
    %reduce_sum3A_203 = arith.constant dense<0.000000e+00> : vector<1xf32>
    %reduce_sum3A_204 = vector.multi_reduction <add>, %reduce_sum3A_202, %reduce_sum3A_203 [1, 2] : vector<1x1000x1024xf32> to vector<1xf32>
    %reduce_sum3A_205 = vector.shape_cast %reduce_sum3A_204 : vector<1xf32> to vector<1x1x1xf32>
    %reduce_sum3A_206 = vector.extract %reduce_sum3A_205[0, 0, 0] : f32 from vector<1x1x1xf32>
    %add3A_207 = arith.addf %get3A_199, %reduce_sum3A_206 : f32
    %swap3A_208 = arith.constant 7 : index
    %swap3A_209 = memref.load %arg4[%swap3A_208] : memref<22xf32, #tpu.memory_space<smem>>
    memref.store %add3A_207, %arg4[%swap3A_208] : memref<22xf32, #tpu.memory_space<smem>>
    %get3A_210 = arith.constant 18 : index
    %get3A_211 = memref.load %arg4[%get3A_210] : memref<22xf32, #tpu.memory_space<smem>>
    %jit3A_212 = arith.constant 0.000000e+00 : f32
    %broadcast_in_dim3A_213 = vector.broadcast %jit3A_212 : f32 to vector<1000x1024xf32>
    %select_n3A_214 = arith.select %ge3A_197, %neg3A_16, %broadcast_in_dim3A_213 : vector<1000x1024xi1>, vector<1000x1024xf32>
    %reduce_sum3A_215 = vector.shape_cast %select_n3A_214 : vector<1000x1024xf32> to vector<1x1000x1024xf32>
    %reduce_sum3A_216 = arith.constant dense<0.000000e+00> : vector<1xf32>
    %reduce_sum3A_217 = vector.multi_reduction <add>, %reduce_sum3A_215, %reduce_sum3A_216 [1, 2] : vector<1x1000x1024xf32> to vector<1xf32>
    %reduce_sum3A_218 = vector.shape_cast %reduce_sum3A_217 : vector<1xf32> to vector<1x1x1xf32>
    %reduce_sum3A_219 = vector.extract %reduce_sum3A_218[0, 0, 0] : f32 from vector<1x1x1xf32>
    %add3A_220 = arith.addf %get3A_211, %reduce_sum3A_219 : f32
    %swap3A_221 = arith.constant 18 : index
    %swap3A_222 = memref.load %arg4[%swap3A_221] : memref<22xf32, #tpu.memory_space<smem>>
    memref.store %add3A_220, %arg4[%swap3A_221] : memref<22xf32, #tpu.memory_space<smem>>
    %ge3A_223 = arith.constant 8.000000e-01 : f32
    %ge3A_224 = vector.broadcast %ge3A_223 : f32 to vector<1000x1024xf32>
    %ge3A_225 = arith.cmpf oge, %abs3A, %ge3A_224 : vector<1000x1024xf32>
    %get3A_226 = arith.constant 8 : index
    %get3A_227 = memref.load %arg4[%get3A_226] : memref<22xf32, #tpu.memory_space<smem>>
    %convert_element_type3A_228 = arith.extui %ge3A_225 : vector<1000x1024xi1> to vector<1000x1024xi32>
    %convert_element_type3A_229 = arith.sitofp %convert_element_type3A_228 : vector<1000x1024xi32> to vector<1000x1024xf32>
    %reduce_sum3A_230 = vector.shape_cast %convert_element_type3A_229 : vector<1000x1024xf32> to vector<1x1000x1024xf32>
    %reduce_sum3A_231 = arith.constant dense<0.000000e+00> : vector<1xf32>
    %reduce_sum3A_232 = vector.multi_reduction <add>, %reduce_sum3A_230, %reduce_sum3A_231 [1, 2] : vector<1x1000x1024xf32> to vector<1xf32>
    %reduce_sum3A_233 = vector.shape_cast %reduce_sum3A_232 : vector<1xf32> to vector<1x1x1xf32>
    %reduce_sum3A_234 = vector.extract %reduce_sum3A_233[0, 0, 0] : f32 from vector<1x1x1xf32>
    %add3A_235 = arith.addf %get3A_227, %reduce_sum3A_234 : f32
    %swap3A_236 = arith.constant 8 : index
    %swap3A_237 = memref.load %arg4[%swap3A_236] : memref<22xf32, #tpu.memory_space<smem>>
    memref.store %add3A_235, %arg4[%swap3A_236] : memref<22xf32, #tpu.memory_space<smem>>
    %get3A_238 = arith.constant 19 : index
    %get3A_239 = memref.load %arg4[%get3A_238] : memref<22xf32, #tpu.memory_space<smem>>
    %jit3A_240 = arith.constant 0.000000e+00 : f32
    %broadcast_in_dim3A_241 = vector.broadcast %jit3A_240 : f32 to vector<1000x1024xf32>
    %select_n3A_242 = arith.select %ge3A_225, %neg3A_16, %broadcast_in_dim3A_241 : vector<1000x1024xi1>, vector<1000x1024xf32>
    %reduce_sum3A_243 = vector.shape_cast %select_n3A_242 : vector<1000x1024xf32> to vector<1x1000x1024xf32>
    %reduce_sum3A_244 = arith.constant dense<0.000000e+00> : vector<1xf32>
    %reduce_sum3A_245 = vector.multi_reduction <add>, %reduce_sum3A_243, %reduce_sum3A_244 [1, 2] : vector<1x1000x1024xf32> to vector<1xf32>
    %reduce_sum3A_246 = vector.shape_cast %reduce_sum3A_245 : vector<1xf32> to vector<1x1x1xf32>
    %reduce_sum3A_247 = vector.extract %reduce_sum3A_246[0, 0, 0] : f32 from vector<1x1x1xf32>
    %add3A_248 = arith.addf %get3A_239, %reduce_sum3A_247 : f32
    %swap3A_249 = arith.constant 19 : index
    %swap3A_250 = memref.load %arg4[%swap3A_249] : memref<22xf32, #tpu.memory_space<smem>>
    memref.store %add3A_248, %arg4[%swap3A_249] : memref<22xf32, #tpu.memory_space<smem>>
    %ge3A_251 = arith.constant 0.899999976 : f32
    %ge3A_252 = vector.broadcast %ge3A_251 : f32 to vector<1000x1024xf32>
    %ge3A_253 = arith.cmpf oge, %abs3A, %ge3A_252 : vector<1000x1024xf32>
    %get3A_254 = arith.constant 9 : index
    %get3A_255 = memref.load %arg4[%get3A_254] : memref<22xf32, #tpu.memory_space<smem>>
    %convert_element_type3A_256 = arith.extui %ge3A_253 : vector<1000x1024xi1> to vector<1000x1024xi32>
    %convert_element_type3A_257 = arith.sitofp %convert_element_type3A_256 : vector<1000x1024xi32> to vector<1000x1024xf32>
    %reduce_sum3A_258 = vector.shape_cast %convert_element_type3A_257 : vector<1000x1024xf32> to vector<1x1000x1024xf32>
    %reduce_sum3A_259 = arith.constant dense<0.000000e+00> : vector<1xf32>
    %reduce_sum3A_260 = vector.multi_reduction <add>, %reduce_sum3A_258, %reduce_sum3A_259 [1, 2] : vector<1x1000x1024xf32> to vector<1xf32>
    %reduce_sum3A_261 = vector.shape_cast %reduce_sum3A_260 : vector<1xf32> to vector<1x1x1xf32>
    %reduce_sum3A_262 = vector.extract %reduce_sum3A_261[0, 0, 0] : f32 from vector<1x1x1xf32>
    %add3A_263 = arith.addf %get3A_255, %reduce_sum3A_262 : f32
    %swap3A_264 = arith.constant 9 : index
    %swap3A_265 = memref.load %arg4[%swap3A_264] : memref<22xf32, #tpu.memory_space<smem>>
    memref.store %add3A_263, %arg4[%swap3A_264] : memref<22xf32, #tpu.memory_space<smem>>
    %get3A_266 = arith.constant 20 : index
    %get3A_267 = memref.load %arg4[%get3A_266] : memref<22xf32, #tpu.memory_space<smem>>
    %jit3A_268 = arith.constant 0.000000e+00 : f32
    %broadcast_in_dim3A_269 = vector.broadcast %jit3A_268 : f32 to vector<1000x1024xf32>
    %select_n3A_270 = arith.select %ge3A_253, %neg3A_16, %broadcast_in_dim3A_269 : vector<1000x1024xi1>, vector<1000x1024xf32>
    %reduce_sum3A_271 = vector.shape_cast %select_n3A_270 : vector<1000x1024xf32> to vector<1x1000x1024xf32>
    %reduce_sum3A_272 = arith.constant dense<0.000000e+00> : vector<1xf32>
    %reduce_sum3A_273 = vector.multi_reduction <add>, %reduce_sum3A_271, %reduce_sum3A_272 [1, 2] : vector<1x1000x1024xf32> to vector<1xf32>
    %reduce_sum3A_274 = vector.shape_cast %reduce_sum3A_273 : vector<1xf32> to vector<1x1x1xf32>
    %reduce_sum3A_275 = vector.extract %reduce_sum3A_274[0, 0, 0] : f32 from vector<1x1x1xf32>
    %add3A_276 = arith.addf %get3A_267, %reduce_sum3A_275 : f32
    %swap3A_277 = arith.constant 20 : index
    %swap3A_278 = memref.load %arg4[%swap3A_277] : memref<22xf32, #tpu.memory_space<smem>>
    memref.store %add3A_276, %arg4[%swap3A_277] : memref<22xf32, #tpu.memory_space<smem>>
    %ge3A_279 = arith.constant 1.00000095 : f32
    %ge3A_280 = vector.broadcast %ge3A_279 : f32 to vector<1000x1024xf32>
    %ge3A_281 = arith.cmpf oge, %abs3A, %ge3A_280 : vector<1000x1024xf32>
    %get3A_282 = arith.constant 10 : index
    %get3A_283 = memref.load %arg4[%get3A_282] : memref<22xf32, #tpu.memory_space<smem>>
    %convert_element_type3A_284 = arith.extui %ge3A_281 : vector<1000x1024xi1> to vector<1000x1024xi32>
    %convert_element_type3A_285 = arith.sitofp %convert_element_type3A_284 : vector<1000x1024xi32> to vector<1000x1024xf32>
    %reduce_sum3A_286 = vector.shape_cast %convert_element_type3A_285 : vector<1000x1024xf32> to vector<1x1000x1024xf32>
    %reduce_sum3A_287 = arith.constant dense<0.000000e+00> : vector<1xf32>
    %reduce_sum3A_288 = vector.multi_reduction <add>, %reduce_sum3A_286, %reduce_sum3A_287 [1, 2] : vector<1x1000x1024xf32> to vector<1xf32>
    %reduce_sum3A_289 = vector.shape_cast %reduce_sum3A_288 : vector<1xf32> to vector<1x1x1xf32>
    %reduce_sum3A_290 = vector.extract %reduce_sum3A_289[0, 0, 0] : f32 from vector<1x1x1xf32>
    %add3A_291 = arith.addf %get3A_283, %reduce_sum3A_290 : f32
    %swap3A_292 = arith.constant 10 : index
    %swap3A_293 = memref.load %arg4[%swap3A_292] : memref<22xf32, #tpu.memory_space<smem>>
    memref.store %add3A_291, %arg4[%swap3A_292] : memref<22xf32, #tpu.memory_space<smem>>
    %get3A_294 = arith.constant 21 : index
    %get3A_295 = memref.load %arg4[%get3A_294] : memref<22xf32, #tpu.memory_space<smem>>
    %jit3A_296 = arith.constant 0.000000e+00 : f32
    %broadcast_in_dim3A_297 = vector.broadcast %jit3A_296 : f32 to vector<1000x1024xf32>
    %select_n3A_298 = arith.select %ge3A_281, %neg3A_16, %broadcast_in_dim3A_297 : vector<1000x1024xi1>, vector<1000x1024xf32>
    %reduce_sum3A_299 = vector.shape_cast %select_n3A_298 : vector<1000x1024xf32> to vector<1x1000x1024xf32>
    %reduce_sum3A_300 = arith.constant dense<0.000000e+00> : vector<1xf32>
    %reduce_sum3A_301 = vector.multi_reduction <add>, %reduce_sum3A_299, %reduce_sum3A_300 [1, 2] : vector<1x1000x1024xf32> to vector<1xf32>
    %reduce_sum3A_302 = vector.shape_cast %reduce_sum3A_301 : vector<1xf32> to vector<1x1x1xf32>
    %reduce_sum3A_303 = vector.extract %reduce_sum3A_302[0, 0, 0] : f32 from vector<1x1x1xf32>
    %add3A_304 = arith.addf %get3A_295, %reduce_sum3A_303 : f32
    %swap3A_305 = arith.constant 21 : index
    %swap3A_306 = memref.load %arg4[%swap3A_305] : memref<22xf32, #tpu.memory_space<smem>>
    memref.store %add3A_304, %arg4[%swap3A_305] : memref<22xf32, #tpu.memory_space<smem>>
    %eq3A_307 = arith.constant 9 : i32
    %eq3A_308 = arith.cmpi eq, %arg0, %eq3A_307 : i32
    %convert_element_type3A_309 = arith.extui %eq3A_308 : i1 to i32
    %cond3A_310 = arith.constant 0 : i32
    %cond3A_311 = arith.cmpi ne, %convert_element_type3A_309, %cond3A_310 : i32
    scf.if %cond3A_311 {
      %get3A_312 = arith.constant 0 : index
      %get3A_313 = memref.load %arg4[%get3A_312] : memref<22xf32, #tpu.memory_space<smem>>
      %swap3A_314 = arith.constant 0 : index
      %swap3A_315 = arith.constant 0 : index
      %swap3A_316 = memref.load %arg3[%swap3A_314, %swap3A_315] : memref<1x22xf32, #tpu.memory_space<smem>>
      memref.store %get3A_313, %arg3[%swap3A_314, %swap3A_315] : memref<1x22xf32, #tpu.memory_space<smem>>
      %get3A_317 = arith.constant 1 : index
      %get3A_318 = memref.load %arg4[%get3A_317] : memref<22xf32, #tpu.memory_space<smem>>
      %swap3A_319 = arith.constant 0 : index
      %swap3A_320 = arith.constant 1 : index
      %swap3A_321 = memref.load %arg3[%swap3A_319, %swap3A_320] : memref<1x22xf32, #tpu.memory_space<smem>>
      memref.store %get3A_318, %arg3[%swap3A_319, %swap3A_320] : memref<1x22xf32, #tpu.memory_space<smem>>
      %get3A_322 = arith.constant 2 : index
      %get3A_323 = memref.load %arg4[%get3A_322] : memref<22xf32, #tpu.memory_space<smem>>
      %swap3A_324 = arith.constant 0 : index
      %swap3A_325 = arith.constant 2 : index
      %swap3A_326 = memref.load %arg3[%swap3A_324, %swap3A_325] : memref<1x22xf32, #tpu.memory_space<smem>>
      memref.store %get3A_323, %arg3[%swap3A_324, %swap3A_325] : memref<1x22xf32, #tpu.memory_space<smem>>
      %get3A_327 = arith.constant 3 : index
      %get3A_328 = memref.load %arg4[%get3A_327] : memref<22xf32, #tpu.memory_space<smem>>
      %swap3A_329 = arith.constant 0 : index
      %swap3A_330 = arith.constant 3 : index
      %swap3A_331 = memref.load %arg3[%swap3A_329, %swap3A_330] : memref<1x22xf32, #tpu.memory_space<smem>>
      memref.store %get3A_328, %arg3[%swap3A_329, %swap3A_330] : memref<1x22xf32, #tpu.memory_space<smem>>
      %get3A_332 = arith.constant 4 : index
      %get3A_333 = memref.load %arg4[%get3A_332] : memref<22xf32, #tpu.memory_space<smem>>
      %swap3A_334 = arith.constant 0 : index
      %swap3A_335 = arith.constant 4 : index
      %swap3A_336 = memref.load %arg3[%swap3A_334, %swap3A_335] : memref<1x22xf32, #tpu.memory_space<smem>>
      memref.store %get3A_333, %arg3[%swap3A_334, %swap3A_335] : memref<1x22xf32, #tpu.memory_space<smem>>
      %get3A_337 = arith.constant 5 : index
      %get3A_338 = memref.load %arg4[%get3A_337] : memref<22xf32, #tpu.memory_space<smem>>
      %swap3A_339 = arith.constant 0 : index
      %swap3A_340 = arith.constant 5 : index
      %swap3A_341 = memref.load %arg3[%swap3A_339, %swap3A_340] : memref<1x22xf32, #tpu.memory_space<smem>>
      memref.store %get3A_338, %arg3[%swap3A_339, %swap3A_340] : memref<1x22xf32, #tpu.memory_space<smem>>
      %get3A_342 = arith.constant 6 : index
      %get3A_343 = memref.load %arg4[%get3A_342] : memref<22xf32, #tpu.memory_space<smem>>
      %swap3A_344 = arith.constant 0 : index
      %swap3A_345 = arith.constant 6 : index
      %swap3A_346 = memref.load %arg3[%swap3A_344, %swap3A_345] : memref<1x22xf32, #tpu.memory_space<smem>>
      memref.store %get3A_343, %arg3[%swap3A_344, %swap3A_345] : memref<1x22xf32, #tpu.memory_space<smem>>
      %get3A_347 = arith.constant 7 : index
      %get3A_348 = memref.load %arg4[%get3A_347] : memref<22xf32, #tpu.memory_space<smem>>
      %swap3A_349 = arith.constant 0 : index
      %swap3A_350 = arith.constant 7 : index
      %swap3A_351 = memref.load %arg3[%swap3A_349, %swap3A_350] : memref<1x22xf32, #tpu.memory_space<smem>>
      memref.store %get3A_348, %arg3[%swap3A_349, %swap3A_350] : memref<1x22xf32, #tpu.memory_space<smem>>
      %get3A_352 = arith.constant 8 : index
      %get3A_353 = memref.load %arg4[%get3A_352] : memref<22xf32, #tpu.memory_space<smem>>
      %swap3A_354 = arith.constant 0 : index
      %swap3A_355 = arith.constant 8 : index
      %swap3A_356 = memref.load %arg3[%swap3A_354, %swap3A_355] : memref<1x22xf32, #tpu.memory_space<smem>>
      memref.store %get3A_353, %arg3[%swap3A_354, %swap3A_355] : memref<1x22xf32, #tpu.memory_space<smem>>
      %get3A_357 = arith.constant 9 : index
      %get3A_358 = memref.load %arg4[%get3A_357] : memref<22xf32, #tpu.memory_space<smem>>
      %swap3A_359 = arith.constant 0 : index
      %swap3A_360 = arith.constant 9 : index
      %swap3A_361 = memref.load %arg3[%swap3A_359, %swap3A_360] : memref<1x22xf32, #tpu.memory_space<smem>>
      memref.store %get3A_358, %arg3[%swap3A_359, %swap3A_360] : memref<1x22xf32, #tpu.memory_space<smem>>
      %get3A_362 = arith.constant 10 : index
      %get3A_363 = memref.load %arg4[%get3A_362] : memref<22xf32, #tpu.memory_space<smem>>
      %swap3A_364 = arith.constant 0 : index
      %swap3A_365 = arith.constant 10 : index
      %swap3A_366 = memref.load %arg3[%swap3A_364, %swap3A_365] : memref<1x22xf32, #tpu.memory_space<smem>>
      memref.store %get3A_363, %arg3[%swap3A_364, %swap3A_365] : memref<1x22xf32, #tpu.memory_space<smem>>
      %get3A_367 = arith.constant 11 : index
      %get3A_368 = memref.load %arg4[%get3A_367] : memref<22xf32, #tpu.memory_space<smem>>
      %swap3A_369 = arith.constant 0 : index
      %swap3A_370 = arith.constant 11 : index
      %swap3A_371 = memref.load %arg3[%swap3A_369, %swap3A_370] : memref<1x22xf32, #tpu.memory_space<smem>>
      memref.store %get3A_368, %arg3[%swap3A_369, %swap3A_370] : memref<1x22xf32, #tpu.memory_space<smem>>
      %get3A_372 = arith.constant 12 : index
      %get3A_373 = memref.load %arg4[%get3A_372] : memref<22xf32, #tpu.memory_space<smem>>
      %swap3A_374 = arith.constant 0 : index
      %swap3A_375 = arith.constant 12 : index
      %swap3A_376 = memref.load %arg3[%swap3A_374, %swap3A_375] : memref<1x22xf32, #tpu.memory_space<smem>>
      memref.store %get3A_373, %arg3[%swap3A_374, %swap3A_375] : memref<1x22xf32, #tpu.memory_space<smem>>
      %get3A_377 = arith.constant 13 : index
      %get3A_378 = memref.load %arg4[%get3A_377] : memref<22xf32, #tpu.memory_space<smem>>
      %swap3A_379 = arith.constant 0 : index
      %swap3A_380 = arith.constant 13 : index
      %swap3A_381 = memref.load %arg3[%swap3A_379, %swap3A_380] : memref<1x22xf32, #tpu.memory_space<smem>>
      memref.store %get3A_378, %arg3[%swap3A_379, %swap3A_380] : memref<1x22xf32, #tpu.memory_space<smem>>
      %get3A_382 = arith.constant 14 : index
      %get3A_383 = memref.load %arg4[%get3A_382] : memref<22xf32, #tpu.memory_space<smem>>
      %swap3A_384 = arith.constant 0 : index
      %swap3A_385 = arith.constant 14 : index
      %swap3A_386 = memref.load %arg3[%swap3A_384, %swap3A_385] : memref<1x22xf32, #tpu.memory_space<smem>>
      memref.store %get3A_383, %arg3[%swap3A_384, %swap3A_385] : memref<1x22xf32, #tpu.memory_space<smem>>
      %get3A_387 = arith.constant 15 : index
      %get3A_388 = memref.load %arg4[%get3A_387] : memref<22xf32, #tpu.memory_space<smem>>
      %swap3A_389 = arith.constant 0 : index
      %swap3A_390 = arith.constant 15 : index
      %swap3A_391 = memref.load %arg3[%swap3A_389, %swap3A_390] : memref<1x22xf32, #tpu.memory_space<smem>>
      memref.store %get3A_388, %arg3[%swap3A_389, %swap3A_390] : memref<1x22xf32, #tpu.memory_space<smem>>
      %get3A_392 = arith.constant 16 : index
      %get3A_393 = memref.load %arg4[%get3A_392] : memref<22xf32, #tpu.memory_space<smem>>
      %swap3A_394 = arith.constant 0 : index
      %swap3A_395 = arith.constant 16 : index
      %swap3A_396 = memref.load %arg3[%swap3A_394, %swap3A_395] : memref<1x22xf32, #tpu.memory_space<smem>>
      memref.store %get3A_393, %arg3[%swap3A_394, %swap3A_395] : memref<1x22xf32, #tpu.memory_space<smem>>
      %get3A_397 = arith.constant 17 : index
      %get3A_398 = memref.load %arg4[%get3A_397] : memref<22xf32, #tpu.memory_space<smem>>
      %swap3A_399 = arith.constant 0 : index
      %swap3A_400 = arith.constant 17 : index
      %swap3A_401 = memref.load %arg3[%swap3A_399, %swap3A_400] : memref<1x22xf32, #tpu.memory_space<smem>>
      memref.store %get3A_398, %arg3[%swap3A_399, %swap3A_400] : memref<1x22xf32, #tpu.memory_space<smem>>
      %get3A_402 = arith.constant 18 : index
      %get3A_403 = memref.load %arg4[%get3A_402] : memref<22xf32, #tpu.memory_space<smem>>
      %swap3A_404 = arith.constant 0 : index
      %swap3A_405 = arith.constant 18 : index
      %swap3A_406 = memref.load %arg3[%swap3A_404, %swap3A_405] : memref<1x22xf32, #tpu.memory_space<smem>>
      memref.store %get3A_403, %arg3[%swap3A_404, %swap3A_405] : memref<1x22xf32, #tpu.memory_space<smem>>
      %get3A_407 = arith.constant 19 : index
      %get3A_408 = memref.load %arg4[%get3A_407] : memref<22xf32, #tpu.memory_space<smem>>
      %swap3A_409 = arith.constant 0 : index
      %swap3A_410 = arith.constant 19 : index
      %swap3A_411 = memref.load %arg3[%swap3A_409, %swap3A_410] : memref<1x22xf32, #tpu.memory_space<smem>>
      memref.store %get3A_408, %arg3[%swap3A_409, %swap3A_410] : memref<1x22xf32, #tpu.memory_space<smem>>
      %get3A_412 = arith.constant 20 : index
      %get3A_413 = memref.load %arg4[%get3A_412] : memref<22xf32, #tpu.memory_space<smem>>
      %swap3A_414 = arith.constant 0 : index
      %swap3A_415 = arith.constant 20 : index
      %swap3A_416 = memref.load %arg3[%swap3A_414, %swap3A_415] : memref<1x22xf32, #tpu.memory_space<smem>>
      memref.store %get3A_413, %arg3[%swap3A_414, %swap3A_415] : memref<1x22xf32, #tpu.memory_space<smem>>
      %get3A_417 = arith.constant 21 : index
      %get3A_418 = memref.load %arg4[%get3A_417] : memref<22xf32, #tpu.memory_space<smem>>
      %swap3A_419 = arith.constant 0 : index
      %swap3A_420 = arith.constant 21 : index
      %swap3A_421 = memref.load %arg3[%swap3A_419, %swap3A_420] : memref<1x22xf32, #tpu.memory_space<smem>>
      memref.store %get3A_418, %arg3[%swap3A_419, %swap3A_420] : memref<1x22xf32, #tpu.memory_space<smem>>
    } else {
    }
    return
  }
  func.func @transform_0(%arg0: i32) -> (i32, i32) {
    %add3A = arith.constant 6 : i32
    %add3A_0 = arith.addi %arg0, %add3A : i32
    %c0_i32 = arith.constant 0 : i32
    %c0_i32_1 = arith.constant 0 : i32
    return %add3A_0, %c0_i32 : i32, i32
  }
  func.func @transform_1(%arg0: i32) -> (i32, i32) {
    %add3A = arith.constant 6 : i32
    %add3A_0 = arith.addi %arg0, %add3A : i32
    %c0_i32 = arith.constant 0 : i32
    %c0_i32_1 = arith.constant 0 : i32
    return %add3A_0, %c0_i32 : i32, i32
  }
  func.func @transform_2(%arg0: i32) -> (i32, i32) {
    %c0_i32 = arith.constant 0 : i32
    %c0_i32_0 = arith.constant 0 : i32
    %c0_i32_1 = arith.constant 0 : i32
    return %c0_i32, %c0_i32_0 : i32, i32
  }
}

</mosaic_0001>

<sc_bundles>
// kernel: kernel.4.cloned.1.call-start
scs
__scs_entry_jumppad:
0x0: {  	(pc) =	sbr.rel $0x88, $3  }
0x1: {  	(tag) =	ssettag $0x0;
	lr =	simm.s32 $0x1  }
0x2: {  	[smem:$0x3F9F] =	sst lr;
	_ =	strace $0xD0000000  }
0x3: {  	_ = 	snop  }
0x4: {  	_ = 	snop  }
0x5: {  	_ = 	snop  }
0x6: {  	_ = 	snop  }
0x7: {  	_ = 	snop  }
__scs_overlays_trampoline_lowered:
0x8: {  	[smem:$0x3FAE] =	sst s0  }
0x9: {  	[smem:$0x3FAF] =	sst s1  }
0xa: {  	[smem:$0x3FB0] =	sst s2  }
0xb: {  	[smem:$0x3FB1] =	sst s3  }
0xc: {  	[smem:$0x3FB2] =	sst s4  }
0xd: {  	[smem:$0x3FB3] =	sst s5  }
0xe: {  	[smem:$0x3FB4] =	sst s6  }
0xf: {  	[smem:$0x3FB5] =	sst s7  }
0x10: {  	[smem:$0x3FB6] =	sst s8  }
0x11: {  	[smem:$0x3FB7] =	sst s9;
	s0 =	simm.s32 @!p0 $0x0  }
0x12: {  	s1 =	sld [smem:$0x3F9D];
	s0 =	simm.s32 @p0 $0x1  }
0x13: {  	[smem:$0x3FB8] =	sst s0;
	s0 =	simm.s32 @!p1 $0x0  }
0x14: {  	s2 =	sld [smem:$0x3F9C];
	s0 =	simm.s32 @p1 $0x1  }
0x15: {  	[smem:$0x3FB9] =	sst s0;
	s0 =	simm.s32 @!p2 $0x0  }
0x16: {  	s3 =	sld [smem:$0x3FDB];
	s0 =	simm.s32 @p2 $0x1  }
0x17: {  	s4 =	simm.s32 $0x1BF5;
	[smem:$0x3FBB] =	sst s0  }
0x18: {  	s0 =	sld [smem:$0x3F9E];
	_ =	swait.ge [sflag:s4], $0x0  }
0x19: {  	s7 =	sld [smem:$0x3F9F]  }
0x1a: {  	s8 =	sadd.s32 $0xFFFFE003, lr  }
0x1b: {  	s9 =	sadd.s32 $0xFFFFFEF7, lr;
	s5 =	simm.s32 $0xFFFFFFFF;
	p2 =	slt.u32 s8, $0xFFFFF086  }
0x1c: {  	p1 =	slt.u32 s9, $0xF7A;
	s5 =	simm.s32 @!p2 $0x0  }
0x1d: {  	s5 =	simm.s32 @p1 $0x1;
	p0 =	seq.s32 s7, s2  }
0x1e: {  	s7 =	smul.u32 @!p0 $0xF7A, s2;
	p2 =	seq.s32 @!p0 s5, $0x0  }
0x1f: {  	s9 =	smul.u32 $0xF7A, s1;
	s8 =	simm.s32 @!p0 $0x1BF5;
	p2 =	por !p2, p0  }
0x20: {  	[sflag:s8] =	ssyncset.s32 @!p0 $0xFFFFF086;
	s6 =	sadd.s32 @!p0 s3, s7;
	s7 =	simm.s32 @!p0 $0x108  }
0x21: {  	s3 =	sadd.s32 s3, s9;
	s6 =	sadd.s32 @!p0 $0x88, s6;
	s7 =	simm.s32 @p2 $0x1082  }
0x22: {  	[simem:s7], [sflag:s8] =	dma.local @!p0 [hbm:s6], $0xF7A  }
0x23: {  	s9 =	sor.u32 $0xD0000000, s2;
	s6 =	simm.s32 $0x108;
	_ =	swait.ge @!p0 [sflag:s8], $0x0  }
0x24: {  	s3 =	sadd.s32 $0x88, s3;
	s6 =	simm.s32 @!p1 $0x1082;
	[sflag:s4] =	ssyncset.s32 $0xFFFFF086  }
0x25: {  	[simem:s6], [sflag:s4] =	dma.local [hbm:s3], $0xF7A  }
0x26: {  	[smem:$0x3F9F] =	sst s1;
	(tag) =	ssettag s2;
	_ =	strace s9  }
0x27: {  	s1 =	sld [smem:$0x3FAF]  }
0x28: {  	s2 =	sld [smem:$0x3FB0]  }
0x29: {  	s4 =	sld [smem:$0x3FB2]  }
0x2a: {  	p0 =	seq.s32 s5, $0x0;
	s5 =	sld [smem:$0x3FB3]  }
0x2b: {  	s6 =	sld [smem:$0x3FB4]  }
0x2c: {  	s7 =	sld [smem:$0x3FB5]  }
0x2d: {  	s3 =	simm.s32 $0x108;
	s8 =	sld [smem:$0x3FB6]  }
0x2e: {  	s3 =	simm.s32 @!p0 $0x1082;
	s9 =	sld [smem:$0x3FB7]  }
0x2f: {  	lr =	sadd.s32 s0, s3;
	s0 =	sld [smem:$0x3FAE]  }
0x30: {  	s3 =	sld [smem:$0x3FB1]  }
0x31: {  	[smem:$0x3FBA] =	sst s10  }
0x32: {  	s10 =	sld [smem:$0x3FB8];
	_ =	sdelay $0x3  }
0x33: {  	p0 =	seq.s32 s10, $0x1;
	s10 =	sld [smem:$0x3FBA];
	_ =	sdelay $0x3  }
0x34: {  	[smem:$0x3FBA] =	sst s10  }
0x35: {  	s10 =	sld [smem:$0x3FB9];
	_ =	sdelay $0x3  }
0x36: {  	p1 =	seq.s32 s10, $0x1;
	s10 =	sld [smem:$0x3FBA];
	_ =	sdelay $0x3  }
0x37: {  	[smem:$0x3FBA] =	sst s10  }
0x38: {  	s10 =	sld [smem:$0x3FBB]  }
0x39: {  	_ = 	snop;
	(pc) =	sbr.ind lr, $3  }
0x3a: {  	_ = 	snop  }
0x3b: {  	_ = 	snop  }
0x3c: {  	p2 =	seq.s32 s10, $0x1;
	s10 =	sld [smem:$0x3FBA]  }
0x3d: {  	_ =	shalt  }
0x3e: {  	_ =	shalt  }
0x3f: {  	_ =	shalt  }
0x40: {  	_ =	shalt  }
0x41: {  	_ =	shalt  }
0x42: {  	_ =	shalt  }
0x43: {  	_ =	shalt  }
0x44: {  	_ =	shalt  }
0x45: {  	_ =	shalt  }
0x46: {  	_ =	shalt  }
0x47: {  	_ =	shalt  }
0x48: {  	_ =	shalt  }
0x49: {  	_ =	shalt  }
0x4a: {  	_ =	shalt  }
0x4b: {  	_ =	shalt  }
0x4c: {  	_ =	shalt  }
0x4d: {  	_ =	shalt  }
0x4e: {  	_ =	shalt  }
0x4f: {  	_ =	shalt  }
0x50: {  	_ =	shalt  }
0x51: {  	_ =	shalt  }
0x52: {  	_ =	shalt  }
0x53: {  	_ =	shalt  }
0x54: {  	_ =	shalt  }
0x55: {  	_ =	shalt  }
0x56: {  	_ =	shalt  }
0x57: {  	_ =	shalt  }
0x58: {  	_ =	shalt  }
0x59: {  	_ =	shalt  }
0x5a: {  	_ =	shalt  }
0x5b: {  	_ =	shalt  }
0x5c: {  	_ =	shalt  }
0x5d: {  	_ =	shalt  }
0x5e: {  	_ =	shalt  }
0x5f: {  	_ =	shalt  }
0x60: {  	_ =	shalt  }
0x61: {  	_ =	shalt  }
0x62: {  	_ =	shalt  }
0x63: {  	_ =	shalt  }
0x64: {  	_ =	shalt  }
0x65: {  	_ =	shalt  }
0x66: {  	_ =	shalt  }
0x67: {  	_ =	shalt  }
0x68: {  	_ =	shalt  }
0x69: {  	_ =	shalt  }
0x6a: {  	_ =	shalt  }
0x6b: {  	_ =	shalt  }
0x6c: {  	_ =	shalt  }
0x6d: {  	_ =	shalt  }
0x6e: {  	_ =	shalt  }
0x6f: {  	_ =	shalt  }
0x70: {  	_ =	shalt  }
0x71: {  	_ =	shalt  }
0x72: {  	_ =	shalt  }
0x73: {  	_ =	shalt  }
0x74: {  	_ =	shalt  }
0x75: {  	_ =	shalt  }
0x76: {  	_ =	shalt  }
0x77: {  	_ =	shalt  }
0x78: {  	_ =	shalt  }
0x79: {  	_ =	shalt  }
0x7a: {  	_ =	shalt  }
0x7b: {  	_ =	shalt  }
0x7c: {  	_ =	shalt  }
0x7d: {  	_ =	shalt  }
0x7e: {  	_ =	shalt  }
0x7f: {  	_ =	shalt  }
0x80: {  	_ =	shalt  }
0x81: {  	_ =	shalt  }
0x82: {  	_ =	shalt  }
0x83: {  	_ =	shalt  }
0x84: {  	_ =	shalt  }
0x85: {  	_ =	shalt  }
0x86: {  	_ =	shalt  }
0x87: {  	_ =	shalt  }
.Lfunc_end0:
.L_simem_size_0:
called_computation_lowered:
.L_overlay_start_0:
0x88: {  	s2 =	sld [smem:$0x3FD9]  }
0x89: {  	s3 =	sld [smem:$0x3FFE];
	_ =	sdelay $0x1  }
0x8a: {  	s1 =	srdreg.scid  }
0x8b: {  	s0 =	sand.u32 $0x1, s1  }
0x8c: {  	s16 =	sshll.u32 s0, $0xA;
	s2 =	sadd.s32 s3, s2  }
0x8d: {  	s2 =	sadd.s32 s2, s16  }
0x8e: {  	[smem:$0x3FC6] =	sst s2  }
0x8f: {  	_ = 	snop  }
0x90: {  	(tm) =	ssettm $0x1  }
0x91: {  	s17 =	sld [smem:$0x3FFB];
	_ =	sdelay $0x3  }
0x92: {  	_ =	strace s17  }
0x93: {  	s2 =	sld [smem:$0x3FFC];
	_ =	sdelay $0x3  }
0x94: {  	_ =	strace s2  }
0x95: {  	s2 =	sld [smem:$0x3FFD];
	_ =	sdelay $0x3  }
0x96: {  	_ =	strace s2  }
0x97: {  	_ =	strace $0x8FFFFFFF  }
0x98: {  	s18 =	sld [smem:$0x3FDB];
	_ =	sdelay $0x1  }
0x99: {  	s19 =	simm.s32 $_scs_section_size  }
0x9a: {  	s4 =	simm.s32 $_size__tile_overlayer_lowered;
	s5 =	simm.s32 $_tile_overlayer_lowered  }
0x9b: {  	s22 =	simm.s32 $0x1BFF;
	s21 =	sshll.u32 s5, $0x1;
	s2 =	sadd.s32 s19, s18  }
0x9c: {  	s6 =	simm.s32 $0x0;
	s20 =	sshll.u32 s4, $0x1;
	s4 =	sadd.s32 s21, s2  }
0x9d: {  	[timem:s6], [sflag:s22] =	dma.local [hbm:s4], s20  }
0x9e: {  	_ =	swait.ge [sflag:s22], s20  }
0x9f: {  	s3 =	ssub.s32 $0x0, s20;
	[sflag:s22] =	ssyncset.done $0x0  }
0xa0: {  	[sflag:s22] =	ssyncadd.s32 s3;
	_ =	sdelay $0x1  }
0xa1: {  	s23 =	simm.s32 $0x1B8B  }
0xa2: {  	_ =	swait.ge [sflag:s23], $0x1  }
0xa3: {  	[sflag:s23] =	ssyncset.done $0x0  }
0xa4: {  	s25 =	simm.s32 $0x1B8E;
	s24 =	sld [smem:$0x3FFE];
	[sflag:s23] =	ssyncadd.s32 $0xFFFFFFFF  }
0xa5: {  	s26 =	simm.s32 $execute0_lowered;
	[smem:$0x3FD2] =	sst s25  }
0xa6: {  	s4 =	sshll.u32 s26, $0x1;
	_ =	strace $0x80000046;
	[dreg:$0x1] =	wrdreg $0xFFFFFFFF  }
0xa7: {  	s28 =	simm.s32 $_size_execute0_lowered;
	s2 =	sadd.s32 s2, s4;
	[dreg:$0x0] =	wrdreg $0x0  }
0xa8: {  	s4 =	sshll.u32 s28, $0x1;
	[dreg:$0x2] =	wrdreg s2  }
0xa9: {  	[dreg:$0x3] =	wrdreg s4  }
0xaa: {  	[dreg:$0x4] =	wrdreg $0xC0  }
0xab: {  	_ =	task [dreg:s6], $0x5FFFF  }
0xac: {  	[dreg:$0x1] =	wrdreg $0xFFFFFFFF  }
0xad: {  	[dreg:$0x0] =	wrdreg $0x60  }
0xae: {  	[dreg:$0x2] =	wrdreg s24  }
0xaf: {  	[dreg:$0x3] =	wrdreg $0x9  }
0xb0: {  	_ =	task.clear_ibuf [dreg:s6], $0x4FFFF;
	_ =	strace $0x90000046  }
0xb1: {  	s29 =	simm.s32 $0x9;
	_ =	strace $0x80000048  }
0xb2: {  	_ =	swait.ge [sflag:s29], $0x1  }
0xb3: {  	[sflag:s29] =	ssyncadd.s32 $0xFFFFFFFF  }
0xb4: {  	_ =	strace $0x90000048  }
0xb5: {  	_ =	sfence  }
0xb6: {  	s30 =	sld [smem:$0x0];
	_ =	sdelay $0x2  }
0xb7: {  	s31 =	sshll.u32 s1, $0xD;
	s1 =	sshrl.u32 s1, $0x2  }
0xb8: {  	s3 =	sand.u32 $0x4000, s31;
	s1 =	sadd.s32 s1, s30  }
0xb9: {  	s0 =	sor.u32 s3, s0;
	s1 =	sshll.u32 s1, $0x11  }
0xba: {  	s0 =	sor.u32 s1, s0  }
0xbb: {  	s0 =	sadd.s32 $0x8F2B, s0  }
0xbc: {  	[sflag:s0] =	ssyncadd.remote.s32 $0x1  }
0xbd: {  	_ =	sfence.sel $0xFFFF  }
0xbe: {  	[dreg:$0x0] =	wrdreg $0xFFFFFFFF;
	(pc) =	sbr.abs _section_cstart, $3  }
0xbf: {  	[dreg:$0x1] =	wrdreg $0xFFFFFFFF  }
0xc0: {  	_ =	task.clear_ibuf [dreg:s6], $0x2FFFF;
	_ =	strace $0x9FFFFFFF  }
0xc1: {  	(tm) =	ssettm $0x7FFFFFFF  }
tec
execute0_lowered:
.L_overlay_start_1:
0x0: {  	(tag) =	ssettag $0x1  }
0x1: {  	s0 =	rddreg [dreg:$0x0];
	s1 =	srdreg.scid  }
0x2: {  	s4 =	stileid.u32;
	s2 =	simm.s32 $0x0;
	s28 =	simm.s32 $0x1F450  }
0x3: {  	s29 =	simm.s32 $0x1F460;
	s30 =	simm.s32 $0x1F470;
	s31 =	simm.s32 $0x1F480  }
0x4: {  	s9 =	simm.s32 $0x1F510;
	s10 =	simm.s32 $0x1F520;
	s11 =	simm.s32 $0x3  }
0x5: {  	s12 =	simm.s32 $0x4;
	s13 =	simm.s32 $0x5;
	s1 =	sand.u32 $0x1, s1  }
0x6: {  	s3 =	sshll.u32 s4, $0x1;
	[smem:$0x7FF] =	sst s2;
	s4 =	sshrl.u32 s4, $0x2  }
0x7: {  	s6 =	sadd.s32 $0x200000, s0;
	s7 =	sadd.s32 $0x5F4000, s0;
	s3 =	sor.u32 s1, s3  }
0x8: {  	_ =	strace $0x80000047;
	s4 =	smul.u32 $0xC00, s4;
	s1 =	ssub.s32 $0x2, s1  }
0x9: {  	s5 =	sshll.u32 s3, $0x7;
	s3 =	smul.u32 $0x2EE00, s3;
	s14 =	sshrl.u32 s1, $0x1  }
0xa: {  	s5 =	sand.u32 $0x380, s5;
	s1 =	ssub.s32 s1, s14;
	s14 =	simm.s32 $0x0  }
0xb: {  	s4 =	sor.u32 s4, s5;
	s3 =	sshrl.u32 s3, $0x3;
	s26 =	smax.u32 s1, $0x1  }
0xc: {  	s1 =	simm.s32 $0x1F4A0;
	s5 =	simm.s32 $0x1F4D0;
	s4 =	sshrl.u32 s4, $0x3  }
0xd: {  	s15 =	sadd.s32 $0xFA0, s3;
	s16 =	sadd.s32 s6, s3;
	[dreg:$0xf] =	wrdreg s26  }
0xe: {  	s17 =	sadd.s32 s7, s3;
	s19 =	sadd.s32 $0x1F40, s3;
	[dreg:$0x2] =	wrdreg s16  }
0xf: {  	s20 =	sadd.s32 $0x2EE0, s3;
	[dreg:$0x3] =	wrdreg s17;
	s18 =	sadd.s32 s6, s15  }
0x10: {  	s0 =	sadd.s32 s4, s0;
	s4 =	sadd.s32 s7, s15;
	[dreg:$0x4] =	wrdreg s18  }
0x11: {  	s23 =	sadd.s32 $0x3E80, s3;
	s8 =	sadd.s32 s6, s19;
	[dreg:$0x5] =	wrdreg s4  }
0x12: {  	s3 =	sadd.s32 $0x4E20, s3;
	s21 =	sadd.s32 s6, s20;
	[dreg:$0x6] =	wrdreg s8  }
0x13: {  	s26 =	simm.s32 $0x1F440;
	s22 =	sadd.s32 s7, s20;
	[dreg:$0x8] =	wrdreg s21  }
0x14: {  	s24 =	sadd.s32 s6, s23;
	s25 =	sadd.s32 s6, s3;
	[dreg:$0x9] =	wrdreg s22  }
0x15: {  	s3 =	sadd.s32 s7, s3;
	s20 =	simm.s32 $0xFA00;
	[dreg:$0xa] =	wrdreg s24  }
0x16: {  	s6 =	simm.s32 $0x1F4E0;
	s4 =	sadd.s32 s7, s19;
	[dreg:$0xc] =	wrdreg s25  }
0x17: {  	[dreg:$0xd] =	wrdreg s3;
	s0 =	sadd.s32 $0x7E8000, s0;
	s18 =	simm.s32 $0x1  }
0x18: {  	s19 =	simm.s32 $0x2;
	s21 =	simm.s32 $0x17700;
	s22 =	simm.s32 $0x1F400  }
0x19: {  	s24 =	simm.s32 $0x1F420;
	s25 =	simm.s32 $0x1F430;
	s3 =	simm.s32 $0x1F4B0  }
0x1a: {  	s8 =	simm.s32 $0x1F500;
	[dreg:$0x7] =	wrdreg s4;
	s4 =	sadd.s32 s7, s23  }
0x1b: {  	[dreg:$0xe] =	wrdreg s0;
	s23 =	simm.s32 $0x1F410;
	s0 =	simm.s32 $0x1F490  }
0x1c: {  	v0 =	vimm.f32 $0.0e+00;
	s7 =	simm.s32 $0x1F4F0;
	[dreg:$0xb] =	wrdreg s4;
	s4 =	simm.s32 $0x1F4C0  }
.LBB2_1:
0x1d: {  	[tilespmem:$0x1F400] =	vst v0  }
0x1e: {  	[tilespmem:$0x1F410] =	vst v0  }
0x1f: {  	[tilespmem:$0x1F420] =	vst v0  }
0x20: {  	[tilespmem:$0x1F430] =	vst v0  }
0x21: {  	[tilespmem:$0x1F440] =	vst v0  }
0x22: {  	[tilespmem:$0x1F450] =	vst v0  }
0x23: {  	[tilespmem:$0x1F460] =	vst v0  }
0x24: {  	[tilespmem:$0x1F470] =	vst v0  }
0x25: {  	[tilespmem:$0x1F480] =	vst v0  }
0x26: {  	[tilespmem:$0x1F490] =	vst v0  }
0x27: {  	[tilespmem:$0x1F4A0] =	vst v0  }
0x28: {  	[tilespmem:$0x1F4B0] =	vst v0  }
0x29: {  	[tilespmem:$0x1F4C0] =	vst v0  }
0x2a: {  	[tilespmem:$0x1F4D0] =	vst v0  }
0x2b: {  	[tilespmem:$0x1F4E0] =	vst v0  }
0x2c: {  	[tilespmem:$0x1F4F0] =	vst v0  }
0x2d: {  	[tilespmem:$0x1F500] =	vst v0  }
0x2e: {  	[tilespmem:$0x1F510] =	vst v0  }
0x2f: {  	[tilespmem:$0x1F520] =	vst v0;
	s15 =	rddreg [dreg:$0x2]  }
0x30: {  	[tilespmem:s2], [sflag:$0x1] =	stream.linear.gather [hbm4b:s15+s2], $0x7D00, $0x38;
	[tilespmem:$0x1F580] =	vst v63  }
0x31: {  	s17 =	rddreg [dreg:$0x3];
	s16 =	simm.s32 $0x7D00  }
0x32: {  	[tilespmem:s16], [sflag:$0x2] =	stream.linear.gather [hbm4b:s17+s2], $0x7D00, $0x38;
	[tilespmem:$0x1F580] =	vst v63  }
0x33: {  	_ =	swait.ge [sflag:s18], $0x7D00  }
0x34: {  	[sflag:s18] =	ssyncset.done $0x0  }
0x35: {  	[sflag:s18] =	ssyncadd.s32 $0xFFFF8300  }
0x36: {  	_ =	swait.ge [sflag:s19], $0x7D00  }
0x37: {  	[sflag:s19] =	ssyncset.done $0x0  }
0x38: {  	s17 =	rddreg [dreg:$0x4];
	[sflag:s19] =	ssyncadd.s32 $0xFFFF8300  }
0x39: {  	[tilespmem:s20], [sflag:$0x3] =	stream.linear.gather [hbm4b:s17+s2], $0x7D00, $0x38;
	[tilespmem:$0x1F580] =	vst v63  }
0x3a: {  	s16 =	rddreg [dreg:$0x5];
	s17 =	simm.s32 $0x10  }
0x3b: {  	[tilespmem:s21], [sflag:$0x4] =	stream.linear.gather [hbm4b:s16+s2], $0x7D00, $0x38;
	[tilespmem:$0x1F580] =	vst v63  }
0x3c: {  	v1 =	vld [tilespmem:s17+$0xFFFFFFF0]  }
0x3d: {  	s15 =	simm.s32 $0x7D10;
	v5 =	vld [tilespmem:s17+$0x0]  }
0x3e: {  	v6 =	vld [tilespmem:s15+$0x0]  }
0x3f: {  	v12 =	vld [tilespmem:s15+$0xFFFFFFF0];
	_ =	sdelay $0x2  }
0x40: {  	v2 =	vsub.f32 $1.000000000e+00, v1;
	v3 =	vand.u32 $0x7FFFFF, v1  }
0x41: {  	v9 =	vshrl.u32 v1, $0x17;
	v10 =	vand.u32 $0x7FFFFF, v5;
	v13 =	vsub.f32 v5, v6  }
0x42: {  	v11 =	vshrl.u32 v5, $0x17;
	v5 =	vsub.f32 $1.000000000e+00, v5;
	v1 =	vsub.f32 v1, v12  }
0x43: {  	v18 =	vsub.f32 $1.000000000e+00, v12;
	v20 =	vsub.f32 $1.000000000e+00, v6;
	v3 =	vor.u32 $0x3F800000, v3  }
0x44: {  	v10 =	vor.u32 $0x3F800000, v10;
	v11 =	vcvt.s32.f32 v11;
	v9 =	vcvt.s32.f32 v9  }
0x45: {  	v4 =	vand.u32 $0x7FFFFF, v2;
	v3 =	vadd.f32 $-1.000000000e+00, v3;
	v10 =	vadd.f32 $-1.000000000e+00, v10  }
0x46: {  	v2 =	vshrl.u32 v2, $0x17;
	v13 =	vand.u32 $0x7FFFFFFF, v13;
	v4 =	vor.u32 $0x3F800000, v4  }
0x47: {  	v15 =	vand.u32 $0x7FFFFF, v5;
	v1 =	vand.u32 $0x7FFFFFFF, v1;
	v4 =	vadd.f32 $-1.000000000e+00, v4  }
0x48: {  	v5 =	vshrl.u32 v5, $0x17;
	v11 =	vadd.f32 $-1.270000000e+02, v11;
	v2 =	vcvt.s32.f32 v2  }
0x49: {  	vm4 =	vge.f32 v1, $8.000000110e-01;
	v15 =	vor.u32 $0x3F800000, v15;
	v8 =	vmul.f32 $3.137662260e-02, v4  }
0x4a: {  	vm0 =	vge.f32 v1, $2.000000030e-01;
	vm3 =	vge.f32 v1, $4.000000060e-01;
	vm2 =	vge.f32 v13, $5.000000000e-01  }
0x4b: {  	vm5 =	vge.f32 v1, $1.000000010e-01;
	v9 =	vadd.f32 $-1.270000000e+02, v9;
	v8 =	vadd.f32 $-1.341333090e-01, v8  }
0x4c: {  	vm1 =	vge.f32 v13, $6.000000240e-01;
	vm6 =	vge.f32 v13, $4.000000060e-01;
	vm14 =	vge.f32 v13, $1.000000010e-01  }
0x4d: {  	vm7 =	vge.f32 v1, $3.000000120e-01;
	v7 =	vmul.f32 $3.137662260e-02, v3;
	v8 =	vmul.f32 v8, v4  }
0x4e: {  	vm8 =	vge.f32 v1, $6.999999880e-01;
	vm9 =	vge.f32 v1, $5.000000000e-01;
	vm15 =	vge.f32 v1, $6.000000240e-01  }
0x4f: {  	v5 =	vcvt.s32.f32 v5;
	v7 =	vadd.f32 $-1.341333090e-01, v7;
	v8 =	vadd.f32 $2.878246900e-01, v8  }
0x50: {  	vm10 =	vge.f32 v1, $8.999999760e-01;
	vm11 =	vge.f32 v13, $2.000000030e-01;
	vm12 =	vge.f32 v13, $6.999999880e-01  }
0x51: {  	vm13 =	vge.f32 v13, $8.999999760e-01;
	v7 =	vmul.f32 v7, v3;
	v8 =	vmul.f32 v8, v4  }
0x52: {  	v14 =	vmul.f32 $3.137662260e-02, v10;
	v15 =	vadd.f32 $-1.000000000e+00, v15;
	v16 =	vsel vm0, $0x3F800000, v0  }
0x53: {  	v24 =	vsel vm5, $0x3F800000, v0;
	v7 =	vadd.f32 $2.878246900e-01, v7;
	v8 =	vadd.f32 $-4.913474620e-01, v8  }
0x54: {  	v22 =	vsel vm6, $0x3F800000, v0;
	v23 =	vsel vm3, $0x3F800000, v0;
	v35 =	vsel vm2, $0x3F800000, v0  }
0x55: {  	v21 =	vsel vm11, $0x3F800000, v0;
	v7 =	vmul.f32 v7, v3;
	v8 =	vmul.f32 v8, v4  }
0x56: {  	v31 =	vsel vm10, $0x3F800000, v0;
	v29 =	vsel vm12, $0x3F800000, v0;
	v27 =	vsel vm1, $0x3F800000, v0  }
0x57: {  	v17 =	vmul.f32 $3.137662260e-02, v15;
	v7 =	vadd.f32 $-4.913474620e-01, v7;
	v8 =	vadd.f32 $9.994349470e-01, v8  }
0x58: {  	v25 =	vsel vm13, $0x3F800000, v0;
	v2 =	vadd.f32 $-1.270000000e+02, v2;
	v14 =	vadd.f32 $-1.341333090e-01, v14  }
0x59: {  	v7 =	vmul.f32 v7, v3;
	v4 =	vmul.f32 v8, v4;
	v8 =	vadd.f32 $-1.341333090e-01, v17  }
0x5a: {  	v30 =	vsel vm14, $0x3F800000, v0;
	vm14 =	vge.f32 v13, $3.000000120e-01;
	v2 =	vmul.f32 $6.931471820e-01, v2  }
0x5b: {  	v14 =	vmul.f32 v14, v10;
	v7 =	vadd.f32 $9.994349470e-01, v7;
	v8 =	vmul.f32 v8, v15  }
0x5c: {  	v19 =	vmul.f32 $6.931471820e-01, v11;
	v9 =	vmul.f32 $6.931471820e-01, v9;
	v2 =	vadd.f32 v4, v2  }
0x5d: {  	v14 =	vadd.f32 $2.878246900e-01, v14;
	v3 =	vmul.f32 v7, v3;
	v7 =	vadd.f32 $2.878246900e-01, v8  }
0x5e: {  	v11 =	vsel vm7, $0x3F800000, v0;
	v5 =	vadd.f32 $-1.270000000e+02, v5;
	v2 =	vmul.f32 v2, v18  }
0x5f: {  	v28 =	vadd.f32 v16, v0;
	v18 =	vmul.f32 v14, v10;
	v7 =	vmul.f32 v7, v15  }
0x60: {  	v5 =	vmul.f32 $6.931471820e-01, v5;
	v3 =	vadd.f32 v3, v9;
	v9 =	vsel vm8, $0x3F800000, v0  }
0x61: {  	v4 =	vsel vm9, $0x3F800000, v0;
	v18 =	vadd.f32 $-4.913474620e-01, v18;
	v7 =	vadd.f32 $-4.913474620e-01, v7  }
0x62: {  	v3 =	vmul.f32 v3, v12;
	v12 =	vadd.f32 v4, v0;
	v8 =	vsel vm15, $0x3F800000, v0  }
0x63: {  	v14 =	vadd.f32 v8, v0;
	v1 =	vmul.f32 v18, v10;
	v7 =	vmul.f32 v7, v15  }
0x64: {  	v17 =	vsel vm4, $0x3F800000, v0;
	v2 =	vadd.f32 v2, v3;
	v3 =	vadd.f32 v35, v12  }
0x65: {  	vm15 =	vge.f32 v13, $8.000000110e-01;
	v1 =	vadd.f32 $9.994349470e-01, v1;
	v7 =	vadd.f32 $9.994349470e-01, v7  }
0x66: {  	v13 =	vimm.f32 $0.0e+00;
	v12 =	vadd.f32 v9, v0;
	v26 =	vsub.f32 $0.0e+00, v2  }
0x67: {  	v18 =	vadd.f32 v23, v0;
	v10 =	vmul.f32 v1, v10;
	v7 =	vmul.f32 v7, v15  }
0x68: {  	v2 =	vadd.f32 v29, v12;
	v4 =	vmul.f32 v26, v4;
	v34 =	vmul.f32 v26, v8  }
0x69: {  	v8 =	vmul.f32 v26, v16;
	v10 =	vadd.f32 v10, v19;
	v5 =	vadd.f32 v7, v5  }
0x6a: {  	v32 =	vadd.f32 v26, v0;
	v33 =	vmul.f32 v26, v9;
	v36 =	vmul.f32 v26, v31  }
0x6b: {  	v1 =	vadd.f32 v22, v18;
	v6 =	vmul.f32 v10, v6;
	v5 =	vmul.f32 v5, v20  }
0x6c: {  	v9 =	vimm.f32 $0.0e+00;
	v16 =	vadd.f32 v4, v0;
	v4 =	vadd.f32 v11, v0  }
0x6d: {  	v18 =	vsel vm15, $0x3F800000, v0;
	v15 =	vadd.f32 v24, v0;
	v5 =	vadd.f32 v5, v6  }
0x6e: {  	v19 =	vadd.f32 v8, v0;
	v8 =	vadd.f32 v17, v0;
	v7 =	vmul.f32 v26, v24  }
0x6f: {  	v10 =	vimm.f32 $0.0e+00;
	v20 =	vadd.f32 v31, v0;
	v24 =	vsub.f32 $0.0e+00, v5  }
0x70: {  	v12 =	vadd.f32 v7, v0;
	v7 =	vimm.f32 $0.0e+00;
	v6 =	vsel vm14, $0x3F800000, v0  }
0x71: {  	v5 =	vadd.f32 v6, v4;
	v4 =	vadd.f32 v18, v8;
	v39 =	vmul.f32 v24, v30  }
0x72: {  	v8 =	vimm.f32 $0.0e+00;
	v37 =	vmul.f32 v24, v21;
	v31 =	vmul.f32 v24, v6  }
0x73: {  	s16 =	simm.s32 $0x0;
	s17 =	simm.s32 $0x30;
	v38 =	vmul.f32 v24, v35;
	v35 =	vmul.f32 v24, v27;
	v6 =	vimm.f32 $0.0e+00  }
.LBB2_2:
0x74: {  	v40 =	vld [tilespmem:s17+$0xFFFFFFF0];
	s16 =	sadd.s32 $0x2, s16;
	v12 =	vadd.f32 v39, v12;
	v29 =	vmul.f32 v24, v29;
	v39 =	vmul.f32 v24, v18;
	s15 =	sadd.s32 $0x20, s15  }
0x75: {  	v13 =	vadd.f32 v34, v13;
	v14 =	vadd.f32 v27, v14;
	v34 =	vmul.f32 v24, v25;
	v18 =	vld [tilespmem:s15+$0x0];
	p0 =	slt.u32 s16, $0x7CE  }
0x76: {  	v17 =	vmul.f32 v26, v17;
	v10 =	vadd.f32 v36, v10;
	v16 =	vadd.f32 v38, v16;
	v41 =	vld [tilespmem:s17+$0x0]  }
0x77: {  	v15 =	vadd.f32 v30, v15;
	v22 =	vmul.f32 v24, v22;
	v20 =	vadd.f32 v25, v20  }
0x78: {  	v23 =	vmul.f32 v26, v23;
	v25 =	vadd.f32 v21, v28;
	v7 =	vadd.f32 v17, v7  }
0x79: {  	v6 =	vadd.f32 v33, v6;
	v17 =	vand.u32 $0x7FFFFF, v40;
	v21 =	vsub.f32 $1.000000000e+00, v40  }
0x7a: {  	v19 =	vadd.f32 v37, v19;
	v28 =	vshrl.u32 v40, $0x17;
	v17 =	vor.u32 $0x3F800000, v17  }
0x7b: {  	v24 =	vadd.f32 v24, v32;
	v30 =	vshrl.u32 v21, $0x17;
	v21 =	vand.u32 $0x7FFFFF, v21  }
0x7c: {  	v6 =	vadd.f32 v29, v6;
	v17 =	vadd.f32 $-1.000000000e+00, v17;
	v21 =	vor.u32 $0x3F800000, v21  }
0x7d: {  	v13 =	vadd.f32 v35, v13;
	v27 =	vand.u32 $0x7FFFFF, v41;
	v21 =	vadd.f32 $-1.000000000e+00, v21  }
0x7e: {  	v7 =	vadd.f32 v39, v7;
	v27 =	vor.u32 $0x3F800000, v27;
	v29 =	vmul.f32 $3.137662260e-02, v17  }
0x7f: {  	v10 =	vadd.f32 v34, v10;
	v27 =	vadd.f32 $-1.000000000e+00, v27;
	v32 =	vmul.f32 $3.137662260e-02, v21  }
0x80: {  	v11 =	vmul.f32 v26, v11;
	v33 =	vshrl.u32 v41, $0x17;
	v29 =	vadd.f32 $-1.341333090e-01, v29  }
0x81: {  	v8 =	vadd.f32 v23, v8;
	v33 =	vcvt.s32.f32 v33;
	v26 =	vld [tilespmem:s15+$0xFFFFFFF0];
	v32 =	vadd.f32 $-1.341333090e-01, v32  }
0x82: {  	v9 =	vadd.f32 v11, v9;
	v23 =	vmul.f32 v29, v17;
	v29 =	vsub.f32 v41, v18  }
0x83: {  	v8 =	vadd.f32 v22, v8;
	v11 =	vmul.f32 v32, v21;
	v32 =	vadd.f32 $-1.270000000e+02, v33  }
0x84: {  	v9 =	vadd.f32 v31, v9;
	v22 =	vadd.f32 $2.878246900e-01, v23;
	v23 =	vmul.f32 $3.137662260e-02, v27  }
0x85: {  	v28 =	vcvt.s32.f32 v28;
	v31 =	vsub.f32 $1.000000000e+00, v41;
	v11 =	vadd.f32 $2.878246900e-01, v11  }
0x86: {  	v22 =	vmul.f32 v22, v17;
	v33 =	vsub.f32 v40, v26  }
0x87: {  	v34 =	vand.u32 $0x7FFFFFFF, v29;
	v29 =	vand.u32 $0x7FFFFF, v31;
	v11 =	vmul.f32 v11, v21  }
0x88: {  	v30 =	vcvt.s32.f32 v30;
	v23 =	vadd.f32 $-1.341333090e-01, v23;
	v33 =	vand.u32 $0x7FFFFFFF, v33  }
0x89: {  	v29 =	vor.u32 $0x3F800000, v29;
	v11 =	vadd.f32 $-4.913474620e-01, v11;
	vm4 =	vge.f32 v33, $8.000000110e-01  }
0x8a: {  	vm2 =	vge.f32 v34, $5.000000000e-01;
	vm0 =	vge.f32 v33, $2.000000030e-01;
	vm3 =	vge.f32 v33, $4.000000060e-01  }
0x8b: {  	v35 =	vadd.f32 $-1.000000000e+00, v29;
	vm5 =	vge.f32 v33, $1.000000010e-01;
	v11 =	vmul.f32 v11, v21  }
0x8c: {  	v28 =	vadd.f32 $-1.270000000e+02, v28;
	v29 =	vadd.f32 $-1.270000000e+02, v30;
	v36 =	vsel vm0, $0x3F800000, v0  }
0x8d: {  	vm1 =	vge.f32 v34, $6.000000240e-01;
	v30 =	vmul.f32 $3.137662260e-02, v35;
	v11 =	vadd.f32 $9.994349470e-01, v11  }
0x8e: {  	vm6 =	vge.f32 v34, $4.000000060e-01;
	v37 =	vsub.f32 $1.000000000e+00, v26;
	v22 =	vadd.f32 $-4.913474620e-01, v22  }
0x8f: {  	vm0 =	vge.f32 v34, $1.000000010e-01;
	v11 =	vmul.f32 v11, v21;
	v21 =	vadd.f32 $-1.341333090e-01, v30  }
0x90: {  	v29 =	vmul.f32 $6.931471820e-01, v29;
	v22 =	vmul.f32 v22, v17;
	vm7 =	vge.f32 v33, $3.000000120e-01  }
0x91: {  	v31 =	vshrl.u32 v31, $0x17;
	v23 =	vmul.f32 v23, v27;
	v30 =	vmul.f32 $6.931471820e-01, v32  }
0x92: {  	v28 =	vmul.f32 $6.931471820e-01, v28;
	vm8 =	vge.f32 v33, $6.999999880e-01;
	v22 =	vadd.f32 $9.994349470e-01, v22  }
0x93: {  	v23 =	vadd.f32 $2.878246900e-01, v23;
	v32 =	vsub.f32 $1.000000000e+00, v18;
	v21 =	vmul.f32 v21, v35  }
0x94: {  	vm9 =	vge.f32 v33, $5.000000000e-01;
	v17 =	vmul.f32 v22, v17;
	v11 =	vadd.f32 v11, v29  }
0x95: {  	v38 =	vsel vm9, $0x3F800000, v0;
	vm9 =	vge.f32 v33, $6.000000240e-01;
	v21 =	vadd.f32 $2.878246900e-01, v21  }
0x96: {  	v40 =	vsel vm8, $0x3F800000, v0;
	v39 =	vsel vm9, $0x3F800000, v0;
	v22 =	vadd.f32 v17, v28  }
0x97: {  	v28 =	vmul.f32 v11, v37;
	v11 =	vsel vm7, $0x3F800000, v0;
	v21 =	vmul.f32 v21, v35  }
0x98: {  	v17 =	vsel vm4, $0x3F800000, v0;
	v29 =	vmul.f32 v23, v27;
	v37 =	vsel vm5, $0x3F800000, v0  }
0x99: {  	v14 =	vadd.f32 v39, v14;
	v26 =	vmul.f32 v22, v26;
	v22 =	vsel vm6, $0x3F800000, v0  }
0x9a: {  	v3 =	vadd.f32 v38, v3;
	v23 =	vsel vm3, $0x3F800000, v0;
	v29 =	vadd.f32 $-4.913474620e-01, v29  }
0x9b: {  	v31 =	vcvt.s32.f32 v31;
	v41 =	vsel vm2, $0x3F800000, v0;
	v21 =	vadd.f32 $-4.913474620e-01, v21  }
0x9c: {  	vm2 =	vge.f32 v33, $8.999999760e-01;
	vm3 =	vge.f32 v34, $2.000000030e-01;
	v29 =	vmul.f32 v29, v27  }
0x9d: {  	v31 =	vadd.f32 $-1.270000000e+02, v31;
	v33 =	vmul.f32 v21, v35;
	v21 =	vsel vm3, $0x3F800000, v0  }
0x9e: {  	v42 =	vsel vm2, $0x3F800000, v0;
	v26 =	vadd.f32 v28, v26;
	v28 =	vadd.f32 $9.994349470e-01, v29  }
0x9f: {  	vm2 =	vge.f32 v34, $6.999999880e-01;
	v1 =	vadd.f32 v23, v1;
	v33 =	vadd.f32 $9.994349470e-01, v33  }
0xa0: {  	v3 =	vadd.f32 v41, v3;
	v29 =	vsel vm2, $0x3F800000, v0;
	v27 =	vmul.f32 v28, v27  }
0xa1: {  	v31 =	vmul.f32 $6.931471820e-01, v31;
	v2 =	vadd.f32 v40, v2;
	v1 =	vadd.f32 v22, v1  }
0xa2: {  	v30 =	vadd.f32 v27, v30;
	v27 =	vsel vm1, $0x3F800000, v0;
	v33 =	vmul.f32 v33, v35  }
0xa3: {  	v26 =	vsub.f32 $0.0e+00, v26;
	v2 =	vadd.f32 v29, v2;
	vm1 =	vge.f32 v34, $8.999999760e-01  }
0xa4: {  	v28 =	vadd.f32 v36, v25;
	v25 =	vsel vm1, $0x3F800000, v0;
	v31 =	vadd.f32 v33, v31  }
0xa5: {  	v35 =	vmul.f32 v30, v18;
	v30 =	vsel vm0, $0x3F800000, v0;
	v33 =	vmul.f32 v26, v38  }
0xa6: {  	vm1 =	vge.f32 v34, $8.000000110e-01;
	vm0 =	vge.f32 v34, $3.000000120e-01;
	v31 =	vmul.f32 v31, v32  }
0xa7: {  	v34 =	vmul.f32 v26, v39;
	v18 =	vsel vm1, $0x3F800000, v0;
	v38 =	vmul.f32 v26, v37  }
0xa8: {  	v20 =	vadd.f32 v42, v20;
	v31 =	vadd.f32 v31, v35;
	v35 =	vsel vm0, $0x3F800000, v0  }
0xa9: {  	v36 =	vmul.f32 v26, v36;
	v32 =	vadd.f32 v26, v24;
	v16 =	vadd.f32 v33, v16  }
.Ltmp0:
0xaa: {  	v15 =	vadd.f32 v37, v15;
	v33 =	vmul.f32 v26, v40;
	v24 =	vsub.f32 $0.0e+00, v31;
	(pc) =	sbr.rel @p0 .LBB2_2-.Ltmp0, $4  }
0xab: {  	v5 =	vadd.f32 v11, v5;
	v19 =	vadd.f32 v36, v19;
	v36 =	vmul.f32 v26, v42  }
0xac: {  	v4 =	vadd.f32 v17, v4;
	v39 =	vmul.f32 v24, v30;
	v37 =	vmul.f32 v24, v21  }
0xad: {  	v12 =	vadd.f32 v38, v12;
	v5 =	vadd.f32 v35, v5;
	v31 =	vmul.f32 v24, v35  }
0xae: {  	s17 =	sadd.s32 $0x20, s17;
	v4 =	vadd.f32 v18, v4;
	v38 =	vmul.f32 v24, v41;
	v35 =	vmul.f32 v24, v27  }
0xaf: {  	v11 =	vmul.f32 v26, v11  }
0xb0: {  	v23 =	vmul.f32 v26, v23;
	v32 =	vadd.f32 v24, v32  }
0xb1: {  	v12 =	vadd.f32 v39, v12;
	v9 =	vadd.f32 v11, v9  }
0xb2: {  	v19 =	vadd.f32 v37, v19;
	v11 =	vmul.f32 v24, v22;
	v8 =	vadd.f32 v23, v8;
	[tilespmem:s22+$0x0] =	vst.add.f32.msk $0xffff, v32  }
0xb3: {  	[tilespmem:s23+$0x0] =	vst.add.f32.msk $0xffff, v12;
	v9 =	vadd.f32 v31, v9  }
0xb4: {  	v12 =	vadd.f32 v34, v13;
	v13 =	vmul.f32 v26, v17;
	v8 =	vadd.f32 v11, v8;
	[tilespmem:s24+$0x0] =	vst.add.f32.msk $0xffff, v19  }
0xb5: {  	v6 =	vadd.f32 v33, v6;
	v16 =	vadd.f32 v38, v16;
	v11 =	vmul.f32 v24, v29;
	[tilespmem:s25+$0x0] =	vst.add.f32.msk $0xffff, v9  }
0xb6: {  	v7 =	vadd.f32 v13, v7;
	v12 =	vadd.f32 v35, v12;
	v9 =	vmul.f32 v24, v18;
	[tilespmem:s26+$0x0] =	vst.add.f32.msk $0xffff, v8  }
0xb7: {  	v10 =	vadd.f32 v36, v10;
	v6 =	vadd.f32 v11, v6;
	v8 =	vmul.f32 v24, v25;
	[tilespmem:s28+$0x0] =	vst.add.f32.msk $0xffff, v16  }
0xb8: {  	v7 =	vadd.f32 v9, v7;
	[tilespmem:s29+$0x0] =	vst.add.f32.msk $0xffff, v12  }
0xb9: {  	v8 =	vadd.f32 v8, v10;
	[tilespmem:s30+$0x0] =	vst.add.f32.msk $0xffff, v6  }
0xba: {  	v6 =	vadd.f32 v30, v15;
	[tilespmem:s31+$0x0] =	vst.add.f32.msk $0xffff, v7  }
0xbb: {  	v7 =	vadd.f32 v21, v28;
	[tilespmem:s0+$0x0] =	vst.add.f32.msk $0xffff, v8  }
0xbc: {  	[tilespmem:s1+$0x0] =	vst.add.f32.msk $0xffff, v6  }
0xbd: {  	[tilespmem:s3+$0x0] =	vst.add.f32.msk $0xffff, v7  }
0xbe: {  	[tilespmem:s4+$0x0] =	vst.add.f32.msk $0xffff, v5  }
0xbf: {  	v5 =	vadd.f32 v27, v14;
	[tilespmem:s5+$0x0] =	vst.add.f32.msk $0xffff, v1  }
0xc0: {  	[tilespmem:s6+$0x0] =	vst.add.f32.msk $0xffff, v3  }
0xc1: {  	[tilespmem:s7+$0x0] =	vst.add.f32.msk $0xffff, v5  }
0xc2: {  	v1 =	vadd.f32 v25, v20;
	[tilespmem:s8+$0x0] =	vst.add.f32.msk $0xffff, v2  }
0xc3: {  	[tilespmem:s9+$0x0] =	vst.add.f32.msk $0xffff, v4  }
0xc4: {  	[tilespmem:s10+$0x0] =	vst.add.f32.msk $0xffff, v1  }
0xc5: {  	_ =	swait.ge [sflag:s11], $0x7D00  }
0xc6: {  	[sflag:s11] =	ssyncset.done $0x0  }
0xc7: {  	[sflag:s11] =	ssyncadd.s32 $0xFFFF8300  }
0xc8: {  	_ =	swait.ge [sflag:s12], $0x7D00  }
0xc9: {  	[sflag:s12] =	ssyncset.done $0x0  }
0xca: {  	s15 =	rddreg [dreg:$0x6];
	[sflag:s12] =	ssyncadd.s32 $0xFFFF8300  }
0xcb: {  	[tilespmem:s2], [sflag:$0x1] =	stream.linear.gather [hbm4b:s15+s2], $0x7D00, $0x38;
	[tilespmem:$0x1F580] =	vst v63  }
0xcc: {  	s16 =	simm.s32 $0x7D00;
	s17 =	rddreg [dreg:$0x7]  }
0xcd: {  	[tilespmem:s16], [sflag:$0x2] =	stream.linear.gather [hbm4b:s17+s2], $0x7D00, $0x38;
	[tilespmem:$0x1F580] =	vst v63  }
0xce: {  	s17 =	simm.s32 $0xFA10  }
0xcf: {  	v2 =	vld [tilespmem:s17+$0xFFFFFFF0]  }
0xd0: {  	s15 =	simm.s32 $0x17710;
	v4 =	vld [tilespmem:s17+$0x0]  }
0xd1: {  	v7 =	vld [tilespmem:s15+$0x0]  }
0xd2: {  	v13 =	vld [tilespmem:s15+$0xFFFFFFF0];
	_ =	sdelay $0x2  }
0xd3: {  	v3 =	vsub.f32 $1.000000000e+00, v2;
	v1 =	vand.u32 $0x7FFFFF, v2  }
0xd4: {  	v10 =	vand.u32 $0x7FFFFF, v4;
	v11 =	vshrl.u32 v4, $0x17;
	v14 =	vsub.f32 v4, v7  }
0xd5: {  	v12 =	vshrl.u32 v2, $0x17;
	v4 =	vsub.f32 $1.000000000e+00, v4;
	v2 =	vsub.f32 v2, v13  }
0xd6: {  	v18 =	vsub.f32 $1.000000000e+00, v13;
	v1 =	vor.u32 $0x3F800000, v1;
	v10 =	vor.u32 $0x3F800000, v10  }
0xd7: {  	v11 =	vcvt.s32.f32 v11;
	v12 =	vcvt.s32.f32 v12;
	v5 =	vand.u32 $0x7FFFFF, v3  }
0xd8: {  	v6 =	vadd.f32 $-1.000000000e+00, v1;
	v1 =	vimm.f32 $0.0e+00;
	v5 =	vor.u32 $0x3F800000, v5  }
0xd9: {  	v10 =	vadd.f32 $-1.000000000e+00, v10;
	v3 =	vshrl.u32 v3, $0x17;
	v5 =	vadd.f32 $-1.000000000e+00, v5  }
0xda: {  	v16 =	vand.u32 $0x7FFFFFFF, v14;
	v14 =	vand.u32 $0x7FFFFF, v4;
	v2 =	vand.u32 $0x7FFFFFFF, v2  }
0xdb: {  	v4 =	vshrl.u32 v4, $0x17;
	v11 =	vadd.f32 $-1.270000000e+02, v11;
	v9 =	vmul.f32 $3.137662260e-02, v5  }
0xdc: {  	v3 =	vcvt.s32.f32 v3;
	vm4 =	vge.f32 v2, $8.000000110e-01;
	v8 =	vmul.f32 $3.137662260e-02, v6  }
0xdd: {  	v14 =	vor.u32 $0x3F800000, v14;
	vm0 =	vge.f32 v2, $2.000000030e-01;
	v9 =	vadd.f32 $-1.341333090e-01, v9  }
0xde: {  	vm3 =	vge.f32 v2, $4.000000060e-01;
	vm2 =	vge.f32 v16, $5.000000000e-01;
	v8 =	vadd.f32 $-1.341333090e-01, v8  }
0xdf: {  	vm5 =	vge.f32 v2, $1.000000010e-01;
	v12 =	vadd.f32 $-1.270000000e+02, v12;
	v9 =	vmul.f32 v9, v5  }
0xe0: {  	vm1 =	vge.f32 v16, $6.000000240e-01;
	vm6 =	vge.f32 v16, $4.000000060e-01;
	v8 =	vmul.f32 v8, v6  }
0xe1: {  	vm14 =	vge.f32 v16, $1.000000010e-01;
	vm7 =	vge.f32 v2, $3.000000120e-01;
	v9 =	vadd.f32 $2.878246900e-01, v9  }
0xe2: {  	vm8 =	vge.f32 v2, $6.999999880e-01;
	vm9 =	vge.f32 v2, $5.000000000e-01;
	v8 =	vadd.f32 $2.878246900e-01, v8  }
0xe3: {  	vm15 =	vge.f32 v2, $6.000000240e-01;
	v4 =	vcvt.s32.f32 v4;
	v9 =	vmul.f32 v9, v5  }
0xe4: {  	vm10 =	vge.f32 v2, $8.999999760e-01;
	vm11 =	vge.f32 v16, $2.000000030e-01;
	v8 =	vmul.f32 v8, v6  }
0xe5: {  	vm12 =	vge.f32 v16, $6.999999880e-01;
	vm13 =	vge.f32 v16, $8.999999760e-01;
	v9 =	vadd.f32 $-4.913474620e-01, v9  }
0xe6: {  	v15 =	vmul.f32 $3.137662260e-02, v10;
	v17 =	vadd.f32 $-1.000000000e+00, v14;
	v8 =	vadd.f32 $-4.913474620e-01, v8  }
0xe7: {  	v19 =	vsel vm0, $0x3F800000, v0;
	v31 =	vsel vm8, $0x3F800000, v0;
	v9 =	vmul.f32 v9, v5  }
0xe8: {  	v23 =	vsel vm5, $0x3F800000, v0;
	v22 =	vsel vm6, $0x3F800000, v0;
	v8 =	vmul.f32 v8, v6  }
0xe9: {  	v15 =	vadd.f32 $-1.341333090e-01, v15;
	v14 =	vmul.f32 $3.137662260e-02, v17;
	v9 =	vadd.f32 $9.994349470e-01, v9  }
0xea: {  	v24 =	vsel vm3, $0x3F800000, v0;
	v63 =	vsel vm2, $0x3F800000, v0;
	v8 =	vadd.f32 $9.994349470e-01, v8  }
0xeb: {  	v5 =	vmul.f32 v9, v5;
	v9 =	vadd.f32 $-1.341333090e-01, v14;
	v14 =	vmul.f32 v15, v10  }
0xec: {  	v21 =	vsel vm11, $0x3F800000, v0;
	v29 =	vsel vm12, $0x3F800000, v0;
	v12 =	vmul.f32 $6.931471820e-01, v12  }
0xed: {  	v6 =	vmul.f32 v8, v6;
	v14 =	vadd.f32 $2.878246900e-01, v14;
	v9 =	vmul.f32 v9, v17  }
0xee: {  	v27 =	vsel vm1, $0x3F800000, v0;
	v30 =	vsel vm14, $0x3F800000, v0;
	v3 =	vadd.f32 $-1.270000000e+02, v3  }
0xef: {  	v6 =	vadd.f32 v6, v12;
	v8 =	vadd.f32 $2.878246900e-01, v9;
	v20 =	vmul.f32 v14, v10  }
0xf0: {  	vm14 =	vge.f32 v16, $3.000000120e-01;
	v28 =	vadd.f32 v19, v1;
	v3 =	vmul.f32 $6.931471820e-01, v3  }
0xf1: {  	v6 =	vmul.f32 v6, v13;
	v8 =	vmul.f32 v8, v17;
	v13 =	vadd.f32 $-4.913474620e-01, v20  }
0xf2: {  	v11 =	vmul.f32 $6.931471820e-01, v11;
	v15 =	vsub.f32 $1.000000000e+00, v7;
	v3 =	vadd.f32 v5, v3  }
0xf3: {  	v12 =	vsel vm7, $0x3F800000, v0;
	v8 =	vadd.f32 $-4.913474620e-01, v8;
	v2 =	vmul.f32 v13, v10  }
0xf4: {  	v5 =	vsel vm9, $0x3F800000, v0;
	v9 =	vsel vm15, $0x3F800000, v0;
	v3 =	vmul.f32 v3, v18  }
0xf5: {  	v13 =	vadd.f32 $-1.270000000e+02, v4;
	v4 =	vmul.f32 v8, v17;
	v2 =	vadd.f32 $9.994349470e-01, v2  }
0xf6: {  	v18 =	vsel vm4, $0x3F800000, v0;
	vm15 =	vge.f32 v16, $8.000000110e-01;
	v3 =	vadd.f32 v3, v6  }
0xf7: {  	v8 =	vadd.f32 v24, v1;
	v25 =	vadd.f32 $9.994349470e-01, v4;
	v10 =	vmul.f32 v2, v10  }
0xf8: {  	v14 =	vadd.f32 v9, v1;
	v26 =	vsub.f32 $0.0e+00, v3;
	v13 =	vmul.f32 $6.931471820e-01, v13  }
0xf9: {  	v2 =	vadd.f32 v22, v8;
	v8 =	vadd.f32 v10, v11;
	v10 =	vmul.f32 v25, v17  }
0xfa: {  	v20 =	vadd.f32 v5, v1;
	v6 =	vsel vm10, $0x3F800000, v0;
	v5 =	vmul.f32 v26, v5  }
0xfb: {  	v34 =	vmul.f32 v26, v9;
	v32 =	vadd.f32 v26, v1;
	v10 =	vadd.f32 v10, v13  }
0xfc: {  	v33 =	vmul.f32 v26, v31;
	v36 =	vmul.f32 v26, v6;
	v4 =	vadd.f32 v63, v20  }
0xfd: {  	v20 =	vadd.f32 v31, v1;
	v7 =	vmul.f32 v8, v7;
	v8 =	vmul.f32 v10, v15  }
0xfe: {  	v9 =	vimm.f32 $0.0e+00;
	v16 =	vadd.f32 v5, v1;
	v5 =	vsel vm14, $0x3F800000, v0  }
0xff: {  	v3 =	vadd.f32 v29, v20;
	v25 =	vsel vm13, $0x3F800000, v0;
	v7 =	vadd.f32 v8, v7  }
0x100: {  	v17 =	vsel vm15, $0x3F800000, v0;
	v20 =	vadd.f32 v6, v1;
	v10 =	vmul.f32 v26, v23  }
0x101: {  	v15 =	vadd.f32 v23, v1;
	v8 =	vmul.f32 v26, v19;
	v23 =	vsub.f32 $0.0e+00, v7  }
0x102: {  	v11 =	vimm.f32 $0.0e+00;
	v13 =	vadd.f32 v10, v1;
	v10 =	vimm.f32 $0.0e+00  }
0x103: {  	v19 =	vadd.f32 v8, v1;
	v7 =	vadd.f32 v12, v1;
	v39 =	vmul.f32 v23, v30  }
0x104: {  	v8 =	vadd.f32 v18, v1;
	v37 =	vmul.f32 v23, v21;
	v31 =	vmul.f32 v23, v5  }
0x105: {  	v6 =	vadd.f32 v5, v7;
	v38 =	vmul.f32 v23, v63;
	v35 =	vmul.f32 v23, v27  }
0x106: {  	s16 =	simm.s32 $0x0;
	s17 =	simm.s32 $0xFA30;
	v5 =	vadd.f32 v17, v8;
	v8 =	vimm.f32 $0.0e+00;
	v7 =	vimm.f32 $0.0e+00  }
.LBB2_4:
0x107: {  	v40 =	vld [tilespmem:s17+$0xFFFFFFF0];
	s16 =	sadd.s32 $0x2, s16;
	v13 =	vadd.f32 v39, v13;
	v29 =	vmul.f32 v23, v29;
	v39 =	vmul.f32 v23, v17;
	s15 =	sadd.s32 $0x20, s15  }
0x108: {  	v1 =	vadd.f32 v34, v1;
	v14 =	vadd.f32 v27, v14;
	v34 =	vmul.f32 v23, v25;
	v17 =	vld [tilespmem:s15+$0x0];
	p0 =	slt.u32 s16, $0x7CE  }
0x109: {  	v18 =	vmul.f32 v26, v18;
	v11 =	vadd.f32 v36, v11;
	v16 =	vadd.f32 v38, v16;
	v41 =	vld [tilespmem:s17+$0x0]  }
0x10a: {  	v15 =	vadd.f32 v30, v15;
	v22 =	vmul.f32 v23, v22;
	v20 =	vadd.f32 v25, v20  }
0x10b: {  	v24 =	vmul.f32 v26, v24;
	v25 =	vadd.f32 v21, v28;
	v8 =	vadd.f32 v18, v8  }
0x10c: {  	v7 =	vadd.f32 v33, v7;
	v18 =	vand.u32 $0x7FFFFF, v40;
	v21 =	vsub.f32 $1.000000000e+00, v40  }
0x10d: {  	v19 =	vadd.f32 v37, v19;
	v28 =	vshrl.u32 v40, $0x17;
	v18 =	vor.u32 $0x3F800000, v18  }
0x10e: {  	v23 =	vadd.f32 v23, v32;
	v30 =	vshrl.u32 v21, $0x17;
	v21 =	vand.u32 $0x7FFFFF, v21  }
0x10f: {  	v7 =	vadd.f32 v29, v7;
	v18 =	vadd.f32 $-1.000000000e+00, v18;
	v21 =	vor.u32 $0x3F800000, v21  }
0x110: {  	v1 =	vadd.f32 v35, v1;
	v27 =	vand.u32 $0x7FFFFF, v41;
	v21 =	vadd.f32 $-1.000000000e+00, v21  }
0x111: {  	v8 =	vadd.f32 v39, v8;
	v27 =	vor.u32 $0x3F800000, v27;
	v29 =	vmul.f32 $3.137662260e-02, v18  }
0x112: {  	v11 =	vadd.f32 v34, v11;
	v27 =	vadd.f32 $-1.000000000e+00, v27;
	v32 =	vmul.f32 $3.137662260e-02, v21  }
0x113: {  	v12 =	vmul.f32 v26, v12;
	v33 =	vshrl.u32 v41, $0x17;
	v29 =	vadd.f32 $-1.341333090e-01, v29  }
0x114: {  	v9 =	vadd.f32 v24, v9;
	v33 =	vcvt.s32.f32 v33;
	v26 =	vld [tilespmem:s15+$0xFFFFFFF0];
	v32 =	vadd.f32 $-1.341333090e-01, v32  }
0x115: {  	v10 =	vadd.f32 v12, v10;
	v24 =	vmul.f32 v29, v18;
	v29 =	vsub.f32 v41, v17  }
0x116: {  	v9 =	vadd.f32 v22, v9;
	v12 =	vmul.f32 v32, v21;
	v32 =	vadd.f32 $-1.270000000e+02, v33  }
0x117: {  	v10 =	vadd.f32 v31, v10;
	v22 =	vadd.f32 $2.878246900e-01, v24;
	v24 =	vmul.f32 $3.137662260e-02, v27  }
0x118: {  	v28 =	vcvt.s32.f32 v28;
	v31 =	vsub.f32 $1.000000000e+00, v41;
	v12 =	vadd.f32 $2.878246900e-01, v12  }
0x119: {  	v22 =	vmul.f32 v22, v18;
	v33 =	vsub.f32 v40, v26  }
0x11a: {  	v34 =	vand.u32 $0x7FFFFFFF, v29;
	v29 =	vand.u32 $0x7FFFFF, v31;
	v12 =	vmul.f32 v12, v21  }
0x11b: {  	v30 =	vcvt.s32.f32 v30;
	v24 =	vadd.f32 $-1.341333090e-01, v24;
	v33 =	vand.u32 $0x7FFFFFFF, v33  }
0x11c: {  	v29 =	vor.u32 $0x3F800000, v29;
	v12 =	vadd.f32 $-4.913474620e-01, v12;
	vm4 =	vge.f32 v33, $8.000000110e-01  }
0x11d: {  	vm2 =	vge.f32 v34, $5.000000000e-01;
	vm0 =	vge.f32 v33, $2.000000030e-01;
	vm3 =	vge.f32 v33, $4.000000060e-01  }
0x11e: {  	v35 =	vadd.f32 $-1.000000000e+00, v29;
	vm5 =	vge.f32 v33, $1.000000010e-01;
	v12 =	vmul.f32 v12, v21  }
0x11f: {  	v28 =	vadd.f32 $-1.270000000e+02, v28;
	v29 =	vadd.f32 $-1.270000000e+02, v30;
	v36 =	vsel vm0, $0x3F800000, v0  }
0x120: {  	vm1 =	vge.f32 v34, $6.000000240e-01;
	v30 =	vmul.f32 $3.137662260e-02, v35;
	v12 =	vadd.f32 $9.994349470e-01, v12  }
0x121: {  	vm6 =	vge.f32 v34, $4.000000060e-01;
	v37 =	vsub.f32 $1.000000000e+00, v26;
	v22 =	vadd.f32 $-4.913474620e-01, v22  }
0x122: {  	vm0 =	vge.f32 v34, $1.000000010e-01;
	v12 =	vmul.f32 v12, v21;
	v21 =	vadd.f32 $-1.341333090e-01, v30  }
0x123: {  	v29 =	vmul.f32 $6.931471820e-01, v29;
	v22 =	vmul.f32 v22, v18;
	vm7 =	vge.f32 v33, $3.000000120e-01  }
0x124: {  	v31 =	vshrl.u32 v31, $0x17;
	v24 =	vmul.f32 v24, v27;
	v30 =	vmul.f32 $6.931471820e-01, v32  }
0x125: {  	v28 =	vmul.f32 $6.931471820e-01, v28;
	vm8 =	vge.f32 v33, $6.999999880e-01;
	v22 =	vadd.f32 $9.994349470e-01, v22  }
0x126: {  	v24 =	vadd.f32 $2.878246900e-01, v24;
	v32 =	vsub.f32 $1.000000000e+00, v17;
	v21 =	vmul.f32 v21, v35  }
0x127: {  	vm9 =	vge.f32 v33, $5.000000000e-01;
	v18 =	vmul.f32 v22, v18;
	v12 =	vadd.f32 v12, v29  }
0x128: {  	v38 =	vsel vm9, $0x3F800000, v0;
	vm9 =	vge.f32 v33, $6.000000240e-01;
	v21 =	vadd.f32 $2.878246900e-01, v21  }
0x129: {  	v40 =	vsel vm8, $0x3F800000, v0;
	v39 =	vsel vm9, $0x3F800000, v0;
	v22 =	vadd.f32 v18, v28  }
0x12a: {  	v28 =	vmul.f32 v12, v37;
	v12 =	vsel vm7, $0x3F800000, v0;
	v21 =	vmul.f32 v21, v35  }
0x12b: {  	v18 =	vsel vm4, $0x3F800000, v0;
	v29 =	vmul.f32 v24, v27;
	v37 =	vsel vm5, $0x3F800000, v0  }
0x12c: {  	v14 =	vadd.f32 v39, v14;
	v26 =	vmul.f32 v22, v26;
	v22 =	vsel vm6, $0x3F800000, v0  }
0x12d: {  	v4 =	vadd.f32 v38, v4;
	v24 =	vsel vm3, $0x3F800000, v0;
	v29 =	vadd.f32 $-4.913474620e-01, v29  }
0x12e: {  	v31 =	vcvt.s32.f32 v31;
	v41 =	vsel vm2, $0x3F800000, v0;
	v21 =	vadd.f32 $-4.913474620e-01, v21  }
0x12f: {  	vm2 =	vge.f32 v33, $8.999999760e-01;
	vm3 =	vge.f32 v34, $2.000000030e-01;
	v29 =	vmul.f32 v29, v27  }
0x130: {  	v31 =	vadd.f32 $-1.270000000e+02, v31;
	v33 =	vmul.f32 v21, v35;
	v21 =	vsel vm3, $0x3F800000, v0  }
0x131: {  	v42 =	vsel vm2, $0x3F800000, v0;
	v26 =	vadd.f32 v28, v26;
	v28 =	vadd.f32 $9.994349470e-01, v29  }
0x132: {  	vm2 =	vge.f32 v34, $6.999999880e-01;
	v2 =	vadd.f32 v24, v2;
	v33 =	vadd.f32 $9.994349470e-01, v33  }
0x133: {  	v4 =	vadd.f32 v41, v4;
	v29 =	vsel vm2, $0x3F800000, v0;
	v27 =	vmul.f32 v28, v27  }
0x134: {  	v31 =	vmul.f32 $6.931471820e-01, v31;
	v3 =	vadd.f32 v40, v3;
	v2 =	vadd.f32 v22, v2  }
0x135: {  	v30 =	vadd.f32 v27, v30;
	v27 =	vsel vm1, $0x3F800000, v0;
	v33 =	vmul.f32 v33, v35  }
0x136: {  	v26 =	vsub.f32 $0.0e+00, v26;
	v3 =	vadd.f32 v29, v3;
	vm1 =	vge.f32 v34, $8.999999760e-01  }
0x137: {  	v28 =	vadd.f32 v36, v25;
	v25 =	vsel vm1, $0x3F800000, v0;
	v31 =	vadd.f32 v33, v31  }
0x138: {  	v35 =	vmul.f32 v30, v17;
	v30 =	vsel vm0, $0x3F800000, v0;
	v33 =	vmul.f32 v26, v38  }
0x139: {  	vm1 =	vge.f32 v34, $8.000000110e-01;
	vm0 =	vge.f32 v34, $3.000000120e-01;
	v31 =	vmul.f32 v31, v32  }
0x13a: {  	v34 =	vmul.f32 v26, v39;
	v17 =	vsel vm1, $0x3F800000, v0;
	v38 =	vmul.f32 v26, v37  }
0x13b: {  	v20 =	vadd.f32 v42, v20;
	v31 =	vadd.f32 v31, v35;
	v35 =	vsel vm0, $0x3F800000, v0  }
0x13c: {  	v36 =	vmul.f32 v26, v36;
	v32 =	vadd.f32 v26, v23;
	v16 =	vadd.f32 v33, v16  }
.Ltmp1:
0x13d: {  	v15 =	vadd.f32 v37, v15;
	v33 =	vmul.f32 v26, v40;
	v23 =	vsub.f32 $0.0e+00, v31;
	(pc) =	sbr.rel @p0 .LBB2_4-.Ltmp1, $4  }
0x13e: {  	v6 =	vadd.f32 v12, v6;
	v19 =	vadd.f32 v36, v19;
	v36 =	vmul.f32 v26, v42  }
0x13f: {  	v5 =	vadd.f32 v18, v5;
	v39 =	vmul.f32 v23, v30;
	v37 =	vmul.f32 v23, v21  }
0x140: {  	v13 =	vadd.f32 v38, v13;
	v6 =	vadd.f32 v35, v6;
	v31 =	vmul.f32 v23, v35  }
0x141: {  	s17 =	sadd.s32 $0x20, s17;
	v5 =	vadd.f32 v17, v5;
	v38 =	vmul.f32 v23, v41;
	v35 =	vmul.f32 v23, v27  }
0x142: {  	v12 =	vmul.f32 v26, v12  }
0x143: {  	v24 =	vmul.f32 v26, v24;
	v32 =	vadd.f32 v23, v32  }
0x144: {  	v13 =	vadd.f32 v39, v13;
	v10 =	vadd.f32 v12, v10  }
0x145: {  	v19 =	vadd.f32 v37, v19;
	v12 =	vmul.f32 v23, v22;
	v9 =	vadd.f32 v24, v9;
	[tilespmem:s22+$0x0] =	vst.add.f32.msk $0xffff, v32  }
0x146: {  	[tilespmem:s23+$0x0] =	vst.add.f32.msk $0xffff, v13;
	v10 =	vadd.f32 v31, v10  }
0x147: {  	v1 =	vadd.f32 v34, v1;
	v13 =	vmul.f32 v26, v18;
	v9 =	vadd.f32 v12, v9;
	[tilespmem:s24+$0x0] =	vst.add.f32.msk $0xffff, v19  }
0x148: {  	v7 =	vadd.f32 v33, v7;
	v16 =	vadd.f32 v38, v16;
	v12 =	vmul.f32 v23, v29;
	[tilespmem:s25+$0x0] =	vst.add.f32.msk $0xffff, v10  }
0x149: {  	v1 =	vadd.f32 v35, v1;
	v8 =	vadd.f32 v13, v8;
	v10 =	vmul.f32 v23, v17;
	[tilespmem:s26+$0x0] =	vst.add.f32.msk $0xffff, v9  }
0x14a: {  	v11 =	vadd.f32 v36, v11;
	v7 =	vadd.f32 v12, v7;
	v9 =	vmul.f32 v23, v25;
	[tilespmem:s28+$0x0] =	vst.add.f32.msk $0xffff, v16  }
0x14b: {  	v8 =	vadd.f32 v10, v8;
	[tilespmem:s29+$0x0] =	vst.add.f32.msk $0xffff, v1  }
0x14c: {  	v1 =	vadd.f32 v9, v11;
	[tilespmem:s30+$0x0] =	vst.add.f32.msk $0xffff, v7  }
0x14d: {  	v7 =	vadd.f32 v30, v15;
	[tilespmem:s31+$0x0] =	vst.add.f32.msk $0xffff, v8  }
0x14e: {  	v8 =	vadd.f32 v21, v28;
	[tilespmem:s0+$0x0] =	vst.add.f32.msk $0xffff, v1  }
0x14f: {  	[tilespmem:s1+$0x0] =	vst.add.f32.msk $0xffff, v7  }
0x150: {  	[tilespmem:s3+$0x0] =	vst.add.f32.msk $0xffff, v8  }
0x151: {  	[tilespmem:s4+$0x0] =	vst.add.f32.msk $0xffff, v6  }
0x152: {  	v1 =	vadd.f32 v27, v14;
	[tilespmem:s5+$0x0] =	vst.add.f32.msk $0xffff, v2  }
0x153: {  	[tilespmem:s6+$0x0] =	vst.add.f32.msk $0xffff, v4  }
0x154: {  	[tilespmem:s7+$0x0] =	vst.add.f32.msk $0xffff, v1  }
0x155: {  	v1 =	vadd.f32 v25, v20;
	[tilespmem:s8+$0x0] =	vst.add.f32.msk $0xffff, v3  }
0x156: {  	[tilespmem:s9+$0x0] =	vst.add.f32.msk $0xffff, v5  }
0x157: {  	[tilespmem:s10+$0x0] =	vst.add.f32.msk $0xffff, v1  }
0x158: {  	_ =	swait.ge [sflag:s18], $0x7D00  }
0x159: {  	[sflag:s18] =	ssyncset.done $0x0  }
0x15a: {  	[sflag:s18] =	ssyncadd.s32 $0xFFFF8300  }
0x15b: {  	_ =	swait.ge [sflag:s19], $0x7D00  }
0x15c: {  	[sflag:s19] =	ssyncset.done $0x0  }
0x15d: {  	s15 =	rddreg [dreg:$0x8];
	[sflag:s19] =	ssyncadd.s32 $0xFFFF8300  }
0x15e: {  	[tilespmem:s20], [sflag:$0x3] =	stream.linear.gather [hbm4b:s15+s2], $0x7D00, $0x38;
	[tilespmem:$0x1F580] =	vst v63  }
0x15f: {  	s17 =	simm.s32 $0x10;
	s16 =	rddreg [dreg:$0x9]  }
0x160: {  	[tilespmem:s21], [sflag:$0x4] =	stream.linear.gather [hbm4b:s16+s2], $0x7D00, $0x38;
	[tilespmem:$0x1F580] =	vst v63  }
0x161: {  	v2 =	vld [tilespmem:s17+$0xFFFFFFF0]  }
0x162: {  	s15 =	simm.s32 $0x7D10;
	v4 =	vld [tilespmem:s17+$0x0]  }
0x163: {  	v7 =	vld [tilespmem:s15+$0x0]  }
0x164: {  	v13 =	vld [tilespmem:s15+$0xFFFFFFF0];
	_ =	sdelay $0x2  }
0x165: {  	v3 =	vsub.f32 $1.000000000e+00, v2;
	v1 =	vand.u32 $0x7FFFFF, v2  }
0x166: {  	v10 =	vand.u32 $0x7FFFFF, v4;
	v11 =	vshrl.u32 v4, $0x17;
	v14 =	vsub.f32 v4, v7  }
0x167: {  	v12 =	vshrl.u32 v2, $0x17;
	v4 =	vsub.f32 $1.000000000e+00, v4;
	v2 =	vsub.f32 v2, v13  }
0x168: {  	v18 =	vsub.f32 $1.000000000e+00, v13;
	v1 =	vor.u32 $0x3F800000, v1;
	v10 =	vor.u32 $0x3F800000, v10  }
0x169: {  	v11 =	vcvt.s32.f32 v11;
	v12 =	vcvt.s32.f32 v12;
	v5 =	vand.u32 $0x7FFFFF, v3  }
0x16a: {  	v6 =	vadd.f32 $-1.000000000e+00, v1;
	v1 =	vimm.f32 $0.0e+00;
	v5 =	vor.u32 $0x3F800000, v5  }
0x16b: {  	v10 =	vadd.f32 $-1.000000000e+00, v10;
	v3 =	vshrl.u32 v3, $0x17;
	v5 =	vadd.f32 $-1.000000000e+00, v5  }
0x16c: {  	v16 =	vand.u32 $0x7FFFFFFF, v14;
	v14 =	vand.u32 $0x7FFFFF, v4;
	v2 =	vand.u32 $0x7FFFFFFF, v2  }
0x16d: {  	v4 =	vshrl.u32 v4, $0x17;
	v11 =	vadd.f32 $-1.270000000e+02, v11;
	v9 =	vmul.f32 $3.137662260e-02, v5  }
0x16e: {  	v3 =	vcvt.s32.f32 v3;
	vm4 =	vge.f32 v2, $8.000000110e-01;
	v8 =	vmul.f32 $3.137662260e-02, v6  }
0x16f: {  	v14 =	vor.u32 $0x3F800000, v14;
	vm0 =	vge.f32 v2, $2.000000030e-01;
	v9 =	vadd.f32 $-1.341333090e-01, v9  }
0x170: {  	vm3 =	vge.f32 v2, $4.000000060e-01;
	vm2 =	vge.f32 v16, $5.000000000e-01;
	v8 =	vadd.f32 $-1.341333090e-01, v8  }
0x171: {  	vm5 =	vge.f32 v2, $1.000000010e-01;
	v12 =	vadd.f32 $-1.270000000e+02, v12;
	v9 =	vmul.f32 v9, v5  }
0x172: {  	vm1 =	vge.f32 v16, $6.000000240e-01;
	vm6 =	vge.f32 v16, $4.000000060e-01;
	v8 =	vmul.f32 v8, v6  }
0x173: {  	vm14 =	vge.f32 v16, $1.000000010e-01;
	vm7 =	vge.f32 v2, $3.000000120e-01;
	v9 =	vadd.f32 $2.878246900e-01, v9  }
0x174: {  	vm8 =	vge.f32 v2, $6.999999880e-01;
	vm9 =	vge.f32 v2, $5.000000000e-01;
	v8 =	vadd.f32 $2.878246900e-01, v8  }
0x175: {  	vm15 =	vge.f32 v2, $6.000000240e-01;
	v4 =	vcvt.s32.f32 v4;
	v9 =	vmul.f32 v9, v5  }
0x176: {  	vm10 =	vge.f32 v2, $8.999999760e-01;
	vm11 =	vge.f32 v16, $2.000000030e-01;
	v8 =	vmul.f32 v8, v6  }
0x177: {  	vm12 =	vge.f32 v16, $6.999999880e-01;
	vm13 =	vge.f32 v16, $8.999999760e-01;
	v9 =	vadd.f32 $-4.913474620e-01, v9  }
0x178: {  	v15 =	vmul.f32 $3.137662260e-02, v10;
	v17 =	vadd.f32 $-1.000000000e+00, v14;
	v8 =	vadd.f32 $-4.913474620e-01, v8  }
0x179: {  	v19 =	vsel vm0, $0x3F800000, v0;
	v31 =	vsel vm8, $0x3F800000, v0;
	v9 =	vmul.f32 v9, v5  }
0x17a: {  	v23 =	vsel vm5, $0x3F800000, v0;
	v22 =	vsel vm6, $0x3F800000, v0;
	v8 =	vmul.f32 v8, v6  }
0x17b: {  	v15 =	vadd.f32 $-1.341333090e-01, v15;
	v14 =	vmul.f32 $3.137662260e-02, v17;
	v9 =	vadd.f32 $9.994349470e-01, v9  }
0x17c: {  	v24 =	vsel vm3, $0x3F800000, v0;
	v63 =	vsel vm2, $0x3F800000, v0;
	v8 =	vadd.f32 $9.994349470e-01, v8  }
0x17d: {  	v5 =	vmul.f32 v9, v5;
	v9 =	vadd.f32 $-1.341333090e-01, v14;
	v14 =	vmul.f32 v15, v10  }
0x17e: {  	v21 =	vsel vm11, $0x3F800000, v0;
	v29 =	vsel vm12, $0x3F800000, v0;
	v12 =	vmul.f32 $6.931471820e-01, v12  }
0x17f: {  	v6 =	vmul.f32 v8, v6;
	v14 =	vadd.f32 $2.878246900e-01, v14;
	v9 =	vmul.f32 v9, v17  }
0x180: {  	v27 =	vsel vm1, $0x3F800000, v0;
	v30 =	vsel vm14, $0x3F800000, v0;
	v3 =	vadd.f32 $-1.270000000e+02, v3  }
0x181: {  	v6 =	vadd.f32 v6, v12;
	v8 =	vadd.f32 $2.878246900e-01, v9;
	v20 =	vmul.f32 v14, v10  }
0x182: {  	vm14 =	vge.f32 v16, $3.000000120e-01;
	v28 =	vadd.f32 v19, v1;
	v3 =	vmul.f32 $6.931471820e-01, v3  }
0x183: {  	v6 =	vmul.f32 v6, v13;
	v8 =	vmul.f32 v8, v17;
	v13 =	vadd.f32 $-4.913474620e-01, v20  }
0x184: {  	v11 =	vmul.f32 $6.931471820e-01, v11;
	v15 =	vsub.f32 $1.000000000e+00, v7;
	v3 =	vadd.f32 v5, v3  }
0x185: {  	v12 =	vsel vm7, $0x3F800000, v0;
	v8 =	vadd.f32 $-4.913474620e-01, v8;
	v2 =	vmul.f32 v13, v10  }
0x186: {  	v5 =	vsel vm9, $0x3F800000, v0;
	v9 =	vsel vm15, $0x3F800000, v0;
	v3 =	vmul.f32 v3, v18  }
0x187: {  	v13 =	vadd.f32 $-1.270000000e+02, v4;
	v4 =	vmul.f32 v8, v17;
	v2 =	vadd.f32 $9.994349470e-01, v2  }
0x188: {  	v18 =	vsel vm4, $0x3F800000, v0;
	vm15 =	vge.f32 v16, $8.000000110e-01;
	v3 =	vadd.f32 v3, v6  }
0x189: {  	v8 =	vadd.f32 v24, v1;
	v25 =	vadd.f32 $9.994349470e-01, v4;
	v10 =	vmul.f32 v2, v10  }
0x18a: {  	v14 =	vadd.f32 v9, v1;
	v26 =	vsub.f32 $0.0e+00, v3;
	v13 =	vmul.f32 $6.931471820e-01, v13  }
0x18b: {  	v2 =	vadd.f32 v22, v8;
	v8 =	vadd.f32 v10, v11;
	v10 =	vmul.f32 v25, v17  }
0x18c: {  	v20 =	vadd.f32 v5, v1;
	v6 =	vsel vm10, $0x3F800000, v0;
	v5 =	vmul.f32 v26, v5  }
0x18d: {  	v34 =	vmul.f32 v26, v9;
	v32 =	vadd.f32 v26, v1;
	v10 =	vadd.f32 v10, v13  }
0x18e: {  	v33 =	vmul.f32 v26, v31;
	v36 =	vmul.f32 v26, v6;
	v4 =	vadd.f32 v63, v20  }
0x18f: {  	v20 =	vadd.f32 v31, v1;
	v7 =	vmul.f32 v8, v7;
	v8 =	vmul.f32 v10, v15  }
0x190: {  	v9 =	vimm.f32 $0.0e+00;
	v16 =	vadd.f32 v5, v1;
	v5 =	vsel vm14, $0x3F800000, v0  }
0x191: {  	v3 =	vadd.f32 v29, v20;
	v25 =	vsel vm13, $0x3F800000, v0;
	v7 =	vadd.f32 v8, v7  }
0x192: {  	v17 =	vsel vm15, $0x3F800000, v0;
	v20 =	vadd.f32 v6, v1;
	v10 =	vmul.f32 v26, v23  }
0x193: {  	v15 =	vadd.f32 v23, v1;
	v8 =	vmul.f32 v26, v19;
	v23 =	vsub.f32 $0.0e+00, v7  }
0x194: {  	v11 =	vimm.f32 $0.0e+00;
	v13 =	vadd.f32 v10, v1;
	v10 =	vimm.f32 $0.0e+00  }
0x195: {  	v19 =	vadd.f32 v8, v1;
	v7 =	vadd.f32 v12, v1;
	v39 =	vmul.f32 v23, v30  }
0x196: {  	v8 =	vadd.f32 v18, v1;
	v37 =	vmul.f32 v23, v21;
	v31 =	vmul.f32 v23, v5  }
0x197: {  	v6 =	vadd.f32 v5, v7;
	v38 =	vmul.f32 v23, v63;
	v35 =	vmul.f32 v23, v27  }
0x198: {  	s16 =	simm.s32 $0x0;
	s17 =	simm.s32 $0x30;
	v5 =	vadd.f32 v17, v8;
	v8 =	vimm.f32 $0.0e+00;
	v7 =	vimm.f32 $0.0e+00  }
.LBB2_6:
0x199: {  	v40 =	vld [tilespmem:s17+$0xFFFFFFF0];
	s16 =	sadd.s32 $0x2, s16;
	v13 =	vadd.f32 v39, v13;
	v29 =	vmul.f32 v23, v29;
	v39 =	vmul.f32 v23, v17;
	s15 =	sadd.s32 $0x20, s15  }
0x19a: {  	v1 =	vadd.f32 v34, v1;
	v14 =	vadd.f32 v27, v14;
	v34 =	vmul.f32 v23, v25;
	v17 =	vld [tilespmem:s15+$0x0];
	p0 =	slt.u32 s16, $0x7CE  }
0x19b: {  	v18 =	vmul.f32 v26, v18;
	v11 =	vadd.f32 v36, v11;
	v16 =	vadd.f32 v38, v16;
	v41 =	vld [tilespmem:s17+$0x0]  }
0x19c: {  	v15 =	vadd.f32 v30, v15;
	v22 =	vmul.f32 v23, v22;
	v20 =	vadd.f32 v25, v20  }
0x19d: {  	v24 =	vmul.f32 v26, v24;
	v25 =	vadd.f32 v21, v28;
	v8 =	vadd.f32 v18, v8  }
0x19e: {  	v7 =	vadd.f32 v33, v7;
	v18 =	vand.u32 $0x7FFFFF, v40;
	v21 =	vsub.f32 $1.000000000e+00, v40  }
0x19f: {  	v19 =	vadd.f32 v37, v19;
	v28 =	vshrl.u32 v40, $0x17;
	v18 =	vor.u32 $0x3F800000, v18  }
0x1a0: {  	v23 =	vadd.f32 v23, v32;
	v30 =	vshrl.u32 v21, $0x17;
	v21 =	vand.u32 $0x7FFFFF, v21  }
0x1a1: {  	v7 =	vadd.f32 v29, v7;
	v18 =	vadd.f32 $-1.000000000e+00, v18;
	v21 =	vor.u32 $0x3F800000, v21  }
0x1a2: {  	v1 =	vadd.f32 v35, v1;
	v27 =	vand.u32 $0x7FFFFF, v41;
	v21 =	vadd.f32 $-1.000000000e+00, v21  }
0x1a3: {  	v8 =	vadd.f32 v39, v8;
	v27 =	vor.u32 $0x3F800000, v27;
	v29 =	vmul.f32 $3.137662260e-02, v18  }
0x1a4: {  	v11 =	vadd.f32 v34, v11;
	v27 =	vadd.f32 $-1.000000000e+00, v27;
	v32 =	vmul.f32 $3.137662260e-02, v21  }
0x1a5: {  	v12 =	vmul.f32 v26, v12;
	v33 =	vshrl.u32 v41, $0x17;
	v29 =	vadd.f32 $-1.341333090e-01, v29  }
0x1a6: {  	v9 =	vadd.f32 v24, v9;
	v33 =	vcvt.s32.f32 v33;
	v26 =	vld [tilespmem:s15+$0xFFFFFFF0];
	v32 =	vadd.f32 $-1.341333090e-01, v32  }
0x1a7: {  	v10 =	vadd.f32 v12, v10;
	v24 =	vmul.f32 v29, v18;
	v29 =	vsub.f32 v41, v17  }
0x1a8: {  	v9 =	vadd.f32 v22, v9;
	v12 =	vmul.f32 v32, v21;
	v32 =	vadd.f32 $-1.270000000e+02, v33  }
0x1a9: {  	v10 =	vadd.f32 v31, v10;
	v22 =	vadd.f32 $2.878246900e-01, v24;
	v24 =	vmul.f32 $3.137662260e-02, v27  }
0x1aa: {  	v28 =	vcvt.s32.f32 v28;
	v31 =	vsub.f32 $1.000000000e+00, v41;
	v12 =	vadd.f32 $2.878246900e-01, v12  }
0x1ab: {  	v22 =	vmul.f32 v22, v18;
	v33 =	vsub.f32 v40, v26  }
0x1ac: {  	v34 =	vand.u32 $0x7FFFFFFF, v29;
	v29 =	vand.u32 $0x7FFFFF, v31;
	v12 =	vmul.f32 v12, v21  }
0x1ad: {  	v30 =	vcvt.s32.f32 v30;
	v24 =	vadd.f32 $-1.341333090e-01, v24;
	v33 =	vand.u32 $0x7FFFFFFF, v33  }
0x1ae: {  	v29 =	vor.u32 $0x3F800000, v29;
	v12 =	vadd.f32 $-4.913474620e-01, v12;
	vm4 =	vge.f32 v33, $8.000000110e-01  }
0x1af: {  	vm2 =	vge.f32 v34, $5.000000000e-01;
	vm0 =	vge.f32 v33, $2.000000030e-01;
	vm3 =	vge.f32 v33, $4.000000060e-01  }
0x1b0: {  	v35 =	vadd.f32 $-1.000000000e+00, v29;
	vm5 =	vge.f32 v33, $1.000000010e-01;
	v12 =	vmul.f32 v12, v21  }
0x1b1: {  	v28 =	vadd.f32 $-1.270000000e+02, v28;
	v29 =	vadd.f32 $-1.270000000e+02, v30;
	v36 =	vsel vm0, $0x3F800000, v0  }
0x1b2: {  	vm1 =	vge.f32 v34, $6.000000240e-01;
	v30 =	vmul.f32 $3.137662260e-02, v35;
	v12 =	vadd.f32 $9.994349470e-01, v12  }
0x1b3: {  	vm6 =	vge.f32 v34, $4.000000060e-01;
	v37 =	vsub.f32 $1.000000000e+00, v26;
	v22 =	vadd.f32 $-4.913474620e-01, v22  }
0x1b4: {  	vm0 =	vge.f32 v34, $1.000000010e-01;
	v12 =	vmul.f32 v12, v21;
	v21 =	vadd.f32 $-1.341333090e-01, v30  }
0x1b5: {  	v29 =	vmul.f32 $6.931471820e-01, v29;
	v22 =	vmul.f32 v22, v18;
	vm7 =	vge.f32 v33, $3.000000120e-01  }
0x1b6: {  	v31 =	vshrl.u32 v31, $0x17;
	v24 =	vmul.f32 v24, v27;
	v30 =	vmul.f32 $6.931471820e-01, v32  }
0x1b7: {  	v28 =	vmul.f32 $6.931471820e-01, v28;
	vm8 =	vge.f32 v33, $6.999999880e-01;
	v22 =	vadd.f32 $9.994349470e-01, v22  }
0x1b8: {  	v24 =	vadd.f32 $2.878246900e-01, v24;
	v32 =	vsub.f32 $1.000000000e+00, v17;
	v21 =	vmul.f32 v21, v35  }
0x1b9: {  	vm9 =	vge.f32 v33, $5.000000000e-01;
	v18 =	vmul.f32 v22, v18;
	v12 =	vadd.f32 v12, v29  }
0x1ba: {  	v38 =	vsel vm9, $0x3F800000, v0;
	vm9 =	vge.f32 v33, $6.000000240e-01;
	v21 =	vadd.f32 $2.878246900e-01, v21  }
0x1bb: {  	v40 =	vsel vm8, $0x3F800000, v0;
	v39 =	vsel vm9, $0x3F800000, v0;
	v22 =	vadd.f32 v18, v28  }
0x1bc: {  	v28 =	vmul.f32 v12, v37;
	v12 =	vsel vm7, $0x3F800000, v0;
	v21 =	vmul.f32 v21, v35  }
0x1bd: {  	v18 =	vsel vm4, $0x3F800000, v0;
	v29 =	vmul.f32 v24, v27;
	v37 =	vsel vm5, $0x3F800000, v0  }
0x1be: {  	v14 =	vadd.f32 v39, v14;
	v26 =	vmul.f32 v22, v26;
	v22 =	vsel vm6, $0x3F800000, v0  }
0x1bf: {  	v4 =	vadd.f32 v38, v4;
	v24 =	vsel vm3, $0x3F800000, v0;
	v29 =	vadd.f32 $-4.913474620e-01, v29  }
0x1c0: {  	v31 =	vcvt.s32.f32 v31;
	v41 =	vsel vm2, $0x3F800000, v0;
	v21 =	vadd.f32 $-4.913474620e-01, v21  }
0x1c1: {  	vm2 =	vge.f32 v33, $8.999999760e-01;
	vm3 =	vge.f32 v34, $2.000000030e-01;
	v29 =	vmul.f32 v29, v27  }
0x1c2: {  	v31 =	vadd.f32 $-1.270000000e+02, v31;
	v33 =	vmul.f32 v21, v35;
	v21 =	vsel vm3, $0x3F800000, v0  }
0x1c3: {  	v42 =	vsel vm2, $0x3F800000, v0;
	v26 =	vadd.f32 v28, v26;
	v28 =	vadd.f32 $9.994349470e-01, v29  }
0x1c4: {  	vm2 =	vge.f32 v34, $6.999999880e-01;
	v2 =	vadd.f32 v24, v2;
	v33 =	vadd.f32 $9.994349470e-01, v33  }
0x1c5: {  	v4 =	vadd.f32 v41, v4;
	v29 =	vsel vm2, $0x3F800000, v0;
	v27 =	vmul.f32 v28, v27  }
0x1c6: {  	v31 =	vmul.f32 $6.931471820e-01, v31;
	v3 =	vadd.f32 v40, v3;
	v2 =	vadd.f32 v22, v2  }
0x1c7: {  	v30 =	vadd.f32 v27, v30;
	v27 =	vsel vm1, $0x3F800000, v0;
	v33 =	vmul.f32 v33, v35  }
0x1c8: {  	v26 =	vsub.f32 $0.0e+00, v26;
	v3 =	vadd.f32 v29, v3;
	vm1 =	vge.f32 v34, $8.999999760e-01  }
0x1c9: {  	v28 =	vadd.f32 v36, v25;
	v25 =	vsel vm1, $0x3F800000, v0;
	v31 =	vadd.f32 v33, v31  }
0x1ca: {  	v35 =	vmul.f32 v30, v17;
	v30 =	vsel vm0, $0x3F800000, v0;
	v33 =	vmul.f32 v26, v38  }
0x1cb: {  	vm1 =	vge.f32 v34, $8.000000110e-01;
	vm0 =	vge.f32 v34, $3.000000120e-01;
	v31 =	vmul.f32 v31, v32  }
0x1cc: {  	v34 =	vmul.f32 v26, v39;
	v17 =	vsel vm1, $0x3F800000, v0;
	v38 =	vmul.f32 v26, v37  }
0x1cd: {  	v20 =	vadd.f32 v42, v20;
	v31 =	vadd.f32 v31, v35;
	v35 =	vsel vm0, $0x3F800000, v0  }
0x1ce: {  	v36 =	vmul.f32 v26, v36;
	v32 =	vadd.f32 v26, v23;
	v16 =	vadd.f32 v33, v16  }
.Ltmp2:
0x1cf: {  	v15 =	vadd.f32 v37, v15;
	v33 =	vmul.f32 v26, v40;
	v23 =	vsub.f32 $0.0e+00, v31;
	(pc) =	sbr.rel @p0 .LBB2_6-.Ltmp2, $4  }
0x1d0: {  	v6 =	vadd.f32 v12, v6;
	v19 =	vadd.f32 v36, v19;
	v36 =	vmul.f32 v26, v42  }
0x1d1: {  	v5 =	vadd.f32 v18, v5;
	v39 =	vmul.f32 v23, v30;
	v37 =	vmul.f32 v23, v21  }
0x1d2: {  	v13 =	vadd.f32 v38, v13;
	v6 =	vadd.f32 v35, v6;
	v31 =	vmul.f32 v23, v35  }
0x1d3: {  	s17 =	sadd.s32 $0x20, s17;
	v5 =	vadd.f32 v17, v5;
	v38 =	vmul.f32 v23, v41;
	v35 =	vmul.f32 v23, v27  }
0x1d4: {  	v12 =	vmul.f32 v26, v12  }
0x1d5: {  	v24 =	vmul.f32 v26, v24;
	v32 =	vadd.f32 v23, v32  }
0x1d6: {  	v13 =	vadd.f32 v39, v13;
	v10 =	vadd.f32 v12, v10  }
0x1d7: {  	v19 =	vadd.f32 v37, v19;
	v12 =	vmul.f32 v23, v22;
	v9 =	vadd.f32 v24, v9;
	[tilespmem:s22+$0x0] =	vst.add.f32.msk $0xffff, v32  }
0x1d8: {  	[tilespmem:s23+$0x0] =	vst.add.f32.msk $0xffff, v13;
	v10 =	vadd.f32 v31, v10  }
0x1d9: {  	v1 =	vadd.f32 v34, v1;
	v13 =	vmul.f32 v26, v18;
	v9 =	vadd.f32 v12, v9;
	[tilespmem:s24+$0x0] =	vst.add.f32.msk $0xffff, v19  }
0x1da: {  	v7 =	vadd.f32 v33, v7;
	v16 =	vadd.f32 v38, v16;
	v12 =	vmul.f32 v23, v29;
	[tilespmem:s25+$0x0] =	vst.add.f32.msk $0xffff, v10  }
0x1db: {  	v1 =	vadd.f32 v35, v1;
	v8 =	vadd.f32 v13, v8;
	v10 =	vmul.f32 v23, v17;
	[tilespmem:s26+$0x0] =	vst.add.f32.msk $0xffff, v9  }
0x1dc: {  	v11 =	vadd.f32 v36, v11;
	v7 =	vadd.f32 v12, v7;
	v9 =	vmul.f32 v23, v25;
	[tilespmem:s28+$0x0] =	vst.add.f32.msk $0xffff, v16  }
0x1dd: {  	v8 =	vadd.f32 v10, v8;
	[tilespmem:s29+$0x0] =	vst.add.f32.msk $0xffff, v1  }
0x1de: {  	v1 =	vadd.f32 v9, v11;
	[tilespmem:s30+$0x0] =	vst.add.f32.msk $0xffff, v7  }
0x1df: {  	v7 =	vadd.f32 v30, v15;
	[tilespmem:s31+$0x0] =	vst.add.f32.msk $0xffff, v8  }
0x1e0: {  	v8 =	vadd.f32 v21, v28;
	[tilespmem:s0+$0x0] =	vst.add.f32.msk $0xffff, v1  }
0x1e1: {  	[tilespmem:s1+$0x0] =	vst.add.f32.msk $0xffff, v7  }
0x1e2: {  	[tilespmem:s3+$0x0] =	vst.add.f32.msk $0xffff, v8  }
0x1e3: {  	[tilespmem:s4+$0x0] =	vst.add.f32.msk $0xffff, v6  }
0x1e4: {  	v1 =	vadd.f32 v27, v14;
	[tilespmem:s5+$0x0] =	vst.add.f32.msk $0xffff, v2  }
0x1e5: {  	[tilespmem:s6+$0x0] =	vst.add.f32.msk $0xffff, v4  }
0x1e6: {  	[tilespmem:s7+$0x0] =	vst.add.f32.msk $0xffff, v1  }
0x1e7: {  	v1 =	vadd.f32 v25, v20;
	[tilespmem:s8+$0x0] =	vst.add.f32.msk $0xffff, v3  }
0x1e8: {  	[tilespmem:s9+$0x0] =	vst.add.f32.msk $0xffff, v5  }
0x1e9: {  	[tilespmem:s10+$0x0] =	vst.add.f32.msk $0xffff, v1  }
0x1ea: {  	_ =	swait.ge [sflag:s11], $0x7D00  }
0x1eb: {  	[sflag:s11] =	ssyncset.done $0x0  }
0x1ec: {  	[sflag:s11] =	ssyncadd.s32 $0xFFFF8300  }
0x1ed: {  	_ =	swait.ge [sflag:s12], $0x7D00  }
0x1ee: {  	[sflag:s12] =	ssyncset.done $0x0  }
0x1ef: {  	s15 =	rddreg [dreg:$0xa];
	[sflag:s12] =	ssyncadd.s32 $0xFFFF8300  }
0x1f0: {  	[tilespmem:s2], [sflag:$0x1] =	stream.linear.gather [hbm4b:s15+s2], $0x7D00, $0x38;
	[tilespmem:$0x1F580] =	vst v63  }
0x1f1: {  	s16 =	simm.s32 $0x7D00;
	s17 =	rddreg [dreg:$0xb]  }
0x1f2: {  	[tilespmem:s16], [sflag:$0x2] =	stream.linear.gather [hbm4b:s17+s2], $0x7D00, $0x38;
	[tilespmem:$0x1F580] =	vst v63  }
0x1f3: {  	s17 =	simm.s32 $0xFA10  }
0x1f4: {  	v2 =	vld [tilespmem:s17+$0xFFFFFFF0]  }
0x1f5: {  	s15 =	simm.s32 $0x17710;
	v4 =	vld [tilespmem:s17+$0x0]  }
0x1f6: {  	v7 =	vld [tilespmem:s15+$0x0]  }
0x1f7: {  	v13 =	vld [tilespmem:s15+$0xFFFFFFF0];
	_ =	sdelay $0x2  }
0x1f8: {  	v3 =	vsub.f32 $1.000000000e+00, v2;
	v1 =	vand.u32 $0x7FFFFF, v2  }
0x1f9: {  	v10 =	vand.u32 $0x7FFFFF, v4;
	v11 =	vshrl.u32 v4, $0x17;
	v14 =	vsub.f32 v4, v7  }
0x1fa: {  	v12 =	vshrl.u32 v2, $0x17;
	v4 =	vsub.f32 $1.000000000e+00, v4;
	v2 =	vsub.f32 v2, v13  }
0x1fb: {  	v18 =	vsub.f32 $1.000000000e+00, v13;
	v1 =	vor.u32 $0x3F800000, v1;
	v10 =	vor.u32 $0x3F800000, v10  }
0x1fc: {  	v11 =	vcvt.s32.f32 v11;
	v12 =	vcvt.s32.f32 v12;
	v5 =	vand.u32 $0x7FFFFF, v3  }
0x1fd: {  	v6 =	vadd.f32 $-1.000000000e+00, v1;
	v1 =	vimm.f32 $0.0e+00;
	v5 =	vor.u32 $0x3F800000, v5  }
0x1fe: {  	v10 =	vadd.f32 $-1.000000000e+00, v10;
	v3 =	vshrl.u32 v3, $0x17;
	v5 =	vadd.f32 $-1.000000000e+00, v5  }
0x1ff: {  	v16 =	vand.u32 $0x7FFFFFFF, v14;
	v14 =	vand.u32 $0x7FFFFF, v4;
	v2 =	vand.u32 $0x7FFFFFFF, v2  }
0x200: {  	v4 =	vshrl.u32 v4, $0x17;
	v11 =	vadd.f32 $-1.270000000e+02, v11;
	v9 =	vmul.f32 $3.137662260e-02, v5  }
0x201: {  	v3 =	vcvt.s32.f32 v3;
	vm4 =	vge.f32 v2, $8.000000110e-01;
	v8 =	vmul.f32 $3.137662260e-02, v6  }
0x202: {  	v14 =	vor.u32 $0x3F800000, v14;
	vm0 =	vge.f32 v2, $2.000000030e-01;
	v9 =	vadd.f32 $-1.341333090e-01, v9  }
0x203: {  	vm3 =	vge.f32 v2, $4.000000060e-01;
	vm2 =	vge.f32 v16, $5.000000000e-01;
	v8 =	vadd.f32 $-1.341333090e-01, v8  }
0x204: {  	vm5 =	vge.f32 v2, $1.000000010e-01;
	v12 =	vadd.f32 $-1.270000000e+02, v12;
	v9 =	vmul.f32 v9, v5  }
0x205: {  	vm1 =	vge.f32 v16, $6.000000240e-01;
	vm6 =	vge.f32 v16, $4.000000060e-01;
	v8 =	vmul.f32 v8, v6  }
0x206: {  	vm14 =	vge.f32 v16, $1.000000010e-01;
	vm7 =	vge.f32 v2, $3.000000120e-01;
	v9 =	vadd.f32 $2.878246900e-01, v9  }
0x207: {  	vm8 =	vge.f32 v2, $6.999999880e-01;
	vm9 =	vge.f32 v2, $5.000000000e-01;
	v8 =	vadd.f32 $2.878246900e-01, v8  }
0x208: {  	vm15 =	vge.f32 v2, $6.000000240e-01;
	v4 =	vcvt.s32.f32 v4;
	v9 =	vmul.f32 v9, v5  }
0x209: {  	vm10 =	vge.f32 v2, $8.999999760e-01;
	vm11 =	vge.f32 v16, $2.000000030e-01;
	v8 =	vmul.f32 v8, v6  }
0x20a: {  	vm12 =	vge.f32 v16, $6.999999880e-01;
	vm13 =	vge.f32 v16, $8.999999760e-01;
	v9 =	vadd.f32 $-4.913474620e-01, v9  }
0x20b: {  	v15 =	vmul.f32 $3.137662260e-02, v10;
	v17 =	vadd.f32 $-1.000000000e+00, v14;
	v8 =	vadd.f32 $-4.913474620e-01, v8  }
0x20c: {  	v19 =	vsel vm0, $0x3F800000, v0;
	v31 =	vsel vm8, $0x3F800000, v0;
	v9 =	vmul.f32 v9, v5  }
0x20d: {  	v23 =	vsel vm5, $0x3F800000, v0;
	v22 =	vsel vm6, $0x3F800000, v0;
	v8 =	vmul.f32 v8, v6  }
0x20e: {  	v15 =	vadd.f32 $-1.341333090e-01, v15;
	v14 =	vmul.f32 $3.137662260e-02, v17;
	v9 =	vadd.f32 $9.994349470e-01, v9  }
0x20f: {  	v24 =	vsel vm3, $0x3F800000, v0;
	v63 =	vsel vm2, $0x3F800000, v0;
	v8 =	vadd.f32 $9.994349470e-01, v8  }
0x210: {  	v5 =	vmul.f32 v9, v5;
	v9 =	vadd.f32 $-1.341333090e-01, v14;
	v14 =	vmul.f32 v15, v10  }
0x211: {  	v21 =	vsel vm11, $0x3F800000, v0;
	v29 =	vsel vm12, $0x3F800000, v0;
	v12 =	vmul.f32 $6.931471820e-01, v12  }
0x212: {  	v6 =	vmul.f32 v8, v6;
	v14 =	vadd.f32 $2.878246900e-01, v14;
	v9 =	vmul.f32 v9, v17  }
0x213: {  	v27 =	vsel vm1, $0x3F800000, v0;
	v30 =	vsel vm14, $0x3F800000, v0;
	v3 =	vadd.f32 $-1.270000000e+02, v3  }
0x214: {  	v6 =	vadd.f32 v6, v12;
	v8 =	vadd.f32 $2.878246900e-01, v9;
	v20 =	vmul.f32 v14, v10  }
0x215: {  	vm14 =	vge.f32 v16, $3.000000120e-01;
	v28 =	vadd.f32 v19, v1;
	v3 =	vmul.f32 $6.931471820e-01, v3  }
0x216: {  	v6 =	vmul.f32 v6, v13;
	v8 =	vmul.f32 v8, v17;
	v13 =	vadd.f32 $-4.913474620e-01, v20  }
0x217: {  	v11 =	vmul.f32 $6.931471820e-01, v11;
	v15 =	vsub.f32 $1.000000000e+00, v7;
	v3 =	vadd.f32 v5, v3  }
0x218: {  	v12 =	vsel vm7, $0x3F800000, v0;
	v8 =	vadd.f32 $-4.913474620e-01, v8;
	v2 =	vmul.f32 v13, v10  }
0x219: {  	v5 =	vsel vm9, $0x3F800000, v0;
	v9 =	vsel vm15, $0x3F800000, v0;
	v3 =	vmul.f32 v3, v18  }
0x21a: {  	v13 =	vadd.f32 $-1.270000000e+02, v4;
	v4 =	vmul.f32 v8, v17;
	v2 =	vadd.f32 $9.994349470e-01, v2  }
0x21b: {  	v18 =	vsel vm4, $0x3F800000, v0;
	vm15 =	vge.f32 v16, $8.000000110e-01;
	v3 =	vadd.f32 v3, v6  }
0x21c: {  	v8 =	vadd.f32 v24, v1;
	v25 =	vadd.f32 $9.994349470e-01, v4;
	v10 =	vmul.f32 v2, v10  }
0x21d: {  	v14 =	vadd.f32 v9, v1;
	v26 =	vsub.f32 $0.0e+00, v3;
	v13 =	vmul.f32 $6.931471820e-01, v13  }
0x21e: {  	v2 =	vadd.f32 v22, v8;
	v8 =	vadd.f32 v10, v11;
	v10 =	vmul.f32 v25, v17  }
0x21f: {  	v20 =	vadd.f32 v5, v1;
	v6 =	vsel vm10, $0x3F800000, v0;
	v5 =	vmul.f32 v26, v5  }
0x220: {  	v34 =	vmul.f32 v26, v9;
	v32 =	vadd.f32 v26, v1;
	v10 =	vadd.f32 v10, v13  }
0x221: {  	v33 =	vmul.f32 v26, v31;
	v36 =	vmul.f32 v26, v6;
	v4 =	vadd.f32 v63, v20  }
0x222: {  	v20 =	vadd.f32 v31, v1;
	v7 =	vmul.f32 v8, v7;
	v8 =	vmul.f32 v10, v15  }
0x223: {  	v9 =	vimm.f32 $0.0e+00;
	v16 =	vadd.f32 v5, v1;
	v5 =	vsel vm14, $0x3F800000, v0  }
0x224: {  	v3 =	vadd.f32 v29, v20;
	v25 =	vsel vm13, $0x3F800000, v0;
	v7 =	vadd.f32 v8, v7  }
0x225: {  	v17 =	vsel vm15, $0x3F800000, v0;
	v20 =	vadd.f32 v6, v1;
	v10 =	vmul.f32 v26, v23  }
0x226: {  	v15 =	vadd.f32 v23, v1;
	v8 =	vmul.f32 v26, v19;
	v23 =	vsub.f32 $0.0e+00, v7  }
0x227: {  	v11 =	vimm.f32 $0.0e+00;
	v13 =	vadd.f32 v10, v1;
	v10 =	vimm.f32 $0.0e+00  }
0x228: {  	v19 =	vadd.f32 v8, v1;
	v7 =	vadd.f32 v12, v1;
	v39 =	vmul.f32 v23, v30  }
0x229: {  	v8 =	vadd.f32 v18, v1;
	v37 =	vmul.f32 v23, v21;
	v31 =	vmul.f32 v23, v5  }
0x22a: {  	v6 =	vadd.f32 v5, v7;
	v38 =	vmul.f32 v23, v63;
	v35 =	vmul.f32 v23, v27  }
0x22b: {  	s16 =	simm.s32 $0x0;
	s17 =	simm.s32 $0xFA30;
	v5 =	vadd.f32 v17, v8;
	v8 =	vimm.f32 $0.0e+00;
	v7 =	vimm.f32 $0.0e+00  }
.LBB2_8:
0x22c: {  	v40 =	vld [tilespmem:s17+$0xFFFFFFF0];
	s16 =	sadd.s32 $0x2, s16;
	v13 =	vadd.f32 v39, v13;
	v29 =	vmul.f32 v23, v29;
	v39 =	vmul.f32 v23, v17;
	s15 =	sadd.s32 $0x20, s15  }
0x22d: {  	v1 =	vadd.f32 v34, v1;
	v14 =	vadd.f32 v27, v14;
	v34 =	vmul.f32 v23, v25;
	v17 =	vld [tilespmem:s15+$0x0];
	p0 =	slt.u32 s16, $0x7CE  }
0x22e: {  	v18 =	vmul.f32 v26, v18;
	v11 =	vadd.f32 v36, v11;
	v16 =	vadd.f32 v38, v16;
	v41 =	vld [tilespmem:s17+$0x0]  }
0x22f: {  	v15 =	vadd.f32 v30, v15;
	v22 =	vmul.f32 v23, v22;
	v20 =	vadd.f32 v25, v20  }
0x230: {  	v24 =	vmul.f32 v26, v24;
	v25 =	vadd.f32 v21, v28;
	v8 =	vadd.f32 v18, v8  }
0x231: {  	v7 =	vadd.f32 v33, v7;
	v18 =	vand.u32 $0x7FFFFF, v40;
	v21 =	vsub.f32 $1.000000000e+00, v40  }
0x232: {  	v19 =	vadd.f32 v37, v19;
	v28 =	vshrl.u32 v40, $0x17;
	v18 =	vor.u32 $0x3F800000, v18  }
0x233: {  	v23 =	vadd.f32 v23, v32;
	v30 =	vshrl.u32 v21, $0x17;
	v21 =	vand.u32 $0x7FFFFF, v21  }
0x234: {  	v7 =	vadd.f32 v29, v7;
	v18 =	vadd.f32 $-1.000000000e+00, v18;
	v21 =	vor.u32 $0x3F800000, v21  }
0x235: {  	v1 =	vadd.f32 v35, v1;
	v27 =	vand.u32 $0x7FFFFF, v41;
	v21 =	vadd.f32 $-1.000000000e+00, v21  }
0x236: {  	v8 =	vadd.f32 v39, v8;
	v27 =	vor.u32 $0x3F800000, v27;
	v29 =	vmul.f32 $3.137662260e-02, v18  }
0x237: {  	v11 =	vadd.f32 v34, v11;
	v27 =	vadd.f32 $-1.000000000e+00, v27;
	v32 =	vmul.f32 $3.137662260e-02, v21  }
0x238: {  	v12 =	vmul.f32 v26, v12;
	v33 =	vshrl.u32 v41, $0x17;
	v29 =	vadd.f32 $-1.341333090e-01, v29  }
0x239: {  	v9 =	vadd.f32 v24, v9;
	v33 =	vcvt.s32.f32 v33;
	v26 =	vld [tilespmem:s15+$0xFFFFFFF0];
	v32 =	vadd.f32 $-1.341333090e-01, v32  }
0x23a: {  	v10 =	vadd.f32 v12, v10;
	v24 =	vmul.f32 v29, v18;
	v29 =	vsub.f32 v41, v17  }
0x23b: {  	v9 =	vadd.f32 v22, v9;
	v12 =	vmul.f32 v32, v21;
	v32 =	vadd.f32 $-1.270000000e+02, v33  }
0x23c: {  	v10 =	vadd.f32 v31, v10;
	v22 =	vadd.f32 $2.878246900e-01, v24;
	v24 =	vmul.f32 $3.137662260e-02, v27  }
0x23d: {  	v28 =	vcvt.s32.f32 v28;
	v31 =	vsub.f32 $1.000000000e+00, v41;
	v12 =	vadd.f32 $2.878246900e-01, v12  }
0x23e: {  	v22 =	vmul.f32 v22, v18;
	v33 =	vsub.f32 v40, v26  }
0x23f: {  	v34 =	vand.u32 $0x7FFFFFFF, v29;
	v29 =	vand.u32 $0x7FFFFF, v31;
	v12 =	vmul.f32 v12, v21  }
0x240: {  	v30 =	vcvt.s32.f32 v30;
	v24 =	vadd.f32 $-1.341333090e-01, v24;
	v33 =	vand.u32 $0x7FFFFFFF, v33  }
0x241: {  	v29 =	vor.u32 $0x3F800000, v29;
	v12 =	vadd.f32 $-4.913474620e-01, v12;
	vm4 =	vge.f32 v33, $8.000000110e-01  }
0x242: {  	vm2 =	vge.f32 v34, $5.000000000e-01;
	vm0 =	vge.f32 v33, $2.000000030e-01;
	vm3 =	vge.f32 v33, $4.000000060e-01  }
0x243: {  	v35 =	vadd.f32 $-1.000000000e+00, v29;
	vm5 =	vge.f32 v33, $1.000000010e-01;
	v12 =	vmul.f32 v12, v21  }
0x244: {  	v28 =	vadd.f32 $-1.270000000e+02, v28;
	v29 =	vadd.f32 $-1.270000000e+02, v30;
	v36 =	vsel vm0, $0x3F800000, v0  }
0x245: {  	vm1 =	vge.f32 v34, $6.000000240e-01;
	v30 =	vmul.f32 $3.137662260e-02, v35;
	v12 =	vadd.f32 $9.994349470e-01, v12  }
0x246: {  	vm6 =	vge.f32 v34, $4.000000060e-01;
	v37 =	vsub.f32 $1.000000000e+00, v26;
	v22 =	vadd.f32 $-4.913474620e-01, v22  }
0x247: {  	vm0 =	vge.f32 v34, $1.000000010e-01;
	v12 =	vmul.f32 v12, v21;
	v21 =	vadd.f32 $-1.341333090e-01, v30  }
0x248: {  	v29 =	vmul.f32 $6.931471820e-01, v29;
	v22 =	vmul.f32 v22, v18;
	vm7 =	vge.f32 v33, $3.000000120e-01  }
0x249: {  	v31 =	vshrl.u32 v31, $0x17;
	v24 =	vmul.f32 v24, v27;
	v30 =	vmul.f32 $6.931471820e-01, v32  }
0x24a: {  	v28 =	vmul.f32 $6.931471820e-01, v28;
	vm8 =	vge.f32 v33, $6.999999880e-01;
	v22 =	vadd.f32 $9.994349470e-01, v22  }
0x24b: {  	v24 =	vadd.f32 $2.878246900e-01, v24;
	v32 =	vsub.f32 $1.000000000e+00, v17;
	v21 =	vmul.f32 v21, v35  }
0x24c: {  	vm9 =	vge.f32 v33, $5.000000000e-01;
	v18 =	vmul.f32 v22, v18;
	v12 =	vadd.f32 v12, v29  }
0x24d: {  	v38 =	vsel vm9, $0x3F800000, v0;
	vm9 =	vge.f32 v33, $6.000000240e-01;
	v21 =	vadd.f32 $2.878246900e-01, v21  }
0x24e: {  	v40 =	vsel vm8, $0x3F800000, v0;
	v39 =	vsel vm9, $0x3F800000, v0;
	v22 =	vadd.f32 v18, v28  }
0x24f: {  	v28 =	vmul.f32 v12, v37;
	v12 =	vsel vm7, $0x3F800000, v0;
	v21 =	vmul.f32 v21, v35  }
0x250: {  	v18 =	vsel vm4, $0x3F800000, v0;
	v29 =	vmul.f32 v24, v27;
	v37 =	vsel vm5, $0x3F800000, v0  }
0x251: {  	v14 =	vadd.f32 v39, v14;
	v26 =	vmul.f32 v22, v26;
	v22 =	vsel vm6, $0x3F800000, v0  }
0x252: {  	v4 =	vadd.f32 v38, v4;
	v24 =	vsel vm3, $0x3F800000, v0;
	v29 =	vadd.f32 $-4.913474620e-01, v29  }
0x253: {  	v31 =	vcvt.s32.f32 v31;
	v41 =	vsel vm2, $0x3F800000, v0;
	v21 =	vadd.f32 $-4.913474620e-01, v21  }
0x254: {  	vm2 =	vge.f32 v33, $8.999999760e-01;
	vm3 =	vge.f32 v34, $2.000000030e-01;
	v29 =	vmul.f32 v29, v27  }
0x255: {  	v31 =	vadd.f32 $-1.270000000e+02, v31;
	v33 =	vmul.f32 v21, v35;
	v21 =	vsel vm3, $0x3F800000, v0  }
0x256: {  	v42 =	vsel vm2, $0x3F800000, v0;
	v26 =	vadd.f32 v28, v26;
	v28 =	vadd.f32 $9.994349470e-01, v29  }
0x257: {  	vm2 =	vge.f32 v34, $6.999999880e-01;
	v2 =	vadd.f32 v24, v2;
	v33 =	vadd.f32 $9.994349470e-01, v33  }
0x258: {  	v4 =	vadd.f32 v41, v4;
	v29 =	vsel vm2, $0x3F800000, v0;
	v27 =	vmul.f32 v28, v27  }
0x259: {  	v31 =	vmul.f32 $6.931471820e-01, v31;
	v3 =	vadd.f32 v40, v3;
	v2 =	vadd.f32 v22, v2  }
0x25a: {  	v30 =	vadd.f32 v27, v30;
	v27 =	vsel vm1, $0x3F800000, v0;
	v33 =	vmul.f32 v33, v35  }
0x25b: {  	v26 =	vsub.f32 $0.0e+00, v26;
	v3 =	vadd.f32 v29, v3;
	vm1 =	vge.f32 v34, $8.999999760e-01  }
0x25c: {  	v28 =	vadd.f32 v36, v25;
	v25 =	vsel vm1, $0x3F800000, v0;
	v31 =	vadd.f32 v33, v31  }
0x25d: {  	v35 =	vmul.f32 v30, v17;
	v30 =	vsel vm0, $0x3F800000, v0;
	v33 =	vmul.f32 v26, v38  }
0x25e: {  	vm1 =	vge.f32 v34, $8.000000110e-01;
	vm0 =	vge.f32 v34, $3.000000120e-01;
	v31 =	vmul.f32 v31, v32  }
0x25f: {  	v34 =	vmul.f32 v26, v39;
	v17 =	vsel vm1, $0x3F800000, v0;
	v38 =	vmul.f32 v26, v37  }
0x260: {  	v20 =	vadd.f32 v42, v20;
	v31 =	vadd.f32 v31, v35;
	v35 =	vsel vm0, $0x3F800000, v0  }
0x261: {  	v36 =	vmul.f32 v26, v36;
	v32 =	vadd.f32 v26, v23;
	v16 =	vadd.f32 v33, v16  }
.Ltmp3:
0x262: {  	v15 =	vadd.f32 v37, v15;
	v33 =	vmul.f32 v26, v40;
	v23 =	vsub.f32 $0.0e+00, v31;
	(pc) =	sbr.rel @p0 .LBB2_8-.Ltmp3, $4  }
0x263: {  	v6 =	vadd.f32 v12, v6;
	v19 =	vadd.f32 v36, v19;
	v36 =	vmul.f32 v26, v42  }
0x264: {  	v5 =	vadd.f32 v18, v5;
	v39 =	vmul.f32 v23, v30;
	v37 =	vmul.f32 v23, v21  }
0x265: {  	v13 =	vadd.f32 v38, v13;
	v6 =	vadd.f32 v35, v6;
	v31 =	vmul.f32 v23, v35  }
0x266: {  	s17 =	sadd.s32 $0x20, s17;
	v5 =	vadd.f32 v17, v5;
	v38 =	vmul.f32 v23, v41;
	v35 =	vmul.f32 v23, v27  }
0x267: {  	v12 =	vmul.f32 v26, v12  }
0x268: {  	v24 =	vmul.f32 v26, v24;
	v32 =	vadd.f32 v23, v32  }
0x269: {  	v13 =	vadd.f32 v39, v13;
	v10 =	vadd.f32 v12, v10  }
0x26a: {  	v19 =	vadd.f32 v37, v19;
	v12 =	vmul.f32 v23, v22;
	v9 =	vadd.f32 v24, v9;
	[tilespmem:s22+$0x0] =	vst.add.f32.msk $0xffff, v32  }
0x26b: {  	[tilespmem:s23+$0x0] =	vst.add.f32.msk $0xffff, v13;
	v10 =	vadd.f32 v31, v10  }
0x26c: {  	v1 =	vadd.f32 v34, v1;
	v13 =	vmul.f32 v26, v18;
	v9 =	vadd.f32 v12, v9;
	[tilespmem:s24+$0x0] =	vst.add.f32.msk $0xffff, v19  }
0x26d: {  	v7 =	vadd.f32 v33, v7;
	v16 =	vadd.f32 v38, v16;
	v12 =	vmul.f32 v23, v29;
	[tilespmem:s25+$0x0] =	vst.add.f32.msk $0xffff, v10  }
0x26e: {  	v1 =	vadd.f32 v35, v1;
	v8 =	vadd.f32 v13, v8;
	v10 =	vmul.f32 v23, v17;
	[tilespmem:s26+$0x0] =	vst.add.f32.msk $0xffff, v9  }
0x26f: {  	v11 =	vadd.f32 v36, v11;
	v7 =	vadd.f32 v12, v7;
	v9 =	vmul.f32 v23, v25;
	[tilespmem:s28+$0x0] =	vst.add.f32.msk $0xffff, v16  }
0x270: {  	v8 =	vadd.f32 v10, v8;
	[tilespmem:s29+$0x0] =	vst.add.f32.msk $0xffff, v1  }
0x271: {  	v1 =	vadd.f32 v9, v11;
	[tilespmem:s30+$0x0] =	vst.add.f32.msk $0xffff, v7  }
0x272: {  	v7 =	vadd.f32 v30, v15;
	[tilespmem:s31+$0x0] =	vst.add.f32.msk $0xffff, v8  }
0x273: {  	v8 =	vadd.f32 v21, v28;
	[tilespmem:s0+$0x0] =	vst.add.f32.msk $0xffff, v1  }
0x274: {  	[tilespmem:s1+$0x0] =	vst.add.f32.msk $0xffff, v7  }
0x275: {  	[tilespmem:s3+$0x0] =	vst.add.f32.msk $0xffff, v8  }
0x276: {  	[tilespmem:s4+$0x0] =	vst.add.f32.msk $0xffff, v6  }
0x277: {  	v1 =	vadd.f32 v27, v14;
	[tilespmem:s5+$0x0] =	vst.add.f32.msk $0xffff, v2  }
0x278: {  	[tilespmem:s6+$0x0] =	vst.add.f32.msk $0xffff, v4  }
0x279: {  	[tilespmem:s7+$0x0] =	vst.add.f32.msk $0xffff, v1  }
0x27a: {  	v1 =	vadd.f32 v25, v20;
	[tilespmem:s8+$0x0] =	vst.add.f32.msk $0xffff, v3  }
0x27b: {  	[tilespmem:s9+$0x0] =	vst.add.f32.msk $0xffff, v5  }
0x27c: {  	[tilespmem:s10+$0x0] =	vst.add.f32.msk $0xffff, v1  }
0x27d: {  	_ =	swait.ge [sflag:s18], $0x7D00  }
0x27e: {  	[sflag:s18] =	ssyncset.done $0x0  }
0x27f: {  	[sflag:s18] =	ssyncadd.s32 $0xFFFF8300  }
0x280: {  	_ =	swait.ge [sflag:s19], $0x7D00  }
0x281: {  	[sflag:s19] =	ssyncset.done $0x0  }
0x282: {  	s15 =	rddreg [dreg:$0xc];
	[sflag:s19] =	ssyncadd.s32 $0xFFFF8300  }
0x283: {  	[tilespmem:s20], [sflag:$0x3] =	stream.linear.gather [hbm4b:s15+s2], $0x7D00, $0x38;
	[tilespmem:$0x1F580] =	vst v63  }
0x284: {  	s17 =	simm.s32 $0x10;
	s16 =	rddreg [dreg:$0xd]  }
0x285: {  	[tilespmem:s21], [sflag:$0x4] =	stream.linear.gather [hbm4b:s16+s2], $0x7D00, $0x38;
	[tilespmem:$0x1F580] =	vst v63  }
0x286: {  	v2 =	vld [tilespmem:s17+$0xFFFFFFF0]  }
0x287: {  	s15 =	simm.s32 $0x7D10;
	v4 =	vld [tilespmem:s17+$0x0]  }
0x288: {  	v7 =	vld [tilespmem:s15+$0x0]  }
0x289: {  	v13 =	vld [tilespmem:s15+$0xFFFFFFF0];
	_ =	sdelay $0x2  }
0x28a: {  	v3 =	vsub.f32 $1.000000000e+00, v2;
	v1 =	vand.u32 $0x7FFFFF, v2  }
0x28b: {  	v10 =	vand.u32 $0x7FFFFF, v4;
	v11 =	vshrl.u32 v4, $0x17;
	v14 =	vsub.f32 v4, v7  }
0x28c: {  	v12 =	vshrl.u32 v2, $0x17;
	v4 =	vsub.f32 $1.000000000e+00, v4;
	v2 =	vsub.f32 v2, v13  }
0x28d: {  	v18 =	vsub.f32 $1.000000000e+00, v13;
	v1 =	vor.u32 $0x3F800000, v1;
	v10 =	vor.u32 $0x3F800000, v10  }
0x28e: {  	v11 =	vcvt.s32.f32 v11;
	v12 =	vcvt.s32.f32 v12;
	v5 =	vand.u32 $0x7FFFFF, v3  }
0x28f: {  	v6 =	vadd.f32 $-1.000000000e+00, v1;
	v1 =	vimm.f32 $0.0e+00;
	v5 =	vor.u32 $0x3F800000, v5  }
0x290: {  	v10 =	vadd.f32 $-1.000000000e+00, v10;
	v3 =	vshrl.u32 v3, $0x17;
	v5 =	vadd.f32 $-1.000000000e+00, v5  }
0x291: {  	v16 =	vand.u32 $0x7FFFFFFF, v14;
	v14 =	vand.u32 $0x7FFFFF, v4;
	v2 =	vand.u32 $0x7FFFFFFF, v2  }
0x292: {  	v4 =	vshrl.u32 v4, $0x17;
	v11 =	vadd.f32 $-1.270000000e+02, v11;
	v9 =	vmul.f32 $3.137662260e-02, v5  }
0x293: {  	v3 =	vcvt.s32.f32 v3;
	vm4 =	vge.f32 v2, $8.000000110e-01;
	v8 =	vmul.f32 $3.137662260e-02, v6  }
0x294: {  	v14 =	vor.u32 $0x3F800000, v14;
	vm0 =	vge.f32 v2, $2.000000030e-01;
	v9 =	vadd.f32 $-1.341333090e-01, v9  }
0x295: {  	vm3 =	vge.f32 v2, $4.000000060e-01;
	vm2 =	vge.f32 v16, $5.000000000e-01;
	v8 =	vadd.f32 $-1.341333090e-01, v8  }
0x296: {  	vm5 =	vge.f32 v2, $1.000000010e-01;
	v12 =	vadd.f32 $-1.270000000e+02, v12;
	v9 =	vmul.f32 v9, v5  }
0x297: {  	vm1 =	vge.f32 v16, $6.000000240e-01;
	vm6 =	vge.f32 v16, $4.000000060e-01;
	v8 =	vmul.f32 v8, v6  }
0x298: {  	vm14 =	vge.f32 v16, $1.000000010e-01;
	vm7 =	vge.f32 v2, $3.000000120e-01;
	v9 =	vadd.f32 $2.878246900e-01, v9  }
0x299: {  	vm8 =	vge.f32 v2, $6.999999880e-01;
	vm9 =	vge.f32 v2, $5.000000000e-01;
	v8 =	vadd.f32 $2.878246900e-01, v8  }
0x29a: {  	vm15 =	vge.f32 v2, $6.000000240e-01;
	v4 =	vcvt.s32.f32 v4;
	v9 =	vmul.f32 v9, v5  }
0x29b: {  	vm10 =	vge.f32 v2, $8.999999760e-01;
	vm11 =	vge.f32 v16, $2.000000030e-01;
	v8 =	vmul.f32 v8, v6  }
0x29c: {  	vm12 =	vge.f32 v16, $6.999999880e-01;
	vm13 =	vge.f32 v16, $8.999999760e-01;
	v9 =	vadd.f32 $-4.913474620e-01, v9  }
0x29d: {  	v15 =	vmul.f32 $3.137662260e-02, v10;
	v17 =	vadd.f32 $-1.000000000e+00, v14;
	v8 =	vadd.f32 $-4.913474620e-01, v8  }
0x29e: {  	v19 =	vsel vm0, $0x3F800000, v0;
	v31 =	vsel vm8, $0x3F800000, v0;
	v9 =	vmul.f32 v9, v5  }
0x29f: {  	v23 =	vsel vm5, $0x3F800000, v0;
	v22 =	vsel vm6, $0x3F800000, v0;
	v8 =	vmul.f32 v8, v6  }
0x2a0: {  	v15 =	vadd.f32 $-1.341333090e-01, v15;
	v14 =	vmul.f32 $3.137662260e-02, v17;
	v9 =	vadd.f32 $9.994349470e-01, v9  }
0x2a1: {  	v24 =	vsel vm3, $0x3F800000, v0;
	v63 =	vsel vm2, $0x3F800000, v0;
	v8 =	vadd.f32 $9.994349470e-01, v8  }
0x2a2: {  	v5 =	vmul.f32 v9, v5;
	v9 =	vadd.f32 $-1.341333090e-01, v14;
	v14 =	vmul.f32 v15, v10  }
0x2a3: {  	v21 =	vsel vm11, $0x3F800000, v0;
	v29 =	vsel vm12, $0x3F800000, v0;
	v12 =	vmul.f32 $6.931471820e-01, v12  }
0x2a4: {  	v6 =	vmul.f32 v8, v6;
	v14 =	vadd.f32 $2.878246900e-01, v14;
	v9 =	vmul.f32 v9, v17  }
0x2a5: {  	v27 =	vsel vm1, $0x3F800000, v0;
	v30 =	vsel vm14, $0x3F800000, v0;
	v3 =	vadd.f32 $-1.270000000e+02, v3  }
0x2a6: {  	v6 =	vadd.f32 v6, v12;
	v8 =	vadd.f32 $2.878246900e-01, v9;
	v20 =	vmul.f32 v14, v10  }
0x2a7: {  	vm14 =	vge.f32 v16, $3.000000120e-01;
	v28 =	vadd.f32 v19, v1;
	v3 =	vmul.f32 $6.931471820e-01, v3  }
0x2a8: {  	v6 =	vmul.f32 v6, v13;
	v8 =	vmul.f32 v8, v17;
	v13 =	vadd.f32 $-4.913474620e-01, v20  }
0x2a9: {  	v11 =	vmul.f32 $6.931471820e-01, v11;
	v15 =	vsub.f32 $1.000000000e+00, v7;
	v3 =	vadd.f32 v5, v3  }
0x2aa: {  	v12 =	vsel vm7, $0x3F800000, v0;
	v8 =	vadd.f32 $-4.913474620e-01, v8;
	v2 =	vmul.f32 v13, v10  }
0x2ab: {  	v5 =	vsel vm9, $0x3F800000, v0;
	v9 =	vsel vm15, $0x3F800000, v0;
	v3 =	vmul.f32 v3, v18  }
0x2ac: {  	v13 =	vadd.f32 $-1.270000000e+02, v4;
	v4 =	vmul.f32 v8, v17;
	v2 =	vadd.f32 $9.994349470e-01, v2  }
0x2ad: {  	v18 =	vsel vm4, $0x3F800000, v0;
	vm15 =	vge.f32 v16, $8.000000110e-01;
	v3 =	vadd.f32 v3, v6  }
0x2ae: {  	v8 =	vadd.f32 v24, v1;
	v25 =	vadd.f32 $9.994349470e-01, v4;
	v10 =	vmul.f32 v2, v10  }
0x2af: {  	v14 =	vadd.f32 v9, v1;
	v26 =	vsub.f32 $0.0e+00, v3;
	v13 =	vmul.f32 $6.931471820e-01, v13  }
0x2b0: {  	v2 =	vadd.f32 v22, v8;
	v8 =	vadd.f32 v10, v11;
	v10 =	vmul.f32 v25, v17  }
0x2b1: {  	v20 =	vadd.f32 v5, v1;
	v6 =	vsel vm10, $0x3F800000, v0;
	v5 =	vmul.f32 v26, v5  }
0x2b2: {  	v34 =	vmul.f32 v26, v9;
	v32 =	vadd.f32 v26, v1;
	v10 =	vadd.f32 v10, v13  }
0x2b3: {  	v33 =	vmul.f32 v26, v31;
	v36 =	vmul.f32 v26, v6;
	v4 =	vadd.f32 v63, v20  }
0x2b4: {  	v20 =	vadd.f32 v31, v1;
	v7 =	vmul.f32 v8, v7;
	v8 =	vmul.f32 v10, v15  }
0x2b5: {  	v9 =	vimm.f32 $0.0e+00;
	v16 =	vadd.f32 v5, v1;
	v5 =	vsel vm14, $0x3F800000, v0  }
0x2b6: {  	v3 =	vadd.f32 v29, v20;
	v25 =	vsel vm13, $0x3F800000, v0;
	v7 =	vadd.f32 v8, v7  }
0x2b7: {  	v17 =	vsel vm15, $0x3F800000, v0;
	v20 =	vadd.f32 v6, v1;
	v10 =	vmul.f32 v26, v23  }
0x2b8: {  	v15 =	vadd.f32 v23, v1;
	v8 =	vmul.f32 v26, v19;
	v23 =	vsub.f32 $0.0e+00, v7  }
0x2b9: {  	v11 =	vimm.f32 $0.0e+00;
	v13 =	vadd.f32 v10, v1;
	v10 =	vimm.f32 $0.0e+00  }
0x2ba: {  	v19 =	vadd.f32 v8, v1;
	v7 =	vadd.f32 v12, v1;
	v39 =	vmul.f32 v23, v30  }
0x2bb: {  	v8 =	vadd.f32 v18, v1;
	v37 =	vmul.f32 v23, v21;
	v31 =	vmul.f32 v23, v5  }
0x2bc: {  	v6 =	vadd.f32 v5, v7;
	v38 =	vmul.f32 v23, v63;
	v35 =	vmul.f32 v23, v27  }
0x2bd: {  	s16 =	simm.s32 $0x0;
	s17 =	simm.s32 $0x30;
	v5 =	vadd.f32 v17, v8;
	v8 =	vimm.f32 $0.0e+00;
	v7 =	vimm.f32 $0.0e+00  }
.LBB2_10:
0x2be: {  	v40 =	vld [tilespmem:s17+$0xFFFFFFF0];
	s16 =	sadd.s32 $0x2, s16;
	v13 =	vadd.f32 v39, v13;
	v29 =	vmul.f32 v23, v29;
	v39 =	vmul.f32 v23, v17;
	s15 =	sadd.s32 $0x20, s15  }
0x2bf: {  	v1 =	vadd.f32 v34, v1;
	v14 =	vadd.f32 v27, v14;
	v34 =	vmul.f32 v23, v25;
	v17 =	vld [tilespmem:s15+$0x0];
	p0 =	slt.u32 s16, $0x7CE  }
0x2c0: {  	v18 =	vmul.f32 v26, v18;
	v11 =	vadd.f32 v36, v11;
	v16 =	vadd.f32 v38, v16;
	v41 =	vld [tilespmem:s17+$0x0]  }
0x2c1: {  	v15 =	vadd.f32 v30, v15;
	v22 =	vmul.f32 v23, v22;
	v20 =	vadd.f32 v25, v20  }
0x2c2: {  	v24 =	vmul.f32 v26, v24;
	v25 =	vadd.f32 v21, v28;
	v8 =	vadd.f32 v18, v8  }
0x2c3: {  	v7 =	vadd.f32 v33, v7;
	v18 =	vand.u32 $0x7FFFFF, v40;
	v21 =	vsub.f32 $1.000000000e+00, v40  }
0x2c4: {  	v19 =	vadd.f32 v37, v19;
	v28 =	vshrl.u32 v40, $0x17;
	v18 =	vor.u32 $0x3F800000, v18  }
0x2c5: {  	v23 =	vadd.f32 v23, v32;
	v30 =	vshrl.u32 v21, $0x17;
	v21 =	vand.u32 $0x7FFFFF, v21  }
0x2c6: {  	v7 =	vadd.f32 v29, v7;
	v18 =	vadd.f32 $-1.000000000e+00, v18;
	v21 =	vor.u32 $0x3F800000, v21  }
0x2c7: {  	v1 =	vadd.f32 v35, v1;
	v27 =	vand.u32 $0x7FFFFF, v41;
	v21 =	vadd.f32 $-1.000000000e+00, v21  }
0x2c8: {  	v8 =	vadd.f32 v39, v8;
	v27 =	vor.u32 $0x3F800000, v27;
	v29 =	vmul.f32 $3.137662260e-02, v18  }
0x2c9: {  	v11 =	vadd.f32 v34, v11;
	v27 =	vadd.f32 $-1.000000000e+00, v27;
	v32 =	vmul.f32 $3.137662260e-02, v21  }
0x2ca: {  	v12 =	vmul.f32 v26, v12;
	v33 =	vshrl.u32 v41, $0x17;
	v29 =	vadd.f32 $-1.341333090e-01, v29  }
0x2cb: {  	v9 =	vadd.f32 v24, v9;
	v33 =	vcvt.s32.f32 v33;
	v26 =	vld [tilespmem:s15+$0xFFFFFFF0];
	v32 =	vadd.f32 $-1.341333090e-01, v32  }
0x2cc: {  	v10 =	vadd.f32 v12, v10;
	v24 =	vmul.f32 v29, v18;
	v29 =	vsub.f32 v41, v17  }
0x2cd: {  	v9 =	vadd.f32 v22, v9;
	v12 =	vmul.f32 v32, v21;
	v32 =	vadd.f32 $-1.270000000e+02, v33  }
0x2ce: {  	v10 =	vadd.f32 v31, v10;
	v22 =	vadd.f32 $2.878246900e-01, v24;
	v24 =	vmul.f32 $3.137662260e-02, v27  }
0x2cf: {  	v28 =	vcvt.s32.f32 v28;
	v31 =	vsub.f32 $1.000000000e+00, v41;
	v12 =	vadd.f32 $2.878246900e-01, v12  }
0x2d0: {  	v22 =	vmul.f32 v22, v18;
	v33 =	vsub.f32 v40, v26  }
0x2d1: {  	v34 =	vand.u32 $0x7FFFFFFF, v29;
	v29 =	vand.u32 $0x7FFFFF, v31;
	v12 =	vmul.f32 v12, v21  }
0x2d2: {  	v30 =	vcvt.s32.f32 v30;
	v24 =	vadd.f32 $-1.341333090e-01, v24;
	v33 =	vand.u32 $0x7FFFFFFF, v33  }
0x2d3: {  	v29 =	vor.u32 $0x3F800000, v29;
	v12 =	vadd.f32 $-4.913474620e-01, v12;
	vm4 =	vge.f32 v33, $8.000000110e-01  }
0x2d4: {  	vm2 =	vge.f32 v34, $5.000000000e-01;
	vm0 =	vge.f32 v33, $2.000000030e-01;
	vm3 =	vge.f32 v33, $4.000000060e-01  }
0x2d5: {  	v35 =	vadd.f32 $-1.000000000e+00, v29;
	vm5 =	vge.f32 v33, $1.000000010e-01;
	v12 =	vmul.f32 v12, v21  }
0x2d6: {  	v28 =	vadd.f32 $-1.270000000e+02, v28;
	v29 =	vadd.f32 $-1.270000000e+02, v30;
	v36 =	vsel vm0, $0x3F800000, v0  }
0x2d7: {  	vm1 =	vge.f32 v34, $6.000000240e-01;
	v30 =	vmul.f32 $3.137662260e-02, v35;
	v12 =	vadd.f32 $9.994349470e-01, v12  }
0x2d8: {  	vm6 =	vge.f32 v34, $4.000000060e-01;
	v37 =	vsub.f32 $1.000000000e+00, v26;
	v22 =	vadd.f32 $-4.913474620e-01, v22  }
0x2d9: {  	vm0 =	vge.f32 v34, $1.000000010e-01;
	v12 =	vmul.f32 v12, v21;
	v21 =	vadd.f32 $-1.341333090e-01, v30  }
0x2da: {  	v29 =	vmul.f32 $6.931471820e-01, v29;
	v22 =	vmul.f32 v22, v18;
	vm7 =	vge.f32 v33, $3.000000120e-01  }
0x2db: {  	v31 =	vshrl.u32 v31, $0x17;
	v24 =	vmul.f32 v24, v27;
	v30 =	vmul.f32 $6.931471820e-01, v32  }
0x2dc: {  	v28 =	vmul.f32 $6.931471820e-01, v28;
	vm8 =	vge.f32 v33, $6.999999880e-01;
	v22 =	vadd.f32 $9.994349470e-01, v22  }
0x2dd: {  	v24 =	vadd.f32 $2.878246900e-01, v24;
	v32 =	vsub.f32 $1.000000000e+00, v17;
	v21 =	vmul.f32 v21, v35  }
0x2de: {  	vm9 =	vge.f32 v33, $5.000000000e-01;
	v18 =	vmul.f32 v22, v18;
	v12 =	vadd.f32 v12, v29  }
0x2df: {  	v38 =	vsel vm9, $0x3F800000, v0;
	vm9 =	vge.f32 v33, $6.000000240e-01;
	v21 =	vadd.f32 $2.878246900e-01, v21  }
0x2e0: {  	v40 =	vsel vm8, $0x3F800000, v0;
	v39 =	vsel vm9, $0x3F800000, v0;
	v22 =	vadd.f32 v18, v28  }
0x2e1: {  	v28 =	vmul.f32 v12, v37;
	v12 =	vsel vm7, $0x3F800000, v0;
	v21 =	vmul.f32 v21, v35  }
0x2e2: {  	v18 =	vsel vm4, $0x3F800000, v0;
	v29 =	vmul.f32 v24, v27;
	v37 =	vsel vm5, $0x3F800000, v0  }
0x2e3: {  	v14 =	vadd.f32 v39, v14;
	v26 =	vmul.f32 v22, v26;
	v22 =	vsel vm6, $0x3F800000, v0  }
0x2e4: {  	v4 =	vadd.f32 v38, v4;
	v24 =	vsel vm3, $0x3F800000, v0;
	v29 =	vadd.f32 $-4.913474620e-01, v29  }
0x2e5: {  	v31 =	vcvt.s32.f32 v31;
	v41 =	vsel vm2, $0x3F800000, v0;
	v21 =	vadd.f32 $-4.913474620e-01, v21  }
0x2e6: {  	vm2 =	vge.f32 v33, $8.999999760e-01;
	vm3 =	vge.f32 v34, $2.000000030e-01;
	v29 =	vmul.f32 v29, v27  }
0x2e7: {  	v31 =	vadd.f32 $-1.270000000e+02, v31;
	v33 =	vmul.f32 v21, v35;
	v21 =	vsel vm3, $0x3F800000, v0  }
0x2e8: {  	v42 =	vsel vm2, $0x3F800000, v0;
	v26 =	vadd.f32 v28, v26;
	v28 =	vadd.f32 $9.994349470e-01, v29  }
0x2e9: {  	vm2 =	vge.f32 v34, $6.999999880e-01;
	v2 =	vadd.f32 v24, v2;
	v33 =	vadd.f32 $9.994349470e-01, v33  }
0x2ea: {  	v4 =	vadd.f32 v41, v4;
	v29 =	vsel vm2, $0x3F800000, v0;
	v27 =	vmul.f32 v28, v27  }
0x2eb: {  	v31 =	vmul.f32 $6.931471820e-01, v31;
	v3 =	vadd.f32 v40, v3;
	v2 =	vadd.f32 v22, v2  }
0x2ec: {  	v30 =	vadd.f32 v27, v30;
	v27 =	vsel vm1, $0x3F800000, v0;
	v33 =	vmul.f32 v33, v35  }
0x2ed: {  	v26 =	vsub.f32 $0.0e+00, v26;
	v3 =	vadd.f32 v29, v3;
	vm1 =	vge.f32 v34, $8.999999760e-01  }
0x2ee: {  	v28 =	vadd.f32 v36, v25;
	v25 =	vsel vm1, $0x3F800000, v0;
	v31 =	vadd.f32 v33, v31  }
0x2ef: {  	v35 =	vmul.f32 v30, v17;
	v30 =	vsel vm0, $0x3F800000, v0;
	v33 =	vmul.f32 v26, v38  }
0x2f0: {  	vm1 =	vge.f32 v34, $8.000000110e-01;
	vm0 =	vge.f32 v34, $3.000000120e-01;
	v31 =	vmul.f32 v31, v32  }
0x2f1: {  	v34 =	vmul.f32 v26, v39;
	v17 =	vsel vm1, $0x3F800000, v0;
	v38 =	vmul.f32 v26, v37  }
0x2f2: {  	v20 =	vadd.f32 v42, v20;
	v31 =	vadd.f32 v31, v35;
	v35 =	vsel vm0, $0x3F800000, v0  }
0x2f3: {  	v36 =	vmul.f32 v26, v36;
	v32 =	vadd.f32 v26, v23;
	v16 =	vadd.f32 v33, v16  }
.Ltmp4:
0x2f4: {  	v15 =	vadd.f32 v37, v15;
	v33 =	vmul.f32 v26, v40;
	v23 =	vsub.f32 $0.0e+00, v31;
	(pc) =	sbr.rel @p0 .LBB2_10-.Ltmp4, $4  }
0x2f5: {  	v6 =	vadd.f32 v12, v6;
	v19 =	vadd.f32 v36, v19;
	v36 =	vmul.f32 v26, v42  }
0x2f6: {  	v5 =	vadd.f32 v18, v5;
	v39 =	vmul.f32 v23, v30;
	v37 =	vmul.f32 v23, v21  }
0x2f7: {  	v13 =	vadd.f32 v38, v13;
	v6 =	vadd.f32 v35, v6;
	v31 =	vmul.f32 v23, v35  }
0x2f8: {  	s17 =	sadd.s32 $0x20, s17;
	v5 =	vadd.f32 v17, v5;
	v38 =	vmul.f32 v23, v41;
	v35 =	vmul.f32 v23, v27  }
0x2f9: {  	v12 =	vmul.f32 v26, v12  }
0x2fa: {  	v24 =	vmul.f32 v26, v24;
	v32 =	vadd.f32 v23, v32  }
0x2fb: {  	v13 =	vadd.f32 v39, v13;
	v10 =	vadd.f32 v12, v10  }
0x2fc: {  	v19 =	vadd.f32 v37, v19;
	v12 =	vmul.f32 v23, v22;
	v9 =	vadd.f32 v24, v9;
	[tilespmem:s22+$0x0] =	vst.add.f32.msk $0xffff, v32  }
0x2fd: {  	[tilespmem:s23+$0x0] =	vst.add.f32.msk $0xffff, v13;
	v10 =	vadd.f32 v31, v10  }
0x2fe: {  	v1 =	vadd.f32 v34, v1;
	v13 =	vmul.f32 v26, v18;
	v9 =	vadd.f32 v12, v9;
	[tilespmem:s24+$0x0] =	vst.add.f32.msk $0xffff, v19  }
0x2ff: {  	v7 =	vadd.f32 v33, v7;
	v16 =	vadd.f32 v38, v16;
	v12 =	vmul.f32 v23, v29;
	[tilespmem:s25+$0x0] =	vst.add.f32.msk $0xffff, v10  }
0x300: {  	v1 =	vadd.f32 v35, v1;
	v8 =	vadd.f32 v13, v8;
	v10 =	vmul.f32 v23, v17;
	[tilespmem:s26+$0x0] =	vst.add.f32.msk $0xffff, v9  }
0x301: {  	v11 =	vadd.f32 v36, v11;
	v7 =	vadd.f32 v12, v7;
	v9 =	vmul.f32 v23, v25;
	[tilespmem:s28+$0x0] =	vst.add.f32.msk $0xffff, v16  }
0x302: {  	v8 =	vadd.f32 v10, v8;
	[tilespmem:s29+$0x0] =	vst.add.f32.msk $0xffff, v1  }
0x303: {  	v1 =	vadd.f32 v9, v11;
	[tilespmem:s30+$0x0] =	vst.add.f32.msk $0xffff, v7  }
0x304: {  	v7 =	vadd.f32 v30, v15;
	[tilespmem:s31+$0x0] =	vst.add.f32.msk $0xffff, v8  }
0x305: {  	v8 =	vadd.f32 v21, v28;
	[tilespmem:s0+$0x0] =	vst.add.f32.msk $0xffff, v1  }
0x306: {  	[tilespmem:s1+$0x0] =	vst.add.f32.msk $0xffff, v7  }
0x307: {  	[tilespmem:s3+$0x0] =	vst.add.f32.msk $0xffff, v8  }
0x308: {  	[tilespmem:s4+$0x0] =	vst.add.f32.msk $0xffff, v6  }
0x309: {  	v1 =	vadd.f32 v27, v14;
	[tilespmem:s5+$0x0] =	vst.add.f32.msk $0xffff, v2  }
0x30a: {  	[tilespmem:s6+$0x0] =	vst.add.f32.msk $0xffff, v4  }
0x30b: {  	[tilespmem:s7+$0x0] =	vst.add.f32.msk $0xffff, v1  }
0x30c: {  	v1 =	vadd.f32 v25, v20;
	[tilespmem:s8+$0x0] =	vst.add.f32.msk $0xffff, v3  }
0x30d: {  	[tilespmem:s9+$0x0] =	vst.add.f32.msk $0xffff, v5  }
0x30e: {  	[tilespmem:s10+$0x0] =	vst.add.f32.msk $0xffff, v1  }
0x30f: {  	_ =	swait.ge [sflag:s11], $0x7D00  }
0x310: {  	[sflag:s11] =	ssyncset.done $0x0  }
0x311: {  	[sflag:s11] =	ssyncadd.s32 $0xFFFF8300  }
0x312: {  	_ =	swait.ge [sflag:s12], $0x7D00  }
0x313: {  	[sflag:s12] =	ssyncset.done $0x0  }
0x314: {  	s15 =	simm.s32 $0xFA10;
	[sflag:s12] =	ssyncadd.s32 $0xFFFF8300  }
0x315: {  	v2 =	vld [tilespmem:s15+$0xFFFFFFF0]  }
0x316: {  	v4 =	vld [tilespmem:s15+$0x0]  }
0x317: {  	s15 =	simm.s32 $0x17710  }
0x318: {  	v7 =	vld [tilespmem:s15+$0x0]  }
0x319: {  	v13 =	vld [tilespmem:s15+$0xFFFFFFF0]  }
0x31a: {  	v3 =	vsub.f32 $1.000000000e+00, v2;
	v1 =	vand.u32 $0x7FFFFF, v2  }
0x31b: {  	v10 =	vand.u32 $0x7FFFFF, v4;
	v11 =	vshrl.u32 v4, $0x17;
	v12 =	vshrl.u32 v2, $0x17  }
0x31c: {  	v1 =	vor.u32 $0x3F800000, v1;
	v10 =	vor.u32 $0x3F800000, v10;
	v11 =	vcvt.s32.f32 v11  }
0x31d: {  	v14 =	vsub.f32 v4, v7;
	v12 =	vcvt.s32.f32 v12;
	v4 =	vsub.f32 $1.000000000e+00, v4  }
0x31e: {  	v2 =	vsub.f32 v2, v13;
	v18 =	vsub.f32 $1.000000000e+00, v13;
	v5 =	vand.u32 $0x7FFFFF, v3  }
0x31f: {  	v6 =	vadd.f32 $-1.000000000e+00, v1;
	v1 =	vimm.f32 $0.0e+00;
	v5 =	vor.u32 $0x3F800000, v5  }
0x320: {  	v10 =	vadd.f32 $-1.000000000e+00, v10;
	v3 =	vshrl.u32 v3, $0x17;
	v5 =	vadd.f32 $-1.000000000e+00, v5  }
0x321: {  	v11 =	vadd.f32 $-1.270000000e+02, v11;
	v16 =	vand.u32 $0x7FFFFFFF, v14;
	v14 =	vand.u32 $0x7FFFFF, v4  }
0x322: {  	v2 =	vand.u32 $0x7FFFFFFF, v2;
	v3 =	vcvt.s32.f32 v3;
	v9 =	vmul.f32 $3.137662260e-02, v5  }
0x323: {  	v12 =	vadd.f32 $-1.270000000e+02, v12;
	v4 =	vshrl.u32 v4, $0x17;
	v8 =	vmul.f32 $3.137662260e-02, v6  }
0x324: {  	v15 =	vmul.f32 $3.137662260e-02, v10;
	vm4 =	vge.f32 v2, $8.000000110e-01;
	v9 =	vadd.f32 $-1.341333090e-01, v9  }
0x325: {  	v14 =	vor.u32 $0x3F800000, v14;
	vm0 =	vge.f32 v2, $2.000000030e-01;
	v8 =	vadd.f32 $-1.341333090e-01, v8  }
0x326: {  	vm3 =	vge.f32 v2, $4.000000060e-01;
	vm2 =	vge.f32 v16, $5.000000000e-01;
	v9 =	vmul.f32 v9, v5  }
0x327: {  	vm5 =	vge.f32 v2, $1.000000010e-01;
	vm1 =	vge.f32 v16, $6.000000240e-01;
	v8 =	vmul.f32 v8, v6  }
0x328: {  	vm6 =	vge.f32 v16, $4.000000060e-01;
	vm14 =	vge.f32 v16, $1.000000010e-01;
	v9 =	vadd.f32 $2.878246900e-01, v9  }
0x329: {  	vm7 =	vge.f32 v2, $3.000000120e-01;
	vm8 =	vge.f32 v2, $6.999999880e-01;
	v8 =	vadd.f32 $2.878246900e-01, v8  }
0x32a: {  	vm9 =	vge.f32 v2, $5.000000000e-01;
	vm15 =	vge.f32 v2, $6.000000240e-01;
	v9 =	vmul.f32 v9, v5  }
0x32b: {  	v4 =	vcvt.s32.f32 v4;
	vm10 =	vge.f32 v2, $8.999999760e-01;
	v8 =	vmul.f32 v8, v6  }
0x32c: {  	vm11 =	vge.f32 v16, $2.000000030e-01;
	vm12 =	vge.f32 v16, $6.999999880e-01;
	v9 =	vadd.f32 $-4.913474620e-01, v9  }
0x32d: {  	vm13 =	vge.f32 v16, $8.999999760e-01;
	v17 =	vadd.f32 $-1.000000000e+00, v14;
	v8 =	vadd.f32 $-4.913474620e-01, v8  }
0x32e: {  	v3 =	vadd.f32 $-1.270000000e+02, v3;
	v11 =	vmul.f32 $6.931471820e-01, v11;
	v9 =	vmul.f32 v9, v5  }
0x32f: {  	v19 =	vsel vm0, $0x3F800000, v0;
	v12 =	vmul.f32 $6.931471820e-01, v12;
	v8 =	vmul.f32 v8, v6  }
0x330: {  	v15 =	vadd.f32 $-1.341333090e-01, v15;
	v14 =	vmul.f32 $3.137662260e-02, v17;
	v9 =	vadd.f32 $9.994349470e-01, v9  }
0x331: {  	v31 =	vsel vm8, $0x3F800000, v0;
	v23 =	vsel vm5, $0x3F800000, v0;
	v8 =	vadd.f32 $9.994349470e-01, v8  }
0x332: {  	v5 =	vmul.f32 v9, v5;
	v9 =	vadd.f32 $-1.341333090e-01, v14;
	v14 =	vmul.f32 v15, v10  }
0x333: {  	v22 =	vsel vm6, $0x3F800000, v0;
	v24 =	vsel vm3, $0x3F800000, v0;
	v63 =	vsel vm2, $0x3F800000, v0  }
0x334: {  	v6 =	vmul.f32 v8, v6;
	v14 =	vadd.f32 $2.878246900e-01, v14;
	v9 =	vmul.f32 v9, v17  }
0x335: {  	v21 =	vsel vm11, $0x3F800000, v0;
	v29 =	vsel vm12, $0x3F800000, v0;
	v27 =	vsel vm1, $0x3F800000, v0  }
0x336: {  	v6 =	vadd.f32 v6, v12;
	v8 =	vadd.f32 $2.878246900e-01, v9;
	v20 =	vmul.f32 v14, v10  }
0x337: {  	v30 =	vsel vm14, $0x3F800000, v0;
	v28 =	vadd.f32 v19, v1;
	v3 =	vmul.f32 $6.931471820e-01, v3  }
0x338: {  	v6 =	vmul.f32 v6, v13;
	v8 =	vmul.f32 v8, v17;
	v13 =	vadd.f32 $-4.913474620e-01, v20  }
0x339: {  	vm14 =	vge.f32 v16, $3.000000120e-01;
	v15 =	vsub.f32 $1.000000000e+00, v7;
	v3 =	vadd.f32 v5, v3  }
0x33a: {  	v12 =	vsel vm7, $0x3F800000, v0;
	v8 =	vadd.f32 $-4.913474620e-01, v8;
	v2 =	vmul.f32 v13, v10  }
0x33b: {  	v5 =	vsel vm9, $0x3F800000, v0;
	v9 =	vsel vm15, $0x3F800000, v0;
	v3 =	vmul.f32 v3, v18  }
0x33c: {  	v13 =	vadd.f32 $-1.270000000e+02, v4;
	v4 =	vmul.f32 v8, v17;
	v2 =	vadd.f32 $9.994349470e-01, v2  }
0x33d: {  	v18 =	vsel vm4, $0x3F800000, v0;
	vm15 =	vge.f32 v16, $8.000000110e-01;
	v3 =	vadd.f32 v3, v6  }
0x33e: {  	v8 =	vadd.f32 v24, v1;
	v25 =	vadd.f32 $9.994349470e-01, v4;
	v10 =	vmul.f32 v2, v10  }
0x33f: {  	v14 =	vadd.f32 v9, v1;
	v26 =	vsub.f32 $0.0e+00, v3;
	v13 =	vmul.f32 $6.931471820e-01, v13  }
0x340: {  	v2 =	vadd.f32 v22, v8;
	v8 =	vadd.f32 v10, v11;
	v10 =	vmul.f32 v25, v17  }
0x341: {  	v20 =	vadd.f32 v5, v1;
	v6 =	vsel vm10, $0x3F800000, v0;
	v5 =	vmul.f32 v26, v5  }
0x342: {  	v34 =	vmul.f32 v26, v9;
	v32 =	vadd.f32 v26, v1;
	v10 =	vadd.f32 v10, v13  }
0x343: {  	v33 =	vmul.f32 v26, v31;
	v36 =	vmul.f32 v26, v6;
	v4 =	vadd.f32 v63, v20  }
0x344: {  	v20 =	vadd.f32 v31, v1;
	v7 =	vmul.f32 v8, v7;
	v8 =	vmul.f32 v10, v15  }
0x345: {  	v9 =	vimm.f32 $0.0e+00;
	v16 =	vadd.f32 v5, v1;
	v5 =	vsel vm14, $0x3F800000, v0  }
0x346: {  	v3 =	vadd.f32 v29, v20;
	v25 =	vsel vm13, $0x3F800000, v0;
	v7 =	vadd.f32 v8, v7  }
0x347: {  	v17 =	vsel vm15, $0x3F800000, v0;
	v20 =	vadd.f32 v6, v1;
	v10 =	vmul.f32 v26, v23  }
0x348: {  	v15 =	vadd.f32 v23, v1;
	v8 =	vmul.f32 v26, v19;
	v23 =	vsub.f32 $0.0e+00, v7  }
0x349: {  	v11 =	vimm.f32 $0.0e+00;
	v13 =	vadd.f32 v10, v1;
	v10 =	vimm.f32 $0.0e+00  }
0x34a: {  	v19 =	vadd.f32 v8, v1;
	v7 =	vadd.f32 v12, v1;
	v39 =	vmul.f32 v23, v30  }
0x34b: {  	v8 =	vadd.f32 v18, v1;
	v37 =	vmul.f32 v23, v21;
	v31 =	vmul.f32 v23, v5  }
0x34c: {  	v6 =	vadd.f32 v5, v7;
	v38 =	vmul.f32 v23, v63;
	v35 =	vmul.f32 v23, v27  }
0x34d: {  	s16 =	simm.s32 $0x0;
	s17 =	simm.s32 $0xFA30;
	v5 =	vadd.f32 v17, v8;
	v8 =	vimm.f32 $0.0e+00;
	v7 =	vimm.f32 $0.0e+00  }
.LBB2_12:
0x34e: {  	v40 =	vld [tilespmem:s17+$0xFFFFFFF0];
	s16 =	sadd.s32 $0x2, s16;
	v13 =	vadd.f32 v39, v13;
	v29 =	vmul.f32 v23, v29;
	v39 =	vmul.f32 v23, v17;
	s15 =	sadd.s32 $0x20, s15  }
0x34f: {  	v1 =	vadd.f32 v34, v1;
	v14 =	vadd.f32 v27, v14;
	v34 =	vmul.f32 v23, v25;
	v17 =	vld [tilespmem:s15+$0x0];
	p0 =	slt.u32 s16, $0x7CE  }
0x350: {  	v18 =	vmul.f32 v26, v18;
	v11 =	vadd.f32 v36, v11;
	v16 =	vadd.f32 v38, v16;
	v41 =	vld [tilespmem:s17+$0x0]  }
0x351: {  	v15 =	vadd.f32 v30, v15;
	v22 =	vmul.f32 v23, v22;
	v20 =	vadd.f32 v25, v20  }
0x352: {  	v24 =	vmul.f32 v26, v24;
	v25 =	vadd.f32 v21, v28;
	v8 =	vadd.f32 v18, v8  }
0x353: {  	v7 =	vadd.f32 v33, v7;
	v18 =	vand.u32 $0x7FFFFF, v40;
	v21 =	vsub.f32 $1.000000000e+00, v40  }
0x354: {  	v19 =	vadd.f32 v37, v19;
	v28 =	vshrl.u32 v40, $0x17;
	v18 =	vor.u32 $0x3F800000, v18  }
0x355: {  	v23 =	vadd.f32 v23, v32;
	v30 =	vshrl.u32 v21, $0x17;
	v21 =	vand.u32 $0x7FFFFF, v21  }
0x356: {  	v7 =	vadd.f32 v29, v7;
	v18 =	vadd.f32 $-1.000000000e+00, v18;
	v21 =	vor.u32 $0x3F800000, v21  }
0x357: {  	v1 =	vadd.f32 v35, v1;
	v27 =	vand.u32 $0x7FFFFF, v41;
	v21 =	vadd.f32 $-1.000000000e+00, v21  }
0x358: {  	v8 =	vadd.f32 v39, v8;
	v27 =	vor.u32 $0x3F800000, v27;
	v29 =	vmul.f32 $3.137662260e-02, v18  }
0x359: {  	v11 =	vadd.f32 v34, v11;
	v27 =	vadd.f32 $-1.000000000e+00, v27;
	v32 =	vmul.f32 $3.137662260e-02, v21  }
0x35a: {  	v12 =	vmul.f32 v26, v12;
	v33 =	vshrl.u32 v41, $0x17;
	v29 =	vadd.f32 $-1.341333090e-01, v29  }
0x35b: {  	v9 =	vadd.f32 v24, v9;
	v33 =	vcvt.s32.f32 v33;
	v26 =	vld [tilespmem:s15+$0xFFFFFFF0];
	v32 =	vadd.f32 $-1.341333090e-01, v32  }
0x35c: {  	v10 =	vadd.f32 v12, v10;
	v24 =	vmul.f32 v29, v18;
	v29 =	vsub.f32 v41, v17  }
0x35d: {  	v9 =	vadd.f32 v22, v9;
	v12 =	vmul.f32 v32, v21;
	v32 =	vadd.f32 $-1.270000000e+02, v33  }
0x35e: {  	v10 =	vadd.f32 v31, v10;
	v22 =	vadd.f32 $2.878246900e-01, v24;
	v24 =	vmul.f32 $3.137662260e-02, v27  }
0x35f: {  	v28 =	vcvt.s32.f32 v28;
	v31 =	vsub.f32 $1.000000000e+00, v41;
	v12 =	vadd.f32 $2.878246900e-01, v12  }
0x360: {  	v22 =	vmul.f32 v22, v18;
	v33 =	vsub.f32 v40, v26  }
0x361: {  	v34 =	vand.u32 $0x7FFFFFFF, v29;
	v29 =	vand.u32 $0x7FFFFF, v31;
	v12 =	vmul.f32 v12, v21  }
0x362: {  	v30 =	vcvt.s32.f32 v30;
	v24 =	vadd.f32 $-1.341333090e-01, v24;
	v33 =	vand.u32 $0x7FFFFFFF, v33  }
0x363: {  	v29 =	vor.u32 $0x3F800000, v29;
	v12 =	vadd.f32 $-4.913474620e-01, v12;
	vm4 =	vge.f32 v33, $8.000000110e-01  }
0x364: {  	vm2 =	vge.f32 v34, $5.000000000e-01;
	vm0 =	vge.f32 v33, $2.000000030e-01;
	vm3 =	vge.f32 v33, $4.000000060e-01  }
0x365: {  	v35 =	vadd.f32 $-1.000000000e+00, v29;
	vm5 =	vge.f32 v33, $1.000000010e-01;
	v12 =	vmul.f32 v12, v21  }
0x366: {  	v28 =	vadd.f32 $-1.270000000e+02, v28;
	v29 =	vadd.f32 $-1.270000000e+02, v30;
	v36 =	vsel vm0, $0x3F800000, v0  }
0x367: {  	vm1 =	vge.f32 v34, $6.000000240e-01;
	v30 =	vmul.f32 $3.137662260e-02, v35;
	v12 =	vadd.f32 $9.994349470e-01, v12  }
0x368: {  	vm6 =	vge.f32 v34, $4.000000060e-01;
	v37 =	vsub.f32 $1.000000000e+00, v26;
	v22 =	vadd.f32 $-4.913474620e-01, v22  }
0x369: {  	vm0 =	vge.f32 v34, $1.000000010e-01;
	v12 =	vmul.f32 v12, v21;
	v21 =	vadd.f32 $-1.341333090e-01, v30  }
0x36a: {  	v29 =	vmul.f32 $6.931471820e-01, v29;
	v22 =	vmul.f32 v22, v18;
	vm7 =	vge.f32 v33, $3.000000120e-01  }
0x36b: {  	v31 =	vshrl.u32 v31, $0x17;
	v24 =	vmul.f32 v24, v27;
	v30 =	vmul.f32 $6.931471820e-01, v32  }
0x36c: {  	v28 =	vmul.f32 $6.931471820e-01, v28;
	vm8 =	vge.f32 v33, $6.999999880e-01;
	v22 =	vadd.f32 $9.994349470e-01, v22  }
0x36d: {  	v24 =	vadd.f32 $2.878246900e-01, v24;
	v32 =	vsub.f32 $1.000000000e+00, v17;
	v21 =	vmul.f32 v21, v35  }
0x36e: {  	vm9 =	vge.f32 v33, $5.000000000e-01;
	v18 =	vmul.f32 v22, v18;
	v12 =	vadd.f32 v12, v29  }
0x36f: {  	v38 =	vsel vm9, $0x3F800000, v0;
	vm9 =	vge.f32 v33, $6.000000240e-01;
	v21 =	vadd.f32 $2.878246900e-01, v21  }
0x370: {  	v40 =	vsel vm8, $0x3F800000, v0;
	v39 =	vsel vm9, $0x3F800000, v0;
	v22 =	vadd.f32 v18, v28  }
0x371: {  	v28 =	vmul.f32 v12, v37;
	v12 =	vsel vm7, $0x3F800000, v0;
	v21 =	vmul.f32 v21, v35  }
0x372: {  	v18 =	vsel vm4, $0x3F800000, v0;
	v29 =	vmul.f32 v24, v27;
	v37 =	vsel vm5, $0x3F800000, v0  }
0x373: {  	v14 =	vadd.f32 v39, v14;
	v26 =	vmul.f32 v22, v26;
	v22 =	vsel vm6, $0x3F800000, v0  }
0x374: {  	v4 =	vadd.f32 v38, v4;
	v24 =	vsel vm3, $0x3F800000, v0;
	v29 =	vadd.f32 $-4.913474620e-01, v29  }
0x375: {  	v31 =	vcvt.s32.f32 v31;
	v41 =	vsel vm2, $0x3F800000, v0;
	v21 =	vadd.f32 $-4.913474620e-01, v21  }
0x376: {  	vm2 =	vge.f32 v33, $8.999999760e-01;
	vm3 =	vge.f32 v34, $2.000000030e-01;
	v29 =	vmul.f32 v29, v27  }
0x377: {  	v31 =	vadd.f32 $-1.270000000e+02, v31;
	v33 =	vmul.f32 v21, v35;
	v21 =	vsel vm3, $0x3F800000, v0  }
0x378: {  	v42 =	vsel vm2, $0x3F800000, v0;
	v26 =	vadd.f32 v28, v26;
	v28 =	vadd.f32 $9.994349470e-01, v29  }
0x379: {  	vm2 =	vge.f32 v34, $6.999999880e-01;
	v2 =	vadd.f32 v24, v2;
	v33 =	vadd.f32 $9.994349470e-01, v33  }
0x37a: {  	v4 =	vadd.f32 v41, v4;
	v29 =	vsel vm2, $0x3F800000, v0;
	v27 =	vmul.f32 v28, v27  }
0x37b: {  	v31 =	vmul.f32 $6.931471820e-01, v31;
	v3 =	vadd.f32 v40, v3;
	v2 =	vadd.f32 v22, v2  }
0x37c: {  	v30 =	vadd.f32 v27, v30;
	v27 =	vsel vm1, $0x3F800000, v0;
	v33 =	vmul.f32 v33, v35  }
0x37d: {  	v26 =	vsub.f32 $0.0e+00, v26;
	v3 =	vadd.f32 v29, v3;
	vm1 =	vge.f32 v34, $8.999999760e-01  }
0x37e: {  	v28 =	vadd.f32 v36, v25;
	v25 =	vsel vm1, $0x3F800000, v0;
	v31 =	vadd.f32 v33, v31  }
0x37f: {  	v35 =	vmul.f32 v30, v17;
	v30 =	vsel vm0, $0x3F800000, v0;
	v33 =	vmul.f32 v26, v38  }
0x380: {  	vm1 =	vge.f32 v34, $8.000000110e-01;
	vm0 =	vge.f32 v34, $3.000000120e-01;
	v31 =	vmul.f32 v31, v32  }
0x381: {  	v34 =	vmul.f32 v26, v39;
	v17 =	vsel vm1, $0x3F800000, v0;
	v38 =	vmul.f32 v26, v37  }
0x382: {  	v20 =	vadd.f32 v42, v20;
	v31 =	vadd.f32 v31, v35;
	v35 =	vsel vm0, $0x3F800000, v0  }
0x383: {  	v36 =	vmul.f32 v26, v36;
	v32 =	vadd.f32 v26, v23;
	v16 =	vadd.f32 v33, v16  }
.Ltmp5:
0x384: {  	v15 =	vadd.f32 v37, v15;
	v33 =	vmul.f32 v26, v40;
	v23 =	vsub.f32 $0.0e+00, v31;
	(pc) =	sbr.rel @p0 .LBB2_12-.Ltmp5, $4  }
0x385: {  	v6 =	vadd.f32 v12, v6;
	v19 =	vadd.f32 v36, v19;
	v36 =	vmul.f32 v26, v42  }
0x386: {  	v5 =	vadd.f32 v18, v5;
	v39 =	vmul.f32 v23, v30;
	v37 =	vmul.f32 v23, v21  }
0x387: {  	v13 =	vadd.f32 v38, v13;
	v6 =	vadd.f32 v35, v6;
	v31 =	vmul.f32 v23, v35  }
0x388: {  	s17 =	sadd.s32 $0x20, s17;
	v5 =	vadd.f32 v17, v5;
	v38 =	vmul.f32 v23, v41;
	v35 =	vmul.f32 v23, v27  }
0x389: {  	v12 =	vmul.f32 v26, v12  }
0x38a: {  	v24 =	vmul.f32 v26, v24;
	v32 =	vadd.f32 v23, v32  }
0x38b: {  	v13 =	vadd.f32 v39, v13;
	v10 =	vadd.f32 v12, v10  }
0x38c: {  	v57 =	vmul.f32 v23, v22;
	v19 =	vadd.f32 v37, v19;
	v9 =	vadd.f32 v24, v9;
	[tilespmem:s22+$0x0] =	vst.add.f32.msk $0xffff, v32  }
0x38d: {  	[tilespmem:s23+$0x0] =	vst.add.f32.msk $0xffff, v13;
	v10 =	vadd.f32 v31, v10  }
0x38e: {  	v1 =	vadd.f32 v34, v1;
	v58 =	vmul.f32 v26, v18;
	v9 =	vadd.f32 v57, v9;
	[tilespmem:s24+$0x0] =	vst.add.f32.msk $0xffff, v19  }
0x38f: {  	v59 =	vmul.f32 v23, v29;
	v7 =	vadd.f32 v33, v7;
	v16 =	vadd.f32 v38, v16;
	[tilespmem:s25+$0x0] =	vst.add.f32.msk $0xffff, v10  }
0x390: {  	v60 =	vmul.f32 v23, v17;
	v8 =	vadd.f32 v58, v8;
	v1 =	vadd.f32 v35, v1;
	[tilespmem:s26+$0x0] =	vst.add.f32.msk $0xffff, v9  }
0x391: {  	v61 =	vmul.f32 v23, v25;
	v11 =	vadd.f32 v36, v11;
	v7 =	vadd.f32 v59, v7;
	[tilespmem:s28+$0x0] =	vst.add.f32.msk $0xffff, v16  }
0x392: {  	v8 =	vadd.f32 v60, v8;
	[tilespmem:s29+$0x0] =	vst.add.f32.msk $0xffff, v1  }
0x393: {  	v1 =	vadd.f32 v61, v11;
	[tilespmem:s30+$0x0] =	vst.add.f32.msk $0xffff, v7  }
0x394: {  	v62 =	vadd.f32 v30, v15;
	[tilespmem:s31+$0x0] =	vst.add.f32.msk $0xffff, v8  }
0x395: {  	v63 =	vadd.f32 v21, v28;
	[tilespmem:s0+$0x0] =	vst.add.f32.msk $0xffff, v1  }
0x396: {  	[tilespmem:s1+$0x0] =	vst.add.f32.msk $0xffff, v62  }
0x397: {  	[tilespmem:s3+$0x0] =	vst.add.f32.msk $0xffff, v63  }
0x398: {  	[tilespmem:s4+$0x0] =	vst.add.f32.msk $0xffff, v6  }
0x399: {  	v1 =	vadd.f32 v27, v14;
	[tilespmem:s5+$0x0] =	vst.add.f32.msk $0xffff, v2  }
0x39a: {  	[tilespmem:s6+$0x0] =	vst.add.f32.msk $0xffff, v4  }
0x39b: {  	[tilespmem:s7+$0x0] =	vst.add.f32.msk $0xffff, v1  }
0x39c: {  	v1 =	vadd.f32 v25, v20;
	[tilespmem:s8+$0x0] =	vst.add.f32.msk $0xffff, v3  }
0x39d: {  	[tilespmem:s9+$0x0] =	vst.add.f32.msk $0xffff, v5  }
0x39e: {  	s15 =	rddreg [dreg:$0xe];
	s16 =	simm.s32 $0x80;
	s17 =	simm.s32 $0x400;
	[tilespmem:s10+$0x0] =	vst.add.f32.msk $0xffff, v1  }
0x39f: {  	[hbm4b:s15+s16] =	stream.strided.scatter [tilespmem:s22], [sflag:$0x5], $0x180, s17, s16, $0x38;
	[tilespmem:$0x1F580] =	vst v63  }
0x3a0: {  	_ =	swait.ge [sflag:s13], $0x180  }
0x3a1: {  	s14 =	sadd.s32 $0x1, s14;
	s17 =	rddreg [dreg:$0xf]  }
0x3a2: {  	p0 =	sne.s32 s14, s17  }
.Ltmp6:
0x3a3: {  	_ = 	snop;
	(pc) =	sbr.rel @p0 .LBB2_1-.Ltmp6, $3  }
0x3a4: {  	_ =	sdelay $0x1  }
0x3a5: {  	[sflag:s13] =	ssyncset.done $0x0  }
0x3a6: {  	[sflag:s13] =	ssyncadd.s32 $0xFFFFFE80  }
0x3a7: {  	_ =	sfence.sel $0x180000  }
0x3a8: {  	[bflag:$0x0] =	sbarrier.arrive $0xFFFF  }
0x3a9: {  	_ =	strace $0x90000047  }
0x3aa: {  	s0 =	stileid.u32;
	[bflag:$0x2] =	sbarrier.arrive $0xFFFF  }
0x3ab: {  	p0 =	sne.s32 s0, $0x0;
	s0 =	rddreg [dreg:$0x1]  }
0x3ac: {  	s0 =	sadd.s32 @!p0 $0x100000, s0  }
0x3ad: {  	[sflag:s0] =	ssyncadd.tile.s32 @!p0 $0x1;
	_ =	shalt  }
.Lfunc_end2:
_tile_overlayer_lowered:
.L_overlay_start_2:
0x3ae: {  	(tag) =	ssettag $0x2  }
0x3af: {  	s0 =	rddreg [dreg:$0x0];
	s2 =	stileid.u32  }
0x3b0: {  	s1 =	rddreg [dreg:$0x1];
	p0 =	sne.s32 s2, $0x0  }
0x3b1: {  	s3 =	rddreg [dreg:$0x2];
	[bflag:$0x3] =	sbarrier.arrive $0xFFFF;
	s2 =	simm.s32 @!p0 $0x1C05  }
0x3b2: {  	[timem:s3], [sflag:s2] =	dma.local @!p0 [hbm:s0], s1  }
0x3b3: {  	s0 =	simm.s32 @!p0 $0x5  }
0x3b4: {  	_ =	swait.ge @!p0 [sflag:s0], s1  }
0x3b5: {  	s1 =	ssub.s32 @!p0 $0x0, s1;
	[sflag:s0] =	ssyncset.done @!p0 $0x0  }
0x3b6: {  	[sflag:s0] =	ssyncadd.s32 @!p0 s1  }
0x3b7: {  	[bflag:$0x3] =	sbarrier.arrive $0xFFFF  }
0x3b8: {  	_ =	shalt  }

</sc_bundles>
